<compile_context>
chip_gen: v7x
topology: tpu7x:2x2x1
jax: 0.10.2.dev20260603
libtpu: 0.0.44.dev20260713+nightly
codegen_flags: <defaults>
</compile_context>

<pallas_src>
import functools

import jax
import jax.numpy as jnp
from jax import lax
from jax.experimental import pallas as pl
from jax.experimental.pallas import tpu as pltpu
from jax.experimental.pallas import tpu_sc as plsc

N = 10000
E = 320000
V = 5001
D = 128
HID = 128
HEADS = 2
B = 64

NP = 10240
NSUB = 16
NCORE = 2
EC = 128
CHUNKS = 160
EPS = NP // NSUB
E_PAD = NSUB * CHUNKS * EC
GR = 320 // 4

_mesh = plsc.VectorSubcoreMesh(
    core_axis_name="c", subcore_axis_name="s", num_cores=NCORE, num_subcores=NSUB)


def _leaky(x, s):
    return jnp.where(x > 0, x, s * x)


def _emb_body(tab_hbm, idx_hbm, out_hbm, idx_v, rows_v, sem):
    c = lax.axis_index("c")
    s = lax.axis_index("s")
    wid = s * NCORE + c
    base = wid * (NP // (NCORE * NSUB))

    def chunk(i, _):
        off = base + i * GR
        pltpu.sync_copy(idx_hbm.at[pl.ds(off, GR)], idx_v)
        pltpu.async_copy(tab_hbm.at[idx_v], rows_v, sem).wait()
        pltpu.sync_copy(rows_v, out_hbm.at[pl.ds(off, GR)])
        return 0

    lax.fori_loop(0, (NP // (NCORE * NSUB)) // GR, chunk, 0)


_emb_gather = pl.kernel(
    _emb_body,
    out_type=jax.ShapeDtypeStruct((NP, D), jnp.float32),
    mesh=_mesh,
    scratch_types=[
        pltpu.VMEM((GR,), jnp.int32),
        pltpu.VMEM((GR, D), jnp.float32),
        pltpu.SemaphoreType.DMA,
    ],
)


def _edge_body(src_hbm, dst_hbm, h0_hbm, h1_hbm, a0_hbm, a1_hbm, b0_hbm, b1_hbm,
               znd_hbm, zn_hbm,
               numcat_hbm, dencat_hbm,
               sidxA, didxA, sidxB, didxB,
               avA, bvA, wvA, wpA, rowsA, avB, bvB, wvB, wpB, rowsB,
               acc, den_sh,
               sem_rA, sem_aA, sem_bA, sem_rB, sem_aB, sem_bB, sem_iA, sem_iB,
               sem_dA, sem_dB):
    c = lax.axis_index("c")
    s = lax.axis_index("s")
    r0 = s * EPS
    coff = c * NP

    pltpu.sync_copy(znd_hbm.at[pl.ds(r0, EPS)], acc.at[pl.ds(r0, EPS)])
    pltpu.sync_copy(zn_hbm.at[pl.ds(r0, EPS)], den_sh.at[pl.ds(r0, EPS)])
    plsc.subcore_barrier()

    ebase = s * (CHUNKS * EC)

    def fetch_idx(ch, sidx_b, didx_b, sem_i):
        off = ebase + ch * EC
        pltpu.async_copy(src_hbm.at[pl.ds(off, EC)], sidx_b, sem_i)
        pltpu.async_copy(dst_hbm.at[pl.ds(off, EC)], didx_b, sem_i)

    def wait_idx(ch, sidx_b, didx_b, sem_i):
        off = ebase + ch * EC
        pltpu.make_async_copy(src_hbm.at[pl.ds(off, EC)], sidx_b, sem_i).wait()
        pltpu.make_async_copy(dst_hbm.at[pl.ds(off, EC)], didx_b, sem_i).wait()

    def issue(sidx_b, didx_b, rows_b, av_b, bv_b, sem_r, sem_a, sem_b):
        @pl.when(c == 0)
        def _():
            pltpu.async_copy(h0_hbm.at[sidx_b], rows_b, sem_r)
            pltpu.async_copy(a0_hbm.at[sidx_b], av_b, sem_a)
            pltpu.async_copy(b0_hbm.at[didx_b], bv_b, sem_b)

        @pl.when(c == 1)
        def _():
            pltpu.async_copy(h1_hbm.at[sidx_b], rows_b, sem_r)
            pltpu.async_copy(a1_hbm.at[sidx_b], av_b, sem_a)
            pltpu.async_copy(b1_hbm.at[didx_b], bv_b, sem_b)

    def den_wait(didx_b, wv_b, sem_d):
        pltpu.make_async_copy(wv_b, den_sh.at[didx_b], sem_d).wait()

    def process(sidx_b, didx_b, rows_b, av_b, bv_b, wv_b, wp_b, sem_r, sem_a, sem_b,
                sem_d):
        pltpu.make_async_copy(a0_hbm.at[sidx_b], av_b, sem_a).wait()
        pltpu.make_async_copy(b0_hbm.at[didx_b], bv_b, sem_b).wait()
        for j in range(EC // 16):
            v = av_b[pl.ds(j * 16, 16)] + bv_b[pl.ds(j * 16, 16)]
            w16 = jnp.exp(_leaky(v, 0.2))
            wv_b[pl.ds(j * 16, 16)] = w16
            wp_b[pl.ds(j * 16, 16)] = w16
        pltpu.make_async_copy(h0_hbm.at[sidx_b], rows_b, sem_r).wait()

        def scale(e4, _):
            for u in range(4):
                e = e4 * 4 + u
                ws = wp_b[pl.ds(e, 16)][0]
                for f in range(D // 16):
                    rows_b[e, pl.ds(f * 16, 16)] = rows_b[e, pl.ds(f * 16, 16)] * ws
            return 0

        lax.fori_loop(0, EC // 4, scale, 0)
        pltpu.async_copy(wv_b, den_sh.at[didx_b], sem_d, add=True)
        pltpu.sync_copy(rows_b, acc.at[didx_b], add=True)

    fetch_idx(0, sidxA, didxA, sem_iA)
    wait_idx(0, sidxA, didxA, sem_iA)
    issue(sidxA, didxA, rowsA, avA, bvA, sem_rA, sem_aA, sem_bA)
    fetch_idx(1, sidxB, didxB, sem_iB)

    def body(k, _):
        cha = k * 2
        chb = k * 2 + 1
        wait_idx(chb, sidxB, didxB, sem_iB)
        issue(sidxB, didxB, rowsB, avB, bvB, sem_rB, sem_aB, sem_bB)

        process(sidxA, didxA, rowsA, avA, bvA, wvA, wpA, sem_rA, sem_aA, sem_bA, sem_dA)

        @pl.when(cha + 2 < CHUNKS)
        def _():
            den_wait(didxA, wvA, sem_dA)
            fetch_idx(cha + 2, sidxA, didxA, sem_iA)

        @pl.when(chb + 1 < CHUNKS)
        def _():
            wait_idx(chb + 1, sidxA, didxA, sem_iA)
            issue(sidxA, didxA, rowsA, avA, bvA, sem_rA, sem_aA, sem_bA)

        process(sidxB, didxB, rowsB, avB, bvB, wvB, wpB, sem_rB, sem_aB, sem_bB, sem_dB)

        @pl.when(chb + 2 < CHUNKS)
        def _():
            den_wait(didxB, wvB, sem_dB)
            fetch_idx(chb + 2, sidxB, didxB, sem_iB)

        return 0

    lax.fori_loop(0, CHUNKS // 2, body, 0)
    den_wait(didxA, wvA, sem_dA)
    den_wait(didxB, wvB, sem_dB)
    plsc.subcore_barrier()
    pltpu.sync_copy(acc.at[pl.ds(r0, EPS)], numcat_hbm.at[pl.ds(coff + r0, EPS)])
    pltpu.sync_copy(den_sh.at[pl.ds(r0, EPS)], dencat_hbm.at[pl.ds(coff + r0, EPS)])


_edge_sc = pl.kernel(
    _edge_body,
    out_type=(
        jax.ShapeDtypeStruct((2 * NP, HID), jnp.float32),
        jax.ShapeDtypeStruct((2 * NP,), jnp.float32),
    ),
    mesh=_mesh,
    scratch_types=[
        pltpu.VMEM((EC,), jnp.int32),
        pltpu.VMEM((EC,), jnp.int32),
        pltpu.VMEM((EC,), jnp.int32),
        pltpu.VMEM((EC,), jnp.int32),
        pltpu.VMEM((EC,), jnp.float32),
        pltpu.VMEM((EC,), jnp.float32),
        pltpu.VMEM((EC,), jnp.float32),
        pltpu.VMEM((EC + 16,), jnp.float32),
        pltpu.VMEM((EC, HID), jnp.float32),
        pltpu.VMEM((EC,), jnp.float32),
        pltpu.VMEM((EC,), jnp.float32),
        pltpu.VMEM((EC,), jnp.float32),
        pltpu.VMEM((EC + 16,), jnp.float32),
        pltpu.VMEM((EC, HID), jnp.float32),
        pltpu.VMEM_SHARED((NP, HID), jnp.float32),
        pltpu.VMEM_SHARED((NP,), jnp.float32),
        pltpu.SemaphoreType.DMA,
        pltpu.SemaphoreType.DMA,
        pltpu.SemaphoreType.DMA,
        pltpu.SemaphoreType.DMA,
        pltpu.SemaphoreType.DMA,
        pltpu.SemaphoreType.DMA,
        pltpu.SemaphoreType.DMA,
        pltpu.SemaphoreType.DMA,
        pltpu.SemaphoreType.DMA,
        pltpu.SemaphoreType.DMA,
    ],
)


def _tca_body(xe_ref, g_ref, b_ref, w_ref, as_ref, ad_ref,
              h0_ref, h1_ref, av0_ref, av1_ref, bv0_ref, bv1_ref):
    xb = xe_ref[...]
    mu = jnp.mean(xb, axis=1, keepdims=True)
    var = jnp.mean((xb - mu) ** 2, axis=1, keepdims=True)
    ln = (xb - mu) * lax.rsqrt(var + 1e-5) * g_ref[...] + b_ref[...]
    h = jnp.dot(ln, w_ref[...], preferred_element_type=jnp.float32)
    h0 = h[:, :HID]
    h1 = h[:, HID:]
    h0_ref[...] = h0
    h1_ref[...] = h1
    av0_ref[...] = jnp.sum(h0 * as_ref[0:1, :], axis=1, keepdims=True)
    av1_ref[...] = jnp.sum(h1 * as_ref[1:2, :], axis=1, keepdims=True)
    bv0_ref[...] = jnp.sum(h0 * ad_ref[0:1, :], axis=1, keepdims=True)
    bv1_ref[...] = jnp.sum(h1 * ad_ref[1:2, :], axis=1, keepdims=True)


_TCA_BN = 256


def _tc_a(xe, g, b, W, a_s, a_d):
    grid = (NP // _TCA_BN,)
    row = lambda i: (i, 0)
    fixed = lambda i: (0, 0)
    return pl.pallas_call(
        _tca_body,
        grid=grid,
        in_specs=[
            pl.BlockSpec((_TCA_BN, D), row),
            pl.BlockSpec((1, D), fixed),
            pl.BlockSpec((1, D), fixed),
            pl.BlockSpec((D, HEADS * HID), fixed),
            pl.BlockSpec((HEADS, HID), fixed),
            pl.BlockSpec((HEADS, HID), fixed),
        ],
        out_specs=[
            pl.BlockSpec((_TCA_BN, HID), row),
            pl.BlockSpec((_TCA_BN, HID), row),
            pl.BlockSpec((_TCA_BN, 1), row),
            pl.BlockSpec((_TCA_BN, 1), row),
            pl.BlockSpec((_TCA_BN, 1), row),
            pl.BlockSpec((_TCA_BN, 1), row),
        ],
        out_shape=[
            jax.ShapeDtypeStruct((NP, HID), jnp.float32),
            jax.ShapeDtypeStruct((NP, HID), jnp.float32),
            jax.ShapeDtypeStruct((NP, 1), jnp.float32),
            jax.ShapeDtypeStruct((NP, 1), jnp.float32),
            jax.ShapeDtypeStruct((NP, 1), jnp.float32),
            jax.ShapeDtypeStruct((NP, 1), jnp.float32),
        ],
    )(xe, g.reshape(1, D), b.reshape(1, D), W, a_s.reshape(HEADS, HID),
      a_d.reshape(HEADS, HID))


def _tcb_body(n0_ref, n1_ref, d0_ref, d1_ref, h0_ref, h1_ref,
              av0_ref, av1_ref, bv0_ref, bv1_ref, b1_ref, w2_ref, as_ref, ad_ref,
              o0_ref, o1_ref, av20_ref, av21_ref, bv20_ref, bv21_ref):
    ws0 = jnp.exp(_leaky(av0_ref[...] + bv0_ref[...], 0.2))
    ws1 = jnp.exp(_leaky(av1_ref[...] + bv1_ref[...], 0.2))
    o0 = (n0_ref[...] + ws0 * h0_ref[...]) / (d0_ref[...] + ws0 + 1e-16)
    o1 = (n1_ref[...] + ws1 * h1_ref[...]) / (d1_ref[...] + ws1 + 1e-16)
    gcat = jnp.concatenate([o0, o1], axis=1) + b1_ref[...]
    gcat = _leaky(gcat, 0.05)
    h2 = jnp.dot(gcat, w2_ref[...], preferred_element_type=jnp.float32)
    h20 = h2[:, :HID]
    h21 = h2[:, HID:]
    o0_ref[...] = h20
    o1_ref[...] = h21
    av20_ref[...] = jnp.sum(h20 * as_ref[0:1, :], axis=1, keepdims=True)
    av21_ref[...] = jnp.sum(h21 * as_ref[1:2, :], axis=1, keepdims=True)
    bv20_ref[...] = jnp.sum(h20 * ad_ref[0:1, :], axis=1, keepdims=True)
    bv21_ref[...] = jnp.sum(h21 * ad_ref[1:2, :], axis=1, keepdims=True)


def _tc_b(n0, n1, d0, d1, h0, h1, av0, av1, bv0, bv1, b1, W2, a_s, a_d):
    grid = (NP // _TCA_BN,)
    row = lambda i: (i, 0)
    fixed = lambda i: (0, 0)
    col = pl.BlockSpec((_TCA_BN, 1), row)
    mat = pl.BlockSpec((_TCA_BN, HID), row)
    return pl.pallas_call(
        _tcb_body,
        grid=grid,
        in_specs=[mat, mat, col, col, mat, mat, col, col, col, col,
                  pl.BlockSpec((1, HEADS * HID), fixed),
                  pl.BlockSpec((HEADS * HID, HEADS * HID), fixed),
                  pl.BlockSpec((HEADS, HID), fixed),
                  pl.BlockSpec((HEADS, HID), fixed)],
        out_specs=[mat, mat, col, col, col, col],
        out_shape=[
            jax.ShapeDtypeStruct((NP, HID), jnp.float32),
            jax.ShapeDtypeStruct((NP, HID), jnp.float32),
            jax.ShapeDtypeStruct((NP, 1), jnp.float32),
            jax.ShapeDtypeStruct((NP, 1), jnp.float32),
            jax.ShapeDtypeStruct((NP, 1), jnp.float32),
            jax.ShapeDtypeStruct((NP, 1), jnp.float32),
        ],
    )(n0, n1, d0, d1, h0, h1, av0, av1, bv0, bv1,
      b1.reshape(1, HEADS * HID), W2, a_s.reshape(HEADS, HID), a_d.reshape(HEADS, HID))


_TCC_BN = 200
_TCC_STEPS = N // _TCC_BN


def _tcc_body(n0_ref, n1_ref, d0_ref, d1_ref, h0_ref, h1_ref,
              av0_ref, av1_ref, bv0_ref, bv1_ref, bidx_ref,
              b2_ref, gw1_ref, gb1_ref, gw2_ref, gb2_ref,
              ln2g_ref, ln2b_ref, fw1_ref, fb1_ref, fw2_ref, fb2_ref,
              oc_ref, hid_ref, s_acc):
    i = pl.program_id(0)

    ws0 = jnp.exp(_leaky(av0_ref[...] + bv0_ref[...], 0.2))
    ws1 = jnp.exp(_leaky(av1_ref[...] + bv1_ref[...], 0.2))
    o0 = (n0_ref[...] + ws0 * h0_ref[...]) / (d0_ref[...] + ws0 + 1e-16)
    o1 = (n1_ref[...] + ws1 * h1_ref[...]) / (d1_ref[...] + ws1 + 1e-16)
    oc = jnp.concatenate([o0, o1], axis=1) + b2_ref[...]
    oc_ref[...] = oc

    gate = _leaky(jnp.dot(oc, gw1_ref[...], preferred_element_type=jnp.float32)
                  + gb1_ref[...], 0.05)
    gate = jnp.dot(gate, gw2_ref[...], preferred_element_type=jnp.float32) + gb2_ref[...]
    e = jnp.exp(gate)

    ids = lax.broadcasted_iota(jnp.int32, (1, B), 1)
    m = (bidx_ref[...] == ids).astype(jnp.float32)
    xcat = jnp.concatenate([e * oc, jnp.broadcast_to(e, (_TCC_BN, HID))], axis=1)
    part = lax.dot_general(m, xcat, (((0,), (0,)), ((), ())),
                           preferred_element_type=jnp.float32)

    @pl.when(i == 0)
    def _():
        s_acc[...] = jnp.zeros_like(s_acc)

    s_acc[...] += part

    @pl.when(i == _TCC_STEPS - 1)
    def _():
        s = s_acc[...]
        hidden = s[:, :HEADS * HID] / (s[:, HEADS * HID:HEADS * HID + 1] + 1e-16)
        mu = jnp.mean(hidden, axis=1, keepdims=True)
        var = jnp.mean((hidden - mu) ** 2, axis=1, keepdims=True)
        hidden = (hidden - mu) * lax.rsqrt(var + 1e-5) * ln2g_ref[...] + ln2b_ref[...]
        hidden = _leaky(jnp.dot(hidden, fw1_ref[...],
                                preferred_element_type=jnp.float32) + fb1_ref[...], 0.05)
        hid_ref[...] = jnp.dot(hidden, fw2_ref[...],
                               preferred_element_type=jnp.float32) + fb2_ref[...]


def _tc_c(n0, n1, d0, d1, h0, h1, av0, av1, bv0, bv1, bidx,
          b2, gW1, gb1, gW2, gb2, ln2g, ln2b, fW1, fb1, fW2, fb2):
    grid = (_TCC_STEPS,)
    row = lambda i: (i, 0)
    fixed = lambda i: (0, 0)
    col = pl.BlockSpec((_TCC_BN, 1), row)
    mat = pl.BlockSpec((_TCC_BN, HID), row)
    return pl.pallas_call(
        _tcc_body,
        grid=grid,
        in_specs=[mat, mat, col, col, mat, mat, col, col, col, col,
                  pl.BlockSpec((_TCC_BN, 1), row),
                  pl.BlockSpec((1, HEADS * HID), fixed),
                  pl.BlockSpec((HEADS * HID, HID), fixed),
                  pl.BlockSpec((1, HID), fixed),
                  pl.BlockSpec((HID, 1), fixed),
                  pl.BlockSpec((1, 1), fixed),
                  pl.BlockSpec((1, HEADS * HID), fixed),
                  pl.BlockSpec((1, HEADS * HID), fixed),
                  pl.BlockSpec((HEADS * HID, HEADS * HID), fixed),
                  pl.BlockSpec((1, HEADS * HID), fixed),
                  pl.BlockSpec((HEADS * HID, HID), fixed),
                  pl.BlockSpec((1, HID), fixed)],
        out_specs=[
            pl.BlockSpec((_TCC_BN, HEADS * HID), row),
            pl.BlockSpec((B, HID), fixed),
        ],
        out_shape=[
            jax.ShapeDtypeStruct((N, HEADS * HID), jnp.float32),
            jax.ShapeDtypeStruct((B, HID), jnp.float32),
        ],
        scratch_shapes=[pltpu.VMEM((B, HEADS * HID + HID), jnp.float32)],
    )(n0, n1, d0, d1, h0, h1, av0, av1, bv0, bv1, bidx,
      b2.reshape(1, HEADS * HID), gW1, gb1.reshape(1, HID), gW2,
      gb2.reshape(1, 1), ln2g.reshape(1, HEADS * HID), ln2b.reshape(1, HEADS * HID),
      fW1, fb1.reshape(1, HEADS * HID), fW2, fb2.reshape(1, HID))


def kernel(x, edge_index, batch_idx, emb_table, ln1_g, ln1_b, W1, a_src1, a_dst1, b1,
           W2, a_src2, a_dst2, b2, gW1, gb1, gW2, gb2, ln2_g, ln2_b, fW1, fb1, fW2, fb2):
    pad = E_PAD - E
    src = jnp.concatenate([edge_index[0].astype(jnp.int32),
                           jnp.zeros((pad,), jnp.int32)])
    dst = jnp.concatenate([edge_index[1].astype(jnp.int32),
                           jnp.full((pad,), NP - 1, jnp.int32)])
    xp = jnp.concatenate([x[:, 0].astype(jnp.int32), jnp.zeros((NP - N,), jnp.int32)])
    znd = jnp.zeros((NP, HID), jnp.float32)
    zn = jnp.zeros((NP,), jnp.float32)

    xe = _emb_gather(emb_table, xp)
    h0, h1, av0, av1, bv0, bv1 = _tc_a(xe, ln1_g, ln1_b, W1, a_src1, a_dst1)
    ncat, dcat = _edge_sc(src, dst, h0, h1,
                          av0.reshape(NP), av1.reshape(NP),
                          bv0.reshape(NP), bv1.reshape(NP), znd, zn)
    h20, h21, av20, av21, bv20, bv21 = _tc_b(
        ncat[:NP], ncat[NP:], dcat[:NP].reshape(NP, 1), dcat[NP:].reshape(NP, 1),
        h0, h1, av0, av1, bv0, bv1, b1, W2, a_src2, a_dst2)
    ncat, dcat = _edge_sc(src, dst, h20, h21,
                          av20.reshape(NP), av21.reshape(NP),
                          bv20.reshape(NP), bv21.reshape(NP), znd, zn)
    out_conv, hidden = _tc_c(
        ncat[:NP], ncat[NP:], dcat[:NP].reshape(NP, 1), dcat[NP:].reshape(NP, 1),
        h20, h21, av20, av21, bv20, bv21, batch_idx.astype(jnp.int32).reshape(N, 1),
        b2, gW1, gb1, gW2, gb2, ln2_g, ln2_b, fW1, fb1, fW2, fb2)
    return out_conv, hidden

# --- scband reference (transcript-rebuilt; emitter-appended) ---
"""Pipeline reference for scband-graph-encoder-3444563771769 (READ-ONLY COPY).

The authoritative reference and input builder live on the scoring server;
editing this copy changes nothing except your own understanding.
"""

import jax, jax.numpy as jnp
import numpy as np

N = 10000
E = 320000
V = 5001
D = 128
HID = 128
HEADS = 2
B = 64


def layernorm(x, g, b, eps=1e-5):
    mu = jnp.mean(x, axis=-1, keepdims=True)
    var = jnp.mean((x - mu) ** 2, axis=-1, keepdims=True)
    return (x - mu) / jnp.sqrt(var + eps) * g + b


def gat_conv(x, edge_index, W, a_src, a_dst, bias):
    n = x.shape[0]
    loop = jnp.arange(n)
    src = jnp.concatenate([edge_index[0], loop])
    dst = jnp.concatenate([edge_index[1], loop])
    h = (x @ W).reshape(n, HEADS, HID)
    alpha_src = jnp.sum(h * a_src, axis=-1)
    alpha_dst = jnp.sum(h * a_dst, axis=-1)
    alpha = jax.nn.leaky_relu(alpha_src[src] + alpha_dst[dst], 0.2)
    amax = jax.lax.stop_gradient(jax.ops.segment_max(alpha, dst, num_segments=n))
    alpha = jnp.exp(alpha - amax[dst])
    denom = jax.ops.segment_sum(alpha, dst, num_segments=n)
    alpha = alpha / (denom[dst] + 1e-16)
    out = jax.ops.segment_sum(h[src] * alpha[:, :, None], dst, num_segments=n)
    return out.reshape(n, HEADS * HID) + bias


def setup_inputs(seed: int = 0) -> dict:
    key = jax.random.key(seed)
    ks = jax.random.split(key, 16)
    s = 0.05
    x = jax.random.randint(ks[0], (N, 1), 0, V)
    edge_index = jax.random.randint(ks[1], (2, E), 0, N)
    batch_idx = jnp.sort(jax.random.randint(ks[2], (N,), 0, B))
    emb_table = jax.random.normal(ks[3], (V, D), dtype=jnp.float32) * s
    emb_table = emb_table.at[0].set(0.0)
    return {
        'x': x, 'edge_index': edge_index, 'batch_idx': batch_idx,
        'emb_table': emb_table,
        'ln1_g': jnp.ones((D,), jnp.float32), 'ln1_b': jnp.zeros((D,), jnp.float32),
        'W1': jax.random.normal(ks[4], (D, HEADS * HID), jnp.float32) * s,
        'a_src1': jax.random.normal(ks[5], (1, HEADS, HID), jnp.float32) * s,
        'a_dst1': jax.random.normal(ks[6], (1, HEADS, HID), jnp.float32) * s,
        'b1': jnp.zeros((HEADS * HID,), jnp.float32),
        'W2': jax.random.normal(ks[7], (HEADS * HID, HEADS * HID), jnp.float32) * s,
        'a_src2': jax.random.normal(ks[8], (1, HEADS, HID), jnp.float32) * s,
        'a_dst2': jax.random.normal(ks[9], (1, HEADS, HID), jnp.float32) * s,
        'b2': jnp.zeros((HEADS * HID,), jnp.float32),
        'gW1': jax.random.normal(ks[10], (HEADS * HID, HID), jnp.float32) * s,
        'gb1': jnp.zeros((HID,), jnp.float32),
        'gW2': jax.random.normal(ks[11], (HID, 1), jnp.float32) * s,
        'gb2': jnp.zeros((1,), jnp.float32),
        'ln2_g': jnp.ones((HEADS * HID,), jnp.float32), 'ln2_b': jnp.zeros((HEADS * HID,), jnp.float32),
        'fW1': jax.random.normal(ks[12], (HEADS * HID, HEADS * HID), jnp.float32) * s,
        'fb1': jnp.zeros((HEADS * HID,), jnp.float32),
        'fW2': jax.random.normal(ks[13], (HEADS * HID, HID), jnp.float32) * s,
        'fb2': jnp.zeros((HID,), jnp.float32),
    }


def reference(x, edge_index, batch_idx, emb_table, ln1_g, ln1_b, W1, a_src1, a_dst1, b1, W2, a_src2, a_dst2, b2, gW1, gb1, gW2, gb2, ln2_g, ln2_b, fW1, fb1, fW2, fb2):
    x_emb = emb_table[x[:, 0]]
    x_emb = layernorm(x_emb, ln1_g, ln1_b)
    h = gat_conv(x_emb, edge_index, W1, a_src1, a_dst1, b1)
    h = jax.nn.leaky_relu(h, 0.05)
    out_conv = gat_conv(h, edge_index, W2, a_src2, a_dst2, b2)
    gate = jax.nn.leaky_relu(out_conv @ gW1 + gb1, 0.05)
    gate = gate @ gW2 + gb2
    gmax = jax.lax.stop_gradient(jax.ops.segment_max(gate, batch_idx, num_segments=B))
    gate = jnp.exp(gate - gmax[batch_idx])
    gsum = jax.ops.segment_sum(gate, batch_idx, num_segments=B)
    gate = gate / (gsum[batch_idx] + 1e-16)
    hidden = jax.ops.segment_sum(gate * out_conv, batch_idx, num_segments=B)
    hidden = layernorm(hidden, ln2_g, ln2_b)
    hidden = jax.nn.leaky_relu(hidden @ fW1 + fb1, 0.05)
    hidden = hidden @ fW2 + fb2
    return (out_conv, hidden)

if __name__ == "__main__":
    import jax
    _d = setup_inputs()
    print(jax.jit(kernel)(*tuple(_d.values())))

</pallas_src>

<mosaic_0001>
#map = affine_map<(d0, d1) -> (0, 0)>
#map1 = affine_map<(d0, d1) -> (0)>
module attributes {stable_mosaic.version = 14 : i64} {
  func.func @_emb_body(%arg0: i32, %arg1: i32, %arg2: memref<5001x128xf32, #tpu.memory_space<hbm>>, %arg3: memref<10240xi32, #tpu.memory_space<hbm>>, %arg4: memref<10240x128xf32, #tpu.memory_space<hbm>>, %arg5: memref<80xi32, #tpu.memory_space<vmem>>, %arg6: memref<80x128xf32, #tpu.memory_space<vmem>>, %arg7: memref<!tpu.dma_semaphore, #tpu.memory_space<semaphore_mem>>) attributes {dimension_semantics = [#tpu.dimension_semantics<core_parallel>, #tpu.dimension_semantics<subcore_parallel>], iteration_bounds = array<i64: 2, 16>, scalar_prefetch = 0 : i64, scratch_operands = 3 : i64, tpu.core_type = #tpu.core_type<sc_vector_subcore>, window_params = [{transform_indices = #map}, {transform_indices = #map1}, {transform_indices = #map}]} {
    %mul3A = arith.constant 2 : i32
    %mul3A_0 = arith.muli %arg1, %mul3A : i32
    %add3A = arith.addi %mul3A_0, %arg0 : i32
    %mul3A_1 = arith.constant 320 : i32
    %mul3A_2 = arith.muli %add3A, %mul3A_1 : i32
    %scan3A = arith.constant 0 : i32
    %scan3A_3 = arith.constant 0 : i32
    %scan3A_4 = arith.constant 4 : i32
    %scan3A_5 = arith.addi %scan3A_3, %scan3A_4 : i32
    %scan3A_6 = arith.constant 1 : i32
    %scan3A_7 = scf.for %scan3A_9 = %scan3A_3 to %scan3A_5 step %scan3A_6 iter_args(%scan3A_10 = %scan3A) -> (i32)  : i32 {
      %mul3A_11 = arith.constant 80 : i32
      %mul3A_12 = arith.muli %scan3A_9, %mul3A_11 : i32
      %add3A_13 = arith.addi %mul3A_2, %mul3A_12 : i32
      "tpu.region"() ({
        %run_scoped3A = tpu.sem_alloc : memref<!tpu.dma_semaphore, #tpu.memory_space<semaphore_mem>>
        %dma_start3A_19 = tpu.memref_slice %arg3[%add3A_13] : memref<10240xi32, #tpu.memory_space<hbm>> -> memref<80xi32, #tpu.memory_space<hbm>>
        %dma_start3A_20 = tpu.memref_slice %arg3[%add3A_13] : memref<10240xi32, #tpu.memory_space<hbm>> -> memref<80xi32, #tpu.memory_space<hbm>>
        tpu.enqueue_dma source(%dma_start3A_20 : memref<80xi32, #tpu.memory_space<hbm>>) target(%arg5 : memref<80xi32, #tpu.memory_space<vmem>>) target_semaphore(%run_scoped3A : memref<!tpu.dma_semaphore, #tpu.memory_space<semaphore_mem>>)
        %dma_wait3A_21 = tpu.memref_slice %arg3[%add3A_13] : memref<10240xi32, #tpu.memory_space<hbm>> -> memref<80xi32, #tpu.memory_space<hbm>>
        %dma_wait3A_22 = tpu.memref_slice %arg3[%add3A_13] : memref<10240xi32, #tpu.memory_space<hbm>> -> memref<80xi32, #tpu.memory_space<hbm>>
        tpu.wait_dma2 semaphore(%run_scoped3A : memref<!tpu.dma_semaphore, #tpu.memory_space<semaphore_mem>>) src(%dma_wait3A_22 : memref<80xi32, #tpu.memory_space<hbm>>) dst(%arg5 : memref<80xi32, #tpu.memory_space<vmem>>)
        tpu.yield
      }) : () -> ()
      %dma_start3A = arith.constant 0 : i32
      %dma_start3A_14 = arith.constant 0 : i32
      %dma_start3A_15 = tpu.memref_slice %arg2[%dma_start3A, %dma_start3A_14] : memref<5001x128xf32, #tpu.memory_space<hbm>> -> memref<5001x128xf32, #tpu.memory_space<hbm>>
      tpu.enqueue_indirect_dma source(%dma_start3A_15 : memref<5001x128xf32, #tpu.memory_space<hbm>>) target(%arg6 : memref<80x128xf32, #tpu.memory_space<vmem>>) offsets(%arg5 : memref<80xi32, #tpu.memory_space<vmem>>) semaphore(%arg7 : memref<!tpu.dma_semaphore, #tpu.memory_space<semaphore_mem>>)
      %dma_wait3A = arith.constant 0 : i32
      %dma_wait3A_16 = arith.constant 0 : i32
      %dma_wait3A_17 = tpu.memref_slice %arg2[%dma_wait3A, %dma_wait3A_16] : memref<5001x128xf32, #tpu.memory_space<hbm>> -> memref<5001x128xf32, #tpu.memory_space<hbm>>
      tpu.wait_indirect_dma semaphore(%arg7 : memref<!tpu.dma_semaphore, #tpu.memory_space<semaphore_mem>>) src(%dma_wait3A_17 : memref<5001x128xf32, #tpu.memory_space<hbm>>) dst(%arg6 : memref<80x128xf32, #tpu.memory_space<vmem>>)
      "tpu.region"() ({
        %run_scoped3A = tpu.sem_alloc : memref<!tpu.dma_semaphore, #tpu.memory_space<semaphore_mem>>
        %dma_start3A_19 = arith.constant 0 : i32
        %dma_start3A_20 = tpu.memref_slice %arg4[%add3A_13, %dma_start3A_19] : memref<10240x128xf32, #tpu.memory_space<hbm>> -> memref<80x128xf32, #tpu.memory_space<hbm>>
        %dma_start3A_21 = arith.constant 0 : i32
        %dma_start3A_22 = tpu.memref_slice %arg4[%add3A_13, %dma_start3A_21] : memref<10240x128xf32, #tpu.memory_space<hbm>> -> memref<80x128xf32, #tpu.memory_space<hbm>>
        tpu.enqueue_dma source(%arg6 : memref<80x128xf32, #tpu.memory_space<vmem>>) target(%dma_start3A_22 : memref<80x128xf32, #tpu.memory_space<hbm>>) target_semaphore(%run_scoped3A : memref<!tpu.dma_semaphore, #tpu.memory_space<semaphore_mem>>)
        %dma_wait3A_23 = arith.constant 0 : i32
        %dma_wait3A_24 = tpu.memref_slice %arg4[%add3A_13, %dma_wait3A_23] : memref<10240x128xf32, #tpu.memory_space<hbm>> -> memref<80x128xf32, #tpu.memory_space<hbm>>
        %dma_wait3A_25 = arith.constant 0 : i32
        %dma_wait3A_26 = tpu.memref_slice %arg4[%add3A_13, %dma_wait3A_25] : memref<10240x128xf32, #tpu.memory_space<hbm>> -> memref<80x128xf32, #tpu.memory_space<hbm>>
        tpu.wait_dma2 semaphore(%run_scoped3A : memref<!tpu.dma_semaphore, #tpu.memory_space<semaphore_mem>>) src(%arg6 : memref<80x128xf32, #tpu.memory_space<vmem>>) dst(%dma_wait3A_26 : memref<80x128xf32, #tpu.memory_space<hbm>>)
        tpu.yield
      }) : () -> ()
      %scan3A_18 = arith.constant 0 : i32
      scf.yield %scan3A_18 : i32
    }
    %scan3A_8 = arith.constant 4 : i32
    return
  }
}

#map = affine_map<(d0, d1) -> (0)>
#map1 = affine_map<(d0, d1) -> (0, 0)>
module attributes {stable_mosaic.version = 14 : i64} {
  func.func @_edge_body(%arg0: i32, %arg1: i32, %arg2: memref<327680xi32, #tpu.memory_space<hbm>>, %arg3: memref<327680xi32, #tpu.memory_space<hbm>>, %arg4: memref<10240x128xf32, #tpu.memory_space<hbm>>, %arg5: memref<10240x128xf32, #tpu.memory_space<hbm>>, %arg6: memref<10240xf32, #tpu.memory_space<hbm>>, %arg7: memref<10240xf32, #tpu.memory_space<hbm>>, %arg8: memref<10240xf32, #tpu.memory_space<hbm>>, %arg9: memref<10240xf32, #tpu.memory_space<hbm>>, %arg10: memref<10240x128xf32, #tpu.memory_space<hbm>>, %arg11: memref<10240xf32, #tpu.memory_space<hbm>>, %arg12: memref<20480x128xf32, #tpu.memory_space<hbm>>, %arg13: memref<20480xf32, #tpu.memory_space<hbm>>, %arg14: memref<128xi32, #tpu.memory_space<vmem>>, %arg15: memref<128xi32, #tpu.memory_space<vmem>>, %arg16: memref<128xi32, #tpu.memory_space<vmem>>, %arg17: memref<128xi32, #tpu.memory_space<vmem>>, %arg18: memref<128xf32, #tpu.memory_space<vmem>>, %arg19: memref<128xf32, #tpu.memory_space<vmem>>, %arg20: memref<128xf32, #tpu.memory_space<vmem>>, %arg21: memref<144xf32, #tpu.memory_space<vmem>>, %arg22: memref<128x128xf32, #tpu.memory_space<vmem>>, %arg23: memref<128xf32, #tpu.memory_space<vmem>>, %arg24: memref<128xf32, #tpu.memory_space<vmem>>, %arg25: memref<128xf32, #tpu.memory_space<vmem>>, %arg26: memref<144xf32, #tpu.memory_space<vmem>>, %arg27: memref<128x128xf32, #tpu.memory_space<vmem>>, %arg28: memref<10240x128xf32, #tpu.memory_space<vmem_shared>>, %arg29: memref<10240xf32, #tpu.memory_space<vmem_shared>>, %arg30: memref<!tpu.dma_semaphore, #tpu.memory_space<semaphore_mem>>, %arg31: memref<!tpu.dma_semaphore, #tpu.memory_space<semaphore_mem>>, %arg32: memref<!tpu.dma_semaphore, #tpu.memory_space<semaphore_mem>>, %arg33: memref<!tpu.dma_semaphore, #tpu.memory_space<semaphore_mem>>, %arg34: memref<!tpu.dma_semaphore, #tpu.memory_space<semaphore_mem>>, %arg35: memref<!tpu.dma_semaphore, #tpu.memory_space<semaphore_mem>>, %arg36: memref<!tpu.dma_semaphore, #tpu.memory_space<semaphore_mem>>, %arg37: memref<!tpu.dma_semaphore, #tpu.memory_space<semaphore_mem>>, %arg38: memref<!tpu.dma_semaphore, #tpu.memory_space<semaphore_mem>>, %arg39: memref<!tpu.dma_semaphore, #tpu.memory_space<semaphore_mem>>) attributes {dimension_semantics = [#tpu.dimension_semantics<core_parallel>, #tpu.dimension_semantics<subcore_parallel>], iteration_bounds = array<i64: 2, 16>, scalar_prefetch = 0 : i64, scratch_operands = 26 : i64, tpu.core_type = #tpu.core_type<sc_vector_subcore>, window_params = [{transform_indices = #map}, {transform_indices = #map}, {transform_indices = #map1}, {transform_indices = #map1}, {transform_indices = #map}, {transform_indices = #map}, {transform_indices = #map}, {transform_indices = #map}, {transform_indices = #map1}, {transform_indices = #map}, {transform_indices = #map1}, {transform_indices = #map}]} {
    %mul3A = arith.constant 640 : i32
    %mul3A_0 = arith.muli %arg1, %mul3A : i32
    %mul3A_1 = arith.constant 10240 : i32
    %mul3A_2 = arith.muli %arg0, %mul3A_1 : i32
    "tpu.region"() ({
      %run_scoped3A = tpu.sem_alloc : memref<!tpu.dma_semaphore, #tpu.memory_space<semaphore_mem>>
      %dma_start3A_40 = arith.constant 0 : i32
      %dma_start3A_41 = tpu.memref_slice %arg28[%mul3A_0, %dma_start3A_40] : memref<10240x128xf32, #tpu.memory_space<vmem_shared>> -> memref<640x128xf32, #tpu.memory_space<vmem_shared>>
      %dma_start3A_42 = arith.constant 0 : i32
      %dma_start3A_43 = tpu.memref_slice %arg10[%mul3A_0, %dma_start3A_42] : memref<10240x128xf32, #tpu.memory_space<hbm>> -> memref<640x128xf32, #tpu.memory_space<hbm>>
      tpu.enqueue_dma source(%dma_start3A_43 : memref<640x128xf32, #tpu.memory_space<hbm>>) target(%dma_start3A_41 : memref<640x128xf32, #tpu.memory_space<vmem_shared>>) target_semaphore(%run_scoped3A : memref<!tpu.dma_semaphore, #tpu.memory_space<semaphore_mem>>)
      %dma_wait3A_44 = arith.constant 0 : i32
      %dma_wait3A_45 = tpu.memref_slice %arg28[%mul3A_0, %dma_wait3A_44] : memref<10240x128xf32, #tpu.memory_space<vmem_shared>> -> memref<640x128xf32, #tpu.memory_space<vmem_shared>>
      %dma_wait3A_46 = arith.constant 0 : i32
      %dma_wait3A_47 = tpu.memref_slice %arg10[%mul3A_0, %dma_wait3A_46] : memref<10240x128xf32, #tpu.memory_space<hbm>> -> memref<640x128xf32, #tpu.memory_space<hbm>>
      tpu.wait_dma2 semaphore(%run_scoped3A : memref<!tpu.dma_semaphore, #tpu.memory_space<semaphore_mem>>) src(%dma_wait3A_47 : memref<640x128xf32, #tpu.memory_space<hbm>>) dst(%dma_wait3A_45 : memref<640x128xf32, #tpu.memory_space<vmem_shared>>)
      tpu.yield
    }) : () -> ()
    "tpu.region"() ({
      %run_scoped3A = tpu.sem_alloc : memref<!tpu.dma_semaphore, #tpu.memory_space<semaphore_mem>>
      %dma_start3A_40 = tpu.memref_slice %arg29[%mul3A_0] : memref<10240xf32, #tpu.memory_space<vmem_shared>> -> memref<640xf32, #tpu.memory_space<vmem_shared>>
      %dma_start3A_41 = tpu.memref_slice %arg11[%mul3A_0] : memref<10240xf32, #tpu.memory_space<hbm>> -> memref<640xf32, #tpu.memory_space<hbm>>
      tpu.enqueue_dma source(%dma_start3A_41 : memref<640xf32, #tpu.memory_space<hbm>>) target(%dma_start3A_40 : memref<640xf32, #tpu.memory_space<vmem_shared>>) target_semaphore(%run_scoped3A : memref<!tpu.dma_semaphore, #tpu.memory_space<semaphore_mem>>)
      %dma_wait3A_42 = tpu.memref_slice %arg29[%mul3A_0] : memref<10240xf32, #tpu.memory_space<vmem_shared>> -> memref<640xf32, #tpu.memory_space<vmem_shared>>
      %dma_wait3A_43 = tpu.memref_slice %arg11[%mul3A_0] : memref<10240xf32, #tpu.memory_space<hbm>> -> memref<640xf32, #tpu.memory_space<hbm>>
      tpu.wait_dma2 semaphore(%run_scoped3A : memref<!tpu.dma_semaphore, #tpu.memory_space<semaphore_mem>>) src(%dma_wait3A_43 : memref<640xf32, #tpu.memory_space<hbm>>) dst(%dma_wait3A_42 : memref<640xf32, #tpu.memory_space<vmem_shared>>)
      tpu.yield
    }) : () -> ()
    %barrier3A = arith.constant 0 : index
    tpu.barrier barrier_id(%barrier3A)
    %mul3A_3 = arith.constant 20480 : i32
    %mul3A_4 = arith.muli %arg1, %mul3A_3 : i32
    %add3A = arith.constant 0 : i32
    %add3A_5 = arith.addi %mul3A_4, %add3A : i32
    %dma_start3A = tpu.memref_slice %arg2[%add3A_5] : memref<327680xi32, #tpu.memory_space<hbm>> -> memref<128xi32, #tpu.memory_space<hbm>>
    %dma_start3A_6 = tpu.memref_slice %arg2[%add3A_5] : memref<327680xi32, #tpu.memory_space<hbm>> -> memref<128xi32, #tpu.memory_space<hbm>>
    tpu.enqueue_dma source(%dma_start3A_6 : memref<128xi32, #tpu.memory_space<hbm>>) target(%arg14 : memref<128xi32, #tpu.memory_space<vmem>>) target_semaphore(%arg36 : memref<!tpu.dma_semaphore, #tpu.memory_space<semaphore_mem>>)
    %dma_start3A_7 = tpu.memref_slice %arg3[%add3A_5] : memref<327680xi32, #tpu.memory_space<hbm>> -> memref<128xi32, #tpu.memory_space<hbm>>
    %dma_start3A_8 = tpu.memref_slice %arg3[%add3A_5] : memref<327680xi32, #tpu.memory_space<hbm>> -> memref<128xi32, #tpu.memory_space<hbm>>
    tpu.enqueue_dma source(%dma_start3A_8 : memref<128xi32, #tpu.memory_space<hbm>>) target(%arg15 : memref<128xi32, #tpu.memory_space<vmem>>) target_semaphore(%arg36 : memref<!tpu.dma_semaphore, #tpu.memory_space<semaphore_mem>>)
    %add3A_9 = arith.constant 0 : i32
    %add3A_10 = arith.addi %mul3A_4, %add3A_9 : i32
    %dma_wait3A = tpu.memref_slice %arg2[%add3A_10] : memref<327680xi32, #tpu.memory_space<hbm>> -> memref<128xi32, #tpu.memory_space<hbm>>
    %dma_wait3A_11 = tpu.memref_slice %arg2[%add3A_10] : memref<327680xi32, #tpu.memory_space<hbm>> -> memref<128xi32, #tpu.memory_space<hbm>>
    tpu.wait_dma2 semaphore(%arg36 : memref<!tpu.dma_semaphore, #tpu.memory_space<semaphore_mem>>) src(%dma_wait3A_11 : memref<128xi32, #tpu.memory_space<hbm>>) dst(%arg14 : memref<128xi32, #tpu.memory_space<vmem>>)
    %dma_wait3A_12 = tpu.memref_slice %arg3[%add3A_10] : memref<327680xi32, #tpu.memory_space<hbm>> -> memref<128xi32, #tpu.memory_space<hbm>>
    %dma_wait3A_13 = tpu.memref_slice %arg3[%add3A_10] : memref<327680xi32, #tpu.memory_space<hbm>> -> memref<128xi32, #tpu.memory_space<hbm>>
    tpu.wait_dma2 semaphore(%arg36 : memref<!tpu.dma_semaphore, #tpu.memory_space<semaphore_mem>>) src(%dma_wait3A_13 : memref<128xi32, #tpu.memory_space<hbm>>) dst(%arg15 : memref<128xi32, #tpu.memory_space<vmem>>)
    %eq3A = arith.constant 0 : i32
    %eq3A_14 = arith.cmpi eq, %arg0, %eq3A : i32
    %convert_element_type3A = arith.extui %eq3A_14 : i1 to i32
    %cond3A = arith.constant 0 : i32
    %cond3A_15 = arith.cmpi ne, %convert_element_type3A, %cond3A : i32
    scf.if %cond3A_15 {
      %dma_start3A_40 = arith.constant 0 : i32
      %dma_start3A_41 = arith.constant 0 : i32
      %dma_start3A_42 = tpu.memref_slice %arg4[%dma_start3A_40, %dma_start3A_41] : memref<10240x128xf32, #tpu.memory_space<hbm>> -> memref<10240x128xf32, #tpu.memory_space<hbm>>
      tpu.enqueue_indirect_dma source(%dma_start3A_42 : memref<10240x128xf32, #tpu.memory_space<hbm>>) target(%arg22 : memref<128x128xf32, #tpu.memory_space<vmem>>) offsets(%arg14 : memref<128xi32, #tpu.memory_space<vmem>>) semaphore(%arg30 : memref<!tpu.dma_semaphore, #tpu.memory_space<semaphore_mem>>)
      %dma_start3A_43 = arith.constant 0 : i32
      %dma_start3A_44 = tpu.memref_slice %arg6[%dma_start3A_43] : memref<10240xf32, #tpu.memory_space<hbm>> -> memref<10240xf32, #tpu.memory_space<hbm>>
      tpu.enqueue_indirect_dma source(%dma_start3A_44 : memref<10240xf32, #tpu.memory_space<hbm>>) target(%arg18 : memref<128xf32, #tpu.memory_space<vmem>>) offsets(%arg14 : memref<128xi32, #tpu.memory_space<vmem>>) semaphore(%arg31 : memref<!tpu.dma_semaphore, #tpu.memory_space<semaphore_mem>>)
      %dma_start3A_45 = arith.constant 0 : i32
      %dma_start3A_46 = tpu.memref_slice %arg8[%dma_start3A_45] : memref<10240xf32, #tpu.memory_space<hbm>> -> memref<10240xf32, #tpu.memory_space<hbm>>
      tpu.enqueue_indirect_dma source(%dma_start3A_46 : memref<10240xf32, #tpu.memory_space<hbm>>) target(%arg19 : memref<128xf32, #tpu.memory_space<vmem>>) offsets(%arg15 : memref<128xi32, #tpu.memory_space<vmem>>) semaphore(%arg32 : memref<!tpu.dma_semaphore, #tpu.memory_space<semaphore_mem>>)
    } else {
    }
    %eq3A_16 = arith.constant 1 : i32
    %eq3A_17 = arith.cmpi eq, %arg0, %eq3A_16 : i32
    %convert_element_type3A_18 = arith.extui %eq3A_17 : i1 to i32
    %cond3A_19 = arith.constant 0 : i32
    %cond3A_20 = arith.cmpi ne, %convert_element_type3A_18, %cond3A_19 : i32
    scf.if %cond3A_20 {
      %dma_start3A_40 = arith.constant 0 : i32
      %dma_start3A_41 = arith.constant 0 : i32
      %dma_start3A_42 = tpu.memref_slice %arg5[%dma_start3A_40, %dma_start3A_41] : memref<10240x128xf32, #tpu.memory_space<hbm>> -> memref<10240x128xf32, #tpu.memory_space<hbm>>
      tpu.enqueue_indirect_dma source(%dma_start3A_42 : memref<10240x128xf32, #tpu.memory_space<hbm>>) target(%arg22 : memref<128x128xf32, #tpu.memory_space<vmem>>) offsets(%arg14 : memref<128xi32, #tpu.memory_space<vmem>>) semaphore(%arg30 : memref<!tpu.dma_semaphore, #tpu.memory_space<semaphore_mem>>)
      %dma_start3A_43 = arith.constant 0 : i32
      %dma_start3A_44 = tpu.memref_slice %arg7[%dma_start3A_43] : memref<10240xf32, #tpu.memory_space<hbm>> -> memref<10240xf32, #tpu.memory_space<hbm>>
      tpu.enqueue_indirect_dma source(%dma_start3A_44 : memref<10240xf32, #tpu.memory_space<hbm>>) target(%arg18 : memref<128xf32, #tpu.memory_space<vmem>>) offsets(%arg14 : memref<128xi32, #tpu.memory_space<vmem>>) semaphore(%arg31 : memref<!tpu.dma_semaphore, #tpu.memory_space<semaphore_mem>>)
      %dma_start3A_45 = arith.constant 0 : i32
      %dma_start3A_46 = tpu.memref_slice %arg9[%dma_start3A_45] : memref<10240xf32, #tpu.memory_space<hbm>> -> memref<10240xf32, #tpu.memory_space<hbm>>
      tpu.enqueue_indirect_dma source(%dma_start3A_46 : memref<10240xf32, #tpu.memory_space<hbm>>) target(%arg19 : memref<128xf32, #tpu.memory_space<vmem>>) offsets(%arg15 : memref<128xi32, #tpu.memory_space<vmem>>) semaphore(%arg32 : memref<!tpu.dma_semaphore, #tpu.memory_space<semaphore_mem>>)
    } else {
    }
    %add3A_21 = arith.constant 128 : i32
    %add3A_22 = arith.addi %mul3A_4, %add3A_21 : i32
    %dma_start3A_23 = tpu.memref_slice %arg2[%add3A_22] : memref<327680xi32, #tpu.memory_space<hbm>> -> memref<128xi32, #tpu.memory_space<hbm>>
    %dma_start3A_24 = tpu.memref_slice %arg2[%add3A_22] : memref<327680xi32, #tpu.memory_space<hbm>> -> memref<128xi32, #tpu.memory_space<hbm>>
    tpu.enqueue_dma source(%dma_start3A_24 : memref<128xi32, #tpu.memory_space<hbm>>) target(%arg16 : memref<128xi32, #tpu.memory_space<vmem>>) target_semaphore(%arg37 : memref<!tpu.dma_semaphore, #tpu.memory_space<semaphore_mem>>)
    %dma_start3A_25 = tpu.memref_slice %arg3[%add3A_22] : memref<327680xi32, #tpu.memory_space<hbm>> -> memref<128xi32, #tpu.memory_space<hbm>>
    %dma_start3A_26 = tpu.memref_slice %arg3[%add3A_22] : memref<327680xi32, #tpu.memory_space<hbm>> -> memref<128xi32, #tpu.memory_space<hbm>>
    tpu.enqueue_dma source(%dma_start3A_26 : memref<128xi32, #tpu.memory_space<hbm>>) target(%arg17 : memref<128xi32, #tpu.memory_space<vmem>>) target_semaphore(%arg37 : memref<!tpu.dma_semaphore, #tpu.memory_space<semaphore_mem>>)
    %scan3A = arith.constant 0 : i32
    %scan3A_27 = arith.constant 0 : i32
    %scan3A_28 = arith.constant 80 : i32
    %scan3A_29 = arith.addi %scan3A_27, %scan3A_28 : i32
    %scan3A_30 = arith.constant 1 : i32
    %scan3A_31 = scf.for %scan3A_40 = %scan3A_27 to %scan3A_29 step %scan3A_30 iter_args(%scan3A_41 = %scan3A) -> (i32)  : i32 {
      %mul3A_42 = arith.constant 2 : i32
      %mul3A_43 = arith.muli %scan3A_40, %mul3A_42 : i32
      %mul3A_44 = arith.constant 2 : i32
      %mul3A_45 = arith.muli %scan3A_40, %mul3A_44 : i32
      %add3A_46 = arith.constant 1 : i32
      %add3A_47 = arith.addi %mul3A_45, %add3A_46 : i32
      %mul3A_48 = arith.constant 128 : i32
      %mul3A_49 = arith.muli %add3A_47, %mul3A_48 : i32
      %add3A_50 = arith.addi %mul3A_4, %mul3A_49 : i32
      %dma_wait3A_51 = tpu.memref_slice %arg2[%add3A_50] : memref<327680xi32, #tpu.memory_space<hbm>> -> memref<128xi32, #tpu.memory_space<hbm>>
      %dma_wait3A_52 = tpu.memref_slice %arg2[%add3A_50] : memref<327680xi32, #tpu.memory_space<hbm>> -> memref<128xi32, #tpu.memory_space<hbm>>
      tpu.wait_dma2 semaphore(%arg37 : memref<!tpu.dma_semaphore, #tpu.memory_space<semaphore_mem>>) src(%dma_wait3A_52 : memref<128xi32, #tpu.memory_space<hbm>>) dst(%arg16 : memref<128xi32, #tpu.memory_space<vmem>>)
      %dma_wait3A_53 = tpu.memref_slice %arg3[%add3A_50] : memref<327680xi32, #tpu.memory_space<hbm>> -> memref<128xi32, #tpu.memory_space<hbm>>
      %dma_wait3A_54 = tpu.memref_slice %arg3[%add3A_50] : memref<327680xi32, #tpu.memory_space<hbm>> -> memref<128xi32, #tpu.memory_space<hbm>>
      tpu.wait_dma2 semaphore(%arg37 : memref<!tpu.dma_semaphore, #tpu.memory_space<semaphore_mem>>) src(%dma_wait3A_54 : memref<128xi32, #tpu.memory_space<hbm>>) dst(%arg17 : memref<128xi32, #tpu.memory_space<vmem>>)
      %eq3A_55 = arith.constant 0 : i32
      %eq3A_56 = arith.cmpi eq, %arg0, %eq3A_55 : i32
      %convert_element_type3A_57 = arith.extui %eq3A_56 : i1 to i32
      %cond3A_58 = arith.constant 0 : i32
      %cond3A_59 = arith.cmpi ne, %convert_element_type3A_57, %cond3A_58 : i32
      scf.if %cond3A_59 {
        %dma_start3A_481 = arith.constant 0 : i32
        %dma_start3A_482 = arith.constant 0 : i32
        %dma_start3A_483 = tpu.memref_slice %arg4[%dma_start3A_481, %dma_start3A_482] : memref<10240x128xf32, #tpu.memory_space<hbm>> -> memref<10240x128xf32, #tpu.memory_space<hbm>>
        tpu.enqueue_indirect_dma source(%dma_start3A_483 : memref<10240x128xf32, #tpu.memory_space<hbm>>) target(%arg27 : memref<128x128xf32, #tpu.memory_space<vmem>>) offsets(%arg16 : memref<128xi32, #tpu.memory_space<vmem>>) semaphore(%arg33 : memref<!tpu.dma_semaphore, #tpu.memory_space<semaphore_mem>>)
        %dma_start3A_484 = arith.constant 0 : i32
        %dma_start3A_485 = tpu.memref_slice %arg6[%dma_start3A_484] : memref<10240xf32, #tpu.memory_space<hbm>> -> memref<10240xf32, #tpu.memory_space<hbm>>
        tpu.enqueue_indirect_dma source(%dma_start3A_485 : memref<10240xf32, #tpu.memory_space<hbm>>) target(%arg23 : memref<128xf32, #tpu.memory_space<vmem>>) offsets(%arg16 : memref<128xi32, #tpu.memory_space<vmem>>) semaphore(%arg34 : memref<!tpu.dma_semaphore, #tpu.memory_space<semaphore_mem>>)
        %dma_start3A_486 = arith.constant 0 : i32
        %dma_start3A_487 = tpu.memref_slice %arg8[%dma_start3A_486] : memref<10240xf32, #tpu.memory_space<hbm>> -> memref<10240xf32, #tpu.memory_space<hbm>>
        tpu.enqueue_indirect_dma source(%dma_start3A_487 : memref<10240xf32, #tpu.memory_space<hbm>>) target(%arg24 : memref<128xf32, #tpu.memory_space<vmem>>) offsets(%arg17 : memref<128xi32, #tpu.memory_space<vmem>>) semaphore(%arg35 : memref<!tpu.dma_semaphore, #tpu.memory_space<semaphore_mem>>)
      } else {
      }
      %eq3A_60 = arith.constant 1 : i32
      %eq3A_61 = arith.cmpi eq, %arg0, %eq3A_60 : i32
      %convert_element_type3A_62 = arith.extui %eq3A_61 : i1 to i32
      %cond3A_63 = arith.constant 0 : i32
      %cond3A_64 = arith.cmpi ne, %convert_element_type3A_62, %cond3A_63 : i32
      scf.if %cond3A_64 {
        %dma_start3A_481 = arith.constant 0 : i32
        %dma_start3A_482 = arith.constant 0 : i32
        %dma_start3A_483 = tpu.memref_slice %arg5[%dma_start3A_481, %dma_start3A_482] : memref<10240x128xf32, #tpu.memory_space<hbm>> -> memref<10240x128xf32, #tpu.memory_space<hbm>>
        tpu.enqueue_indirect_dma source(%dma_start3A_483 : memref<10240x128xf32, #tpu.memory_space<hbm>>) target(%arg27 : memref<128x128xf32, #tpu.memory_space<vmem>>) offsets(%arg16 : memref<128xi32, #tpu.memory_space<vmem>>) semaphore(%arg33 : memref<!tpu.dma_semaphore, #tpu.memory_space<semaphore_mem>>)
        %dma_start3A_484 = arith.constant 0 : i32
        %dma_start3A_485 = tpu.memref_slice %arg7[%dma_start3A_484] : memref<10240xf32, #tpu.memory_space<hbm>> -> memref<10240xf32, #tpu.memory_space<hbm>>
        tpu.enqueue_indirect_dma source(%dma_start3A_485 : memref<10240xf32, #tpu.memory_space<hbm>>) target(%arg23 : memref<128xf32, #tpu.memory_space<vmem>>) offsets(%arg16 : memref<128xi32, #tpu.memory_space<vmem>>) semaphore(%arg34 : memref<!tpu.dma_semaphore, #tpu.memory_space<semaphore_mem>>)
        %dma_start3A_486 = arith.constant 0 : i32
        %dma_start3A_487 = tpu.memref_slice %arg9[%dma_start3A_486] : memref<10240xf32, #tpu.memory_space<hbm>> -> memref<10240xf32, #tpu.memory_space<hbm>>
        tpu.enqueue_indirect_dma source(%dma_start3A_487 : memref<10240xf32, #tpu.memory_space<hbm>>) target(%arg24 : memref<128xf32, #tpu.memory_space<vmem>>) offsets(%arg17 : memref<128xi32, #tpu.memory_space<vmem>>) semaphore(%arg35 : memref<!tpu.dma_semaphore, #tpu.memory_space<semaphore_mem>>)
      } else {
      }
      %dma_wait3A_65 = arith.constant 0 : i32
      %dma_wait3A_66 = tpu.memref_slice %arg6[%dma_wait3A_65] : memref<10240xf32, #tpu.memory_space<hbm>> -> memref<10240xf32, #tpu.memory_space<hbm>>
      tpu.wait_indirect_dma semaphore(%arg31 : memref<!tpu.dma_semaphore, #tpu.memory_space<semaphore_mem>>) src(%dma_wait3A_66 : memref<10240xf32, #tpu.memory_space<hbm>>) dst(%arg18 : memref<128xf32, #tpu.memory_space<vmem>>)
      %dma_wait3A_67 = arith.constant 0 : i32
      %dma_wait3A_68 = tpu.memref_slice %arg8[%dma_wait3A_67] : memref<10240xf32, #tpu.memory_space<hbm>> -> memref<10240xf32, #tpu.memory_space<hbm>>
      tpu.wait_indirect_dma semaphore(%arg32 : memref<!tpu.dma_semaphore, #tpu.memory_space<semaphore_mem>>) src(%dma_wait3A_68 : memref<10240xf32, #tpu.memory_space<hbm>>) dst(%arg19 : memref<128xf32, #tpu.memory_space<vmem>>)
      %get3A = arith.constant 0 : index
      %get3A_69 = tpu.vector_load %arg18[%get3A] {strides = array<i32>} : memref<128xf32, #tpu.memory_space<vmem>>, vector<16xf32>,
      %get3A_70 = vector.shape_cast %get3A_69 : vector<16xf32> to vector<16xf32>
      %get3A_71 = arith.constant 0 : index
      %get3A_72 = tpu.vector_load %arg19[%get3A_71] {strides = array<i32>} : memref<128xf32, #tpu.memory_space<vmem>>, vector<16xf32>,
      %get3A_73 = vector.shape_cast %get3A_72 : vector<16xf32> to vector<16xf32>
      %add3A_74 = arith.addf %get3A_70, %get3A_73 : vector<16xf32>
      %gt3A = arith.constant 0.000000e+00 : f32
      %gt3A_75 = vector.broadcast %gt3A : f32 to vector<16xf32>
      %gt3A_76 = arith.cmpf ogt, %add3A_74, %gt3A_75 : vector<16xf32>
      %mul3A_77 = arith.constant 2.000000e-01 : f32
      %mul3A_78 = vector.broadcast %mul3A_77 : f32 to vector<16xf32>
      %mul3A_79 = arith.mulf %mul3A_78, %add3A_74 : vector<16xf32>
      %select_n3A = arith.select %gt3A_76, %add3A_74, %mul3A_79 : vector<16xi1>, vector<16xf32>
      %exp3A = math.exp %select_n3A : vector<16xf32>
      %swap3A = arith.constant 0 : index
      %swap3A_80 = tpu.vector_load %arg20[%swap3A] {strides = array<i32>} : memref<128xf32, #tpu.memory_space<vmem>>, vector<16xf32>,
      %swap3A_81 = vector.shape_cast %swap3A_80 : vector<16xf32> to vector<16xf32>
      %swap3A_82 = vector.shape_cast %exp3A : vector<16xf32> to vector<16xf32>
      tpu.vector_store %arg20[%swap3A], %swap3A_82 {strides = array<i32>} : memref<128xf32, #tpu.memory_space<vmem>>, vector<16xf32>,
      %swap3A_83 = arith.constant 0 : index
      %swap3A_84 = tpu.vector_load %arg21[%swap3A_83] {strides = array<i32>} : memref<144xf32, #tpu.memory_space<vmem>>, vector<16xf32>,
      %swap3A_85 = vector.shape_cast %swap3A_84 : vector<16xf32> to vector<16xf32>
      %swap3A_86 = vector.shape_cast %exp3A : vector<16xf32> to vector<16xf32>
      tpu.vector_store %arg21[%swap3A_83], %swap3A_86 {strides = array<i32>} : memref<144xf32, #tpu.memory_space<vmem>>, vector<16xf32>,
      %get3A_87 = arith.constant 16 : index
      %get3A_88 = tpu.vector_load %arg18[%get3A_87] {strides = array<i32>} : memref<128xf32, #tpu.memory_space<vmem>>, vector<16xf32>,
      %get3A_89 = vector.shape_cast %get3A_88 : vector<16xf32> to vector<16xf32>
      %get3A_90 = arith.constant 16 : index
      %get3A_91 = tpu.vector_load %arg19[%get3A_90] {strides = array<i32>} : memref<128xf32, #tpu.memory_space<vmem>>, vector<16xf32>,
      %get3A_92 = vector.shape_cast %get3A_91 : vector<16xf32> to vector<16xf32>
      %add3A_93 = arith.addf %get3A_89, %get3A_92 : vector<16xf32>
      %gt3A_94 = arith.constant 0.000000e+00 : f32
      %gt3A_95 = vector.broadcast %gt3A_94 : f32 to vector<16xf32>
      %gt3A_96 = arith.cmpf ogt, %add3A_93, %gt3A_95 : vector<16xf32>
      %mul3A_97 = arith.constant 2.000000e-01 : f32
      %mul3A_98 = vector.broadcast %mul3A_97 : f32 to vector<16xf32>
      %mul3A_99 = arith.mulf %mul3A_98, %add3A_93 : vector<16xf32>
      %select_n3A_100 = arith.select %gt3A_96, %add3A_93, %mul3A_99 : vector<16xi1>, vector<16xf32>
      %exp3A_101 = math.exp %select_n3A_100 : vector<16xf32>
      %swap3A_102 = arith.constant 16 : index
      %swap3A_103 = tpu.vector_load %arg20[%swap3A_102] {strides = array<i32>} : memref<128xf32, #tpu.memory_space<vmem>>, vector<16xf32>,
      %swap3A_104 = vector.shape_cast %swap3A_103 : vector<16xf32> to vector<16xf32>
      %swap3A_105 = vector.shape_cast %exp3A_101 : vector<16xf32> to vector<16xf32>
      tpu.vector_store %arg20[%swap3A_102], %swap3A_105 {strides = array<i32>} : memref<128xf32, #tpu.memory_space<vmem>>, vector<16xf32>,
      %swap3A_106 = arith.constant 16 : index
      %swap3A_107 = tpu.vector_load %arg21[%swap3A_106] {strides = array<i32>} : memref<144xf32, #tpu.memory_space<vmem>>, vector<16xf32>,
      %swap3A_108 = vector.shape_cast %swap3A_107 : vector<16xf32> to vector<16xf32>
      %swap3A_109 = vector.shape_cast %exp3A_101 : vector<16xf32> to vector<16xf32>
      tpu.vector_store %arg21[%swap3A_106], %swap3A_109 {strides = array<i32>} : memref<144xf32, #tpu.memory_space<vmem>>, vector<16xf32>,
      %get3A_110 = arith.constant 32 : index
      %get3A_111 = tpu.vector_load %arg18[%get3A_110] {strides = array<i32>} : memref<128xf32, #tpu.memory_space<vmem>>, vector<16xf32>,
      %get3A_112 = vector.shape_cast %get3A_111 : vector<16xf32> to vector<16xf32>
      %get3A_113 = arith.constant 32 : index
      %get3A_114 = tpu.vector_load %arg19[%get3A_113] {strides = array<i32>} : memref<128xf32, #tpu.memory_space<vmem>>, vector<16xf32>,
      %get3A_115 = vector.shape_cast %get3A_114 : vector<16xf32> to vector<16xf32>
      %add3A_116 = arith.addf %get3A_112, %get3A_115 : vector<16xf32>
      %gt3A_117 = arith.constant 0.000000e+00 : f32
      %gt3A_118 = vector.broadcast %gt3A_117 : f32 to vector<16xf32>
      %gt3A_119 = arith.cmpf ogt, %add3A_116, %gt3A_118 : vector<16xf32>
      %mul3A_120 = arith.constant 2.000000e-01 : f32
      %mul3A_121 = vector.broadcast %mul3A_120 : f32 to vector<16xf32>
      %mul3A_122 = arith.mulf %mul3A_121, %add3A_116 : vector<16xf32>
      %select_n3A_123 = arith.select %gt3A_119, %add3A_116, %mul3A_122 : vector<16xi1>, vector<16xf32>
      %exp3A_124 = math.exp %select_n3A_123 : vector<16xf32>
      %swap3A_125 = arith.constant 32 : index
      %swap3A_126 = tpu.vector_load %arg20[%swap3A_125] {strides = array<i32>} : memref<128xf32, #tpu.memory_space<vmem>>, vector<16xf32>,
      %swap3A_127 = vector.shape_cast %swap3A_126 : vector<16xf32> to vector<16xf32>
      %swap3A_128 = vector.shape_cast %exp3A_124 : vector<16xf32> to vector<16xf32>
      tpu.vector_store %arg20[%swap3A_125], %swap3A_128 {strides = array<i32>} : memref<128xf32, #tpu.memory_space<vmem>>, vector<16xf32>,
      %swap3A_129 = arith.constant 32 : index
      %swap3A_130 = tpu.vector_load %arg21[%swap3A_129] {strides = array<i32>} : memref<144xf32, #tpu.memory_space<vmem>>, vector<16xf32>,
      %swap3A_131 = vector.shape_cast %swap3A_130 : vector<16xf32> to vector<16xf32>
      %swap3A_132 = vector.shape_cast %exp3A_124 : vector<16xf32> to vector<16xf32>
      tpu.vector_store %arg21[%swap3A_129], %swap3A_132 {strides = array<i32>} : memref<144xf32, #tpu.memory_space<vmem>>, vector<16xf32>,
      %get3A_133 = arith.constant 48 : index
      %get3A_134 = tpu.vector_load %arg18[%get3A_133] {strides = array<i32>} : memref<128xf32, #tpu.memory_space<vmem>>, vector<16xf32>,
      %get3A_135 = vector.shape_cast %get3A_134 : vector<16xf32> to vector<16xf32>
      %get3A_136 = arith.constant 48 : index
      %get3A_137 = tpu.vector_load %arg19[%get3A_136] {strides = array<i32>} : memref<128xf32, #tpu.memory_space<vmem>>, vector<16xf32>,
      %get3A_138 = vector.shape_cast %get3A_137 : vector<16xf32> to vector<16xf32>
      %add3A_139 = arith.addf %get3A_135, %get3A_138 : vector<16xf32>
      %gt3A_140 = arith.constant 0.000000e+00 : f32
      %gt3A_141 = vector.broadcast %gt3A_140 : f32 to vector<16xf32>
      %gt3A_142 = arith.cmpf ogt, %add3A_139, %gt3A_141 : vector<16xf32>
      %mul3A_143 = arith.constant 2.000000e-01 : f32
      %mul3A_144 = vector.broadcast %mul3A_143 : f32 to vector<16xf32>
      %mul3A_145 = arith.mulf %mul3A_144, %add3A_139 : vector<16xf32>
      %select_n3A_146 = arith.select %gt3A_142, %add3A_139, %mul3A_145 : vector<16xi1>, vector<16xf32>
      %exp3A_147 = math.exp %select_n3A_146 : vector<16xf32>
      %swap3A_148 = arith.constant 48 : index
      %swap3A_149 = tpu.vector_load %arg20[%swap3A_148] {strides = array<i32>} : memref<128xf32, #tpu.memory_space<vmem>>, vector<16xf32>,
      %swap3A_150 = vector.shape_cast %swap3A_149 : vector<16xf32> to vector<16xf32>
      %swap3A_151 = vector.shape_cast %exp3A_147 : vector<16xf32> to vector<16xf32>
      tpu.vector_store %arg20[%swap3A_148], %swap3A_151 {strides = array<i32>} : memref<128xf32, #tpu.memory_space<vmem>>, vector<16xf32>,
      %swap3A_152 = arith.constant 48 : index
      %swap3A_153 = tpu.vector_load %arg21[%swap3A_152] {strides = array<i32>} : memref<144xf32, #tpu.memory_space<vmem>>, vector<16xf32>,
      %swap3A_154 = vector.shape_cast %swap3A_153 : vector<16xf32> to vector<16xf32>
      %swap3A_155 = vector.shape_cast %exp3A_147 : vector<16xf32> to vector<16xf32>
      tpu.vector_store %arg21[%swap3A_152], %swap3A_155 {strides = array<i32>} : memref<144xf32, #tpu.memory_space<vmem>>, vector<16xf32>,
      %get3A_156 = arith.constant 64 : index
      %get3A_157 = tpu.vector_load %arg18[%get3A_156] {strides = array<i32>} : memref<128xf32, #tpu.memory_space<vmem>>, vector<16xf32>,
      %get3A_158 = vector.shape_cast %get3A_157 : vector<16xf32> to vector<16xf32>
      %get3A_159 = arith.constant 64 : index
      %get3A_160 = tpu.vector_load %arg19[%get3A_159] {strides = array<i32>} : memref<128xf32, #tpu.memory_space<vmem>>, vector<16xf32>,
      %get3A_161 = vector.shape_cast %get3A_160 : vector<16xf32> to vector<16xf32>
      %add3A_162 = arith.addf %get3A_158, %get3A_161 : vector<16xf32>
      %gt3A_163 = arith.constant 0.000000e+00 : f32
      %gt3A_164 = vector.broadcast %gt3A_163 : f32 to vector<16xf32>
      %gt3A_165 = arith.cmpf ogt, %add3A_162, %gt3A_164 : vector<16xf32>
      %mul3A_166 = arith.constant 2.000000e-01 : f32
      %mul3A_167 = vector.broadcast %mul3A_166 : f32 to vector<16xf32>
      %mul3A_168 = arith.mulf %mul3A_167, %add3A_162 : vector<16xf32>
      %select_n3A_169 = arith.select %gt3A_165, %add3A_162, %mul3A_168 : vector<16xi1>, vector<16xf32>
      %exp3A_170 = math.exp %select_n3A_169 : vector<16xf32>
      %swap3A_171 = arith.constant 64 : index
      %swap3A_172 = tpu.vector_load %arg20[%swap3A_171] {strides = array<i32>} : memref<128xf32, #tpu.memory_space<vmem>>, vector<16xf32>,
      %swap3A_173 = vector.shape_cast %swap3A_172 : vector<16xf32> to vector<16xf32>
      %swap3A_174 = vector.shape_cast %exp3A_170 : vector<16xf32> to vector<16xf32>
      tpu.vector_store %arg20[%swap3A_171], %swap3A_174 {strides = array<i32>} : memref<128xf32, #tpu.memory_space<vmem>>, vector<16xf32>,
      %swap3A_175 = arith.constant 64 : index
      %swap3A_176 = tpu.vector_load %arg21[%swap3A_175] {strides = array<i32>} : memref<144xf32, #tpu.memory_space<vmem>>, vector<16xf32>,
      %swap3A_177 = vector.shape_cast %swap3A_176 : vector<16xf32> to vector<16xf32>
      %swap3A_178 = vector.shape_cast %exp3A_170 : vector<16xf32> to vector<16xf32>
      tpu.vector_store %arg21[%swap3A_175], %swap3A_178 {strides = array<i32>} : memref<144xf32, #tpu.memory_space<vmem>>, vector<16xf32>,
      %get3A_179 = arith.constant 80 : index
      %get3A_180 = tpu.vector_load %arg18[%get3A_179] {strides = array<i32>} : memref<128xf32, #tpu.memory_space<vmem>>, vector<16xf32>,
      %get3A_181 = vector.shape_cast %get3A_180 : vector<16xf32> to vector<16xf32>
      %get3A_182 = arith.constant 80 : index
      %get3A_183 = tpu.vector_load %arg19[%get3A_182] {strides = array<i32>} : memref<128xf32, #tpu.memory_space<vmem>>, vector<16xf32>,
      %get3A_184 = vector.shape_cast %get3A_183 : vector<16xf32> to vector<16xf32>
      %add3A_185 = arith.addf %get3A_181, %get3A_184 : vector<16xf32>
      %gt3A_186 = arith.constant 0.000000e+00 : f32
      %gt3A_187 = vector.broadcast %gt3A_186 : f32 to vector<16xf32>
      %gt3A_188 = arith.cmpf ogt, %add3A_185, %gt3A_187 : vector<16xf32>
      %mul3A_189 = arith.constant 2.000000e-01 : f32
      %mul3A_190 = vector.broadcast %mul3A_189 : f32 to vector<16xf32>
      %mul3A_191 = arith.mulf %mul3A_190, %add3A_185 : vector<16xf32>
      %select_n3A_192 = arith.select %gt3A_188, %add3A_185, %mul3A_191 : vector<16xi1>, vector<16xf32>
      %exp3A_193 = math.exp %select_n3A_192 : vector<16xf32>
      %swap3A_194 = arith.constant 80 : index
      %swap3A_195 = tpu.vector_load %arg20[%swap3A_194] {strides = array<i32>} : memref<128xf32, #tpu.memory_space<vmem>>, vector<16xf32>,
      %swap3A_196 = vector.shape_cast %swap3A_195 : vector<16xf32> to vector<16xf32>
      %swap3A_197 = vector.shape_cast %exp3A_193 : vector<16xf32> to vector<16xf32>
      tpu.vector_store %arg20[%swap3A_194], %swap3A_197 {strides = array<i32>} : memref<128xf32, #tpu.memory_space<vmem>>, vector<16xf32>,
      %swap3A_198 = arith.constant 80 : index
      %swap3A_199 = tpu.vector_load %arg21[%swap3A_198] {strides = array<i32>} : memref<144xf32, #tpu.memory_space<vmem>>, vector<16xf32>,
      %swap3A_200 = vector.shape_cast %swap3A_199 : vector<16xf32> to vector<16xf32>
      %swap3A_201 = vector.shape_cast %exp3A_193 : vector<16xf32> to vector<16xf32>
      tpu.vector_store %arg21[%swap3A_198], %swap3A_201 {strides = array<i32>} : memref<144xf32, #tpu.memory_space<vmem>>, vector<16xf32>,
      %get3A_202 = arith.constant 96 : index
      %get3A_203 = tpu.vector_load %arg18[%get3A_202] {strides = array<i32>} : memref<128xf32, #tpu.memory_space<vmem>>, vector<16xf32>,
      %get3A_204 = vector.shape_cast %get3A_203 : vector<16xf32> to vector<16xf32>
      %get3A_205 = arith.constant 96 : index
      %get3A_206 = tpu.vector_load %arg19[%get3A_205] {strides = array<i32>} : memref<128xf32, #tpu.memory_space<vmem>>, vector<16xf32>,
      %get3A_207 = vector.shape_cast %get3A_206 : vector<16xf32> to vector<16xf32>
      %add3A_208 = arith.addf %get3A_204, %get3A_207 : vector<16xf32>
      %gt3A_209 = arith.constant 0.000000e+00 : f32
      %gt3A_210 = vector.broadcast %gt3A_209 : f32 to vector<16xf32>
      %gt3A_211 = arith.cmpf ogt, %add3A_208, %gt3A_210 : vector<16xf32>
      %mul3A_212 = arith.constant 2.000000e-01 : f32
      %mul3A_213 = vector.broadcast %mul3A_212 : f32 to vector<16xf32>
      %mul3A_214 = arith.mulf %mul3A_213, %add3A_208 : vector<16xf32>
      %select_n3A_215 = arith.select %gt3A_211, %add3A_208, %mul3A_214 : vector<16xi1>, vector<16xf32>
      %exp3A_216 = math.exp %select_n3A_215 : vector<16xf32>
      %swap3A_217 = arith.constant 96 : index
      %swap3A_218 = tpu.vector_load %arg20[%swap3A_217] {strides = array<i32>} : memref<128xf32, #tpu.memory_space<vmem>>, vector<16xf32>,
      %swap3A_219 = vector.shape_cast %swap3A_218 : vector<16xf32> to vector<16xf32>
      %swap3A_220 = vector.shape_cast %exp3A_216 : vector<16xf32> to vector<16xf32>
      tpu.vector_store %arg20[%swap3A_217], %swap3A_220 {strides = array<i32>} : memref<128xf32, #tpu.memory_space<vmem>>, vector<16xf32>,
      %swap3A_221 = arith.constant 96 : index
      %swap3A_222 = tpu.vector_load %arg21[%swap3A_221] {strides = array<i32>} : memref<144xf32, #tpu.memory_space<vmem>>, vector<16xf32>,
      %swap3A_223 = vector.shape_cast %swap3A_222 : vector<16xf32> to vector<16xf32>
      %swap3A_224 = vector.shape_cast %exp3A_216 : vector<16xf32> to vector<16xf32>
      tpu.vector_store %arg21[%swap3A_221], %swap3A_224 {strides = array<i32>} : memref<144xf32, #tpu.memory_space<vmem>>, vector<16xf32>,
      %get3A_225 = arith.constant 112 : index
      %get3A_226 = tpu.vector_load %arg18[%get3A_225] {strides = array<i32>} : memref<128xf32, #tpu.memory_space<vmem>>, vector<16xf32>,
      %get3A_227 = vector.shape_cast %get3A_226 : vector<16xf32> to vector<16xf32>
      %get3A_228 = arith.constant 112 : index
      %get3A_229 = tpu.vector_load %arg19[%get3A_228] {strides = array<i32>} : memref<128xf32, #tpu.memory_space<vmem>>, vector<16xf32>,
      %get3A_230 = vector.shape_cast %get3A_229 : vector<16xf32> to vector<16xf32>
      %add3A_231 = arith.addf %get3A_227, %get3A_230 : vector<16xf32>
      %gt3A_232 = arith.constant 0.000000e+00 : f32
      %gt3A_233 = vector.broadcast %gt3A_232 : f32 to vector<16xf32>
      %gt3A_234 = arith.cmpf ogt, %add3A_231, %gt3A_233 : vector<16xf32>
      %mul3A_235 = arith.constant 2.000000e-01 : f32
      %mul3A_236 = vector.broadcast %mul3A_235 : f32 to vector<16xf32>
      %mul3A_237 = arith.mulf %mul3A_236, %add3A_231 : vector<16xf32>
      %select_n3A_238 = arith.select %gt3A_234, %add3A_231, %mul3A_237 : vector<16xi1>, vector<16xf32>
      %exp3A_239 = math.exp %select_n3A_238 : vector<16xf32>
      %swap3A_240 = arith.constant 112 : index
      %swap3A_241 = tpu.vector_load %arg20[%swap3A_240] {strides = array<i32>} : memref<128xf32, #tpu.memory_space<vmem>>, vector<16xf32>,
      %swap3A_242 = vector.shape_cast %swap3A_241 : vector<16xf32> to vector<16xf32>
      %swap3A_243 = vector.shape_cast %exp3A_239 : vector<16xf32> to vector<16xf32>
      tpu.vector_store %arg20[%swap3A_240], %swap3A_243 {strides = array<i32>} : memref<128xf32, #tpu.memory_space<vmem>>, vector<16xf32>,
      %swap3A_244 = arith.constant 112 : index
      %swap3A_245 = tpu.vector_load %arg21[%swap3A_244] {strides = array<i32>} : memref<144xf32, #tpu.memory_space<vmem>>, vector<16xf32>,
      %swap3A_246 = vector.shape_cast %swap3A_245 : vector<16xf32> to vector<16xf32>
      %swap3A_247 = vector.shape_cast %exp3A_239 : vector<16xf32> to vector<16xf32>
      tpu.vector_store %arg21[%swap3A_244], %swap3A_247 {strides = array<i32>} : memref<144xf32, #tpu.memory_space<vmem>>, vector<16xf32>,
      %dma_wait3A_248 = arith.constant 0 : i32
      %dma_wait3A_249 = arith.constant 0 : i32
      %dma_wait3A_250 = tpu.memref_slice %arg4[%dma_wait3A_248, %dma_wait3A_249] : memref<10240x128xf32, #tpu.memory_space<hbm>> -> memref<10240x128xf32, #tpu.memory_space<hbm>>
      tpu.wait_indirect_dma semaphore(%arg30 : memref<!tpu.dma_semaphore, #tpu.memory_space<semaphore_mem>>) src(%dma_wait3A_250 : memref<10240x128xf32, #tpu.memory_space<hbm>>) dst(%arg22 : memref<128x128xf32, #tpu.memory_space<vmem>>)
      %scan3A_251 = arith.constant 0 : i32
      %scan3A_252 = arith.constant 0 : i32
      %scan3A_253 = arith.constant 32 : i32
      %scan3A_254 = arith.addi %scan3A_252, %scan3A_253 : i32
      %scan3A_255 = arith.constant 1 : i32
      %scan3A_256 = scf.for %scan3A_481 = %scan3A_252 to %scan3A_254 step %scan3A_255 iter_args(%scan3A_482 = %scan3A_251) -> (i32)  : i32 {
        %mul3A_483 = arith.constant 4 : i32
        %mul3A_484 = arith.muli %scan3A_481, %mul3A_483 : i32
        %add3A_485 = arith.constant 0 : i32
        %add3A_486 = arith.addi %mul3A_484, %add3A_485 : i32
        %get3A_487 = arith.index_cast %add3A_486 : i32 to index
        %get3A_488 = tpu.vector_load %arg21[%get3A_487] {strides = array<i32>} : memref<144xf32, #tpu.memory_space<vmem>>, vector<16xf32>,
        %get3A_489 = vector.shape_cast %get3A_488 : vector<16xf32> to vector<16xf32>
        %slice3A = vector.extract_strided_slice %get3A_489 {offsets = [0], sizes = [1], strides = [1]} : vector<16xf32> to vector<1xf32>
        %squeeze3A = vector.extract %slice3A[0] : f32 from vector<1xf32>
        %get3A_490 = arith.index_cast %add3A_486 : i32 to index
        %get3A_491 = arith.constant 0 : index
        %get3A_492 = tpu.vector_load %arg22[%get3A_490, %get3A_491] {strides = array<i32>} : memref<128x128xf32, #tpu.memory_space<vmem>>, vector<1x16xf32>,
        %get3A_493 = vector.shape_cast %get3A_492 : vector<1x16xf32> to vector<16xf32>
        %mul3A_494 = vector.broadcast %squeeze3A : f32 to vector<16xf32>
        %mul3A_495 = arith.mulf %get3A_493, %mul3A_494 : vector<16xf32>
        %swap3A_496 = arith.index_cast %add3A_486 : i32 to index
        %swap3A_497 = arith.constant 0 : index
        %swap3A_498 = tpu.vector_load %arg22[%swap3A_496, %swap3A_497] {strides = array<i32>} : memref<128x128xf32, #tpu.memory_space<vmem>>, vector<1x16xf32>,
        %swap3A_499 = vector.shape_cast %swap3A_498 : vector<1x16xf32> to vector<16xf32>
        %swap3A_500 = vector.shape_cast %mul3A_495 : vector<16xf32> to vector<1x16xf32>
        tpu.vector_store %arg22[%swap3A_496, %swap3A_497], %swap3A_500 {strides = array<i32>} : memref<128x128xf32, #tpu.memory_space<vmem>>, vector<1x16xf32>,
        %get3A_501 = arith.index_cast %add3A_486 : i32 to index
        %get3A_502 = arith.constant 16 : index
        %get3A_503 = tpu.vector_load %arg22[%get3A_501, %get3A_502] {strides = array<i32>} : memref<128x128xf32, #tpu.memory_space<vmem>>, vector<1x16xf32>,
        %get3A_504 = vector.shape_cast %get3A_503 : vector<1x16xf32> to vector<16xf32>
        %mul3A_505 = vector.broadcast %squeeze3A : f32 to vector<16xf32>
        %mul3A_506 = arith.mulf %get3A_504, %mul3A_505 : vector<16xf32>
        %swap3A_507 = arith.index_cast %add3A_486 : i32 to index
        %swap3A_508 = arith.constant 16 : index
        %swap3A_509 = tpu.vector_load %arg22[%swap3A_507, %swap3A_508] {strides = array<i32>} : memref<128x128xf32, #tpu.memory_space<vmem>>, vector<1x16xf32>,
        %swap3A_510 = vector.shape_cast %swap3A_509 : vector<1x16xf32> to vector<16xf32>
        %swap3A_511 = vector.shape_cast %mul3A_506 : vector<16xf32> to vector<1x16xf32>
        tpu.vector_store %arg22[%swap3A_507, %swap3A_508], %swap3A_511 {strides = array<i32>} : memref<128x128xf32, #tpu.memory_space<vmem>>, vector<1x16xf32>,
        %get3A_512 = arith.index_cast %add3A_486 : i32 to index
        %get3A_513 = arith.constant 32 : index
        %get3A_514 = tpu.vector_load %arg22[%get3A_512, %get3A_513] {strides = array<i32>} : memref<128x128xf32, #tpu.memory_space<vmem>>, vector<1x16xf32>,
        %get3A_515 = vector.shape_cast %get3A_514 : vector<1x16xf32> to vector<16xf32>
        %mul3A_516 = vector.broadcast %squeeze3A : f32 to vector<16xf32>
        %mul3A_517 = arith.mulf %get3A_515, %mul3A_516 : vector<16xf32>
        %swap3A_518 = arith.index_cast %add3A_486 : i32 to index
        %swap3A_519 = arith.constant 32 : index
        %swap3A_520 = tpu.vector_load %arg22[%swap3A_518, %swap3A_519] {strides = array<i32>} : memref<128x128xf32, #tpu.memory_space<vmem>>, vector<1x16xf32>,
        %swap3A_521 = vector.shape_cast %swap3A_520 : vector<1x16xf32> to vector<16xf32>
        %swap3A_522 = vector.shape_cast %mul3A_517 : vector<16xf32> to vector<1x16xf32>
        tpu.vector_store %arg22[%swap3A_518, %swap3A_519], %swap3A_522 {strides = array<i32>} : memref<128x128xf32, #tpu.memory_space<vmem>>, vector<1x16xf32>,
        %get3A_523 = arith.index_cast %add3A_486 : i32 to index
        %get3A_524 = arith.constant 48 : index
        %get3A_525 = tpu.vector_load %arg22[%get3A_523, %get3A_524] {strides = array<i32>} : memref<128x128xf32, #tpu.memory_space<vmem>>, vector<1x16xf32>,
        %get3A_526 = vector.shape_cast %get3A_525 : vector<1x16xf32> to vector<16xf32>
        %mul3A_527 = vector.broadcast %squeeze3A : f32 to vector<16xf32>
        %mul3A_528 = arith.mulf %get3A_526, %mul3A_527 : vector<16xf32>
        %swap3A_529 = arith.index_cast %add3A_486 : i32 to index
        %swap3A_530 = arith.constant 48 : index
        %swap3A_531 = tpu.vector_load %arg22[%swap3A_529, %swap3A_530] {strides = array<i32>} : memref<128x128xf32, #tpu.memory_space<vmem>>, vector<1x16xf32>,
        %swap3A_532 = vector.shape_cast %swap3A_531 : vector<1x16xf32> to vector<16xf32>
        %swap3A_533 = vector.shape_cast %mul3A_528 : vector<16xf32> to vector<1x16xf32>
        tpu.vector_store %arg22[%swap3A_529, %swap3A_530], %swap3A_533 {strides = array<i32>} : memref<128x128xf32, #tpu.memory_space<vmem>>, vector<1x16xf32>,
        %get3A_534 = arith.index_cast %add3A_486 : i32 to index
        %get3A_535 = arith.constant 64 : index
        %get3A_536 = tpu.vector_load %arg22[%get3A_534, %get3A_535] {strides = array<i32>} : memref<128x128xf32, #tpu.memory_space<vmem>>, vector<1x16xf32>,
        %get3A_537 = vector.shape_cast %get3A_536 : vector<1x16xf32> to vector<16xf32>
        %mul3A_538 = vector.broadcast %squeeze3A : f32 to vector<16xf32>
        %mul3A_539 = arith.mulf %get3A_537, %mul3A_538 : vector<16xf32>
        %swap3A_540 = arith.index_cast %add3A_486 : i32 to index
        %swap3A_541 = arith.constant 64 : index
        %swap3A_542 = tpu.vector_load %arg22[%swap3A_540, %swap3A_541] {strides = array<i32>} : memref<128x128xf32, #tpu.memory_space<vmem>>, vector<1x16xf32>,
        %swap3A_543 = vector.shape_cast %swap3A_542 : vector<1x16xf32> to vector<16xf32>
        %swap3A_544 = vector.shape_cast %mul3A_539 : vector<16xf32> to vector<1x16xf32>
        tpu.vector_store %arg22[%swap3A_540, %swap3A_541], %swap3A_544 {strides = array<i32>} : memref<128x128xf32, #tpu.memory_space<vmem>>, vector<1x16xf32>,
        %get3A_545 = arith.index_cast %add3A_486 : i32 to index
        %get3A_546 = arith.constant 80 : index
        %get3A_547 = tpu.vector_load %arg22[%get3A_545, %get3A_546] {strides = array<i32>} : memref<128x128xf32, #tpu.memory_space<vmem>>, vector<1x16xf32>,
        %get3A_548 = vector.shape_cast %get3A_547 : vector<1x16xf32> to vector<16xf32>
        %mul3A_549 = vector.broadcast %squeeze3A : f32 to vector<16xf32>
        %mul3A_550 = arith.mulf %get3A_548, %mul3A_549 : vector<16xf32>
        %swap3A_551 = arith.index_cast %add3A_486 : i32 to index
        %swap3A_552 = arith.constant 80 : index
        %swap3A_553 = tpu.vector_load %arg22[%swap3A_551, %swap3A_552] {strides = array<i32>} : memref<128x128xf32, #tpu.memory_space<vmem>>, vector<1x16xf32>,
        %swap3A_554 = vector.shape_cast %swap3A_553 : vector<1x16xf32> to vector<16xf32>
        %swap3A_555 = vector.shape_cast %mul3A_550 : vector<16xf32> to vector<1x16xf32>
        tpu.vector_store %arg22[%swap3A_551, %swap3A_552], %swap3A_555 {strides = array<i32>} : memref<128x128xf32, #tpu.memory_space<vmem>>, vector<1x16xf32>,
        %get3A_556 = arith.index_cast %add3A_486 : i32 to index
        %get3A_557 = arith.constant 96 : index
        %get3A_558 = tpu.vector_load %arg22[%get3A_556, %get3A_557] {strides = array<i32>} : memref<128x128xf32, #tpu.memory_space<vmem>>, vector<1x16xf32>,
        %get3A_559 = vector.shape_cast %get3A_558 : vector<1x16xf32> to vector<16xf32>
        %mul3A_560 = vector.broadcast %squeeze3A : f32 to vector<16xf32>
        %mul3A_561 = arith.mulf %get3A_559, %mul3A_560 : vector<16xf32>
        %swap3A_562 = arith.index_cast %add3A_486 : i32 to index
        %swap3A_563 = arith.constant 96 : index
        %swap3A_564 = tpu.vector_load %arg22[%swap3A_562, %swap3A_563] {strides = array<i32>} : memref<128x128xf32, #tpu.memory_space<vmem>>, vector<1x16xf32>,
        %swap3A_565 = vector.shape_cast %swap3A_564 : vector<1x16xf32> to vector<16xf32>
        %swap3A_566 = vector.shape_cast %mul3A_561 : vector<16xf32> to vector<1x16xf32>
        tpu.vector_store %arg22[%swap3A_562, %swap3A_563], %swap3A_566 {strides = array<i32>} : memref<128x128xf32, #tpu.memory_space<vmem>>, vector<1x16xf32>,
        %get3A_567 = arith.index_cast %add3A_486 : i32 to index
        %get3A_568 = arith.constant 112 : index
        %get3A_569 = tpu.vector_load %arg22[%get3A_567, %get3A_568] {strides = array<i32>} : memref<128x128xf32, #tpu.memory_space<vmem>>, vector<1x16xf32>,
        %get3A_570 = vector.shape_cast %get3A_569 : vector<1x16xf32> to vector<16xf32>
        %mul3A_571 = vector.broadcast %squeeze3A : f32 to vector<16xf32>
        %mul3A_572 = arith.mulf %get3A_570, %mul3A_571 : vector<16xf32>
        %swap3A_573 = arith.index_cast %add3A_486 : i32 to index
        %swap3A_574 = arith.constant 112 : index
        %swap3A_575 = tpu.vector_load %arg22[%swap3A_573, %swap3A_574] {strides = array<i32>} : memref<128x128xf32, #tpu.memory_space<vmem>>, vector<1x16xf32>,
        %swap3A_576 = vector.shape_cast %swap3A_575 : vector<1x16xf32> to vector<16xf32>
        %swap3A_577 = vector.shape_cast %mul3A_572 : vector<16xf32> to vector<1x16xf32>
        tpu.vector_store %arg22[%swap3A_573, %swap3A_574], %swap3A_577 {strides = array<i32>} : memref<128x128xf32, #tpu.memory_space<vmem>>, vector<1x16xf32>,
        %mul3A_578 = arith.constant 4 : i32
        %mul3A_579 = arith.muli %scan3A_481, %mul3A_578 : i32
        %add3A_580 = arith.constant 1 : i32
        %add3A_581 = arith.addi %mul3A_579, %add3A_580 : i32
        %get3A_582 = arith.index_cast %add3A_581 : i32 to index
        %get3A_583 = tpu.vector_load %arg21[%get3A_582] {strides = array<i32>} : memref<144xf32, #tpu.memory_space<vmem>>, vector<16xf32>,
        %get3A_584 = vector.shape_cast %get3A_583 : vector<16xf32> to vector<16xf32>
        %slice3A_585 = vector.extract_strided_slice %get3A_584 {offsets = [0], sizes = [1], strides = [1]} : vector<16xf32> to vector<1xf32>
        %squeeze3A_586 = vector.extract %slice3A_585[0] : f32 from vector<1xf32>
        %get3A_587 = arith.index_cast %add3A_581 : i32 to index
        %get3A_588 = arith.constant 0 : index
        %get3A_589 = tpu.vector_load %arg22[%get3A_587, %get3A_588] {strides = array<i32>} : memref<128x128xf32, #tpu.memory_space<vmem>>, vector<1x16xf32>,
        %get3A_590 = vector.shape_cast %get3A_589 : vector<1x16xf32> to vector<16xf32>
        %mul3A_591 = vector.broadcast %squeeze3A_586 : f32 to vector<16xf32>
        %mul3A_592 = arith.mulf %get3A_590, %mul3A_591 : vector<16xf32>
        %swap3A_593 = arith.index_cast %add3A_581 : i32 to index
        %swap3A_594 = arith.constant 0 : index
        %swap3A_595 = tpu.vector_load %arg22[%swap3A_593, %swap3A_594] {strides = array<i32>} : memref<128x128xf32, #tpu.memory_space<vmem>>, vector<1x16xf32>,
        %swap3A_596 = vector.shape_cast %swap3A_595 : vector<1x16xf32> to vector<16xf32>
        %swap3A_597 = vector.shape_cast %mul3A_592 : vector<16xf32> to vector<1x16xf32>
        tpu.vector_store %arg22[%swap3A_593, %swap3A_594], %swap3A_597 {strides = array<i32>} : memref<128x128xf32, #tpu.memory_space<vmem>>, vector<1x16xf32>,
        %get3A_598 = arith.index_cast %add3A_581 : i32 to index
        %get3A_599 = arith.constant 16 : index
        %get3A_600 = tpu.vector_load %arg22[%get3A_598, %get3A_599] {strides = array<i32>} : memref<128x128xf32, #tpu.memory_space<vmem>>, vector<1x16xf32>,
        %get3A_601 = vector.shape_cast %get3A_600 : vector<1x16xf32> to vector<16xf32>
        %mul3A_602 = vector.broadcast %squeeze3A_586 : f32 to vector<16xf32>
        %mul3A_603 = arith.mulf %get3A_601, %mul3A_602 : vector<16xf32>
        %swap3A_604 = arith.index_cast %add3A_581 : i32 to index
        %swap3A_605 = arith.constant 16 : index
        %swap3A_606 = tpu.vector_load %arg22[%swap3A_604, %swap3A_605] {strides = array<i32>} : memref<128x128xf32, #tpu.memory_space<vmem>>, vector<1x16xf32>,
        %swap3A_607 = vector.shape_cast %swap3A_606 : vector<1x16xf32> to vector<16xf32>
        %swap3A_608 = vector.shape_cast %mul3A_603 : vector<16xf32> to vector<1x16xf32>
        tpu.vector_store %arg22[%swap3A_604, %swap3A_605], %swap3A_608 {strides = array<i32>} : memref<128x128xf32, #tpu.memory_space<vmem>>, vector<1x16xf32>,
        %get3A_609 = arith.index_cast %add3A_581 : i32 to index
        %get3A_610 = arith.constant 32 : index
        %get3A_611 = tpu.vector_load %arg22[%get3A_609, %get3A_610] {strides = array<i32>} : memref<128x128xf32, #tpu.memory_space<vmem>>, vector<1x16xf32>,
        %get3A_612 = vector.shape_cast %get3A_611 : vector<1x16xf32> to vector<16xf32>
        %mul3A_613 = vector.broadcast %squeeze3A_586 : f32 to vector<16xf32>
        %mul3A_614 = arith.mulf %get3A_612, %mul3A_613 : vector<16xf32>
        %swap3A_615 = arith.index_cast %add3A_581 : i32 to index
        %swap3A_616 = arith.constant 32 : index
        %swap3A_617 = tpu.vector_load %arg22[%swap3A_615, %swap3A_616] {strides = array<i32>} : memref<128x128xf32, #tpu.memory_space<vmem>>, vector<1x16xf32>,
        %swap3A_618 = vector.shape_cast %swap3A_617 : vector<1x16xf32> to vector<16xf32>
        %swap3A_619 = vector.shape_cast %mul3A_614 : vector<16xf32> to vector<1x16xf32>
        tpu.vector_store %arg22[%swap3A_615, %swap3A_616], %swap3A_619 {strides = array<i32>} : memref<128x128xf32, #tpu.memory_space<vmem>>, vector<1x16xf32>,
        %get3A_620 = arith.index_cast %add3A_581 : i32 to index
        %get3A_621 = arith.constant 48 : index
        %get3A_622 = tpu.vector_load %arg22[%get3A_620, %get3A_621] {strides = array<i32>} : memref<128x128xf32, #tpu.memory_space<vmem>>, vector<1x16xf32>,
        %get3A_623 = vector.shape_cast %get3A_622 : vector<1x16xf32> to vector<16xf32>
        %mul3A_624 = vector.broadcast %squeeze3A_586 : f32 to vector<16xf32>
        %mul3A_625 = arith.mulf %get3A_623, %mul3A_624 : vector<16xf32>
        %swap3A_626 = arith.index_cast %add3A_581 : i32 to index
        %swap3A_627 = arith.constant 48 : index
        %swap3A_628 = tpu.vector_load %arg22[%swap3A_626, %swap3A_627] {strides = array<i32>} : memref<128x128xf32, #tpu.memory_space<vmem>>, vector<1x16xf32>,
        %swap3A_629 = vector.shape_cast %swap3A_628 : vector<1x16xf32> to vector<16xf32>
        %swap3A_630 = vector.shape_cast %mul3A_625 : vector<16xf32> to vector<1x16xf32>
        tpu.vector_store %arg22[%swap3A_626, %swap3A_627], %swap3A_630 {strides = array<i32>} : memref<128x128xf32, #tpu.memory_space<vmem>>, vector<1x16xf32>,
        %get3A_631 = arith.index_cast %add3A_581 : i32 to index
        %get3A_632 = arith.constant 64 : index
        %get3A_633 = tpu.vector_load %arg22[%get3A_631, %get3A_632] {strides = array<i32>} : memref<128x128xf32, #tpu.memory_space<vmem>>, vector<1x16xf32>,
        %get3A_634 = vector.shape_cast %get3A_633 : vector<1x16xf32> to vector<16xf32>
        %mul3A_635 = vector.broadcast %squeeze3A_586 : f32 to vector<16xf32>
        %mul3A_636 = arith.mulf %get3A_634, %mul3A_635 : vector<16xf32>
        %swap3A_637 = arith.index_cast %add3A_581 : i32 to index
        %swap3A_638 = arith.constant 64 : index
        %swap3A_639 = tpu.vector_load %arg22[%swap3A_637, %swap3A_638] {strides = array<i32>} : memref<128x128xf32, #tpu.memory_space<vmem>>, vector<1x16xf32>,
        %swap3A_640 = vector.shape_cast %swap3A_639 : vector<1x16xf32> to vector<16xf32>
        %swap3A_641 = vector.shape_cast %mul3A_636 : vector<16xf32> to vector<1x16xf32>
        tpu.vector_store %arg22[%swap3A_637, %swap3A_638], %swap3A_641 {strides = array<i32>} : memref<128x128xf32, #tpu.memory_space<vmem>>, vector<1x16xf32>,
        %get3A_642 = arith.index_cast %add3A_581 : i32 to index
        %get3A_643 = arith.constant 80 : index
        %get3A_644 = tpu.vector_load %arg22[%get3A_642, %get3A_643] {strides = array<i32>} : memref<128x128xf32, #tpu.memory_space<vmem>>, vector<1x16xf32>,
        %get3A_645 = vector.shape_cast %get3A_644 : vector<1x16xf32> to vector<16xf32>
        %mul3A_646 = vector.broadcast %squeeze3A_586 : f32 to vector<16xf32>
        %mul3A_647 = arith.mulf %get3A_645, %mul3A_646 : vector<16xf32>
        %swap3A_648 = arith.index_cast %add3A_581 : i32 to index
        %swap3A_649 = arith.constant 80 : index
        %swap3A_650 = tpu.vector_load %arg22[%swap3A_648, %swap3A_649] {strides = array<i32>} : memref<128x128xf32, #tpu.memory_space<vmem>>, vector<1x16xf32>,
        %swap3A_651 = vector.shape_cast %swap3A_650 : vector<1x16xf32> to vector<16xf32>
        %swap3A_652 = vector.shape_cast %mul3A_647 : vector<16xf32> to vector<1x16xf32>
        tpu.vector_store %arg22[%swap3A_648, %swap3A_649], %swap3A_652 {strides = array<i32>} : memref<128x128xf32, #tpu.memory_space<vmem>>, vector<1x16xf32>,
        %get3A_653 = arith.index_cast %add3A_581 : i32 to index
        %get3A_654 = arith.constant 96 : index
        %get3A_655 = tpu.vector_load %arg22[%get3A_653, %get3A_654] {strides = array<i32>} : memref<128x128xf32, #tpu.memory_space<vmem>>, vector<1x16xf32>,
        %get3A_656 = vector.shape_cast %get3A_655 : vector<1x16xf32> to vector<16xf32>
        %mul3A_657 = vector.broadcast %squeeze3A_586 : f32 to vector<16xf32>
        %mul3A_658 = arith.mulf %get3A_656, %mul3A_657 : vector<16xf32>
        %swap3A_659 = arith.index_cast %add3A_581 : i32 to index
        %swap3A_660 = arith.constant 96 : index
        %swap3A_661 = tpu.vector_load %arg22[%swap3A_659, %swap3A_660] {strides = array<i32>} : memref<128x128xf32, #tpu.memory_space<vmem>>, vector<1x16xf32>,
        %swap3A_662 = vector.shape_cast %swap3A_661 : vector<1x16xf32> to vector<16xf32>
        %swap3A_663 = vector.shape_cast %mul3A_658 : vector<16xf32> to vector<1x16xf32>
        tpu.vector_store %arg22[%swap3A_659, %swap3A_660], %swap3A_663 {strides = array<i32>} : memref<128x128xf32, #tpu.memory_space<vmem>>, vector<1x16xf32>,
        %get3A_664 = arith.index_cast %add3A_581 : i32 to index
        %get3A_665 = arith.constant 112 : index
        %get3A_666 = tpu.vector_load %arg22[%get3A_664, %get3A_665] {strides = array<i32>} : memref<128x128xf32, #tpu.memory_space<vmem>>, vector<1x16xf32>,
        %get3A_667 = vector.shape_cast %get3A_666 : vector<1x16xf32> to vector<16xf32>
        %mul3A_668 = vector.broadcast %squeeze3A_586 : f32 to vector<16xf32>
        %mul3A_669 = arith.mulf %get3A_667, %mul3A_668 : vector<16xf32>
        %swap3A_670 = arith.index_cast %add3A_581 : i32 to index
        %swap3A_671 = arith.constant 112 : index
        %swap3A_672 = tpu.vector_load %arg22[%swap3A_670, %swap3A_671] {strides = array<i32>} : memref<128x128xf32, #tpu.memory_space<vmem>>, vector<1x16xf32>,
        %swap3A_673 = vector.shape_cast %swap3A_672 : vector<1x16xf32> to vector<16xf32>
        %swap3A_674 = vector.shape_cast %mul3A_669 : vector<16xf32> to vector<1x16xf32>
        tpu.vector_store %arg22[%swap3A_670, %swap3A_671], %swap3A_674 {strides = array<i32>} : memref<128x128xf32, #tpu.memory_space<vmem>>, vector<1x16xf32>,
        %mul3A_675 = arith.constant 4 : i32
        %mul3A_676 = arith.muli %scan3A_481, %mul3A_675 : i32
        %add3A_677 = arith.constant 2 : i32
        %add3A_678 = arith.addi %mul3A_676, %add3A_677 : i32
        %get3A_679 = arith.index_cast %add3A_678 : i32 to index
        %get3A_680 = tpu.vector_load %arg21[%get3A_679] {strides = array<i32>} : memref<144xf32, #tpu.memory_space<vmem>>, vector<16xf32>,
        %get3A_681 = vector.shape_cast %get3A_680 : vector<16xf32> to vector<16xf32>
        %slice3A_682 = vector.extract_strided_slice %get3A_681 {offsets = [0], sizes = [1], strides = [1]} : vector<16xf32> to vector<1xf32>
        %squeeze3A_683 = vector.extract %slice3A_682[0] : f32 from vector<1xf32>
        %get3A_684 = arith.index_cast %add3A_678 : i32 to index
        %get3A_685 = arith.constant 0 : index
        %get3A_686 = tpu.vector_load %arg22[%get3A_684, %get3A_685] {strides = array<i32>} : memref<128x128xf32, #tpu.memory_space<vmem>>, vector<1x16xf32>,
        %get3A_687 = vector.shape_cast %get3A_686 : vector<1x16xf32> to vector<16xf32>
        %mul3A_688 = vector.broadcast %squeeze3A_683 : f32 to vector<16xf32>
        %mul3A_689 = arith.mulf %get3A_687, %mul3A_688 : vector<16xf32>
        %swap3A_690 = arith.index_cast %add3A_678 : i32 to index
        %swap3A_691 = arith.constant 0 : index
        %swap3A_692 = tpu.vector_load %arg22[%swap3A_690, %swap3A_691] {strides = array<i32>} : memref<128x128xf32, #tpu.memory_space<vmem>>, vector<1x16xf32>,
        %swap3A_693 = vector.shape_cast %swap3A_692 : vector<1x16xf32> to vector<16xf32>
        %swap3A_694 = vector.shape_cast %mul3A_689 : vector<16xf32> to vector<1x16xf32>
        tpu.vector_store %arg22[%swap3A_690, %swap3A_691], %swap3A_694 {strides = array<i32>} : memref<128x128xf32, #tpu.memory_space<vmem>>, vector<1x16xf32>,
        %get3A_695 = arith.index_cast %add3A_678 : i32 to index
        %get3A_696 = arith.constant 16 : index
        %get3A_697 = tpu.vector_load %arg22[%get3A_695, %get3A_696] {strides = array<i32>} : memref<128x128xf32, #tpu.memory_space<vmem>>, vector<1x16xf32>,
        %get3A_698 = vector.shape_cast %get3A_697 : vector<1x16xf32> to vector<16xf32>
        %mul3A_699 = vector.broadcast %squeeze3A_683 : f32 to vector<16xf32>
        %mul3A_700 = arith.mulf %get3A_698, %mul3A_699 : vector<16xf32>
        %swap3A_701 = arith.index_cast %add3A_678 : i32 to index
        %swap3A_702 = arith.constant 16 : index
        %swap3A_703 = tpu.vector_load %arg22[%swap3A_701, %swap3A_702] {strides = array<i32>} : memref<128x128xf32, #tpu.memory_space<vmem>>, vector<1x16xf32>,
        %swap3A_704 = vector.shape_cast %swap3A_703 : vector<1x16xf32> to vector<16xf32>
        %swap3A_705 = vector.shape_cast %mul3A_700 : vector<16xf32> to vector<1x16xf32>
        tpu.vector_store %arg22[%swap3A_701, %swap3A_702], %swap3A_705 {strides = array<i32>} : memref<128x128xf32, #tpu.memory_space<vmem>>, vector<1x16xf32>,
        %get3A_706 = arith.index_cast %add3A_678 : i32 to index
        %get3A_707 = arith.constant 32 : index
        %get3A_708 = tpu.vector_load %arg22[%get3A_706, %get3A_707] {strides = array<i32>} : memref<128x128xf32, #tpu.memory_space<vmem>>, vector<1x16xf32>,
        %get3A_709 = vector.shape_cast %get3A_708 : vector<1x16xf32> to vector<16xf32>
        %mul3A_710 = vector.broadcast %squeeze3A_683 : f32 to vector<16xf32>
        %mul3A_711 = arith.mulf %get3A_709, %mul3A_710 : vector<16xf32>
        %swap3A_712 = arith.index_cast %add3A_678 : i32 to index
        %swap3A_713 = arith.constant 32 : index
        %swap3A_714 = tpu.vector_load %arg22[%swap3A_712, %swap3A_713] {strides = array<i32>} : memref<128x128xf32, #tpu.memory_space<vmem>>, vector<1x16xf32>,
        %swap3A_715 = vector.shape_cast %swap3A_714 : vector<1x16xf32> to vector<16xf32>
        %swap3A_716 = vector.shape_cast %mul3A_711 : vector<16xf32> to vector<1x16xf32>
        tpu.vector_store %arg22[%swap3A_712, %swap3A_713], %swap3A_716 {strides = array<i32>} : memref<128x128xf32, #tpu.memory_space<vmem>>, vector<1x16xf32>,
        %get3A_717 = arith.index_cast %add3A_678 : i32 to index
        %get3A_718 = arith.constant 48 : index
        %get3A_719 = tpu.vector_load %arg22[%get3A_717, %get3A_718] {strides = array<i32>} : memref<128x128xf32, #tpu.memory_space<vmem>>, vector<1x16xf32>,
        %get3A_720 = vector.shape_cast %get3A_719 : vector<1x16xf32> to vector<16xf32>
        %mul3A_721 = vector.broadcast %squeeze3A_683 : f32 to vector<16xf32>
        %mul3A_722 = arith.mulf %get3A_720, %mul3A_721 : vector<16xf32>
        %swap3A_723 = arith.index_cast %add3A_678 : i32 to index
        %swap3A_724 = arith.constant 48 : index
        %swap3A_725 = tpu.vector_load %arg22[%swap3A_723, %swap3A_724] {strides = array<i32>} : memref<128x128xf32, #tpu.memory_space<vmem>>, vector<1x16xf32>,
        %swap3A_726 = vector.shape_cast %swap3A_725 : vector<1x16xf32> to vector<16xf32>
        %swap3A_727 = vector.shape_cast %mul3A_722 : vector<16xf32> to vector<1x16xf32>
        tpu.vector_store %arg22[%swap3A_723, %swap3A_724], %swap3A_727 {strides = array<i32>} : memref<128x128xf32, #tpu.memory_space<vmem>>, vector<1x16xf32>,
        %get3A_728 = arith.index_cast %add3A_678 : i32 to index
        %get3A_729 = arith.constant 64 : index
        %get3A_730 = tpu.vector_load %arg22[%get3A_728, %get3A_729] {strides = array<i32>} : memref<128x128xf32, #tpu.memory_space<vmem>>, vector<1x16xf32>,
        %get3A_731 = vector.shape_cast %get3A_730 : vector<1x16xf32> to vector<16xf32>
        %mul3A_732 = vector.broadcast %squeeze3A_683 : f32 to vector<16xf32>
        %mul3A_733 = arith.mulf %get3A_731, %mul3A_732 : vector<16xf32>
        %swap3A_734 = arith.index_cast %add3A_678 : i32 to index
        %swap3A_735 = arith.constant 64 : index
        %swap3A_736 = tpu.vector_load %arg22[%swap3A_734, %swap3A_735] {strides = array<i32>} : memref<128x128xf32, #tpu.memory_space<vmem>>, vector<1x16xf32>,
        %swap3A_737 = vector.shape_cast %swap3A_736 : vector<1x16xf32> to vector<16xf32>
        %swap3A_738 = vector.shape_cast %mul3A_733 : vector<16xf32> to vector<1x16xf32>
        tpu.vector_store %arg22[%swap3A_734, %swap3A_735], %swap3A_738 {strides = array<i32>} : memref<128x128xf32, #tpu.memory_space<vmem>>, vector<1x16xf32>,
        %get3A_739 = arith.index_cast %add3A_678 : i32 to index
        %get3A_740 = arith.constant 80 : index
        %get3A_741 = tpu.vector_load %arg22[%get3A_739, %get3A_740] {strides = array<i32>} : memref<128x128xf32, #tpu.memory_space<vmem>>, vector<1x16xf32>,
        %get3A_742 = vector.shape_cast %get3A_741 : vector<1x16xf32> to vector<16xf32>
        %mul3A_743 = vector.broadcast %squeeze3A_683 : f32 to vector<16xf32>
        %mul3A_744 = arith.mulf %get3A_742, %mul3A_743 : vector<16xf32>
        %swap3A_745 = arith.index_cast %add3A_678 : i32 to index
        %swap3A_746 = arith.constant 80 : index
        %swap3A_747 = tpu.vector_load %arg22[%swap3A_745, %swap3A_746] {strides = array<i32>} : memref<128x128xf32, #tpu.memory_space<vmem>>, vector<1x16xf32>,
        %swap3A_748 = vector.shape_cast %swap3A_747 : vector<1x16xf32> to vector<16xf32>
        %swap3A_749 = vector.shape_cast %mul3A_744 : vector<16xf32> to vector<1x16xf32>
        tpu.vector_store %arg22[%swap3A_745, %swap3A_746], %swap3A_749 {strides = array<i32>} : memref<128x128xf32, #tpu.memory_space<vmem>>, vector<1x16xf32>,
        %get3A_750 = arith.index_cast %add3A_678 : i32 to index
        %get3A_751 = arith.constant 96 : index
        %get3A_752 = tpu.vector_load %arg22[%get3A_750, %get3A_751] {strides = array<i32>} : memref<128x128xf32, #tpu.memory_space<vmem>>, vector<1x16xf32>,
        %get3A_753 = vector.shape_cast %get3A_752 : vector<1x16xf32> to vector<16xf32>
        %mul3A_754 = vector.broadcast %squeeze3A_683 : f32 to vector<16xf32>
        %mul3A_755 = arith.mulf %get3A_753, %mul3A_754 : vector<16xf32>
        %swap3A_756 = arith.index_cast %add3A_678 : i32 to index
        %swap3A_757 = arith.constant 96 : index
        %swap3A_758 = tpu.vector_load %arg22[%swap3A_756, %swap3A_757] {strides = array<i32>} : memref<128x128xf32, #tpu.memory_space<vmem>>, vector<1x16xf32>,
        %swap3A_759 = vector.shape_cast %swap3A_758 : vector<1x16xf32> to vector<16xf32>
        %swap3A_760 = vector.shape_cast %mul3A_755 : vector<16xf32> to vector<1x16xf32>
        tpu.vector_store %arg22[%swap3A_756, %swap3A_757], %swap3A_760 {strides = array<i32>} : memref<128x128xf32, #tpu.memory_space<vmem>>, vector<1x16xf32>,
        %get3A_761 = arith.index_cast %add3A_678 : i32 to index
        %get3A_762 = arith.constant 112 : index
        %get3A_763 = tpu.vector_load %arg22[%get3A_761, %get3A_762] {strides = array<i32>} : memref<128x128xf32, #tpu.memory_space<vmem>>, vector<1x16xf32>,
        %get3A_764 = vector.shape_cast %get3A_763 : vector<1x16xf32> to vector<16xf32>
        %mul3A_765 = vector.broadcast %squeeze3A_683 : f32 to vector<16xf32>
        %mul3A_766 = arith.mulf %get3A_764, %mul3A_765 : vector<16xf32>
        %swap3A_767 = arith.index_cast %add3A_678 : i32 to index
        %swap3A_768 = arith.constant 112 : index
        %swap3A_769 = tpu.vector_load %arg22[%swap3A_767, %swap3A_768] {strides = array<i32>} : memref<128x128xf32, #tpu.memory_space<vmem>>, vector<1x16xf32>,
        %swap3A_770 = vector.shape_cast %swap3A_769 : vector<1x16xf32> to vector<16xf32>
        %swap3A_771 = vector.shape_cast %mul3A_766 : vector<16xf32> to vector<1x16xf32>
        tpu.vector_store %arg22[%swap3A_767, %swap3A_768], %swap3A_771 {strides = array<i32>} : memref<128x128xf32, #tpu.memory_space<vmem>>, vector<1x16xf32>,
        %mul3A_772 = arith.constant 4 : i32
        %mul3A_773 = arith.muli %scan3A_481, %mul3A_772 : i32
        %add3A_774 = arith.constant 3 : i32
        %add3A_775 = arith.addi %mul3A_773, %add3A_774 : i32
        %get3A_776 = arith.index_cast %add3A_775 : i32 to index
        %get3A_777 = tpu.vector_load %arg21[%get3A_776] {strides = array<i32>} : memref<144xf32, #tpu.memory_space<vmem>>, vector<16xf32>,
        %get3A_778 = vector.shape_cast %get3A_777 : vector<16xf32> to vector<16xf32>
        %slice3A_779 = vector.extract_strided_slice %get3A_778 {offsets = [0], sizes = [1], strides = [1]} : vector<16xf32> to vector<1xf32>
        %squeeze3A_780 = vector.extract %slice3A_779[0] : f32 from vector<1xf32>
        %get3A_781 = arith.index_cast %add3A_775 : i32 to index
        %get3A_782 = arith.constant 0 : index
        %get3A_783 = tpu.vector_load %arg22[%get3A_781, %get3A_782] {strides = array<i32>} : memref<128x128xf32, #tpu.memory_space<vmem>>, vector<1x16xf32>,
        %get3A_784 = vector.shape_cast %get3A_783 : vector<1x16xf32> to vector<16xf32>
        %mul3A_785 = vector.broadcast %squeeze3A_780 : f32 to vector<16xf32>
        %mul3A_786 = arith.mulf %get3A_784, %mul3A_785 : vector<16xf32>
        %swap3A_787 = arith.index_cast %add3A_775 : i32 to index
        %swap3A_788 = arith.constant 0 : index
        %swap3A_789 = tpu.vector_load %arg22[%swap3A_787, %swap3A_788] {strides = array<i32>} : memref<128x128xf32, #tpu.memory_space<vmem>>, vector<1x16xf32>,
        %swap3A_790 = vector.shape_cast %swap3A_789 : vector<1x16xf32> to vector<16xf32>
        %swap3A_791 = vector.shape_cast %mul3A_786 : vector<16xf32> to vector<1x16xf32>
        tpu.vector_store %arg22[%swap3A_787, %swap3A_788], %swap3A_791 {strides = array<i32>} : memref<128x128xf32, #tpu.memory_space<vmem>>, vector<1x16xf32>,
        %get3A_792 = arith.index_cast %add3A_775 : i32 to index
        %get3A_793 = arith.constant 16 : index
        %get3A_794 = tpu.vector_load %arg22[%get3A_792, %get3A_793] {strides = array<i32>} : memref<128x128xf32, #tpu.memory_space<vmem>>, vector<1x16xf32>,
        %get3A_795 = vector.shape_cast %get3A_794 : vector<1x16xf32> to vector<16xf32>
        %mul3A_796 = vector.broadcast %squeeze3A_780 : f32 to vector<16xf32>
        %mul3A_797 = arith.mulf %get3A_795, %mul3A_796 : vector<16xf32>
        %swap3A_798 = arith.index_cast %add3A_775 : i32 to index
        %swap3A_799 = arith.constant 16 : index
        %swap3A_800 = tpu.vector_load %arg22[%swap3A_798, %swap3A_799] {strides = array<i32>} : memref<128x128xf32, #tpu.memory_space<vmem>>, vector<1x16xf32>,
        %swap3A_801 = vector.shape_cast %swap3A_800 : vector<1x16xf32> to vector<16xf32>
        %swap3A_802 = vector.shape_cast %mul3A_797 : vector<16xf32> to vector<1x16xf32>
        tpu.vector_store %arg22[%swap3A_798, %swap3A_799], %swap3A_802 {strides = array<i32>} : memref<128x128xf32, #tpu.memory_space<vmem>>, vector<1x16xf32>,
        %get3A_803 = arith.index_cast %add3A_775 : i32 to index
        %get3A_804 = arith.constant 32 : index
        %get3A_805 = tpu.vector_load %arg22[%get3A_803, %get3A_804] {strides = array<i32>} : memref<128x128xf32, #tpu.memory_space<vmem>>, vector<1x16xf32>,
        %get3A_806 = vector.shape_cast %get3A_805 : vector<1x16xf32> to vector<16xf32>
        %mul3A_807 = vector.broadcast %squeeze3A_780 : f32 to vector<16xf32>
        %mul3A_808 = arith.mulf %get3A_806, %mul3A_807 : vector<16xf32>
        %swap3A_809 = arith.index_cast %add3A_775 : i32 to index
        %swap3A_810 = arith.constant 32 : index
        %swap3A_811 = tpu.vector_load %arg22[%swap3A_809, %swap3A_810] {strides = array<i32>} : memref<128x128xf32, #tpu.memory_space<vmem>>, vector<1x16xf32>,
        %swap3A_812 = vector.shape_cast %swap3A_811 : vector<1x16xf32> to vector<16xf32>
        %swap3A_813 = vector.shape_cast %mul3A_808 : vector<16xf32> to vector<1x16xf32>
        tpu.vector_store %arg22[%swap3A_809, %swap3A_810], %swap3A_813 {strides = array<i32>} : memref<128x128xf32, #tpu.memory_space<vmem>>, vector<1x16xf32>,
        %get3A_814 = arith.index_cast %add3A_775 : i32 to index
        %get3A_815 = arith.constant 48 : index
        %get3A_816 = tpu.vector_load %arg22[%get3A_814, %get3A_815] {strides = array<i32>} : memref<128x128xf32, #tpu.memory_space<vmem>>, vector<1x16xf32>,
        %get3A_817 = vector.shape_cast %get3A_816 : vector<1x16xf32> to vector<16xf32>
        %mul3A_818 = vector.broadcast %squeeze3A_780 : f32 to vector<16xf32>
        %mul3A_819 = arith.mulf %get3A_817, %mul3A_818 : vector<16xf32>
        %swap3A_820 = arith.index_cast %add3A_775 : i32 to index
        %swap3A_821 = arith.constant 48 : index
        %swap3A_822 = tpu.vector_load %arg22[%swap3A_820, %swap3A_821] {strides = array<i32>} : memref<128x128xf32, #tpu.memory_space<vmem>>, vector<1x16xf32>,
        %swap3A_823 = vector.shape_cast %swap3A_822 : vector<1x16xf32> to vector<16xf32>
        %swap3A_824 = vector.shape_cast %mul3A_819 : vector<16xf32> to vector<1x16xf32>
        tpu.vector_store %arg22[%swap3A_820, %swap3A_821], %swap3A_824 {strides = array<i32>} : memref<128x128xf32, #tpu.memory_space<vmem>>, vector<1x16xf32>,
        %get3A_825 = arith.index_cast %add3A_775 : i32 to index
        %get3A_826 = arith.constant 64 : index
        %get3A_827 = tpu.vector_load %arg22[%get3A_825, %get3A_826] {strides = array<i32>} : memref<128x128xf32, #tpu.memory_space<vmem>>, vector<1x16xf32>,
        %get3A_828 = vector.shape_cast %get3A_827 : vector<1x16xf32> to vector<16xf32>
        %mul3A_829 = vector.broadcast %squeeze3A_780 : f32 to vector<16xf32>
        %mul3A_830 = arith.mulf %get3A_828, %mul3A_829 : vector<16xf32>
        %swap3A_831 = arith.index_cast %add3A_775 : i32 to index
        %swap3A_832 = arith.constant 64 : index
        %swap3A_833 = tpu.vector_load %arg22[%swap3A_831, %swap3A_832] {strides = array<i32>} : memref<128x128xf32, #tpu.memory_space<vmem>>, vector<1x16xf32>,
        %swap3A_834 = vector.shape_cast %swap3A_833 : vector<1x16xf32> to vector<16xf32>
        %swap3A_835 = vector.shape_cast %mul3A_830 : vector<16xf32> to vector<1x16xf32>
        tpu.vector_store %arg22[%swap3A_831, %swap3A_832], %swap3A_835 {strides = array<i32>} : memref<128x128xf32, #tpu.memory_space<vmem>>, vector<1x16xf32>,
        %get3A_836 = arith.index_cast %add3A_775 : i32 to index
        %get3A_837 = arith.constant 80 : index
        %get3A_838 = tpu.vector_load %arg22[%get3A_836, %get3A_837] {strides = array<i32>} : memref<128x128xf32, #tpu.memory_space<vmem>>, vector<1x16xf32>,
        %get3A_839 = vector.shape_cast %get3A_838 : vector<1x16xf32> to vector<16xf32>
        %mul3A_840 = vector.broadcast %squeeze3A_780 : f32 to vector<16xf32>
        %mul3A_841 = arith.mulf %get3A_839, %mul3A_840 : vector<16xf32>
        %swap3A_842 = arith.index_cast %add3A_775 : i32 to index
        %swap3A_843 = arith.constant 80 : index
        %swap3A_844 = tpu.vector_load %arg22[%swap3A_842, %swap3A_843] {strides = array<i32>} : memref<128x128xf32, #tpu.memory_space<vmem>>, vector<1x16xf32>,
        %swap3A_845 = vector.shape_cast %swap3A_844 : vector<1x16xf32> to vector<16xf32>
        %swap3A_846 = vector.shape_cast %mul3A_841 : vector<16xf32> to vector<1x16xf32>
        tpu.vector_store %arg22[%swap3A_842, %swap3A_843], %swap3A_846 {strides = array<i32>} : memref<128x128xf32, #tpu.memory_space<vmem>>, vector<1x16xf32>,
        %get3A_847 = arith.index_cast %add3A_775 : i32 to index
        %get3A_848 = arith.constant 96 : index
        %get3A_849 = tpu.vector_load %arg22[%get3A_847, %get3A_848] {strides = array<i32>} : memref<128x128xf32, #tpu.memory_space<vmem>>, vector<1x16xf32>,
        %get3A_850 = vector.shape_cast %get3A_849 : vector<1x16xf32> to vector<16xf32>
        %mul3A_851 = vector.broadcast %squeeze3A_780 : f32 to vector<16xf32>
        %mul3A_852 = arith.mulf %get3A_850, %mul3A_851 : vector<16xf32>
        %swap3A_853 = arith.index_cast %add3A_775 : i32 to index
        %swap3A_854 = arith.constant 96 : index
        %swap3A_855 = tpu.vector_load %arg22[%swap3A_853, %swap3A_854] {strides = array<i32>} : memref<128x128xf32, #tpu.memory_space<vmem>>, vector<1x16xf32>,
        %swap3A_856 = vector.shape_cast %swap3A_855 : vector<1x16xf32> to vector<16xf32>
        %swap3A_857 = vector.shape_cast %mul3A_852 : vector<16xf32> to vector<1x16xf32>
        tpu.vector_store %arg22[%swap3A_853, %swap3A_854], %swap3A_857 {strides = array<i32>} : memref<128x128xf32, #tpu.memory_space<vmem>>, vector<1x16xf32>,
        %get3A_858 = arith.index_cast %add3A_775 : i32 to index
        %get3A_859 = arith.constant 112 : index
        %get3A_860 = tpu.vector_load %arg22[%get3A_858, %get3A_859] {strides = array<i32>} : memref<128x128xf32, #tpu.memory_space<vmem>>, vector<1x16xf32>,
        %get3A_861 = vector.shape_cast %get3A_860 : vector<1x16xf32> to vector<16xf32>
        %mul3A_862 = vector.broadcast %squeeze3A_780 : f32 to vector<16xf32>
        %mul3A_863 = arith.mulf %get3A_861, %mul3A_862 : vector<16xf32>
        %swap3A_864 = arith.index_cast %add3A_775 : i32 to index
        %swap3A_865 = arith.constant 112 : index
        %swap3A_866 = tpu.vector_load %arg22[%swap3A_864, %swap3A_865] {strides = array<i32>} : memref<128x128xf32, #tpu.memory_space<vmem>>, vector<1x16xf32>,
        %swap3A_867 = vector.shape_cast %swap3A_866 : vector<1x16xf32> to vector<16xf32>
        %swap3A_868 = vector.shape_cast %mul3A_863 : vector<16xf32> to vector<1x16xf32>
        tpu.vector_store %arg22[%swap3A_864, %swap3A_865], %swap3A_868 {strides = array<i32>} : memref<128x128xf32, #tpu.memory_space<vmem>>, vector<1x16xf32>,
        %scan3A_869 = arith.constant 0 : i32
        scf.yield %scan3A_869 : i32
      }
      %scan3A_257 = arith.constant 32 : i32
      %dma_start3A_258 = arith.constant 0 : i32
      %dma_start3A_259 = tpu.memref_slice %arg29[%dma_start3A_258] : memref<10240xf32, #tpu.memory_space<vmem_shared>> -> memref<10240xf32, #tpu.memory_space<vmem_shared>>
      tpu.enqueue_indirect_dma source(%arg20 : memref<128xf32, #tpu.memory_space<vmem>>) target(%dma_start3A_259 : memref<10240xf32, #tpu.memory_space<vmem_shared>>) offsets(%arg15 : memref<128xi32, #tpu.memory_space<vmem>>) semaphore(%arg38 : memref<!tpu.dma_semaphore, #tpu.memory_space<semaphore_mem>>) {add = true}
      "tpu.region"() ({
        %run_scoped3A = tpu.sem_alloc : memref<!tpu.dma_semaphore, #tpu.memory_space<semaphore_mem>>
        %dma_start3A_481 = arith.constant 0 : i32
        %dma_start3A_482 = arith.constant 0 : i32
        %dma_start3A_483 = tpu.memref_slice %arg28[%dma_start3A_481, %dma_start3A_482] : memref<10240x128xf32, #tpu.memory_space<vmem_shared>> -> memref<10240x128xf32, #tpu.memory_space<vmem_shared>>
        tpu.enqueue_indirect_dma source(%arg22 : memref<128x128xf32, #tpu.memory_space<vmem>>) target(%dma_start3A_483 : memref<10240x128xf32, #tpu.memory_space<vmem_shared>>) offsets(%arg15 : memref<128xi32, #tpu.memory_space<vmem>>) semaphore(%run_scoped3A : memref<!tpu.dma_semaphore, #tpu.memory_space<semaphore_mem>>) {add = true}
        %dma_wait3A_484 = arith.constant 0 : i32
        %dma_wait3A_485 = arith.constant 0 : i32
        %dma_wait3A_486 = tpu.memref_slice %arg28[%dma_wait3A_484, %dma_wait3A_485] : memref<10240x128xf32, #tpu.memory_space<vmem_shared>> -> memref<10240x128xf32, #tpu.memory_space<vmem_shared>>
        tpu.wait_indirect_dma semaphore(%run_scoped3A : memref<!tpu.dma_semaphore, #tpu.memory_space<semaphore_mem>>) src(%arg22 : memref<128x128xf32, #tpu.memory_space<vmem>>) dst(%dma_wait3A_486 : memref<10240x128xf32, #tpu.memory_space<vmem_shared>>)
        tpu.yield
      }) : () -> ()
      %add3A_260 = arith.constant 2 : i32
      %add3A_261 = arith.addi %mul3A_43, %add3A_260 : i32
      %lt3A = arith.constant 160 : i32
      %lt3A_262 = arith.cmpi slt, %add3A_261, %lt3A : i32
      %convert_element_type3A_263 = arith.extui %lt3A_262 : i1 to i32
      %cond3A_264 = arith.constant 0 : i32
      %cond3A_265 = arith.cmpi ne, %convert_element_type3A_263, %cond3A_264 : i32
      scf.if %cond3A_265 {
        %dma_wait3A_481 = arith.constant 0 : i32
        %dma_wait3A_482 = tpu.memref_slice %arg29[%dma_wait3A_481] : memref<10240xf32, #tpu.memory_space<vmem_shared>> -> memref<10240xf32, #tpu.memory_space<vmem_shared>>
        tpu.wait_indirect_dma semaphore(%arg38 : memref<!tpu.dma_semaphore, #tpu.memory_space<semaphore_mem>>) src(%arg20 : memref<128xf32, #tpu.memory_space<vmem>>) dst(%dma_wait3A_482 : memref<10240xf32, #tpu.memory_space<vmem_shared>>)
        %add3A_483 = arith.constant 2 : i32
        %add3A_484 = arith.addi %mul3A_43, %add3A_483 : i32
        %mul3A_485 = arith.constant 128 : i32
        %mul3A_486 = arith.muli %add3A_484, %mul3A_485 : i32
        %add3A_487 = arith.addi %mul3A_4, %mul3A_486 : i32
        %dma_start3A_488 = tpu.memref_slice %arg2[%add3A_487] : memref<327680xi32, #tpu.memory_space<hbm>> -> memref<128xi32, #tpu.memory_space<hbm>>
        %dma_start3A_489 = tpu.memref_slice %arg2[%add3A_487] : memref<327680xi32, #tpu.memory_space<hbm>> -> memref<128xi32, #tpu.memory_space<hbm>>
        tpu.enqueue_dma source(%dma_start3A_489 : memref<128xi32, #tpu.memory_space<hbm>>) target(%arg14 : memref<128xi32, #tpu.memory_space<vmem>>) target_semaphore(%arg36 : memref<!tpu.dma_semaphore, #tpu.memory_space<semaphore_mem>>)
        %dma_start3A_490 = tpu.memref_slice %arg3[%add3A_487] : memref<327680xi32, #tpu.memory_space<hbm>> -> memref<128xi32, #tpu.memory_space<hbm>>
        %dma_start3A_491 = tpu.memref_slice %arg3[%add3A_487] : memref<327680xi32, #tpu.memory_space<hbm>> -> memref<128xi32, #tpu.memory_space<hbm>>
        tpu.enqueue_dma source(%dma_start3A_491 : memref<128xi32, #tpu.memory_space<hbm>>) target(%arg15 : memref<128xi32, #tpu.memory_space<vmem>>) target_semaphore(%arg36 : memref<!tpu.dma_semaphore, #tpu.memory_space<semaphore_mem>>)
      } else {
      }
      %add3A_266 = arith.constant 1 : i32
      %add3A_267 = arith.addi %add3A_47, %add3A_266 : i32
      %lt3A_268 = arith.constant 160 : i32
      %lt3A_269 = arith.cmpi slt, %add3A_267, %lt3A_268 : i32
      %convert_element_type3A_270 = arith.extui %lt3A_269 : i1 to i32
      %cond3A_271 = arith.constant 0 : i32
      %cond3A_272 = arith.cmpi ne, %convert_element_type3A_270, %cond3A_271 : i32
      scf.if %cond3A_272 {
        %add3A_481 = arith.constant 1 : i32
        %add3A_482 = arith.addi %add3A_47, %add3A_481 : i32
        %mul3A_483 = arith.constant 128 : i32
        %mul3A_484 = arith.muli %add3A_482, %mul3A_483 : i32
        %add3A_485 = arith.addi %mul3A_4, %mul3A_484 : i32
        %dma_wait3A_486 = tpu.memref_slice %arg2[%add3A_485] : memref<327680xi32, #tpu.memory_space<hbm>> -> memref<128xi32, #tpu.memory_space<hbm>>
        %dma_wait3A_487 = tpu.memref_slice %arg2[%add3A_485] : memref<327680xi32, #tpu.memory_space<hbm>> -> memref<128xi32, #tpu.memory_space<hbm>>
        tpu.wait_dma2 semaphore(%arg36 : memref<!tpu.dma_semaphore, #tpu.memory_space<semaphore_mem>>) src(%dma_wait3A_487 : memref<128xi32, #tpu.memory_space<hbm>>) dst(%arg14 : memref<128xi32, #tpu.memory_space<vmem>>)
        %dma_wait3A_488 = tpu.memref_slice %arg3[%add3A_485] : memref<327680xi32, #tpu.memory_space<hbm>> -> memref<128xi32, #tpu.memory_space<hbm>>
        %dma_wait3A_489 = tpu.memref_slice %arg3[%add3A_485] : memref<327680xi32, #tpu.memory_space<hbm>> -> memref<128xi32, #tpu.memory_space<hbm>>
        tpu.wait_dma2 semaphore(%arg36 : memref<!tpu.dma_semaphore, #tpu.memory_space<semaphore_mem>>) src(%dma_wait3A_489 : memref<128xi32, #tpu.memory_space<hbm>>) dst(%arg15 : memref<128xi32, #tpu.memory_space<vmem>>)
        %eq3A_490 = arith.constant 0 : i32
        %eq3A_491 = arith.cmpi eq, %arg0, %eq3A_490 : i32
        %convert_element_type3A_492 = arith.extui %eq3A_491 : i1 to i32
        %cond3A_493 = arith.constant 0 : i32
        %cond3A_494 = arith.cmpi ne, %convert_element_type3A_492, %cond3A_493 : i32
        scf.if %cond3A_494 {
          %dma_start3A_500 = arith.constant 0 : i32
          %dma_start3A_501 = arith.constant 0 : i32
          %dma_start3A_502 = tpu.memref_slice %arg4[%dma_start3A_500, %dma_start3A_501] : memref<10240x128xf32, #tpu.memory_space<hbm>> -> memref<10240x128xf32, #tpu.memory_space<hbm>>
          tpu.enqueue_indirect_dma source(%dma_start3A_502 : memref<10240x128xf32, #tpu.memory_space<hbm>>) target(%arg22 : memref<128x128xf32, #tpu.memory_space<vmem>>) offsets(%arg14 : memref<128xi32, #tpu.memory_space<vmem>>) semaphore(%arg30 : memref<!tpu.dma_semaphore, #tpu.memory_space<semaphore_mem>>)
          %dma_start3A_503 = arith.constant 0 : i32
          %dma_start3A_504 = tpu.memref_slice %arg6[%dma_start3A_503] : memref<10240xf32, #tpu.memory_space<hbm>> -> memref<10240xf32, #tpu.memory_space<hbm>>
          tpu.enqueue_indirect_dma source(%dma_start3A_504 : memref<10240xf32, #tpu.memory_space<hbm>>) target(%arg18 : memref<128xf32, #tpu.memory_space<vmem>>) offsets(%arg14 : memref<128xi32, #tpu.memory_space<vmem>>) semaphore(%arg31 : memref<!tpu.dma_semaphore, #tpu.memory_space<semaphore_mem>>)
          %dma_start3A_505 = arith.constant 0 : i32
          %dma_start3A_506 = tpu.memref_slice %arg8[%dma_start3A_505] : memref<10240xf32, #tpu.memory_space<hbm>> -> memref<10240xf32, #tpu.memory_space<hbm>>
          tpu.enqueue_indirect_dma source(%dma_start3A_506 : memref<10240xf32, #tpu.memory_space<hbm>>) target(%arg19 : memref<128xf32, #tpu.memory_space<vmem>>) offsets(%arg15 : memref<128xi32, #tpu.memory_space<vmem>>) semaphore(%arg32 : memref<!tpu.dma_semaphore, #tpu.memory_space<semaphore_mem>>)
        } else {
        }
        %eq3A_495 = arith.constant 1 : i32
        %eq3A_496 = arith.cmpi eq, %arg0, %eq3A_495 : i32
        %convert_element_type3A_497 = arith.extui %eq3A_496 : i1 to i32
        %cond3A_498 = arith.constant 0 : i32
        %cond3A_499 = arith.cmpi ne, %convert_element_type3A_497, %cond3A_498 : i32
        scf.if %cond3A_499 {
          %dma_start3A_500 = arith.constant 0 : i32
          %dma_start3A_501 = arith.constant 0 : i32
          %dma_start3A_502 = tpu.memref_slice %arg5[%dma_start3A_500, %dma_start3A_501] : memref<10240x128xf32, #tpu.memory_space<hbm>> -> memref<10240x128xf32, #tpu.memory_space<hbm>>
          tpu.enqueue_indirect_dma source(%dma_start3A_502 : memref<10240x128xf32, #tpu.memory_space<hbm>>) target(%arg22 : memref<128x128xf32, #tpu.memory_space<vmem>>) offsets(%arg14 : memref<128xi32, #tpu.memory_space<vmem>>) semaphore(%arg30 : memref<!tpu.dma_semaphore, #tpu.memory_space<semaphore_mem>>)
          %dma_start3A_503 = arith.constant 0 : i32
          %dma_start3A_504 = tpu.memref_slice %arg7[%dma_start3A_503] : memref<10240xf32, #tpu.memory_space<hbm>> -> memref<10240xf32, #tpu.memory_space<hbm>>
          tpu.enqueue_indirect_dma source(%dma_start3A_504 : memref<10240xf32, #tpu.memory_space<hbm>>) target(%arg18 : memref<128xf32, #tpu.memory_space<vmem>>) offsets(%arg14 : memref<128xi32, #tpu.memory_space<vmem>>) semaphore(%arg31 : memref<!tpu.dma_semaphore, #tpu.memory_space<semaphore_mem>>)
          %dma_start3A_505 = arith.constant 0 : i32
          %dma_start3A_506 = tpu.memref_slice %arg9[%dma_start3A_505] : memref<10240xf32, #tpu.memory_space<hbm>> -> memref<10240xf32, #tpu.memory_space<hbm>>
          tpu.enqueue_indirect_dma source(%dma_start3A_506 : memref<10240xf32, #tpu.memory_space<hbm>>) target(%arg19 : memref<128xf32, #tpu.memory_space<vmem>>) offsets(%arg15 : memref<128xi32, #tpu.memory_space<vmem>>) semaphore(%arg32 : memref<!tpu.dma_semaphore, #tpu.memory_space<semaphore_mem>>)
        } else {
        }
      } else {
      }
      %dma_wait3A_273 = arith.constant 0 : i32
      %dma_wait3A_274 = tpu.memref_slice %arg6[%dma_wait3A_273] : memref<10240xf32, #tpu.memory_space<hbm>> -> memref<10240xf32, #tpu.memory_space<hbm>>
      tpu.wait_indirect_dma semaphore(%arg34 : memref<!tpu.dma_semaphore, #tpu.memory_space<semaphore_mem>>) src(%dma_wait3A_274 : memref<10240xf32, #tpu.memory_space<hbm>>) dst(%arg23 : memref<128xf32, #tpu.memory_space<vmem>>)
      %dma_wait3A_275 = arith.constant 0 : i32
      %dma_wait3A_276 = tpu.memref_slice %arg8[%dma_wait3A_275] : memref<10240xf32, #tpu.memory_space<hbm>> -> memref<10240xf32, #tpu.memory_space<hbm>>
      tpu.wait_indirect_dma semaphore(%arg35 : memref<!tpu.dma_semaphore, #tpu.memory_space<semaphore_mem>>) src(%dma_wait3A_276 : memref<10240xf32, #tpu.memory_space<hbm>>) dst(%arg24 : memref<128xf32, #tpu.memory_space<vmem>>)
      %get3A_277 = arith.constant 0 : index
      %get3A_278 = tpu.vector_load %arg23[%get3A_277] {strides = array<i32>} : memref<128xf32, #tpu.memory_space<vmem>>, vector<16xf32>,
      %get3A_279 = vector.shape_cast %get3A_278 : vector<16xf32> to vector<16xf32>
      %get3A_280 = arith.constant 0 : index
      %get3A_281 = tpu.vector_load %arg24[%get3A_280] {strides = array<i32>} : memref<128xf32, #tpu.memory_space<vmem>>, vector<16xf32>,
      %get3A_282 = vector.shape_cast %get3A_281 : vector<16xf32> to vector<16xf32>
      %add3A_283 = arith.addf %get3A_279, %get3A_282 : vector<16xf32>
      %gt3A_284 = arith.constant 0.000000e+00 : f32
      %gt3A_285 = vector.broadcast %gt3A_284 : f32 to vector<16xf32>
      %gt3A_286 = arith.cmpf ogt, %add3A_283, %gt3A_285 : vector<16xf32>
      %mul3A_287 = arith.constant 2.000000e-01 : f32
      %mul3A_288 = vector.broadcast %mul3A_287 : f32 to vector<16xf32>
      %mul3A_289 = arith.mulf %mul3A_288, %add3A_283 : vector<16xf32>
      %select_n3A_290 = arith.select %gt3A_286, %add3A_283, %mul3A_289 : vector<16xi1>, vector<16xf32>
      %exp3A_291 = math.exp %select_n3A_290 : vector<16xf32>
      %swap3A_292 = arith.constant 0 : index
      %swap3A_293 = tpu.vector_load %arg25[%swap3A_292] {strides = array<i32>} : memref<128xf32, #tpu.memory_space<vmem>>, vector<16xf32>,
      %swap3A_294 = vector.shape_cast %swap3A_293 : vector<16xf32> to vector<16xf32>
      %swap3A_295 = vector.shape_cast %exp3A_291 : vector<16xf32> to vector<16xf32>
      tpu.vector_store %arg25[%swap3A_292], %swap3A_295 {strides = array<i32>} : memref<128xf32, #tpu.memory_space<vmem>>, vector<16xf32>,
      %swap3A_296 = arith.constant 0 : index
      %swap3A_297 = tpu.vector_load %arg26[%swap3A_296] {strides = array<i32>} : memref<144xf32, #tpu.memory_space<vmem>>, vector<16xf32>,
      %swap3A_298 = vector.shape_cast %swap3A_297 : vector<16xf32> to vector<16xf32>
      %swap3A_299 = vector.shape_cast %exp3A_291 : vector<16xf32> to vector<16xf32>
      tpu.vector_store %arg26[%swap3A_296], %swap3A_299 {strides = array<i32>} : memref<144xf32, #tpu.memory_space<vmem>>, vector<16xf32>,
      %get3A_300 = arith.constant 16 : index
      %get3A_301 = tpu.vector_load %arg23[%get3A_300] {strides = array<i32>} : memref<128xf32, #tpu.memory_space<vmem>>, vector<16xf32>,
      %get3A_302 = vector.shape_cast %get3A_301 : vector<16xf32> to vector<16xf32>
      %get3A_303 = arith.constant 16 : index
      %get3A_304 = tpu.vector_load %arg24[%get3A_303] {strides = array<i32>} : memref<128xf32, #tpu.memory_space<vmem>>, vector<16xf32>,
      %get3A_305 = vector.shape_cast %get3A_304 : vector<16xf32> to vector<16xf32>
      %add3A_306 = arith.addf %get3A_302, %get3A_305 : vector<16xf32>
      %gt3A_307 = arith.constant 0.000000e+00 : f32
      %gt3A_308 = vector.broadcast %gt3A_307 : f32 to vector<16xf32>
      %gt3A_309 = arith.cmpf ogt, %add3A_306, %gt3A_308 : vector<16xf32>
      %mul3A_310 = arith.constant 2.000000e-01 : f32
      %mul3A_311 = vector.broadcast %mul3A_310 : f32 to vector<16xf32>
      %mul3A_312 = arith.mulf %mul3A_311, %add3A_306 : vector<16xf32>
      %select_n3A_313 = arith.select %gt3A_309, %add3A_306, %mul3A_312 : vector<16xi1>, vector<16xf32>
      %exp3A_314 = math.exp %select_n3A_313 : vector<16xf32>
      %swap3A_315 = arith.constant 16 : index
      %swap3A_316 = tpu.vector_load %arg25[%swap3A_315] {strides = array<i32>} : memref<128xf32, #tpu.memory_space<vmem>>, vector<16xf32>,
      %swap3A_317 = vector.shape_cast %swap3A_316 : vector<16xf32> to vector<16xf32>
      %swap3A_318 = vector.shape_cast %exp3A_314 : vector<16xf32> to vector<16xf32>
      tpu.vector_store %arg25[%swap3A_315], %swap3A_318 {strides = array<i32>} : memref<128xf32, #tpu.memory_space<vmem>>, vector<16xf32>,
      %swap3A_319 = arith.constant 16 : index
      %swap3A_320 = tpu.vector_load %arg26[%swap3A_319] {strides = array<i32>} : memref<144xf32, #tpu.memory_space<vmem>>, vector<16xf32>,
      %swap3A_321 = vector.shape_cast %swap3A_320 : vector<16xf32> to vector<16xf32>
      %swap3A_322 = vector.shape_cast %exp3A_314 : vector<16xf32> to vector<16xf32>
      tpu.vector_store %arg26[%swap3A_319], %swap3A_322 {strides = array<i32>} : memref<144xf32, #tpu.memory_space<vmem>>, vector<16xf32>,
      %get3A_323 = arith.constant 32 : index
      %get3A_324 = tpu.vector_load %arg23[%get3A_323] {strides = array<i32>} : memref<128xf32, #tpu.memory_space<vmem>>, vector<16xf32>,
      %get3A_325 = vector.shape_cast %get3A_324 : vector<16xf32> to vector<16xf32>
      %get3A_326 = arith.constant 32 : index
      %get3A_327 = tpu.vector_load %arg24[%get3A_326] {strides = array<i32>} : memref<128xf32, #tpu.memory_space<vmem>>, vector<16xf32>,
      %get3A_328 = vector.shape_cast %get3A_327 : vector<16xf32> to vector<16xf32>
      %add3A_329 = arith.addf %get3A_325, %get3A_328 : vector<16xf32>
      %gt3A_330 = arith.constant 0.000000e+00 : f32
      %gt3A_331 = vector.broadcast %gt3A_330 : f32 to vector<16xf32>
      %gt3A_332 = arith.cmpf ogt, %add3A_329, %gt3A_331 : vector<16xf32>
      %mul3A_333 = arith.constant 2.000000e-01 : f32
      %mul3A_334 = vector.broadcast %mul3A_333 : f32 to vector<16xf32>
      %mul3A_335 = arith.mulf %mul3A_334, %add3A_329 : vector<16xf32>
      %select_n3A_336 = arith.select %gt3A_332, %add3A_329, %mul3A_335 : vector<16xi1>, vector<16xf32>
      %exp3A_337 = math.exp %select_n3A_336 : vector<16xf32>
      %swap3A_338 = arith.constant 32 : index
      %swap3A_339 = tpu.vector_load %arg25[%swap3A_338] {strides = array<i32>} : memref<128xf32, #tpu.memory_space<vmem>>, vector<16xf32>,
      %swap3A_340 = vector.shape_cast %swap3A_339 : vector<16xf32> to vector<16xf32>
      %swap3A_341 = vector.shape_cast %exp3A_337 : vector<16xf32> to vector<16xf32>
      tpu.vector_store %arg25[%swap3A_338], %swap3A_341 {strides = array<i32>} : memref<128xf32, #tpu.memory_space<vmem>>, vector<16xf32>,
      %swap3A_342 = arith.constant 32 : index
      %swap3A_343 = tpu.vector_load %arg26[%swap3A_342] {strides = array<i32>} : memref<144xf32, #tpu.memory_space<vmem>>, vector<16xf32>,
      %swap3A_344 = vector.shape_cast %swap3A_343 : vector<16xf32> to vector<16xf32>
      %swap3A_345 = vector.shape_cast %exp3A_337 : vector<16xf32> to vector<16xf32>
      tpu.vector_store %arg26[%swap3A_342], %swap3A_345 {strides = array<i32>} : memref<144xf32, #tpu.memory_space<vmem>>, vector<16xf32>,
      %get3A_346 = arith.constant 48 : index
      %get3A_347 = tpu.vector_load %arg23[%get3A_346] {strides = array<i32>} : memref<128xf32, #tpu.memory_space<vmem>>, vector<16xf32>,
      %get3A_348 = vector.shape_cast %get3A_347 : vector<16xf32> to vector<16xf32>
      %get3A_349 = arith.constant 48 : index
      %get3A_350 = tpu.vector_load %arg24[%get3A_349] {strides = array<i32>} : memref<128xf32, #tpu.memory_space<vmem>>, vector<16xf32>,
      %get3A_351 = vector.shape_cast %get3A_350 : vector<16xf32> to vector<16xf32>
      %add3A_352 = arith.addf %get3A_348, %get3A_351 : vector<16xf32>
      %gt3A_353 = arith.constant 0.000000e+00 : f32
      %gt3A_354 = vector.broadcast %gt3A_353 : f32 to vector<16xf32>
      %gt3A_355 = arith.cmpf ogt, %add3A_352, %gt3A_354 : vector<16xf32>
      %mul3A_356 = arith.constant 2.000000e-01 : f32
      %mul3A_357 = vector.broadcast %mul3A_356 : f32 to vector<16xf32>
      %mul3A_358 = arith.mulf %mul3A_357, %add3A_352 : vector<16xf32>
      %select_n3A_359 = arith.select %gt3A_355, %add3A_352, %mul3A_358 : vector<16xi1>, vector<16xf32>
      %exp3A_360 = math.exp %select_n3A_359 : vector<16xf32>
      %swap3A_361 = arith.constant 48 : index
      %swap3A_362 = tpu.vector_load %arg25[%swap3A_361] {strides = array<i32>} : memref<128xf32, #tpu.memory_space<vmem>>, vector<16xf32>,
      %swap3A_363 = vector.shape_cast %swap3A_362 : vector<16xf32> to vector<16xf32>
      %swap3A_364 = vector.shape_cast %exp3A_360 : vector<16xf32> to vector<16xf32>
      tpu.vector_store %arg25[%swap3A_361], %swap3A_364 {strides = array<i32>} : memref<128xf32, #tpu.memory_space<vmem>>, vector<16xf32>,
      %swap3A_365 = arith.constant 48 : index
      %swap3A_366 = tpu.vector_load %arg26[%swap3A_365] {strides = array<i32>} : memref<144xf32, #tpu.memory_space<vmem>>, vector<16xf32>,
      %swap3A_367 = vector.shape_cast %swap3A_366 : vector<16xf32> to vector<16xf32>
      %swap3A_368 = vector.shape_cast %exp3A_360 : vector<16xf32> to vector<16xf32>
      tpu.vector_store %arg26[%swap3A_365], %swap3A_368 {strides = array<i32>} : memref<144xf32, #tpu.memory_space<vmem>>, vector<16xf32>,
      %get3A_369 = arith.constant 64 : index
      %get3A_370 = tpu.vector_load %arg23[%get3A_369] {strides = array<i32>} : memref<128xf32, #tpu.memory_space<vmem>>, vector<16xf32>,
      %get3A_371 = vector.shape_cast %get3A_370 : vector<16xf32> to vector<16xf32>
      %get3A_372 = arith.constant 64 : index
      %get3A_373 = tpu.vector_load %arg24[%get3A_372] {strides = array<i32>} : memref<128xf32, #tpu.memory_space<vmem>>, vector<16xf32>,
      %get3A_374 = vector.shape_cast %get3A_373 : vector<16xf32> to vector<16xf32>
      %add3A_375 = arith.addf %get3A_371, %get3A_374 : vector<16xf32>
      %gt3A_376 = arith.constant 0.000000e+00 : f32
      %gt3A_377 = vector.broadcast %gt3A_376 : f32 to vector<16xf32>
      %gt3A_378 = arith.cmpf ogt, %add3A_375, %gt3A_377 : vector<16xf32>
      %mul3A_379 = arith.constant 2.000000e-01 : f32
      %mul3A_380 = vector.broadcast %mul3A_379 : f32 to vector<16xf32>
      %mul3A_381 = arith.mulf %mul3A_380, %add3A_375 : vector<16xf32>
      %select_n3A_382 = arith.select %gt3A_378, %add3A_375, %mul3A_381 : vector<16xi1>, vector<16xf32>
      %exp3A_383 = math.exp %select_n3A_382 : vector<16xf32>
      %swap3A_384 = arith.constant 64 : index
      %swap3A_385 = tpu.vector_load %arg25[%swap3A_384] {strides = array<i32>} : memref<128xf32, #tpu.memory_space<vmem>>, vector<16xf32>,
      %swap3A_386 = vector.shape_cast %swap3A_385 : vector<16xf32> to vector<16xf32>
      %swap3A_387 = vector.shape_cast %exp3A_383 : vector<16xf32> to vector<16xf32>
      tpu.vector_store %arg25[%swap3A_384], %swap3A_387 {strides = array<i32>} : memref<128xf32, #tpu.memory_space<vmem>>, vector<16xf32>,
      %swap3A_388 = arith.constant 64 : index
      %swap3A_389 = tpu.vector_load %arg26[%swap3A_388] {strides = array<i32>} : memref<144xf32, #tpu.memory_space<vmem>>, vector<16xf32>,
      %swap3A_390 = vector.shape_cast %swap3A_389 : vector<16xf32> to vector<16xf32>
      %swap3A_391 = vector.shape_cast %exp3A_383 : vector<16xf32> to vector<16xf32>
      tpu.vector_store %arg26[%swap3A_388], %swap3A_391 {strides = array<i32>} : memref<144xf32, #tpu.memory_space<vmem>>, vector<16xf32>,
      %get3A_392 = arith.constant 80 : index
      %get3A_393 = tpu.vector_load %arg23[%get3A_392] {strides = array<i32>} : memref<128xf32, #tpu.memory_space<vmem>>, vector<16xf32>,
      %get3A_394 = vector.shape_cast %get3A_393 : vector<16xf32> to vector<16xf32>
      %get3A_395 = arith.constant 80 : index
      %get3A_396 = tpu.vector_load %arg24[%get3A_395] {strides = array<i32>} : memref<128xf32, #tpu.memory_space<vmem>>, vector<16xf32>,
      %get3A_397 = vector.shape_cast %get3A_396 : vector<16xf32> to vector<16xf32>
      %add3A_398 = arith.addf %get3A_394, %get3A_397 : vector<16xf32>
      %gt3A_399 = arith.constant 0.000000e+00 : f32
      %gt3A_400 = vector.broadcast %gt3A_399 : f32 to vector<16xf32>
      %gt3A_401 = arith.cmpf ogt, %add3A_398, %gt3A_400 : vector<16xf32>
      %mul3A_402 = arith.constant 2.000000e-01 : f32
      %mul3A_403 = vector.broadcast %mul3A_402 : f32 to vector<16xf32>
      %mul3A_404 = arith.mulf %mul3A_403, %add3A_398 : vector<16xf32>
      %select_n3A_405 = arith.select %gt3A_401, %add3A_398, %mul3A_404 : vector<16xi1>, vector<16xf32>
      %exp3A_406 = math.exp %select_n3A_405 : vector<16xf32>
      %swap3A_407 = arith.constant 80 : index
      %swap3A_408 = tpu.vector_load %arg25[%swap3A_407] {strides = array<i32>} : memref<128xf32, #tpu.memory_space<vmem>>, vector<16xf32>,
      %swap3A_409 = vector.shape_cast %swap3A_408 : vector<16xf32> to vector<16xf32>
      %swap3A_410 = vector.shape_cast %exp3A_406 : vector<16xf32> to vector<16xf32>
      tpu.vector_store %arg25[%swap3A_407], %swap3A_410 {strides = array<i32>} : memref<128xf32, #tpu.memory_space<vmem>>, vector<16xf32>,
      %swap3A_411 = arith.constant 80 : index
      %swap3A_412 = tpu.vector_load %arg26[%swap3A_411] {strides = array<i32>} : memref<144xf32, #tpu.memory_space<vmem>>, vector<16xf32>,
      %swap3A_413 = vector.shape_cast %swap3A_412 : vector<16xf32> to vector<16xf32>
      %swap3A_414 = vector.shape_cast %exp3A_406 : vector<16xf32> to vector<16xf32>
      tpu.vector_store %arg26[%swap3A_411], %swap3A_414 {strides = array<i32>} : memref<144xf32, #tpu.memory_space<vmem>>, vector<16xf32>,
      %get3A_415 = arith.constant 96 : index
      %get3A_416 = tpu.vector_load %arg23[%get3A_415] {strides = array<i32>} : memref<128xf32, #tpu.memory_space<vmem>>, vector<16xf32>,
      %get3A_417 = vector.shape_cast %get3A_416 : vector<16xf32> to vector<16xf32>
      %get3A_418 = arith.constant 96 : index
      %get3A_419 = tpu.vector_load %arg24[%get3A_418] {strides = array<i32>} : memref<128xf32, #tpu.memory_space<vmem>>, vector<16xf32>,
      %get3A_420 = vector.shape_cast %get3A_419 : vector<16xf32> to vector<16xf32>
      %add3A_421 = arith.addf %get3A_417, %get3A_420 : vector<16xf32>
      %gt3A_422 = arith.constant 0.000000e+00 : f32
      %gt3A_423 = vector.broadcast %gt3A_422 : f32 to vector<16xf32>
      %gt3A_424 = arith.cmpf ogt, %add3A_421, %gt3A_423 : vector<16xf32>
      %mul3A_425 = arith.constant 2.000000e-01 : f32
      %mul3A_426 = vector.broadcast %mul3A_425 : f32 to vector<16xf32>
      %mul3A_427 = arith.mulf %mul3A_426, %add3A_421 : vector<16xf32>
      %select_n3A_428 = arith.select %gt3A_424, %add3A_421, %mul3A_427 : vector<16xi1>, vector<16xf32>
      %exp3A_429 = math.exp %select_n3A_428 : vector<16xf32>
      %swap3A_430 = arith.constant 96 : index
      %swap3A_431 = tpu.vector_load %arg25[%swap3A_430] {strides = array<i32>} : memref<128xf32, #tpu.memory_space<vmem>>, vector<16xf32>,
      %swap3A_432 = vector.shape_cast %swap3A_431 : vector<16xf32> to vector<16xf32>
      %swap3A_433 = vector.shape_cast %exp3A_429 : vector<16xf32> to vector<16xf32>
      tpu.vector_store %arg25[%swap3A_430], %swap3A_433 {strides = array<i32>} : memref<128xf32, #tpu.memory_space<vmem>>, vector<16xf32>,
      %swap3A_434 = arith.constant 96 : index
      %swap3A_435 = tpu.vector_load %arg26[%swap3A_434] {strides = array<i32>} : memref<144xf32, #tpu.memory_space<vmem>>, vector<16xf32>,
      %swap3A_436 = vector.shape_cast %swap3A_435 : vector<16xf32> to vector<16xf32>
      %swap3A_437 = vector.shape_cast %exp3A_429 : vector<16xf32> to vector<16xf32>
      tpu.vector_store %arg26[%swap3A_434], %swap3A_437 {strides = array<i32>} : memref<144xf32, #tpu.memory_space<vmem>>, vector<16xf32>,
      %get3A_438 = arith.constant 112 : index
      %get3A_439 = tpu.vector_load %arg23[%get3A_438] {strides = array<i32>} : memref<128xf32, #tpu.memory_space<vmem>>, vector<16xf32>,
      %get3A_440 = vector.shape_cast %get3A_439 : vector<16xf32> to vector<16xf32>
      %get3A_441 = arith.constant 112 : index
      %get3A_442 = tpu.vector_load %arg24[%get3A_441] {strides = array<i32>} : memref<128xf32, #tpu.memory_space<vmem>>, vector<16xf32>,
      %get3A_443 = vector.shape_cast %get3A_442 : vector<16xf32> to vector<16xf32>
      %add3A_444 = arith.addf %get3A_440, %get3A_443 : vector<16xf32>
      %gt3A_445 = arith.constant 0.000000e+00 : f32
      %gt3A_446 = vector.broadcast %gt3A_445 : f32 to vector<16xf32>
      %gt3A_447 = arith.cmpf ogt, %add3A_444, %gt3A_446 : vector<16xf32>
      %mul3A_448 = arith.constant 2.000000e-01 : f32
      %mul3A_449 = vector.broadcast %mul3A_448 : f32 to vector<16xf32>
      %mul3A_450 = arith.mulf %mul3A_449, %add3A_444 : vector<16xf32>
      %select_n3A_451 = arith.select %gt3A_447, %add3A_444, %mul3A_450 : vector<16xi1>, vector<16xf32>
      %exp3A_452 = math.exp %select_n3A_451 : vector<16xf32>
      %swap3A_453 = arith.constant 112 : index
      %swap3A_454 = tpu.vector_load %arg25[%swap3A_453] {strides = array<i32>} : memref<128xf32, #tpu.memory_space<vmem>>, vector<16xf32>,
      %swap3A_455 = vector.shape_cast %swap3A_454 : vector<16xf32> to vector<16xf32>
      %swap3A_456 = vector.shape_cast %exp3A_452 : vector<16xf32> to vector<16xf32>
      tpu.vector_store %arg25[%swap3A_453], %swap3A_456 {strides = array<i32>} : memref<128xf32, #tpu.memory_space<vmem>>, vector<16xf32>,
      %swap3A_457 = arith.constant 112 : index
      %swap3A_458 = tpu.vector_load %arg26[%swap3A_457] {strides = array<i32>} : memref<144xf32, #tpu.memory_space<vmem>>, vector<16xf32>,
      %swap3A_459 = vector.shape_cast %swap3A_458 : vector<16xf32> to vector<16xf32>
      %swap3A_460 = vector.shape_cast %exp3A_452 : vector<16xf32> to vector<16xf32>
      tpu.vector_store %arg26[%swap3A_457], %swap3A_460 {strides = array<i32>} : memref<144xf32, #tpu.memory_space<vmem>>, vector<16xf32>,
      %dma_wait3A_461 = arith.constant 0 : i32
      %dma_wait3A_462 = arith.constant 0 : i32
      %dma_wait3A_463 = tpu.memref_slice %arg4[%dma_wait3A_461, %dma_wait3A_462] : memref<10240x128xf32, #tpu.memory_space<hbm>> -> memref<10240x128xf32, #tpu.memory_space<hbm>>
      tpu.wait_indirect_dma semaphore(%arg33 : memref<!tpu.dma_semaphore, #tpu.memory_space<semaphore_mem>>) src(%dma_wait3A_463 : memref<10240x128xf32, #tpu.memory_space<hbm>>) dst(%arg27 : memref<128x128xf32, #tpu.memory_space<vmem>>)
      %scan3A_464 = arith.constant 0 : i32
      %scan3A_465 = arith.constant 0 : i32
      %scan3A_466 = arith.constant 32 : i32
      %scan3A_467 = arith.addi %scan3A_465, %scan3A_466 : i32
      %scan3A_468 = arith.constant 1 : i32
      %scan3A_469 = scf.for %scan3A_481 = %scan3A_465 to %scan3A_467 step %scan3A_468 iter_args(%scan3A_482 = %scan3A_464) -> (i32)  : i32 {
        %mul3A_483 = arith.constant 4 : i32
        %mul3A_484 = arith.muli %scan3A_481, %mul3A_483 : i32
        %add3A_485 = arith.constant 0 : i32
        %add3A_486 = arith.addi %mul3A_484, %add3A_485 : i32
        %get3A_487 = arith.index_cast %add3A_486 : i32 to index
        %get3A_488 = tpu.vector_load %arg26[%get3A_487] {strides = array<i32>} : memref<144xf32, #tpu.memory_space<vmem>>, vector<16xf32>,
        %get3A_489 = vector.shape_cast %get3A_488 : vector<16xf32> to vector<16xf32>
        %slice3A = vector.extract_strided_slice %get3A_489 {offsets = [0], sizes = [1], strides = [1]} : vector<16xf32> to vector<1xf32>
        %squeeze3A = vector.extract %slice3A[0] : f32 from vector<1xf32>
        %get3A_490 = arith.index_cast %add3A_486 : i32 to index
        %get3A_491 = arith.constant 0 : index
        %get3A_492 = tpu.vector_load %arg27[%get3A_490, %get3A_491] {strides = array<i32>} : memref<128x128xf32, #tpu.memory_space<vmem>>, vector<1x16xf32>,
        %get3A_493 = vector.shape_cast %get3A_492 : vector<1x16xf32> to vector<16xf32>
        %mul3A_494 = vector.broadcast %squeeze3A : f32 to vector<16xf32>
        %mul3A_495 = arith.mulf %get3A_493, %mul3A_494 : vector<16xf32>
        %swap3A_496 = arith.index_cast %add3A_486 : i32 to index
        %swap3A_497 = arith.constant 0 : index
        %swap3A_498 = tpu.vector_load %arg27[%swap3A_496, %swap3A_497] {strides = array<i32>} : memref<128x128xf32, #tpu.memory_space<vmem>>, vector<1x16xf32>,
        %swap3A_499 = vector.shape_cast %swap3A_498 : vector<1x16xf32> to vector<16xf32>
        %swap3A_500 = vector.shape_cast %mul3A_495 : vector<16xf32> to vector<1x16xf32>
        tpu.vector_store %arg27[%swap3A_496, %swap3A_497], %swap3A_500 {strides = array<i32>} : memref<128x128xf32, #tpu.memory_space<vmem>>, vector<1x16xf32>,
        %get3A_501 = arith.index_cast %add3A_486 : i32 to index
        %get3A_502 = arith.constant 16 : index
        %get3A_503 = tpu.vector_load %arg27[%get3A_501, %get3A_502] {strides = array<i32>} : memref<128x128xf32, #tpu.memory_space<vmem>>, vector<1x16xf32>,
        %get3A_504 = vector.shape_cast %get3A_503 : vector<1x16xf32> to vector<16xf32>
        %mul3A_505 = vector.broadcast %squeeze3A : f32 to vector<16xf32>
        %mul3A_506 = arith.mulf %get3A_504, %mul3A_505 : vector<16xf32>
        %swap3A_507 = arith.index_cast %add3A_486 : i32 to index
        %swap3A_508 = arith.constant 16 : index
        %swap3A_509 = tpu.vector_load %arg27[%swap3A_507, %swap3A_508] {strides = array<i32>} : memref<128x128xf32, #tpu.memory_space<vmem>>, vector<1x16xf32>,
        %swap3A_510 = vector.shape_cast %swap3A_509 : vector<1x16xf32> to vector<16xf32>
        %swap3A_511 = vector.shape_cast %mul3A_506 : vector<16xf32> to vector<1x16xf32>
        tpu.vector_store %arg27[%swap3A_507, %swap3A_508], %swap3A_511 {strides = array<i32>} : memref<128x128xf32, #tpu.memory_space<vmem>>, vector<1x16xf32>,
        %get3A_512 = arith.index_cast %add3A_486 : i32 to index
        %get3A_513 = arith.constant 32 : index
        %get3A_514 = tpu.vector_load %arg27[%get3A_512, %get3A_513] {strides = array<i32>} : memref<128x128xf32, #tpu.memory_space<vmem>>, vector<1x16xf32>,
        %get3A_515 = vector.shape_cast %get3A_514 : vector<1x16xf32> to vector<16xf32>
        %mul3A_516 = vector.broadcast %squeeze3A : f32 to vector<16xf32>
        %mul3A_517 = arith.mulf %get3A_515, %mul3A_516 : vector<16xf32>
        %swap3A_518 = arith.index_cast %add3A_486 : i32 to index
        %swap3A_519 = arith.constant 32 : index
        %swap3A_520 = tpu.vector_load %arg27[%swap3A_518, %swap3A_519] {strides = array<i32>} : memref<128x128xf32, #tpu.memory_space<vmem>>, vector<1x16xf32>,
        %swap3A_521 = vector.shape_cast %swap3A_520 : vector<1x16xf32> to vector<16xf32>
        %swap3A_522 = vector.shape_cast %mul3A_517 : vector<16xf32> to vector<1x16xf32>
        tpu.vector_store %arg27[%swap3A_518, %swap3A_519], %swap3A_522 {strides = array<i32>} : memref<128x128xf32, #tpu.memory_space<vmem>>, vector<1x16xf32>,
        %get3A_523 = arith.index_cast %add3A_486 : i32 to index
        %get3A_524 = arith.constant 48 : index
        %get3A_525 = tpu.vector_load %arg27[%get3A_523, %get3A_524] {strides = array<i32>} : memref<128x128xf32, #tpu.memory_space<vmem>>, vector<1x16xf32>,
        %get3A_526 = vector.shape_cast %get3A_525 : vector<1x16xf32> to vector<16xf32>
        %mul3A_527 = vector.broadcast %squeeze3A : f32 to vector<16xf32>
        %mul3A_528 = arith.mulf %get3A_526, %mul3A_527 : vector<16xf32>
        %swap3A_529 = arith.index_cast %add3A_486 : i32 to index
        %swap3A_530 = arith.constant 48 : index
        %swap3A_531 = tpu.vector_load %arg27[%swap3A_529, %swap3A_530] {strides = array<i32>} : memref<128x128xf32, #tpu.memory_space<vmem>>, vector<1x16xf32>,
        %swap3A_532 = vector.shape_cast %swap3A_531 : vector<1x16xf32> to vector<16xf32>
        %swap3A_533 = vector.shape_cast %mul3A_528 : vector<16xf32> to vector<1x16xf32>
        tpu.vector_store %arg27[%swap3A_529, %swap3A_530], %swap3A_533 {strides = array<i32>} : memref<128x128xf32, #tpu.memory_space<vmem>>, vector<1x16xf32>,
        %get3A_534 = arith.index_cast %add3A_486 : i32 to index
        %get3A_535 = arith.constant 64 : index
        %get3A_536 = tpu.vector_load %arg27[%get3A_534, %get3A_535] {strides = array<i32>} : memref<128x128xf32, #tpu.memory_space<vmem>>, vector<1x16xf32>,
        %get3A_537 = vector.shape_cast %get3A_536 : vector<1x16xf32> to vector<16xf32>
        %mul3A_538 = vector.broadcast %squeeze3A : f32 to vector<16xf32>
        %mul3A_539 = arith.mulf %get3A_537, %mul3A_538 : vector<16xf32>
        %swap3A_540 = arith.index_cast %add3A_486 : i32 to index
        %swap3A_541 = arith.constant 64 : index
        %swap3A_542 = tpu.vector_load %arg27[%swap3A_540, %swap3A_541] {strides = array<i32>} : memref<128x128xf32, #tpu.memory_space<vmem>>, vector<1x16xf32>,
        %swap3A_543 = vector.shape_cast %swap3A_542 : vector<1x16xf32> to vector<16xf32>
        %swap3A_544 = vector.shape_cast %mul3A_539 : vector<16xf32> to vector<1x16xf32>
        tpu.vector_store %arg27[%swap3A_540, %swap3A_541], %swap3A_544 {strides = array<i32>} : memref<128x128xf32, #tpu.memory_space<vmem>>, vector<1x16xf32>,
        %get3A_545 = arith.index_cast %add3A_486 : i32 to index
        %get3A_546 = arith.constant 80 : index
        %get3A_547 = tpu.vector_load %arg27[%get3A_545, %get3A_546] {strides = array<i32>} : memref<128x128xf32, #tpu.memory_space<vmem>>, vector<1x16xf32>,
        %get3A_548 = vector.shape_cast %get3A_547 : vector<1x16xf32> to vector<16xf32>
        %mul3A_549 = vector.broadcast %squeeze3A : f32 to vector<16xf32>
        %mul3A_550 = arith.mulf %get3A_548, %mul3A_549 : vector<16xf32>
        %swap3A_551 = arith.index_cast %add3A_486 : i32 to index
        %swap3A_552 = arith.constant 80 : index
        %swap3A_553 = tpu.vector_load %arg27[%swap3A_551, %swap3A_552] {strides = array<i32>} : memref<128x128xf32, #tpu.memory_space<vmem>>, vector<1x16xf32>,
        %swap3A_554 = vector.shape_cast %swap3A_553 : vector<1x16xf32> to vector<16xf32>
        %swap3A_555 = vector.shape_cast %mul3A_550 : vector<16xf32> to vector<1x16xf32>
        tpu.vector_store %arg27[%swap3A_551, %swap3A_552], %swap3A_555 {strides = array<i32>} : memref<128x128xf32, #tpu.memory_space<vmem>>, vector<1x16xf32>,
        %get3A_556 = arith.index_cast %add3A_486 : i32 to index
        %get3A_557 = arith.constant 96 : index
        %get3A_558 = tpu.vector_load %arg27[%get3A_556, %get3A_557] {strides = array<i32>} : memref<128x128xf32, #tpu.memory_space<vmem>>, vector<1x16xf32>,
        %get3A_559 = vector.shape_cast %get3A_558 : vector<1x16xf32> to vector<16xf32>
        %mul3A_560 = vector.broadcast %squeeze3A : f32 to vector<16xf32>
        %mul3A_561 = arith.mulf %get3A_559, %mul3A_560 : vector<16xf32>
        %swap3A_562 = arith.index_cast %add3A_486 : i32 to index
        %swap3A_563 = arith.constant 96 : index
        %swap3A_564 = tpu.vector_load %arg27[%swap3A_562, %swap3A_563] {strides = array<i32>} : memref<128x128xf32, #tpu.memory_space<vmem>>, vector<1x16xf32>,
        %swap3A_565 = vector.shape_cast %swap3A_564 : vector<1x16xf32> to vector<16xf32>
        %swap3A_566 = vector.shape_cast %mul3A_561 : vector<16xf32> to vector<1x16xf32>
        tpu.vector_store %arg27[%swap3A_562, %swap3A_563], %swap3A_566 {strides = array<i32>} : memref<128x128xf32, #tpu.memory_space<vmem>>, vector<1x16xf32>,
        %get3A_567 = arith.index_cast %add3A_486 : i32 to index
        %get3A_568 = arith.constant 112 : index
        %get3A_569 = tpu.vector_load %arg27[%get3A_567, %get3A_568] {strides = array<i32>} : memref<128x128xf32, #tpu.memory_space<vmem>>, vector<1x16xf32>,
        %get3A_570 = vector.shape_cast %get3A_569 : vector<1x16xf32> to vector<16xf32>
        %mul3A_571 = vector.broadcast %squeeze3A : f32 to vector<16xf32>
        %mul3A_572 = arith.mulf %get3A_570, %mul3A_571 : vector<16xf32>
        %swap3A_573 = arith.index_cast %add3A_486 : i32 to index
        %swap3A_574 = arith.constant 112 : index
        %swap3A_575 = tpu.vector_load %arg27[%swap3A_573, %swap3A_574] {strides = array<i32>} : memref<128x128xf32, #tpu.memory_space<vmem>>, vector<1x16xf32>,
        %swap3A_576 = vector.shape_cast %swap3A_575 : vector<1x16xf32> to vector<16xf32>
        %swap3A_577 = vector.shape_cast %mul3A_572 : vector<16xf32> to vector<1x16xf32>
        tpu.vector_store %arg27[%swap3A_573, %swap3A_574], %swap3A_577 {strides = array<i32>} : memref<128x128xf32, #tpu.memory_space<vmem>>, vector<1x16xf32>,
        %mul3A_578 = arith.constant 4 : i32
        %mul3A_579 = arith.muli %scan3A_481, %mul3A_578 : i32
        %add3A_580 = arith.constant 1 : i32
        %add3A_581 = arith.addi %mul3A_579, %add3A_580 : i32
        %get3A_582 = arith.index_cast %add3A_581 : i32 to index
        %get3A_583 = tpu.vector_load %arg26[%get3A_582] {strides = array<i32>} : memref<144xf32, #tpu.memory_space<vmem>>, vector<16xf32>,
        %get3A_584 = vector.shape_cast %get3A_583 : vector<16xf32> to vector<16xf32>
        %slice3A_585 = vector.extract_strided_slice %get3A_584 {offsets = [0], sizes = [1], strides = [1]} : vector<16xf32> to vector<1xf32>
        %squeeze3A_586 = vector.extract %slice3A_585[0] : f32 from vector<1xf32>
        %get3A_587 = arith.index_cast %add3A_581 : i32 to index
        %get3A_588 = arith.constant 0 : index
        %get3A_589 = tpu.vector_load %arg27[%get3A_587, %get3A_588] {strides = array<i32>} : memref<128x128xf32, #tpu.memory_space<vmem>>, vector<1x16xf32>,
        %get3A_590 = vector.shape_cast %get3A_589 : vector<1x16xf32> to vector<16xf32>
        %mul3A_591 = vector.broadcast %squeeze3A_586 : f32 to vector<16xf32>
        %mul3A_592 = arith.mulf %get3A_590, %mul3A_591 : vector<16xf32>
        %swap3A_593 = arith.index_cast %add3A_581 : i32 to index
        %swap3A_594 = arith.constant 0 : index
        %swap3A_595 = tpu.vector_load %arg27[%swap3A_593, %swap3A_594] {strides = array<i32>} : memref<128x128xf32, #tpu.memory_space<vmem>>, vector<1x16xf32>,
        %swap3A_596 = vector.shape_cast %swap3A_595 : vector<1x16xf32> to vector<16xf32>
        %swap3A_597 = vector.shape_cast %mul3A_592 : vector<16xf32> to vector<1x16xf32>
        tpu.vector_store %arg27[%swap3A_593, %swap3A_594], %swap3A_597 {strides = array<i32>} : memref<128x128xf32, #tpu.memory_space<vmem>>, vector<1x16xf32>,
        %get3A_598 = arith.index_cast %add3A_581 : i32 to index
        %get3A_599 = arith.constant 16 : index
        %get3A_600 = tpu.vector_load %arg27[%get3A_598, %get3A_599] {strides = array<i32>} : memref<128x128xf32, #tpu.memory_space<vmem>>, vector<1x16xf32>,
        %get3A_601 = vector.shape_cast %get3A_600 : vector<1x16xf32> to vector<16xf32>
        %mul3A_602 = vector.broadcast %squeeze3A_586 : f32 to vector<16xf32>
        %mul3A_603 = arith.mulf %get3A_601, %mul3A_602 : vector<16xf32>
        %swap3A_604 = arith.index_cast %add3A_581 : i32 to index
        %swap3A_605 = arith.constant 16 : index
        %swap3A_606 = tpu.vector_load %arg27[%swap3A_604, %swap3A_605] {strides = array<i32>} : memref<128x128xf32, #tpu.memory_space<vmem>>, vector<1x16xf32>,
        %swap3A_607 = vector.shape_cast %swap3A_606 : vector<1x16xf32> to vector<16xf32>
        %swap3A_608 = vector.shape_cast %mul3A_603 : vector<16xf32> to vector<1x16xf32>
        tpu.vector_store %arg27[%swap3A_604, %swap3A_605], %swap3A_608 {strides = array<i32>} : memref<128x128xf32, #tpu.memory_space<vmem>>, vector<1x16xf32>,
        %get3A_609 = arith.index_cast %add3A_581 : i32 to index
        %get3A_610 = arith.constant 32 : index
        %get3A_611 = tpu.vector_load %arg27[%get3A_609, %get3A_610] {strides = array<i32>} : memref<128x128xf32, #tpu.memory_space<vmem>>, vector<1x16xf32>,
        %get3A_612 = vector.shape_cast %get3A_611 : vector<1x16xf32> to vector<16xf32>
        %mul3A_613 = vector.broadcast %squeeze3A_586 : f32 to vector<16xf32>
        %mul3A_614 = arith.mulf %get3A_612, %mul3A_613 : vector<16xf32>
        %swap3A_615 = arith.index_cast %add3A_581 : i32 to index
        %swap3A_616 = arith.constant 32 : index
        %swap3A_617 = tpu.vector_load %arg27[%swap3A_615, %swap3A_616] {strides = array<i32>} : memref<128x128xf32, #tpu.memory_space<vmem>>, vector<1x16xf32>,
        %swap3A_618 = vector.shape_cast %swap3A_617 : vector<1x16xf32> to vector<16xf32>
        %swap3A_619 = vector.shape_cast %mul3A_614 : vector<16xf32> to vector<1x16xf32>
        tpu.vector_store %arg27[%swap3A_615, %swap3A_616], %swap3A_619 {strides = array<i32>} : memref<128x128xf32, #tpu.memory_space<vmem>>, vector<1x16xf32>,
        %get3A_620 = arith.index_cast %add3A_581 : i32 to index
        %get3A_621 = arith.constant 48 : index
        %get3A_622 = tpu.vector_load %arg27[%get3A_620, %get3A_621] {strides = array<i32>} : memref<128x128xf32, #tpu.memory_space<vmem>>, vector<1x16xf32>,
        %get3A_623 = vector.shape_cast %get3A_622 : vector<1x16xf32> to vector<16xf32>
        %mul3A_624 = vector.broadcast %squeeze3A_586 : f32 to vector<16xf32>
        %mul3A_625 = arith.mulf %get3A_623, %mul3A_624 : vector<16xf32>
        %swap3A_626 = arith.index_cast %add3A_581 : i32 to index
        %swap3A_627 = arith.constant 48 : index
        %swap3A_628 = tpu.vector_load %arg27[%swap3A_626, %swap3A_627] {strides = array<i32>} : memref<128x128xf32, #tpu.memory_space<vmem>>, vector<1x16xf32>,
        %swap3A_629 = vector.shape_cast %swap3A_628 : vector<1x16xf32> to vector<16xf32>
        %swap3A_630 = vector.shape_cast %mul3A_625 : vector<16xf32> to vector<1x16xf32>
        tpu.vector_store %arg27[%swap3A_626, %swap3A_627], %swap3A_630 {strides = array<i32>} : memref<128x128xf32, #tpu.memory_space<vmem>>, vector<1x16xf32>,
        %get3A_631 = arith.index_cast %add3A_581 : i32 to index
        %get3A_632 = arith.constant 64 : index
        %get3A_633 = tpu.vector_load %arg27[%get3A_631, %get3A_632] {strides = array<i32>} : memref<128x128xf32, #tpu.memory_space<vmem>>, vector<1x16xf32>,
        %get3A_634 = vector.shape_cast %get3A_633 : vector<1x16xf32> to vector<16xf32>
        %mul3A_635 = vector.broadcast %squeeze3A_586 : f32 to vector<16xf32>
        %mul3A_636 = arith.mulf %get3A_634, %mul3A_635 : vector<16xf32>
        %swap3A_637 = arith.index_cast %add3A_581 : i32 to index
        %swap3A_638 = arith.constant 64 : index
        %swap3A_639 = tpu.vector_load %arg27[%swap3A_637, %swap3A_638] {strides = array<i32>} : memref<128x128xf32, #tpu.memory_space<vmem>>, vector<1x16xf32>,
        %swap3A_640 = vector.shape_cast %swap3A_639 : vector<1x16xf32> to vector<16xf32>
        %swap3A_641 = vector.shape_cast %mul3A_636 : vector<16xf32> to vector<1x16xf32>
        tpu.vector_store %arg27[%swap3A_637, %swap3A_638], %swap3A_641 {strides = array<i32>} : memref<128x128xf32, #tpu.memory_space<vmem>>, vector<1x16xf32>,
        %get3A_642 = arith.index_cast %add3A_581 : i32 to index
        %get3A_643 = arith.constant 80 : index
        %get3A_644 = tpu.vector_load %arg27[%get3A_642, %get3A_643] {strides = array<i32>} : memref<128x128xf32, #tpu.memory_space<vmem>>, vector<1x16xf32>,
        %get3A_645 = vector.shape_cast %get3A_644 : vector<1x16xf32> to vector<16xf32>
        %mul3A_646 = vector.broadcast %squeeze3A_586 : f32 to vector<16xf32>
        %mul3A_647 = arith.mulf %get3A_645, %mul3A_646 : vector<16xf32>
        %swap3A_648 = arith.index_cast %add3A_581 : i32 to index
        %swap3A_649 = arith.constant 80 : index
        %swap3A_650 = tpu.vector_load %arg27[%swap3A_648, %swap3A_649] {strides = array<i32>} : memref<128x128xf32, #tpu.memory_space<vmem>>, vector<1x16xf32>,
        %swap3A_651 = vector.shape_cast %swap3A_650 : vector<1x16xf32> to vector<16xf32>
        %swap3A_652 = vector.shape_cast %mul3A_647 : vector<16xf32> to vector<1x16xf32>
        tpu.vector_store %arg27[%swap3A_648, %swap3A_649], %swap3A_652 {strides = array<i32>} : memref<128x128xf32, #tpu.memory_space<vmem>>, vector<1x16xf32>,
        %get3A_653 = arith.index_cast %add3A_581 : i32 to index
        %get3A_654 = arith.constant 96 : index
        %get3A_655 = tpu.vector_load %arg27[%get3A_653, %get3A_654] {strides = array<i32>} : memref<128x128xf32, #tpu.memory_space<vmem>>, vector<1x16xf32>,
        %get3A_656 = vector.shape_cast %get3A_655 : vector<1x16xf32> to vector<16xf32>
        %mul3A_657 = vector.broadcast %squeeze3A_586 : f32 to vector<16xf32>
        %mul3A_658 = arith.mulf %get3A_656, %mul3A_657 : vector<16xf32>
        %swap3A_659 = arith.index_cast %add3A_581 : i32 to index
        %swap3A_660 = arith.constant 96 : index
        %swap3A_661 = tpu.vector_load %arg27[%swap3A_659, %swap3A_660] {strides = array<i32>} : memref<128x128xf32, #tpu.memory_space<vmem>>, vector<1x16xf32>,
        %swap3A_662 = vector.shape_cast %swap3A_661 : vector<1x16xf32> to vector<16xf32>
        %swap3A_663 = vector.shape_cast %mul3A_658 : vector<16xf32> to vector<1x16xf32>
        tpu.vector_store %arg27[%swap3A_659, %swap3A_660], %swap3A_663 {strides = array<i32>} : memref<128x128xf32, #tpu.memory_space<vmem>>, vector<1x16xf32>,
        %get3A_664 = arith.index_cast %add3A_581 : i32 to index
        %get3A_665 = arith.constant 112 : index
        %get3A_666 = tpu.vector_load %arg27[%get3A_664, %get3A_665] {strides = array<i32>} : memref<128x128xf32, #tpu.memory_space<vmem>>, vector<1x16xf32>,
        %get3A_667 = vector.shape_cast %get3A_666 : vector<1x16xf32> to vector<16xf32>
        %mul3A_668 = vector.broadcast %squeeze3A_586 : f32 to vector<16xf32>
        %mul3A_669 = arith.mulf %get3A_667, %mul3A_668 : vector<16xf32>
        %swap3A_670 = arith.index_cast %add3A_581 : i32 to index
        %swap3A_671 = arith.constant 112 : index
        %swap3A_672 = tpu.vector_load %arg27[%swap3A_670, %swap3A_671] {strides = array<i32>} : memref<128x128xf32, #tpu.memory_space<vmem>>, vector<1x16xf32>,
        %swap3A_673 = vector.shape_cast %swap3A_672 : vector<1x16xf32> to vector<16xf32>
        %swap3A_674 = vector.shape_cast %mul3A_669 : vector<16xf32> to vector<1x16xf32>
        tpu.vector_store %arg27[%swap3A_670, %swap3A_671], %swap3A_674 {strides = array<i32>} : memref<128x128xf32, #tpu.memory_space<vmem>>, vector<1x16xf32>,
        %mul3A_675 = arith.constant 4 : i32
        %mul3A_676 = arith.muli %scan3A_481, %mul3A_675 : i32
        %add3A_677 = arith.constant 2 : i32
        %add3A_678 = arith.addi %mul3A_676, %add3A_677 : i32
        %get3A_679 = arith.index_cast %add3A_678 : i32 to index
        %get3A_680 = tpu.vector_load %arg26[%get3A_679] {strides = array<i32>} : memref<144xf32, #tpu.memory_space<vmem>>, vector<16xf32>,
        %get3A_681 = vector.shape_cast %get3A_680 : vector<16xf32> to vector<16xf32>
        %slice3A_682 = vector.extract_strided_slice %get3A_681 {offsets = [0], sizes = [1], strides = [1]} : vector<16xf32> to vector<1xf32>
        %squeeze3A_683 = vector.extract %slice3A_682[0] : f32 from vector<1xf32>
        %get3A_684 = arith.index_cast %add3A_678 : i32 to index
        %get3A_685 = arith.constant 0 : index
        %get3A_686 = tpu.vector_load %arg27[%get3A_684, %get3A_685] {strides = array<i32>} : memref<128x128xf32, #tpu.memory_space<vmem>>, vector<1x16xf32>,
        %get3A_687 = vector.shape_cast %get3A_686 : vector<1x16xf32> to vector<16xf32>
        %mul3A_688 = vector.broadcast %squeeze3A_683 : f32 to vector<16xf32>
        %mul3A_689 = arith.mulf %get3A_687, %mul3A_688 : vector<16xf32>
        %swap3A_690 = arith.index_cast %add3A_678 : i32 to index
        %swap3A_691 = arith.constant 0 : index
        %swap3A_692 = tpu.vector_load %arg27[%swap3A_690, %swap3A_691] {strides = array<i32>} : memref<128x128xf32, #tpu.memory_space<vmem>>, vector<1x16xf32>,
        %swap3A_693 = vector.shape_cast %swap3A_692 : vector<1x16xf32> to vector<16xf32>
        %swap3A_694 = vector.shape_cast %mul3A_689 : vector<16xf32> to vector<1x16xf32>
        tpu.vector_store %arg27[%swap3A_690, %swap3A_691], %swap3A_694 {strides = array<i32>} : memref<128x128xf32, #tpu.memory_space<vmem>>, vector<1x16xf32>,
        %get3A_695 = arith.index_cast %add3A_678 : i32 to index
        %get3A_696 = arith.constant 16 : index
        %get3A_697 = tpu.vector_load %arg27[%get3A_695, %get3A_696] {strides = array<i32>} : memref<128x128xf32, #tpu.memory_space<vmem>>, vector<1x16xf32>,
        %get3A_698 = vector.shape_cast %get3A_697 : vector<1x16xf32> to vector<16xf32>
        %mul3A_699 = vector.broadcast %squeeze3A_683 : f32 to vector<16xf32>
        %mul3A_700 = arith.mulf %get3A_698, %mul3A_699 : vector<16xf32>
        %swap3A_701 = arith.index_cast %add3A_678 : i32 to index
        %swap3A_702 = arith.constant 16 : index
        %swap3A_703 = tpu.vector_load %arg27[%swap3A_701, %swap3A_702] {strides = array<i32>} : memref<128x128xf32, #tpu.memory_space<vmem>>, vector<1x16xf32>,
        %swap3A_704 = vector.shape_cast %swap3A_703 : vector<1x16xf32> to vector<16xf32>
        %swap3A_705 = vector.shape_cast %mul3A_700 : vector<16xf32> to vector<1x16xf32>
        tpu.vector_store %arg27[%swap3A_701, %swap3A_702], %swap3A_705 {strides = array<i32>} : memref<128x128xf32, #tpu.memory_space<vmem>>, vector<1x16xf32>,
        %get3A_706 = arith.index_cast %add3A_678 : i32 to index
        %get3A_707 = arith.constant 32 : index
        %get3A_708 = tpu.vector_load %arg27[%get3A_706, %get3A_707] {strides = array<i32>} : memref<128x128xf32, #tpu.memory_space<vmem>>, vector<1x16xf32>,
        %get3A_709 = vector.shape_cast %get3A_708 : vector<1x16xf32> to vector<16xf32>
        %mul3A_710 = vector.broadcast %squeeze3A_683 : f32 to vector<16xf32>
        %mul3A_711 = arith.mulf %get3A_709, %mul3A_710 : vector<16xf32>
        %swap3A_712 = arith.index_cast %add3A_678 : i32 to index
        %swap3A_713 = arith.constant 32 : index
        %swap3A_714 = tpu.vector_load %arg27[%swap3A_712, %swap3A_713] {strides = array<i32>} : memref<128x128xf32, #tpu.memory_space<vmem>>, vector<1x16xf32>,
        %swap3A_715 = vector.shape_cast %swap3A_714 : vector<1x16xf32> to vector<16xf32>
        %swap3A_716 = vector.shape_cast %mul3A_711 : vector<16xf32> to vector<1x16xf32>
        tpu.vector_store %arg27[%swap3A_712, %swap3A_713], %swap3A_716 {strides = array<i32>} : memref<128x128xf32, #tpu.memory_space<vmem>>, vector<1x16xf32>,
        %get3A_717 = arith.index_cast %add3A_678 : i32 to index
        %get3A_718 = arith.constant 48 : index
        %get3A_719 = tpu.vector_load %arg27[%get3A_717, %get3A_718] {strides = array<i32>} : memref<128x128xf32, #tpu.memory_space<vmem>>, vector<1x16xf32>,
        %get3A_720 = vector.shape_cast %get3A_719 : vector<1x16xf32> to vector<16xf32>
        %mul3A_721 = vector.broadcast %squeeze3A_683 : f32 to vector<16xf32>
        %mul3A_722 = arith.mulf %get3A_720, %mul3A_721 : vector<16xf32>
        %swap3A_723 = arith.index_cast %add3A_678 : i32 to index
        %swap3A_724 = arith.constant 48 : index
        %swap3A_725 = tpu.vector_load %arg27[%swap3A_723, %swap3A_724] {strides = array<i32>} : memref<128x128xf32, #tpu.memory_space<vmem>>, vector<1x16xf32>,
        %swap3A_726 = vector.shape_cast %swap3A_725 : vector<1x16xf32> to vector<16xf32>
        %swap3A_727 = vector.shape_cast %mul3A_722 : vector<16xf32> to vector<1x16xf32>
        tpu.vector_store %arg27[%swap3A_723, %swap3A_724], %swap3A_727 {strides = array<i32>} : memref<128x128xf32, #tpu.memory_space<vmem>>, vector<1x16xf32>,
        %get3A_728 = arith.index_cast %add3A_678 : i32 to index
        %get3A_729 = arith.constant 64 : index
        %get3A_730 = tpu.vector_load %arg27[%get3A_728, %get3A_729] {strides = array<i32>} : memref<128x128xf32, #tpu.memory_space<vmem>>, vector<1x16xf32>,
        %get3A_731 = vector.shape_cast %get3A_730 : vector<1x16xf32> to vector<16xf32>
        %mul3A_732 = vector.broadcast %squeeze3A_683 : f32 to vector<16xf32>
        %mul3A_733 = arith.mulf %get3A_731, %mul3A_732 : vector<16xf32>
        %swap3A_734 = arith.index_cast %add3A_678 : i32 to index
        %swap3A_735 = arith.constant 64 : index
        %swap3A_736 = tpu.vector_load %arg27[%swap3A_734, %swap3A_735] {strides = array<i32>} : memref<128x128xf32, #tpu.memory_space<vmem>>, vector<1x16xf32>,
        %swap3A_737 = vector.shape_cast %swap3A_736 : vector<1x16xf32> to vector<16xf32>
        %swap3A_738 = vector.shape_cast %mul3A_733 : vector<16xf32> to vector<1x16xf32>
        tpu.vector_store %arg27[%swap3A_734, %swap3A_735], %swap3A_738 {strides = array<i32>} : memref<128x128xf32, #tpu.memory_space<vmem>>, vector<1x16xf32>,
        %get3A_739 = arith.index_cast %add3A_678 : i32 to index
        %get3A_740 = arith.constant 80 : index
        %get3A_741 = tpu.vector_load %arg27[%get3A_739, %get3A_740] {strides = array<i32>} : memref<128x128xf32, #tpu.memory_space<vmem>>, vector<1x16xf32>,
        %get3A_742 = vector.shape_cast %get3A_741 : vector<1x16xf32> to vector<16xf32>
        %mul3A_743 = vector.broadcast %squeeze3A_683 : f32 to vector<16xf32>
        %mul3A_744 = arith.mulf %get3A_742, %mul3A_743 : vector<16xf32>
        %swap3A_745 = arith.index_cast %add3A_678 : i32 to index
        %swap3A_746 = arith.constant 80 : index
        %swap3A_747 = tpu.vector_load %arg27[%swap3A_745, %swap3A_746] {strides = array<i32>} : memref<128x128xf32, #tpu.memory_space<vmem>>, vector<1x16xf32>,
        %swap3A_748 = vector.shape_cast %swap3A_747 : vector<1x16xf32> to vector<16xf32>
        %swap3A_749 = vector.shape_cast %mul3A_744 : vector<16xf32> to vector<1x16xf32>
        tpu.vector_store %arg27[%swap3A_745, %swap3A_746], %swap3A_749 {strides = array<i32>} : memref<128x128xf32, #tpu.memory_space<vmem>>, vector<1x16xf32>,
        %get3A_750 = arith.index_cast %add3A_678 : i32 to index
        %get3A_751 = arith.constant 96 : index
        %get3A_752 = tpu.vector_load %arg27[%get3A_750, %get3A_751] {strides = array<i32>} : memref<128x128xf32, #tpu.memory_space<vmem>>, vector<1x16xf32>,
        %get3A_753 = vector.shape_cast %get3A_752 : vector<1x16xf32> to vector<16xf32>
        %mul3A_754 = vector.broadcast %squeeze3A_683 : f32 to vector<16xf32>
        %mul3A_755 = arith.mulf %get3A_753, %mul3A_754 : vector<16xf32>
        %swap3A_756 = arith.index_cast %add3A_678 : i32 to index
        %swap3A_757 = arith.constant 96 : index
        %swap3A_758 = tpu.vector_load %arg27[%swap3A_756, %swap3A_757] {strides = array<i32>} : memref<128x128xf32, #tpu.memory_space<vmem>>, vector<1x16xf32>,
        %swap3A_759 = vector.shape_cast %swap3A_758 : vector<1x16xf32> to vector<16xf32>
        %swap3A_760 = vector.shape_cast %mul3A_755 : vector<16xf32> to vector<1x16xf32>
        tpu.vector_store %arg27[%swap3A_756, %swap3A_757], %swap3A_760 {strides = array<i32>} : memref<128x128xf32, #tpu.memory_space<vmem>>, vector<1x16xf32>,
        %get3A_761 = arith.index_cast %add3A_678 : i32 to index
        %get3A_762 = arith.constant 112 : index
        %get3A_763 = tpu.vector_load %arg27[%get3A_761, %get3A_762] {strides = array<i32>} : memref<128x128xf32, #tpu.memory_space<vmem>>, vector<1x16xf32>,
        %get3A_764 = vector.shape_cast %get3A_763 : vector<1x16xf32> to vector<16xf32>
        %mul3A_765 = vector.broadcast %squeeze3A_683 : f32 to vector<16xf32>
        %mul3A_766 = arith.mulf %get3A_764, %mul3A_765 : vector<16xf32>
        %swap3A_767 = arith.index_cast %add3A_678 : i32 to index
        %swap3A_768 = arith.constant 112 : index
        %swap3A_769 = tpu.vector_load %arg27[%swap3A_767, %swap3A_768] {strides = array<i32>} : memref<128x128xf32, #tpu.memory_space<vmem>>, vector<1x16xf32>,
        %swap3A_770 = vector.shape_cast %swap3A_769 : vector<1x16xf32> to vector<16xf32>
        %swap3A_771 = vector.shape_cast %mul3A_766 : vector<16xf32> to vector<1x16xf32>
        tpu.vector_store %arg27[%swap3A_767, %swap3A_768], %swap3A_771 {strides = array<i32>} : memref<128x128xf32, #tpu.memory_space<vmem>>, vector<1x16xf32>,
        %mul3A_772 = arith.constant 4 : i32
        %mul3A_773 = arith.muli %scan3A_481, %mul3A_772 : i32
        %add3A_774 = arith.constant 3 : i32
        %add3A_775 = arith.addi %mul3A_773, %add3A_774 : i32
        %get3A_776 = arith.index_cast %add3A_775 : i32 to index
        %get3A_777 = tpu.vector_load %arg26[%get3A_776] {strides = array<i32>} : memref<144xf32, #tpu.memory_space<vmem>>, vector<16xf32>,
        %get3A_778 = vector.shape_cast %get3A_777 : vector<16xf32> to vector<16xf32>
        %slice3A_779 = vector.extract_strided_slice %get3A_778 {offsets = [0], sizes = [1], strides = [1]} : vector<16xf32> to vector<1xf32>
        %squeeze3A_780 = vector.extract %slice3A_779[0] : f32 from vector<1xf32>
        %get3A_781 = arith.index_cast %add3A_775 : i32 to index
        %get3A_782 = arith.constant 0 : index
        %get3A_783 = tpu.vector_load %arg27[%get3A_781, %get3A_782] {strides = array<i32>} : memref<128x128xf32, #tpu.memory_space<vmem>>, vector<1x16xf32>,
        %get3A_784 = vector.shape_cast %get3A_783 : vector<1x16xf32> to vector<16xf32>
        %mul3A_785 = vector.broadcast %squeeze3A_780 : f32 to vector<16xf32>
        %mul3A_786 = arith.mulf %get3A_784, %mul3A_785 : vector<16xf32>
        %swap3A_787 = arith.index_cast %add3A_775 : i32 to index
        %swap3A_788 = arith.constant 0 : index
        %swap3A_789 = tpu.vector_load %arg27[%swap3A_787, %swap3A_788] {strides = array<i32>} : memref<128x128xf32, #tpu.memory_space<vmem>>, vector<1x16xf32>,
        %swap3A_790 = vector.shape_cast %swap3A_789 : vector<1x16xf32> to vector<16xf32>
        %swap3A_791 = vector.shape_cast %mul3A_786 : vector<16xf32> to vector<1x16xf32>
        tpu.vector_store %arg27[%swap3A_787, %swap3A_788], %swap3A_791 {strides = array<i32>} : memref<128x128xf32, #tpu.memory_space<vmem>>, vector<1x16xf32>,
        %get3A_792 = arith.index_cast %add3A_775 : i32 to index
        %get3A_793 = arith.constant 16 : index
        %get3A_794 = tpu.vector_load %arg27[%get3A_792, %get3A_793] {strides = array<i32>} : memref<128x128xf32, #tpu.memory_space<vmem>>, vector<1x16xf32>,
        %get3A_795 = vector.shape_cast %get3A_794 : vector<1x16xf32> to vector<16xf32>
        %mul3A_796 = vector.broadcast %squeeze3A_780 : f32 to vector<16xf32>
        %mul3A_797 = arith.mulf %get3A_795, %mul3A_796 : vector<16xf32>
        %swap3A_798 = arith.index_cast %add3A_775 : i32 to index
        %swap3A_799 = arith.constant 16 : index
        %swap3A_800 = tpu.vector_load %arg27[%swap3A_798, %swap3A_799] {strides = array<i32>} : memref<128x128xf32, #tpu.memory_space<vmem>>, vector<1x16xf32>,
        %swap3A_801 = vector.shape_cast %swap3A_800 : vector<1x16xf32> to vector<16xf32>
        %swap3A_802 = vector.shape_cast %mul3A_797 : vector<16xf32> to vector<1x16xf32>
        tpu.vector_store %arg27[%swap3A_798, %swap3A_799], %swap3A_802 {strides = array<i32>} : memref<128x128xf32, #tpu.memory_space<vmem>>, vector<1x16xf32>,
        %get3A_803 = arith.index_cast %add3A_775 : i32 to index
        %get3A_804 = arith.constant 32 : index
        %get3A_805 = tpu.vector_load %arg27[%get3A_803, %get3A_804] {strides = array<i32>} : memref<128x128xf32, #tpu.memory_space<vmem>>, vector<1x16xf32>,
        %get3A_806 = vector.shape_cast %get3A_805 : vector<1x16xf32> to vector<16xf32>
        %mul3A_807 = vector.broadcast %squeeze3A_780 : f32 to vector<16xf32>
        %mul3A_808 = arith.mulf %get3A_806, %mul3A_807 : vector<16xf32>
        %swap3A_809 = arith.index_cast %add3A_775 : i32 to index
        %swap3A_810 = arith.constant 32 : index
        %swap3A_811 = tpu.vector_load %arg27[%swap3A_809, %swap3A_810] {strides = array<i32>} : memref<128x128xf32, #tpu.memory_space<vmem>>, vector<1x16xf32>,
        %swap3A_812 = vector.shape_cast %swap3A_811 : vector<1x16xf32> to vector<16xf32>
        %swap3A_813 = vector.shape_cast %mul3A_808 : vector<16xf32> to vector<1x16xf32>
        tpu.vector_store %arg27[%swap3A_809, %swap3A_810], %swap3A_813 {strides = array<i32>} : memref<128x128xf32, #tpu.memory_space<vmem>>, vector<1x16xf32>,
        %get3A_814 = arith.index_cast %add3A_775 : i32 to index
        %get3A_815 = arith.constant 48 : index
        %get3A_816 = tpu.vector_load %arg27[%get3A_814, %get3A_815] {strides = array<i32>} : memref<128x128xf32, #tpu.memory_space<vmem>>, vector<1x16xf32>,
        %get3A_817 = vector.shape_cast %get3A_816 : vector<1x16xf32> to vector<16xf32>
        %mul3A_818 = vector.broadcast %squeeze3A_780 : f32 to vector<16xf32>
        %mul3A_819 = arith.mulf %get3A_817, %mul3A_818 : vector<16xf32>
        %swap3A_820 = arith.index_cast %add3A_775 : i32 to index
        %swap3A_821 = arith.constant 48 : index
        %swap3A_822 = tpu.vector_load %arg27[%swap3A_820, %swap3A_821] {strides = array<i32>} : memref<128x128xf32, #tpu.memory_space<vmem>>, vector<1x16xf32>,
        %swap3A_823 = vector.shape_cast %swap3A_822 : vector<1x16xf32> to vector<16xf32>
        %swap3A_824 = vector.shape_cast %mul3A_819 : vector<16xf32> to vector<1x16xf32>
        tpu.vector_store %arg27[%swap3A_820, %swap3A_821], %swap3A_824 {strides = array<i32>} : memref<128x128xf32, #tpu.memory_space<vmem>>, vector<1x16xf32>,
        %get3A_825 = arith.index_cast %add3A_775 : i32 to index
        %get3A_826 = arith.constant 64 : index
        %get3A_827 = tpu.vector_load %arg27[%get3A_825, %get3A_826] {strides = array<i32>} : memref<128x128xf32, #tpu.memory_space<vmem>>, vector<1x16xf32>,
        %get3A_828 = vector.shape_cast %get3A_827 : vector<1x16xf32> to vector<16xf32>
        %mul3A_829 = vector.broadcast %squeeze3A_780 : f32 to vector<16xf32>
        %mul3A_830 = arith.mulf %get3A_828, %mul3A_829 : vector<16xf32>
        %swap3A_831 = arith.index_cast %add3A_775 : i32 to index
        %swap3A_832 = arith.constant 64 : index
        %swap3A_833 = tpu.vector_load %arg27[%swap3A_831, %swap3A_832] {strides = array<i32>} : memref<128x128xf32, #tpu.memory_space<vmem>>, vector<1x16xf32>,
        %swap3A_834 = vector.shape_cast %swap3A_833 : vector<1x16xf32> to vector<16xf32>
        %swap3A_835 = vector.shape_cast %mul3A_830 : vector<16xf32> to vector<1x16xf32>
        tpu.vector_store %arg27[%swap3A_831, %swap3A_832], %swap3A_835 {strides = array<i32>} : memref<128x128xf32, #tpu.memory_space<vmem>>, vector<1x16xf32>,
        %get3A_836 = arith.index_cast %add3A_775 : i32 to index
        %get3A_837 = arith.constant 80 : index
        %get3A_838 = tpu.vector_load %arg27[%get3A_836, %get3A_837] {strides = array<i32>} : memref<128x128xf32, #tpu.memory_space<vmem>>, vector<1x16xf32>,
        %get3A_839 = vector.shape_cast %get3A_838 : vector<1x16xf32> to vector<16xf32>
        %mul3A_840 = vector.broadcast %squeeze3A_780 : f32 to vector<16xf32>
        %mul3A_841 = arith.mulf %get3A_839, %mul3A_840 : vector<16xf32>
        %swap3A_842 = arith.index_cast %add3A_775 : i32 to index
        %swap3A_843 = arith.constant 80 : index
        %swap3A_844 = tpu.vector_load %arg27[%swap3A_842, %swap3A_843] {strides = array<i32>} : memref<128x128xf32, #tpu.memory_space<vmem>>, vector<1x16xf32>,
        %swap3A_845 = vector.shape_cast %swap3A_844 : vector<1x16xf32> to vector<16xf32>
        %swap3A_846 = vector.shape_cast %mul3A_841 : vector<16xf32> to vector<1x16xf32>
        tpu.vector_store %arg27[%swap3A_842, %swap3A_843], %swap3A_846 {strides = array<i32>} : memref<128x128xf32, #tpu.memory_space<vmem>>, vector<1x16xf32>,
        %get3A_847 = arith.index_cast %add3A_775 : i32 to index
        %get3A_848 = arith.constant 96 : index
        %get3A_849 = tpu.vector_load %arg27[%get3A_847, %get3A_848] {strides = array<i32>} : memref<128x128xf32, #tpu.memory_space<vmem>>, vector<1x16xf32>,
        %get3A_850 = vector.shape_cast %get3A_849 : vector<1x16xf32> to vector<16xf32>
        %mul3A_851 = vector.broadcast %squeeze3A_780 : f32 to vector<16xf32>
        %mul3A_852 = arith.mulf %get3A_850, %mul3A_851 : vector<16xf32>
        %swap3A_853 = arith.index_cast %add3A_775 : i32 to index
        %swap3A_854 = arith.constant 96 : index
        %swap3A_855 = tpu.vector_load %arg27[%swap3A_853, %swap3A_854] {strides = array<i32>} : memref<128x128xf32, #tpu.memory_space<vmem>>, vector<1x16xf32>,
        %swap3A_856 = vector.shape_cast %swap3A_855 : vector<1x16xf32> to vector<16xf32>
        %swap3A_857 = vector.shape_cast %mul3A_852 : vector<16xf32> to vector<1x16xf32>
        tpu.vector_store %arg27[%swap3A_853, %swap3A_854], %swap3A_857 {strides = array<i32>} : memref<128x128xf32, #tpu.memory_space<vmem>>, vector<1x16xf32>,
        %get3A_858 = arith.index_cast %add3A_775 : i32 to index
        %get3A_859 = arith.constant 112 : index
        %get3A_860 = tpu.vector_load %arg27[%get3A_858, %get3A_859] {strides = array<i32>} : memref<128x128xf32, #tpu.memory_space<vmem>>, vector<1x16xf32>,
        %get3A_861 = vector.shape_cast %get3A_860 : vector<1x16xf32> to vector<16xf32>
        %mul3A_862 = vector.broadcast %squeeze3A_780 : f32 to vector<16xf32>
        %mul3A_863 = arith.mulf %get3A_861, %mul3A_862 : vector<16xf32>
        %swap3A_864 = arith.index_cast %add3A_775 : i32 to index
        %swap3A_865 = arith.constant 112 : index
        %swap3A_866 = tpu.vector_load %arg27[%swap3A_864, %swap3A_865] {strides = array<i32>} : memref<128x128xf32, #tpu.memory_space<vmem>>, vector<1x16xf32>,
        %swap3A_867 = vector.shape_cast %swap3A_866 : vector<1x16xf32> to vector<16xf32>
        %swap3A_868 = vector.shape_cast %mul3A_863 : vector<16xf32> to vector<1x16xf32>
        tpu.vector_store %arg27[%swap3A_864, %swap3A_865], %swap3A_868 {strides = array<i32>} : memref<128x128xf32, #tpu.memory_space<vmem>>, vector<1x16xf32>,
        %scan3A_869 = arith.constant 0 : i32
        scf.yield %scan3A_869 : i32
      }
      %scan3A_470 = arith.constant 32 : i32
      %dma_start3A_471 = arith.constant 0 : i32
      %dma_start3A_472 = tpu.memref_slice %arg29[%dma_start3A_471] : memref<10240xf32, #tpu.memory_space<vmem_shared>> -> memref<10240xf32, #tpu.memory_space<vmem_shared>>
      tpu.enqueue_indirect_dma source(%arg25 : memref<128xf32, #tpu.memory_space<vmem>>) target(%dma_start3A_472 : memref<10240xf32, #tpu.memory_space<vmem_shared>>) offsets(%arg17 : memref<128xi32, #tpu.memory_space<vmem>>) semaphore(%arg39 : memref<!tpu.dma_semaphore, #tpu.memory_space<semaphore_mem>>) {add = true}
      "tpu.region"() ({
        %run_scoped3A = tpu.sem_alloc : memref<!tpu.dma_semaphore, #tpu.memory_space<semaphore_mem>>
        %dma_start3A_481 = arith.constant 0 : i32
        %dma_start3A_482 = arith.constant 0 : i32
        %dma_start3A_483 = tpu.memref_slice %arg28[%dma_start3A_481, %dma_start3A_482] : memref<10240x128xf32, #tpu.memory_space<vmem_shared>> -> memref<10240x128xf32, #tpu.memory_space<vmem_shared>>
        tpu.enqueue_indirect_dma source(%arg27 : memref<128x128xf32, #tpu.memory_space<vmem>>) target(%dma_start3A_483 : memref<10240x128xf32, #tpu.memory_space<vmem_shared>>) offsets(%arg17 : memref<128xi32, #tpu.memory_space<vmem>>) semaphore(%run_scoped3A : memref<!tpu.dma_semaphore, #tpu.memory_space<semaphore_mem>>) {add = true}
        %dma_wait3A_484 = arith.constant 0 : i32
        %dma_wait3A_485 = arith.constant 0 : i32
        %dma_wait3A_486 = tpu.memref_slice %arg28[%dma_wait3A_484, %dma_wait3A_485] : memref<10240x128xf32, #tpu.memory_space<vmem_shared>> -> memref<10240x128xf32, #tpu.memory_space<vmem_shared>>
        tpu.wait_indirect_dma semaphore(%run_scoped3A : memref<!tpu.dma_semaphore, #tpu.memory_space<semaphore_mem>>) src(%arg27 : memref<128x128xf32, #tpu.memory_space<vmem>>) dst(%dma_wait3A_486 : memref<10240x128xf32, #tpu.memory_space<vmem_shared>>)
        tpu.yield
      }) : () -> ()
      %add3A_473 = arith.constant 2 : i32
      %add3A_474 = arith.addi %add3A_47, %add3A_473 : i32
      %lt3A_475 = arith.constant 160 : i32
      %lt3A_476 = arith.cmpi slt, %add3A_474, %lt3A_475 : i32
      %convert_element_type3A_477 = arith.extui %lt3A_476 : i1 to i32
      %cond3A_478 = arith.constant 0 : i32
      %cond3A_479 = arith.cmpi ne, %convert_element_type3A_477, %cond3A_478 : i32
      scf.if %cond3A_479 {
        %dma_wait3A_481 = arith.constant 0 : i32
        %dma_wait3A_482 = tpu.memref_slice %arg29[%dma_wait3A_481] : memref<10240xf32, #tpu.memory_space<vmem_shared>> -> memref<10240xf32, #tpu.memory_space<vmem_shared>>
        tpu.wait_indirect_dma semaphore(%arg39 : memref<!tpu.dma_semaphore, #tpu.memory_space<semaphore_mem>>) src(%arg25 : memref<128xf32, #tpu.memory_space<vmem>>) dst(%dma_wait3A_482 : memref<10240xf32, #tpu.memory_space<vmem_shared>>)
        %add3A_483 = arith.constant 2 : i32
        %add3A_484 = arith.addi %add3A_47, %add3A_483 : i32
        %mul3A_485 = arith.constant 128 : i32
        %mul3A_486 = arith.muli %add3A_484, %mul3A_485 : i32
        %add3A_487 = arith.addi %mul3A_4, %mul3A_486 : i32
        %dma_start3A_488 = tpu.memref_slice %arg2[%add3A_487] : memref<327680xi32, #tpu.memory_space<hbm>> -> memref<128xi32, #tpu.memory_space<hbm>>
        %dma_start3A_489 = tpu.memref_slice %arg2[%add3A_487] : memref<327680xi32, #tpu.memory_space<hbm>> -> memref<128xi32, #tpu.memory_space<hbm>>
        tpu.enqueue_dma source(%dma_start3A_489 : memref<128xi32, #tpu.memory_space<hbm>>) target(%arg16 : memref<128xi32, #tpu.memory_space<vmem>>) target_semaphore(%arg37 : memref<!tpu.dma_semaphore, #tpu.memory_space<semaphore_mem>>)
        %dma_start3A_490 = tpu.memref_slice %arg3[%add3A_487] : memref<327680xi32, #tpu.memory_space<hbm>> -> memref<128xi32, #tpu.memory_space<hbm>>
        %dma_start3A_491 = tpu.memref_slice %arg3[%add3A_487] : memref<327680xi32, #tpu.memory_space<hbm>> -> memref<128xi32, #tpu.memory_space<hbm>>
        tpu.enqueue_dma source(%dma_start3A_491 : memref<128xi32, #tpu.memory_space<hbm>>) target(%arg17 : memref<128xi32, #tpu.memory_space<vmem>>) target_semaphore(%arg37 : memref<!tpu.dma_semaphore, #tpu.memory_space<semaphore_mem>>)
      } else {
      }
      %scan3A_480 = arith.constant 0 : i32
      scf.yield %scan3A_480 : i32
    }
    %scan3A_32 = arith.constant 80 : i32
    %dma_wait3A_33 = arith.constant 0 : i32
    %dma_wait3A_34 = tpu.memref_slice %arg29[%dma_wait3A_33] : memref<10240xf32, #tpu.memory_space<vmem_shared>> -> memref<10240xf32, #tpu.memory_space<vmem_shared>>
    tpu.wait_indirect_dma semaphore(%arg38 : memref<!tpu.dma_semaphore, #tpu.memory_space<semaphore_mem>>) src(%arg20 : memref<128xf32, #tpu.memory_space<vmem>>) dst(%dma_wait3A_34 : memref<10240xf32, #tpu.memory_space<vmem_shared>>)
    %dma_wait3A_35 = arith.constant 0 : i32
    %dma_wait3A_36 = tpu.memref_slice %arg29[%dma_wait3A_35] : memref<10240xf32, #tpu.memory_space<vmem_shared>> -> memref<10240xf32, #tpu.memory_space<vmem_shared>>
    tpu.wait_indirect_dma semaphore(%arg39 : memref<!tpu.dma_semaphore, #tpu.memory_space<semaphore_mem>>) src(%arg25 : memref<128xf32, #tpu.memory_space<vmem>>) dst(%dma_wait3A_36 : memref<10240xf32, #tpu.memory_space<vmem_shared>>)
    %barrier3A_37 = arith.constant 0 : index
    tpu.barrier barrier_id(%barrier3A_37)
    %add3A_38 = arith.addi %mul3A_2, %mul3A_0 : i32
    "tpu.region"() ({
      %run_scoped3A = tpu.sem_alloc : memref<!tpu.dma_semaphore, #tpu.memory_space<semaphore_mem>>
      %dma_start3A_40 = arith.constant 0 : i32
      %dma_start3A_41 = tpu.memref_slice %arg12[%add3A_38, %dma_start3A_40] : memref<20480x128xf32, #tpu.memory_space<hbm>> -> memref<640x128xf32, #tpu.memory_space<hbm>>
      %dma_start3A_42 = arith.constant 0 : i32
      %dma_start3A_43 = tpu.memref_slice %arg28[%mul3A_0, %dma_start3A_42] : memref<10240x128xf32, #tpu.memory_space<vmem_shared>> -> memref<640x128xf32, #tpu.memory_space<vmem_shared>>
      tpu.enqueue_dma source(%dma_start3A_43 : memref<640x128xf32, #tpu.memory_space<vmem_shared>>) target(%dma_start3A_41 : memref<640x128xf32, #tpu.memory_space<hbm>>) target_semaphore(%run_scoped3A : memref<!tpu.dma_semaphore, #tpu.memory_space<semaphore_mem>>)
      %dma_wait3A_44 = arith.constant 0 : i32
      %dma_wait3A_45 = tpu.memref_slice %arg12[%add3A_38, %dma_wait3A_44] : memref<20480x128xf32, #tpu.memory_space<hbm>> -> memref<640x128xf32, #tpu.memory_space<hbm>>
      %dma_wait3A_46 = arith.constant 0 : i32
      %dma_wait3A_47 = tpu.memref_slice %arg28[%mul3A_0, %dma_wait3A_46] : memref<10240x128xf32, #tpu.memory_space<vmem_shared>> -> memref<640x128xf32, #tpu.memory_space<vmem_shared>>
      tpu.wait_dma2 semaphore(%run_scoped3A : memref<!tpu.dma_semaphore, #tpu.memory_space<semaphore_mem>>) src(%dma_wait3A_47 : memref<640x128xf32, #tpu.memory_space<vmem_shared>>) dst(%dma_wait3A_45 : memref<640x128xf32, #tpu.memory_space<hbm>>)
      tpu.yield
    }) : () -> ()
    %add3A_39 = arith.addi %mul3A_2, %mul3A_0 : i32
    "tpu.region"() ({
      %run_scoped3A = tpu.sem_alloc : memref<!tpu.dma_semaphore, #tpu.memory_space<semaphore_mem>>
      %dma_start3A_40 = tpu.memref_slice %arg13[%add3A_39] : memref<20480xf32, #tpu.memory_space<hbm>> -> memref<640xf32, #tpu.memory_space<hbm>>
      %dma_start3A_41 = tpu.memref_slice %arg29[%mul3A_0] : memref<10240xf32, #tpu.memory_space<vmem_shared>> -> memref<640xf32, #tpu.memory_space<vmem_shared>>
      tpu.enqueue_dma source(%dma_start3A_41 : memref<640xf32, #tpu.memory_space<vmem_shared>>) target(%dma_start3A_40 : memref<640xf32, #tpu.memory_space<hbm>>) target_semaphore(%run_scoped3A : memref<!tpu.dma_semaphore, #tpu.memory_space<semaphore_mem>>)
      %dma_wait3A_42 = tpu.memref_slice %arg13[%add3A_39] : memref<20480xf32, #tpu.memory_space<hbm>> -> memref<640xf32, #tpu.memory_space<hbm>>
      %dma_wait3A_43 = tpu.memref_slice %arg29[%mul3A_0] : memref<10240xf32, #tpu.memory_space<vmem_shared>> -> memref<640xf32, #tpu.memory_space<vmem_shared>>
      tpu.wait_dma2 semaphore(%run_scoped3A : memref<!tpu.dma_semaphore, #tpu.memory_space<semaphore_mem>>) src(%dma_wait3A_43 : memref<640xf32, #tpu.memory_space<vmem_shared>>) dst(%dma_wait3A_42 : memref<640xf32, #tpu.memory_space<hbm>>)
      tpu.yield
    }) : () -> ()
    return
  }
}

#map = affine_map<(d0, d1) -> (0)>
#map1 = affine_map<(d0, d1) -> (0, 0)>
module attributes {stable_mosaic.version = 14 : i64} {
  func.func @_edge_body(%arg0: i32, %arg1: i32, %arg2: memref<327680xi32, #tpu.memory_space<hbm>>, %arg3: memref<327680xi32, #tpu.memory_space<hbm>>, %arg4: memref<10240x128xf32, #tpu.memory_space<hbm>>, %arg5: memref<10240x128xf32, #tpu.memory_space<hbm>>, %arg6: memref<10240xf32, #tpu.memory_space<hbm>>, %arg7: memref<10240xf32, #tpu.memory_space<hbm>>, %arg8: memref<10240xf32, #tpu.memory_space<hbm>>, %arg9: memref<10240xf32, #tpu.memory_space<hbm>>, %arg10: memref<10240x128xf32, #tpu.memory_space<hbm>>, %arg11: memref<10240xf32, #tpu.memory_space<hbm>>, %arg12: memref<20480x128xf32, #tpu.memory_space<hbm>>, %arg13: memref<20480xf32, #tpu.memory_space<hbm>>, %arg14: memref<128xi32, #tpu.memory_space<vmem>>, %arg15: memref<128xi32, #tpu.memory_space<vmem>>, %arg16: memref<128xi32, #tpu.memory_space<vmem>>, %arg17: memref<128xi32, #tpu.memory_space<vmem>>, %arg18: memref<128xf32, #tpu.memory_space<vmem>>, %arg19: memref<128xf32, #tpu.memory_space<vmem>>, %arg20: memref<128xf32, #tpu.memory_space<vmem>>, %arg21: memref<144xf32, #tpu.memory_space<vmem>>, %arg22: memref<128x128xf32, #tpu.memory_space<vmem>>, %arg23: memref<128xf32, #tpu.memory_space<vmem>>, %arg24: memref<128xf32, #tpu.memory_space<vmem>>, %arg25: memref<128xf32, #tpu.memory_space<vmem>>, %arg26: memref<144xf32, #tpu.memory_space<vmem>>, %arg27: memref<128x128xf32, #tpu.memory_space<vmem>>, %arg28: memref<10240x128xf32, #tpu.memory_space<vmem_shared>>, %arg29: memref<10240xf32, #tpu.memory_space<vmem_shared>>, %arg30: memref<!tpu.dma_semaphore, #tpu.memory_space<semaphore_mem>>, %arg31: memref<!tpu.dma_semaphore, #tpu.memory_space<semaphore_mem>>, %arg32: memref<!tpu.dma_semaphore, #tpu.memory_space<semaphore_mem>>, %arg33: memref<!tpu.dma_semaphore, #tpu.memory_space<semaphore_mem>>, %arg34: memref<!tpu.dma_semaphore, #tpu.memory_space<semaphore_mem>>, %arg35: memref<!tpu.dma_semaphore, #tpu.memory_space<semaphore_mem>>, %arg36: memref<!tpu.dma_semaphore, #tpu.memory_space<semaphore_mem>>, %arg37: memref<!tpu.dma_semaphore, #tpu.memory_space<semaphore_mem>>, %arg38: memref<!tpu.dma_semaphore, #tpu.memory_space<semaphore_mem>>, %arg39: memref<!tpu.dma_semaphore, #tpu.memory_space<semaphore_mem>>) attributes {dimension_semantics = [#tpu.dimension_semantics<core_parallel>, #tpu.dimension_semantics<subcore_parallel>], iteration_bounds = array<i64: 2, 16>, scalar_prefetch = 0 : i64, scratch_operands = 26 : i64, tpu.core_type = #tpu.core_type<sc_vector_subcore>, window_params = [{transform_indices = #map}, {transform_indices = #map}, {transform_indices = #map1}, {transform_indices = #map1}, {transform_indices = #map}, {transform_indices = #map}, {transform_indices = #map}, {transform_indices = #map}, {transform_indices = #map1}, {transform_indices = #map}, {transform_indices = #map1}, {transform_indices = #map}]} {
    %mul3A = arith.constant 640 : i32
    %mul3A_0 = arith.muli %arg1, %mul3A : i32
    %mul3A_1 = arith.constant 10240 : i32
    %mul3A_2 = arith.muli %arg0, %mul3A_1 : i32
    "tpu.region"() ({
      %run_scoped3A = tpu.sem_alloc : memref<!tpu.dma_semaphore, #tpu.memory_space<semaphore_mem>>
      %dma_start3A_40 = arith.constant 0 : i32
      %dma_start3A_41 = tpu.memref_slice %arg28[%mul3A_0, %dma_start3A_40] : memref<10240x128xf32, #tpu.memory_space<vmem_shared>> -> memref<640x128xf32, #tpu.memory_space<vmem_shared>>
      %dma_start3A_42 = arith.constant 0 : i32
      %dma_start3A_43 = tpu.memref_slice %arg10[%mul3A_0, %dma_start3A_42] : memref<10240x128xf32, #tpu.memory_space<hbm>> -> memref<640x128xf32, #tpu.memory_space<hbm>>
      tpu.enqueue_dma source(%dma_start3A_43 : memref<640x128xf32, #tpu.memory_space<hbm>>) target(%dma_start3A_41 : memref<640x128xf32, #tpu.memory_space<vmem_shared>>) target_semaphore(%run_scoped3A : memref<!tpu.dma_semaphore, #tpu.memory_space<semaphore_mem>>)
      %dma_wait3A_44 = arith.constant 0 : i32
      %dma_wait3A_45 = tpu.memref_slice %arg28[%mul3A_0, %dma_wait3A_44] : memref<10240x128xf32, #tpu.memory_space<vmem_shared>> -> memref<640x128xf32, #tpu.memory_space<vmem_shared>>
      %dma_wait3A_46 = arith.constant 0 : i32
      %dma_wait3A_47 = tpu.memref_slice %arg10[%mul3A_0, %dma_wait3A_46] : memref<10240x128xf32, #tpu.memory_space<hbm>> -> memref<640x128xf32, #tpu.memory_space<hbm>>
      tpu.wait_dma2 semaphore(%run_scoped3A : memref<!tpu.dma_semaphore, #tpu.memory_space<semaphore_mem>>) src(%dma_wait3A_47 : memref<640x128xf32, #tpu.memory_space<hbm>>) dst(%dma_wait3A_45 : memref<640x128xf32, #tpu.memory_space<vmem_shared>>)
      tpu.yield
    }) : () -> ()
    "tpu.region"() ({
      %run_scoped3A = tpu.sem_alloc : memref<!tpu.dma_semaphore, #tpu.memory_space<semaphore_mem>>
      %dma_start3A_40 = tpu.memref_slice %arg29[%mul3A_0] : memref<10240xf32, #tpu.memory_space<vmem_shared>> -> memref<640xf32, #tpu.memory_space<vmem_shared>>
      %dma_start3A_41 = tpu.memref_slice %arg11[%mul3A_0] : memref<10240xf32, #tpu.memory_space<hbm>> -> memref<640xf32, #tpu.memory_space<hbm>>
      tpu.enqueue_dma source(%dma_start3A_41 : memref<640xf32, #tpu.memory_space<hbm>>) target(%dma_start3A_40 : memref<640xf32, #tpu.memory_space<vmem_shared>>) target_semaphore(%run_scoped3A : memref<!tpu.dma_semaphore, #tpu.memory_space<semaphore_mem>>)
      %dma_wait3A_42 = tpu.memref_slice %arg29[%mul3A_0] : memref<10240xf32, #tpu.memory_space<vmem_shared>> -> memref<640xf32, #tpu.memory_space<vmem_shared>>
      %dma_wait3A_43 = tpu.memref_slice %arg11[%mul3A_0] : memref<10240xf32, #tpu.memory_space<hbm>> -> memref<640xf32, #tpu.memory_space<hbm>>
      tpu.wait_dma2 semaphore(%run_scoped3A : memref<!tpu.dma_semaphore, #tpu.memory_space<semaphore_mem>>) src(%dma_wait3A_43 : memref<640xf32, #tpu.memory_space<hbm>>) dst(%dma_wait3A_42 : memref<640xf32, #tpu.memory_space<vmem_shared>>)
      tpu.yield
    }) : () -> ()
    %barrier3A = arith.constant 0 : index
    tpu.barrier barrier_id(%barrier3A)
    %mul3A_3 = arith.constant 20480 : i32
    %mul3A_4 = arith.muli %arg1, %mul3A_3 : i32
    %add3A = arith.constant 0 : i32
    %add3A_5 = arith.addi %mul3A_4, %add3A : i32
    %dma_start3A = tpu.memref_slice %arg2[%add3A_5] : memref<327680xi32, #tpu.memory_space<hbm>> -> memref<128xi32, #tpu.memory_space<hbm>>
    %dma_start3A_6 = tpu.memref_slice %arg2[%add3A_5] : memref<327680xi32, #tpu.memory_space<hbm>> -> memref<128xi32, #tpu.memory_space<hbm>>
    tpu.enqueue_dma source(%dma_start3A_6 : memref<128xi32, #tpu.memory_space<hbm>>) target(%arg14 : memref<128xi32, #tpu.memory_space<vmem>>) target_semaphore(%arg36 : memref<!tpu.dma_semaphore, #tpu.memory_space<semaphore_mem>>)
    %dma_start3A_7 = tpu.memref_slice %arg3[%add3A_5] : memref<327680xi32, #tpu.memory_space<hbm>> -> memref<128xi32, #tpu.memory_space<hbm>>
    %dma_start3A_8 = tpu.memref_slice %arg3[%add3A_5] : memref<327680xi32, #tpu.memory_space<hbm>> -> memref<128xi32, #tpu.memory_space<hbm>>
    tpu.enqueue_dma source(%dma_start3A_8 : memref<128xi32, #tpu.memory_space<hbm>>) target(%arg15 : memref<128xi32, #tpu.memory_space<vmem>>) target_semaphore(%arg36 : memref<!tpu.dma_semaphore, #tpu.memory_space<semaphore_mem>>)
    %add3A_9 = arith.constant 0 : i32
    %add3A_10 = arith.addi %mul3A_4, %add3A_9 : i32
    %dma_wait3A = tpu.memref_slice %arg2[%add3A_10] : memref<327680xi32, #tpu.memory_space<hbm>> -> memref<128xi32, #tpu.memory_space<hbm>>
    %dma_wait3A_11 = tpu.memref_slice %arg2[%add3A_10] : memref<327680xi32, #tpu.memory_space<hbm>> -> memref<128xi32, #tpu.memory_space<hbm>>
    tpu.wait_dma2 semaphore(%arg36 : memref<!tpu.dma_semaphore, #tpu.memory_space<semaphore_mem>>) src(%dma_wait3A_11 : memref<128xi32, #tpu.memory_space<hbm>>) dst(%arg14 : memref<128xi32, #tpu.memory_space<vmem>>)
    %dma_wait3A_12 = tpu.memref_slice %arg3[%add3A_10] : memref<327680xi32, #tpu.memory_space<hbm>> -> memref<128xi32, #tpu.memory_space<hbm>>
    %dma_wait3A_13 = tpu.memref_slice %arg3[%add3A_10] : memref<327680xi32, #tpu.memory_space<hbm>> -> memref<128xi32, #tpu.memory_space<hbm>>
    tpu.wait_dma2 semaphore(%arg36 : memref<!tpu.dma_semaphore, #tpu.memory_space<semaphore_mem>>) src(%dma_wait3A_13 : memref<128xi32, #tpu.memory_space<hbm>>) dst(%arg15 : memref<128xi32, #tpu.memory_space<vmem>>)
    %eq3A = arith.constant 0 : i32
    %eq3A_14 = arith.cmpi eq, %arg0, %eq3A : i32
    %convert_element_type3A = arith.extui %eq3A_14 : i1 to i32
    %cond3A = arith.constant 0 : i32
    %cond3A_15 = arith.cmpi ne, %convert_element_type3A, %cond3A : i32
    scf.if %cond3A_15 {
      %dma_start3A_40 = arith.constant 0 : i32
      %dma_start3A_41 = arith.constant 0 : i32
      %dma_start3A_42 = tpu.memref_slice %arg4[%dma_start3A_40, %dma_start3A_41] : memref<10240x128xf32, #tpu.memory_space<hbm>> -> memref<10240x128xf32, #tpu.memory_space<hbm>>
      tpu.enqueue_indirect_dma source(%dma_start3A_42 : memref<10240x128xf32, #tpu.memory_space<hbm>>) target(%arg22 : memref<128x128xf32, #tpu.memory_space<vmem>>) offsets(%arg14 : memref<128xi32, #tpu.memory_space<vmem>>) semaphore(%arg30 : memref<!tpu.dma_semaphore, #tpu.memory_space<semaphore_mem>>)
      %dma_start3A_43 = arith.constant 0 : i32
      %dma_start3A_44 = tpu.memref_slice %arg6[%dma_start3A_43] : memref<10240xf32, #tpu.memory_space<hbm>> -> memref<10240xf32, #tpu.memory_space<hbm>>
      tpu.enqueue_indirect_dma source(%dma_start3A_44 : memref<10240xf32, #tpu.memory_space<hbm>>) target(%arg18 : memref<128xf32, #tpu.memory_space<vmem>>) offsets(%arg14 : memref<128xi32, #tpu.memory_space<vmem>>) semaphore(%arg31 : memref<!tpu.dma_semaphore, #tpu.memory_space<semaphore_mem>>)
      %dma_start3A_45 = arith.constant 0 : i32
      %dma_start3A_46 = tpu.memref_slice %arg8[%dma_start3A_45] : memref<10240xf32, #tpu.memory_space<hbm>> -> memref<10240xf32, #tpu.memory_space<hbm>>
      tpu.enqueue_indirect_dma source(%dma_start3A_46 : memref<10240xf32, #tpu.memory_space<hbm>>) target(%arg19 : memref<128xf32, #tpu.memory_space<vmem>>) offsets(%arg15 : memref<128xi32, #tpu.memory_space<vmem>>) semaphore(%arg32 : memref<!tpu.dma_semaphore, #tpu.memory_space<semaphore_mem>>)
    } else {
    }
    %eq3A_16 = arith.constant 1 : i32
    %eq3A_17 = arith.cmpi eq, %arg0, %eq3A_16 : i32
    %convert_element_type3A_18 = arith.extui %eq3A_17 : i1 to i32
    %cond3A_19 = arith.constant 0 : i32
    %cond3A_20 = arith.cmpi ne, %convert_element_type3A_18, %cond3A_19 : i32
    scf.if %cond3A_20 {
      %dma_start3A_40 = arith.constant 0 : i32
      %dma_start3A_41 = arith.constant 0 : i32
      %dma_start3A_42 = tpu.memref_slice %arg5[%dma_start3A_40, %dma_start3A_41] : memref<10240x128xf32, #tpu.memory_space<hbm>> -> memref<10240x128xf32, #tpu.memory_space<hbm>>
      tpu.enqueue_indirect_dma source(%dma_start3A_42 : memref<10240x128xf32, #tpu.memory_space<hbm>>) target(%arg22 : memref<128x128xf32, #tpu.memory_space<vmem>>) offsets(%arg14 : memref<128xi32, #tpu.memory_space<vmem>>) semaphore(%arg30 : memref<!tpu.dma_semaphore, #tpu.memory_space<semaphore_mem>>)
      %dma_start3A_43 = arith.constant 0 : i32
      %dma_start3A_44 = tpu.memref_slice %arg7[%dma_start3A_43] : memref<10240xf32, #tpu.memory_space<hbm>> -> memref<10240xf32, #tpu.memory_space<hbm>>
      tpu.enqueue_indirect_dma source(%dma_start3A_44 : memref<10240xf32, #tpu.memory_space<hbm>>) target(%arg18 : memref<128xf32, #tpu.memory_space<vmem>>) offsets(%arg14 : memref<128xi32, #tpu.memory_space<vmem>>) semaphore(%arg31 : memref<!tpu.dma_semaphore, #tpu.memory_space<semaphore_mem>>)
      %dma_start3A_45 = arith.constant 0 : i32
      %dma_start3A_46 = tpu.memref_slice %arg9[%dma_start3A_45] : memref<10240xf32, #tpu.memory_space<hbm>> -> memref<10240xf32, #tpu.memory_space<hbm>>
      tpu.enqueue_indirect_dma source(%dma_start3A_46 : memref<10240xf32, #tpu.memory_space<hbm>>) target(%arg19 : memref<128xf32, #tpu.memory_space<vmem>>) offsets(%arg15 : memref<128xi32, #tpu.memory_space<vmem>>) semaphore(%arg32 : memref<!tpu.dma_semaphore, #tpu.memory_space<semaphore_mem>>)
    } else {
    }
    %add3A_21 = arith.constant 128 : i32
    %add3A_22 = arith.addi %mul3A_4, %add3A_21 : i32
    %dma_start3A_23 = tpu.memref_slice %arg2[%add3A_22] : memref<327680xi32, #tpu.memory_space<hbm>> -> memref<128xi32, #tpu.memory_space<hbm>>
    %dma_start3A_24 = tpu.memref_slice %arg2[%add3A_22] : memref<327680xi32, #tpu.memory_space<hbm>> -> memref<128xi32, #tpu.memory_space<hbm>>
    tpu.enqueue_dma source(%dma_start3A_24 : memref<128xi32, #tpu.memory_space<hbm>>) target(%arg16 : memref<128xi32, #tpu.memory_space<vmem>>) target_semaphore(%arg37 : memref<!tpu.dma_semaphore, #tpu.memory_space<semaphore_mem>>)
    %dma_start3A_25 = tpu.memref_slice %arg3[%add3A_22] : memref<327680xi32, #tpu.memory_space<hbm>> -> memref<128xi32, #tpu.memory_space<hbm>>
    %dma_start3A_26 = tpu.memref_slice %arg3[%add3A_22] : memref<327680xi32, #tpu.memory_space<hbm>> -> memref<128xi32, #tpu.memory_space<hbm>>
    tpu.enqueue_dma source(%dma_start3A_26 : memref<128xi32, #tpu.memory_space<hbm>>) target(%arg17 : memref<128xi32, #tpu.memory_space<vmem>>) target_semaphore(%arg37 : memref<!tpu.dma_semaphore, #tpu.memory_space<semaphore_mem>>)
    %scan3A = arith.constant 0 : i32
    %scan3A_27 = arith.constant 0 : i32
    %scan3A_28 = arith.constant 80 : i32
    %scan3A_29 = arith.addi %scan3A_27, %scan3A_28 : i32
    %scan3A_30 = arith.constant 1 : i32
    %scan3A_31 = scf.for %scan3A_40 = %scan3A_27 to %scan3A_29 step %scan3A_30 iter_args(%scan3A_41 = %scan3A) -> (i32)  : i32 {
      %mul3A_42 = arith.constant 2 : i32
      %mul3A_43 = arith.muli %scan3A_40, %mul3A_42 : i32
      %mul3A_44 = arith.constant 2 : i32
      %mul3A_45 = arith.muli %scan3A_40, %mul3A_44 : i32
      %add3A_46 = arith.constant 1 : i32
      %add3A_47 = arith.addi %mul3A_45, %add3A_46 : i32
      %mul3A_48 = arith.constant 128 : i32
      %mul3A_49 = arith.muli %add3A_47, %mul3A_48 : i32
      %add3A_50 = arith.addi %mul3A_4, %mul3A_49 : i32
      %dma_wait3A_51 = tpu.memref_slice %arg2[%add3A_50] : memref<327680xi32, #tpu.memory_space<hbm>> -> memref<128xi32, #tpu.memory_space<hbm>>
      %dma_wait3A_52 = tpu.memref_slice %arg2[%add3A_50] : memref<327680xi32, #tpu.memory_space<hbm>> -> memref<128xi32, #tpu.memory_space<hbm>>
      tpu.wait_dma2 semaphore(%arg37 : memref<!tpu.dma_semaphore, #tpu.memory_space<semaphore_mem>>) src(%dma_wait3A_52 : memref<128xi32, #tpu.memory_space<hbm>>) dst(%arg16 : memref<128xi32, #tpu.memory_space<vmem>>)
      %dma_wait3A_53 = tpu.memref_slice %arg3[%add3A_50] : memref<327680xi32, #tpu.memory_space<hbm>> -> memref<128xi32, #tpu.memory_space<hbm>>
      %dma_wait3A_54 = tpu.memref_slice %arg3[%add3A_50] : memref<327680xi32, #tpu.memory_space<hbm>> -> memref<128xi32, #tpu.memory_space<hbm>>
      tpu.wait_dma2 semaphore(%arg37 : memref<!tpu.dma_semaphore, #tpu.memory_space<semaphore_mem>>) src(%dma_wait3A_54 : memref<128xi32, #tpu.memory_space<hbm>>) dst(%arg17 : memref<128xi32, #tpu.memory_space<vmem>>)
      %eq3A_55 = arith.constant 0 : i32
      %eq3A_56 = arith.cmpi eq, %arg0, %eq3A_55 : i32
      %convert_element_type3A_57 = arith.extui %eq3A_56 : i1 to i32
      %cond3A_58 = arith.constant 0 : i32
      %cond3A_59 = arith.cmpi ne, %convert_element_type3A_57, %cond3A_58 : i32
      scf.if %cond3A_59 {
        %dma_start3A_481 = arith.constant 0 : i32
        %dma_start3A_482 = arith.constant 0 : i32
        %dma_start3A_483 = tpu.memref_slice %arg4[%dma_start3A_481, %dma_start3A_482] : memref<10240x128xf32, #tpu.memory_space<hbm>> -> memref<10240x128xf32, #tpu.memory_space<hbm>>
        tpu.enqueue_indirect_dma source(%dma_start3A_483 : memref<10240x128xf32, #tpu.memory_space<hbm>>) target(%arg27 : memref<128x128xf32, #tpu.memory_space<vmem>>) offsets(%arg16 : memref<128xi32, #tpu.memory_space<vmem>>) semaphore(%arg33 : memref<!tpu.dma_semaphore, #tpu.memory_space<semaphore_mem>>)
        %dma_start3A_484 = arith.constant 0 : i32
        %dma_start3A_485 = tpu.memref_slice %arg6[%dma_start3A_484] : memref<10240xf32, #tpu.memory_space<hbm>> -> memref<10240xf32, #tpu.memory_space<hbm>>
        tpu.enqueue_indirect_dma source(%dma_start3A_485 : memref<10240xf32, #tpu.memory_space<hbm>>) target(%arg23 : memref<128xf32, #tpu.memory_space<vmem>>) offsets(%arg16 : memref<128xi32, #tpu.memory_space<vmem>>) semaphore(%arg34 : memref<!tpu.dma_semaphore, #tpu.memory_space<semaphore_mem>>)
        %dma_start3A_486 = arith.constant 0 : i32
        %dma_start3A_487 = tpu.memref_slice %arg8[%dma_start3A_486] : memref<10240xf32, #tpu.memory_space<hbm>> -> memref<10240xf32, #tpu.memory_space<hbm>>
        tpu.enqueue_indirect_dma source(%dma_start3A_487 : memref<10240xf32, #tpu.memory_space<hbm>>) target(%arg24 : memref<128xf32, #tpu.memory_space<vmem>>) offsets(%arg17 : memref<128xi32, #tpu.memory_space<vmem>>) semaphore(%arg35 : memref<!tpu.dma_semaphore, #tpu.memory_space<semaphore_mem>>)
      } else {
      }
      %eq3A_60 = arith.constant 1 : i32
      %eq3A_61 = arith.cmpi eq, %arg0, %eq3A_60 : i32
      %convert_element_type3A_62 = arith.extui %eq3A_61 : i1 to i32
      %cond3A_63 = arith.constant 0 : i32
      %cond3A_64 = arith.cmpi ne, %convert_element_type3A_62, %cond3A_63 : i32
      scf.if %cond3A_64 {
        %dma_start3A_481 = arith.constant 0 : i32
        %dma_start3A_482 = arith.constant 0 : i32
        %dma_start3A_483 = tpu.memref_slice %arg5[%dma_start3A_481, %dma_start3A_482] : memref<10240x128xf32, #tpu.memory_space<hbm>> -> memref<10240x128xf32, #tpu.memory_space<hbm>>
        tpu.enqueue_indirect_dma source(%dma_start3A_483 : memref<10240x128xf32, #tpu.memory_space<hbm>>) target(%arg27 : memref<128x128xf32, #tpu.memory_space<vmem>>) offsets(%arg16 : memref<128xi32, #tpu.memory_space<vmem>>) semaphore(%arg33 : memref<!tpu.dma_semaphore, #tpu.memory_space<semaphore_mem>>)
        %dma_start3A_484 = arith.constant 0 : i32
        %dma_start3A_485 = tpu.memref_slice %arg7[%dma_start3A_484] : memref<10240xf32, #tpu.memory_space<hbm>> -> memref<10240xf32, #tpu.memory_space<hbm>>
        tpu.enqueue_indirect_dma source(%dma_start3A_485 : memref<10240xf32, #tpu.memory_space<hbm>>) target(%arg23 : memref<128xf32, #tpu.memory_space<vmem>>) offsets(%arg16 : memref<128xi32, #tpu.memory_space<vmem>>) semaphore(%arg34 : memref<!tpu.dma_semaphore, #tpu.memory_space<semaphore_mem>>)
        %dma_start3A_486 = arith.constant 0 : i32
        %dma_start3A_487 = tpu.memref_slice %arg9[%dma_start3A_486] : memref<10240xf32, #tpu.memory_space<hbm>> -> memref<10240xf32, #tpu.memory_space<hbm>>
        tpu.enqueue_indirect_dma source(%dma_start3A_487 : memref<10240xf32, #tpu.memory_space<hbm>>) target(%arg24 : memref<128xf32, #tpu.memory_space<vmem>>) offsets(%arg17 : memref<128xi32, #tpu.memory_space<vmem>>) semaphore(%arg35 : memref<!tpu.dma_semaphore, #tpu.memory_space<semaphore_mem>>)
      } else {
      }
      %dma_wait3A_65 = arith.constant 0 : i32
      %dma_wait3A_66 = tpu.memref_slice %arg6[%dma_wait3A_65] : memref<10240xf32, #tpu.memory_space<hbm>> -> memref<10240xf32, #tpu.memory_space<hbm>>
      tpu.wait_indirect_dma semaphore(%arg31 : memref<!tpu.dma_semaphore, #tpu.memory_space<semaphore_mem>>) src(%dma_wait3A_66 : memref<10240xf32, #tpu.memory_space<hbm>>) dst(%arg18 : memref<128xf32, #tpu.memory_space<vmem>>)
      %dma_wait3A_67 = arith.constant 0 : i32
      %dma_wait3A_68 = tpu.memref_slice %arg8[%dma_wait3A_67] : memref<10240xf32, #tpu.memory_space<hbm>> -> memref<10240xf32, #tpu.memory_space<hbm>>
      tpu.wait_indirect_dma semaphore(%arg32 : memref<!tpu.dma_semaphore, #tpu.memory_space<semaphore_mem>>) src(%dma_wait3A_68 : memref<10240xf32, #tpu.memory_space<hbm>>) dst(%arg19 : memref<128xf32, #tpu.memory_space<vmem>>)
      %get3A = arith.constant 0 : index
      %get3A_69 = tpu.vector_load %arg18[%get3A] {strides = array<i32>} : memref<128xf32, #tpu.memory_space<vmem>>, vector<16xf32>,
      %get3A_70 = vector.shape_cast %get3A_69 : vector<16xf32> to vector<16xf32>
      %get3A_71 = arith.constant 0 : index
      %get3A_72 = tpu.vector_load %arg19[%get3A_71] {strides = array<i32>} : memref<128xf32, #tpu.memory_space<vmem>>, vector<16xf32>,
      %get3A_73 = vector.shape_cast %get3A_72 : vector<16xf32> to vector<16xf32>
      %add3A_74 = arith.addf %get3A_70, %get3A_73 : vector<16xf32>
      %gt3A = arith.constant 0.000000e+00 : f32
      %gt3A_75 = vector.broadcast %gt3A : f32 to vector<16xf32>
      %gt3A_76 = arith.cmpf ogt, %add3A_74, %gt3A_75 : vector<16xf32>
      %mul3A_77 = arith.constant 2.000000e-01 : f32
      %mul3A_78 = vector.broadcast %mul3A_77 : f32 to vector<16xf32>
      %mul3A_79 = arith.mulf %mul3A_78, %add3A_74 : vector<16xf32>
      %select_n3A = arith.select %gt3A_76, %add3A_74, %mul3A_79 : vector<16xi1>, vector<16xf32>
      %exp3A = math.exp %select_n3A : vector<16xf32>
      %swap3A = arith.constant 0 : index
      %swap3A_80 = tpu.vector_load %arg20[%swap3A] {strides = array<i32>} : memref<128xf32, #tpu.memory_space<vmem>>, vector<16xf32>,
      %swap3A_81 = vector.shape_cast %swap3A_80 : vector<16xf32> to vector<16xf32>
      %swap3A_82 = vector.shape_cast %exp3A : vector<16xf32> to vector<16xf32>
      tpu.vector_store %arg20[%swap3A], %swap3A_82 {strides = array<i32>} : memref<128xf32, #tpu.memory_space<vmem>>, vector<16xf32>,
      %swap3A_83 = arith.constant 0 : index
      %swap3A_84 = tpu.vector_load %arg21[%swap3A_83] {strides = array<i32>} : memref<144xf32, #tpu.memory_space<vmem>>, vector<16xf32>,
      %swap3A_85 = vector.shape_cast %swap3A_84 : vector<16xf32> to vector<16xf32>
      %swap3A_86 = vector.shape_cast %exp3A : vector<16xf32> to vector<16xf32>
      tpu.vector_store %arg21[%swap3A_83], %swap3A_86 {strides = array<i32>} : memref<144xf32, #tpu.memory_space<vmem>>, vector<16xf32>,
      %get3A_87 = arith.constant 16 : index
      %get3A_88 = tpu.vector_load %arg18[%get3A_87] {strides = array<i32>} : memref<128xf32, #tpu.memory_space<vmem>>, vector<16xf32>,
      %get3A_89 = vector.shape_cast %get3A_88 : vector<16xf32> to vector<16xf32>
      %get3A_90 = arith.constant 16 : index
      %get3A_91 = tpu.vector_load %arg19[%get3A_90] {strides = array<i32>} : memref<128xf32, #tpu.memory_space<vmem>>, vector<16xf32>,
      %get3A_92 = vector.shape_cast %get3A_91 : vector<16xf32> to vector<16xf32>
      %add3A_93 = arith.addf %get3A_89, %get3A_92 : vector<16xf32>
      %gt3A_94 = arith.constant 0.000000e+00 : f32
      %gt3A_95 = vector.broadcast %gt3A_94 : f32 to vector<16xf32>
      %gt3A_96 = arith.cmpf ogt, %add3A_93, %gt3A_95 : vector<16xf32>
      %mul3A_97 = arith.constant 2.000000e-01 : f32
      %mul3A_98 = vector.broadcast %mul3A_97 : f32 to vector<16xf32>
      %mul3A_99 = arith.mulf %mul3A_98, %add3A_93 : vector<16xf32>
      %select_n3A_100 = arith.select %gt3A_96, %add3A_93, %mul3A_99 : vector<16xi1>, vector<16xf32>
      %exp3A_101 = math.exp %select_n3A_100 : vector<16xf32>
      %swap3A_102 = arith.constant 16 : index
      %swap3A_103 = tpu.vector_load %arg20[%swap3A_102] {strides = array<i32>} : memref<128xf32, #tpu.memory_space<vmem>>, vector<16xf32>,
      %swap3A_104 = vector.shape_cast %swap3A_103 : vector<16xf32> to vector<16xf32>
      %swap3A_105 = vector.shape_cast %exp3A_101 : vector<16xf32> to vector<16xf32>
      tpu.vector_store %arg20[%swap3A_102], %swap3A_105 {strides = array<i32>} : memref<128xf32, #tpu.memory_space<vmem>>, vector<16xf32>,
      %swap3A_106 = arith.constant 16 : index
      %swap3A_107 = tpu.vector_load %arg21[%swap3A_106] {strides = array<i32>} : memref<144xf32, #tpu.memory_space<vmem>>, vector<16xf32>,
      %swap3A_108 = vector.shape_cast %swap3A_107 : vector<16xf32> to vector<16xf32>
      %swap3A_109 = vector.shape_cast %exp3A_101 : vector<16xf32> to vector<16xf32>
      tpu.vector_store %arg21[%swap3A_106], %swap3A_109 {strides = array<i32>} : memref<144xf32, #tpu.memory_space<vmem>>, vector<16xf32>,
      %get3A_110 = arith.constant 32 : index
      %get3A_111 = tpu.vector_load %arg18[%get3A_110] {strides = array<i32>} : memref<128xf32, #tpu.memory_space<vmem>>, vector<16xf32>,
      %get3A_112 = vector.shape_cast %get3A_111 : vector<16xf32> to vector<16xf32>
      %get3A_113 = arith.constant 32 : index
      %get3A_114 = tpu.vector_load %arg19[%get3A_113] {strides = array<i32>} : memref<128xf32, #tpu.memory_space<vmem>>, vector<16xf32>,
      %get3A_115 = vector.shape_cast %get3A_114 : vector<16xf32> to vector<16xf32>
      %add3A_116 = arith.addf %get3A_112, %get3A_115 : vector<16xf32>
      %gt3A_117 = arith.constant 0.000000e+00 : f32
      %gt3A_118 = vector.broadcast %gt3A_117 : f32 to vector<16xf32>
      %gt3A_119 = arith.cmpf ogt, %add3A_116, %gt3A_118 : vector<16xf32>
      %mul3A_120 = arith.constant 2.000000e-01 : f32
      %mul3A_121 = vector.broadcast %mul3A_120 : f32 to vector<16xf32>
      %mul3A_122 = arith.mulf %mul3A_121, %add3A_116 : vector<16xf32>
      %select_n3A_123 = arith.select %gt3A_119, %add3A_116, %mul3A_122 : vector<16xi1>, vector<16xf32>
      %exp3A_124 = math.exp %select_n3A_123 : vector<16xf32>
      %swap3A_125 = arith.constant 32 : index
      %swap3A_126 = tpu.vector_load %arg20[%swap3A_125] {strides = array<i32>} : memref<128xf32, #tpu.memory_space<vmem>>, vector<16xf32>,
      %swap3A_127 = vector.shape_cast %swap3A_126 : vector<16xf32> to vector<16xf32>
      %swap3A_128 = vector.shape_cast %exp3A_124 : vector<16xf32> to vector<16xf32>
      tpu.vector_store %arg20[%swap3A_125], %swap3A_128 {strides = array<i32>} : memref<128xf32, #tpu.memory_space<vmem>>, vector<16xf32>,
      %swap3A_129 = arith.constant 32 : index
      %swap3A_130 = tpu.vector_load %arg21[%swap3A_129] {strides = array<i32>} : memref<144xf32, #tpu.memory_space<vmem>>, vector<16xf32>,
      %swap3A_131 = vector.shape_cast %swap3A_130 : vector<16xf32> to vector<16xf32>
      %swap3A_132 = vector.shape_cast %exp3A_124 : vector<16xf32> to vector<16xf32>
      tpu.vector_store %arg21[%swap3A_129], %swap3A_132 {strides = array<i32>} : memref<144xf32, #tpu.memory_space<vmem>>, vector<16xf32>,
      %get3A_133 = arith.constant 48 : index
      %get3A_134 = tpu.vector_load %arg18[%get3A_133] {strides = array<i32>} : memref<128xf32, #tpu.memory_space<vmem>>, vector<16xf32>,
      %get3A_135 = vector.shape_cast %get3A_134 : vector<16xf32> to vector<16xf32>
      %get3A_136 = arith.constant 48 : index
      %get3A_137 = tpu.vector_load %arg19[%get3A_136] {strides = array<i32>} : memref<128xf32, #tpu.memory_space<vmem>>, vector<16xf32>,
      %get3A_138 = vector.shape_cast %get3A_137 : vector<16xf32> to vector<16xf32>
      %add3A_139 = arith.addf %get3A_135, %get3A_138 : vector<16xf32>
      %gt3A_140 = arith.constant 0.000000e+00 : f32
      %gt3A_141 = vector.broadcast %gt3A_140 : f32 to vector<16xf32>
      %gt3A_142 = arith.cmpf ogt, %add3A_139, %gt3A_141 : vector<16xf32>
      %mul3A_143 = arith.constant 2.000000e-01 : f32
      %mul3A_144 = vector.broadcast %mul3A_143 : f32 to vector<16xf32>
      %mul3A_145 = arith.mulf %mul3A_144, %add3A_139 : vector<16xf32>
      %select_n3A_146 = arith.select %gt3A_142, %add3A_139, %mul3A_145 : vector<16xi1>, vector<16xf32>
      %exp3A_147 = math.exp %select_n3A_146 : vector<16xf32>
      %swap3A_148 = arith.constant 48 : index
      %swap3A_149 = tpu.vector_load %arg20[%swap3A_148] {strides = array<i32>} : memref<128xf32, #tpu.memory_space<vmem>>, vector<16xf32>,
      %swap3A_150 = vector.shape_cast %swap3A_149 : vector<16xf32> to vector<16xf32>
      %swap3A_151 = vector.shape_cast %exp3A_147 : vector<16xf32> to vector<16xf32>
      tpu.vector_store %arg20[%swap3A_148], %swap3A_151 {strides = array<i32>} : memref<128xf32, #tpu.memory_space<vmem>>, vector<16xf32>,
      %swap3A_152 = arith.constant 48 : index
      %swap3A_153 = tpu.vector_load %arg21[%swap3A_152] {strides = array<i32>} : memref<144xf32, #tpu.memory_space<vmem>>, vector<16xf32>,
      %swap3A_154 = vector.shape_cast %swap3A_153 : vector<16xf32> to vector<16xf32>
      %swap3A_155 = vector.shape_cast %exp3A_147 : vector<16xf32> to vector<16xf32>
      tpu.vector_store %arg21[%swap3A_152], %swap3A_155 {strides = array<i32>} : memref<144xf32, #tpu.memory_space<vmem>>, vector<16xf32>,
      %get3A_156 = arith.constant 64 : index
      %get3A_157 = tpu.vector_load %arg18[%get3A_156] {strides = array<i32>} : memref<128xf32, #tpu.memory_space<vmem>>, vector<16xf32>,
      %get3A_158 = vector.shape_cast %get3A_157 : vector<16xf32> to vector<16xf32>
      %get3A_159 = arith.constant 64 : index
      %get3A_160 = tpu.vector_load %arg19[%get3A_159] {strides = array<i32>} : memref<128xf32, #tpu.memory_space<vmem>>, vector<16xf32>,
      %get3A_161 = vector.shape_cast %get3A_160 : vector<16xf32> to vector<16xf32>
      %add3A_162 = arith.addf %get3A_158, %get3A_161 : vector<16xf32>
      %gt3A_163 = arith.constant 0.000000e+00 : f32
      %gt3A_164 = vector.broadcast %gt3A_163 : f32 to vector<16xf32>
      %gt3A_165 = arith.cmpf ogt, %add3A_162, %gt3A_164 : vector<16xf32>
      %mul3A_166 = arith.constant 2.000000e-01 : f32
      %mul3A_167 = vector.broadcast %mul3A_166 : f32 to vector<16xf32>
      %mul3A_168 = arith.mulf %mul3A_167, %add3A_162 : vector<16xf32>
      %select_n3A_169 = arith.select %gt3A_165, %add3A_162, %mul3A_168 : vector<16xi1>, vector<16xf32>
      %exp3A_170 = math.exp %select_n3A_169 : vector<16xf32>
      %swap3A_171 = arith.constant 64 : index
      %swap3A_172 = tpu.vector_load %arg20[%swap3A_171] {strides = array<i32>} : memref<128xf32, #tpu.memory_space<vmem>>, vector<16xf32>,
      %swap3A_173 = vector.shape_cast %swap3A_172 : vector<16xf32> to vector<16xf32>
      %swap3A_174 = vector.shape_cast %exp3A_170 : vector<16xf32> to vector<16xf32>
      tpu.vector_store %arg20[%swap3A_171], %swap3A_174 {strides = array<i32>} : memref<128xf32, #tpu.memory_space<vmem>>, vector<16xf32>,
      %swap3A_175 = arith.constant 64 : index
      %swap3A_176 = tpu.vector_load %arg21[%swap3A_175] {strides = array<i32>} : memref<144xf32, #tpu.memory_space<vmem>>, vector<16xf32>,
      %swap3A_177 = vector.shape_cast %swap3A_176 : vector<16xf32> to vector<16xf32>
      %swap3A_178 = vector.shape_cast %exp3A_170 : vector<16xf32> to vector<16xf32>
      tpu.vector_store %arg21[%swap3A_175], %swap3A_178 {strides = array<i32>} : memref<144xf32, #tpu.memory_space<vmem>>, vector<16xf32>,
      %get3A_179 = arith.constant 80 : index
      %get3A_180 = tpu.vector_load %arg18[%get3A_179] {strides = array<i32>} : memref<128xf32, #tpu.memory_space<vmem>>, vector<16xf32>,
      %get3A_181 = vector.shape_cast %get3A_180 : vector<16xf32> to vector<16xf32>
      %get3A_182 = arith.constant 80 : index
      %get3A_183 = tpu.vector_load %arg19[%get3A_182] {strides = array<i32>} : memref<128xf32, #tpu.memory_space<vmem>>, vector<16xf32>,
      %get3A_184 = vector.shape_cast %get3A_183 : vector<16xf32> to vector<16xf32>
      %add3A_185 = arith.addf %get3A_181, %get3A_184 : vector<16xf32>
      %gt3A_186 = arith.constant 0.000000e+00 : f32
      %gt3A_187 = vector.broadcast %gt3A_186 : f32 to vector<16xf32>
      %gt3A_188 = arith.cmpf ogt, %add3A_185, %gt3A_187 : vector<16xf32>
      %mul3A_189 = arith.constant 2.000000e-01 : f32
      %mul3A_190 = vector.broadcast %mul3A_189 : f32 to vector<16xf32>
      %mul3A_191 = arith.mulf %mul3A_190, %add3A_185 : vector<16xf32>
      %select_n3A_192 = arith.select %gt3A_188, %add3A_185, %mul3A_191 : vector<16xi1>, vector<16xf32>
      %exp3A_193 = math.exp %select_n3A_192 : vector<16xf32>
      %swap3A_194 = arith.constant 80 : index
      %swap3A_195 = tpu.vector_load %arg20[%swap3A_194] {strides = array<i32>} : memref<128xf32, #tpu.memory_space<vmem>>, vector<16xf32>,
      %swap3A_196 = vector.shape_cast %swap3A_195 : vector<16xf32> to vector<16xf32>
      %swap3A_197 = vector.shape_cast %exp3A_193 : vector<16xf32> to vector<16xf32>
      tpu.vector_store %arg20[%swap3A_194], %swap3A_197 {strides = array<i32>} : memref<128xf32, #tpu.memory_space<vmem>>, vector<16xf32>,
      %swap3A_198 = arith.constant 80 : index
      %swap3A_199 = tpu.vector_load %arg21[%swap3A_198] {strides = array<i32>} : memref<144xf32, #tpu.memory_space<vmem>>, vector<16xf32>,
      %swap3A_200 = vector.shape_cast %swap3A_199 : vector<16xf32> to vector<16xf32>
      %swap3A_201 = vector.shape_cast %exp3A_193 : vector<16xf32> to vector<16xf32>
      tpu.vector_store %arg21[%swap3A_198], %swap3A_201 {strides = array<i32>} : memref<144xf32, #tpu.memory_space<vmem>>, vector<16xf32>,
      %get3A_202 = arith.constant 96 : index
      %get3A_203 = tpu.vector_load %arg18[%get3A_202] {strides = array<i32>} : memref<128xf32, #tpu.memory_space<vmem>>, vector<16xf32>,
      %get3A_204 = vector.shape_cast %get3A_203 : vector<16xf32> to vector<16xf32>
      %get3A_205 = arith.constant 96 : index
      %get3A_206 = tpu.vector_load %arg19[%get3A_205] {strides = array<i32>} : memref<128xf32, #tpu.memory_space<vmem>>, vector<16xf32>,
      %get3A_207 = vector.shape_cast %get3A_206 : vector<16xf32> to vector<16xf32>
      %add3A_208 = arith.addf %get3A_204, %get3A_207 : vector<16xf32>
      %gt3A_209 = arith.constant 0.000000e+00 : f32
      %gt3A_210 = vector.broadcast %gt3A_209 : f32 to vector<16xf32>
      %gt3A_211 = arith.cmpf ogt, %add3A_208, %gt3A_210 : vector<16xf32>
      %mul3A_212 = arith.constant 2.000000e-01 : f32
      %mul3A_213 = vector.broadcast %mul3A_212 : f32 to vector<16xf32>
      %mul3A_214 = arith.mulf %mul3A_213, %add3A_208 : vector<16xf32>
      %select_n3A_215 = arith.select %gt3A_211, %add3A_208, %mul3A_214 : vector<16xi1>, vector<16xf32>
      %exp3A_216 = math.exp %select_n3A_215 : vector<16xf32>
      %swap3A_217 = arith.constant 96 : index
      %swap3A_218 = tpu.vector_load %arg20[%swap3A_217] {strides = array<i32>} : memref<128xf32, #tpu.memory_space<vmem>>, vector<16xf32>,
      %swap3A_219 = vector.shape_cast %swap3A_218 : vector<16xf32> to vector<16xf32>
      %swap3A_220 = vector.shape_cast %exp3A_216 : vector<16xf32> to vector<16xf32>
      tpu.vector_store %arg20[%swap3A_217], %swap3A_220 {strides = array<i32>} : memref<128xf32, #tpu.memory_space<vmem>>, vector<16xf32>,
      %swap3A_221 = arith.constant 96 : index
      %swap3A_222 = tpu.vector_load %arg21[%swap3A_221] {strides = array<i32>} : memref<144xf32, #tpu.memory_space<vmem>>, vector<16xf32>,
      %swap3A_223 = vector.shape_cast %swap3A_222 : vector<16xf32> to vector<16xf32>
      %swap3A_224 = vector.shape_cast %exp3A_216 : vector<16xf32> to vector<16xf32>
      tpu.vector_store %arg21[%swap3A_221], %swap3A_224 {strides = array<i32>} : memref<144xf32, #tpu.memory_space<vmem>>, vector<16xf32>,
      %get3A_225 = arith.constant 112 : index
      %get3A_226 = tpu.vector_load %arg18[%get3A_225] {strides = array<i32>} : memref<128xf32, #tpu.memory_space<vmem>>, vector<16xf32>,
      %get3A_227 = vector.shape_cast %get3A_226 : vector<16xf32> to vector<16xf32>
      %get3A_228 = arith.constant 112 : index
      %get3A_229 = tpu.vector_load %arg19[%get3A_228] {strides = array<i32>} : memref<128xf32, #tpu.memory_space<vmem>>, vector<16xf32>,
      %get3A_230 = vector.shape_cast %get3A_229 : vector<16xf32> to vector<16xf32>
      %add3A_231 = arith.addf %get3A_227, %get3A_230 : vector<16xf32>
      %gt3A_232 = arith.constant 0.000000e+00 : f32
      %gt3A_233 = vector.broadcast %gt3A_232 : f32 to vector<16xf32>
      %gt3A_234 = arith.cmpf ogt, %add3A_231, %gt3A_233 : vector<16xf32>
      %mul3A_235 = arith.constant 2.000000e-01 : f32
      %mul3A_236 = vector.broadcast %mul3A_235 : f32 to vector<16xf32>
      %mul3A_237 = arith.mulf %mul3A_236, %add3A_231 : vector<16xf32>
      %select_n3A_238 = arith.select %gt3A_234, %add3A_231, %mul3A_237 : vector<16xi1>, vector<16xf32>
      %exp3A_239 = math.exp %select_n3A_238 : vector<16xf32>
      %swap3A_240 = arith.constant 112 : index
      %swap3A_241 = tpu.vector_load %arg20[%swap3A_240] {strides = array<i32>} : memref<128xf32, #tpu.memory_space<vmem>>, vector<16xf32>,
      %swap3A_242 = vector.shape_cast %swap3A_241 : vector<16xf32> to vector<16xf32>
      %swap3A_243 = vector.shape_cast %exp3A_239 : vector<16xf32> to vector<16xf32>
      tpu.vector_store %arg20[%swap3A_240], %swap3A_243 {strides = array<i32>} : memref<128xf32, #tpu.memory_space<vmem>>, vector<16xf32>,
      %swap3A_244 = arith.constant 112 : index
      %swap3A_245 = tpu.vector_load %arg21[%swap3A_244] {strides = array<i32>} : memref<144xf32, #tpu.memory_space<vmem>>, vector<16xf32>,
      %swap3A_246 = vector.shape_cast %swap3A_245 : vector<16xf32> to vector<16xf32>
      %swap3A_247 = vector.shape_cast %exp3A_239 : vector<16xf32> to vector<16xf32>
      tpu.vector_store %arg21[%swap3A_244], %swap3A_247 {strides = array<i32>} : memref<144xf32, #tpu.memory_space<vmem>>, vector<16xf32>,
      %dma_wait3A_248 = arith.constant 0 : i32
      %dma_wait3A_249 = arith.constant 0 : i32
      %dma_wait3A_250 = tpu.memref_slice %arg4[%dma_wait3A_248, %dma_wait3A_249] : memref<10240x128xf32, #tpu.memory_space<hbm>> -> memref<10240x128xf32, #tpu.memory_space<hbm>>
      tpu.wait_indirect_dma semaphore(%arg30 : memref<!tpu.dma_semaphore, #tpu.memory_space<semaphore_mem>>) src(%dma_wait3A_250 : memref<10240x128xf32, #tpu.memory_space<hbm>>) dst(%arg22 : memref<128x128xf32, #tpu.memory_space<vmem>>)
      %scan3A_251 = arith.constant 0 : i32
      %scan3A_252 = arith.constant 0 : i32
      %scan3A_253 = arith.constant 32 : i32
      %scan3A_254 = arith.addi %scan3A_252, %scan3A_253 : i32
      %scan3A_255 = arith.constant 1 : i32
      %scan3A_256 = scf.for %scan3A_481 = %scan3A_252 to %scan3A_254 step %scan3A_255 iter_args(%scan3A_482 = %scan3A_251) -> (i32)  : i32 {
        %mul3A_483 = arith.constant 4 : i32
        %mul3A_484 = arith.muli %scan3A_481, %mul3A_483 : i32
        %add3A_485 = arith.constant 0 : i32
        %add3A_486 = arith.addi %mul3A_484, %add3A_485 : i32
        %get3A_487 = arith.index_cast %add3A_486 : i32 to index
        %get3A_488 = tpu.vector_load %arg21[%get3A_487] {strides = array<i32>} : memref<144xf32, #tpu.memory_space<vmem>>, vector<16xf32>,
        %get3A_489 = vector.shape_cast %get3A_488 : vector<16xf32> to vector<16xf32>
        %slice3A = vector.extract_strided_slice %get3A_489 {offsets = [0], sizes = [1], strides = [1]} : vector<16xf32> to vector<1xf32>
        %squeeze3A = vector.extract %slice3A[0] : f32 from vector<1xf32>
        %get3A_490 = arith.index_cast %add3A_486 : i32 to index
        %get3A_491 = arith.constant 0 : index
        %get3A_492 = tpu.vector_load %arg22[%get3A_490, %get3A_491] {strides = array<i32>} : memref<128x128xf32, #tpu.memory_space<vmem>>, vector<1x16xf32>,
        %get3A_493 = vector.shape_cast %get3A_492 : vector<1x16xf32> to vector<16xf32>
        %mul3A_494 = vector.broadcast %squeeze3A : f32 to vector<16xf32>
        %mul3A_495 = arith.mulf %get3A_493, %mul3A_494 : vector<16xf32>
        %swap3A_496 = arith.index_cast %add3A_486 : i32 to index
        %swap3A_497 = arith.constant 0 : index
        %swap3A_498 = tpu.vector_load %arg22[%swap3A_496, %swap3A_497] {strides = array<i32>} : memref<128x128xf32, #tpu.memory_space<vmem>>, vector<1x16xf32>,
        %swap3A_499 = vector.shape_cast %swap3A_498 : vector<1x16xf32> to vector<16xf32>
        %swap3A_500 = vector.shape_cast %mul3A_495 : vector<16xf32> to vector<1x16xf32>
        tpu.vector_store %arg22[%swap3A_496, %swap3A_497], %swap3A_500 {strides = array<i32>} : memref<128x128xf32, #tpu.memory_space<vmem>>, vector<1x16xf32>,
        %get3A_501 = arith.index_cast %add3A_486 : i32 to index
        %get3A_502 = arith.constant 16 : index
        %get3A_503 = tpu.vector_load %arg22[%get3A_501, %get3A_502] {strides = array<i32>} : memref<128x128xf32, #tpu.memory_space<vmem>>, vector<1x16xf32>,
        %get3A_504 = vector.shape_cast %get3A_503 : vector<1x16xf32> to vector<16xf32>
        %mul3A_505 = vector.broadcast %squeeze3A : f32 to vector<16xf32>
        %mul3A_506 = arith.mulf %get3A_504, %mul3A_505 : vector<16xf32>
        %swap3A_507 = arith.index_cast %add3A_486 : i32 to index
        %swap3A_508 = arith.constant 16 : index
        %swap3A_509 = tpu.vector_load %arg22[%swap3A_507, %swap3A_508] {strides = array<i32>} : memref<128x128xf32, #tpu.memory_space<vmem>>, vector<1x16xf32>,
        %swap3A_510 = vector.shape_cast %swap3A_509 : vector<1x16xf32> to vector<16xf32>
        %swap3A_511 = vector.shape_cast %mul3A_506 : vector<16xf32> to vector<1x16xf32>
        tpu.vector_store %arg22[%swap3A_507, %swap3A_508], %swap3A_511 {strides = array<i32>} : memref<128x128xf32, #tpu.memory_space<vmem>>, vector<1x16xf32>,
        %get3A_512 = arith.index_cast %add3A_486 : i32 to index
        %get3A_513 = arith.constant 32 : index
        %get3A_514 = tpu.vector_load %arg22[%get3A_512, %get3A_513] {strides = array<i32>} : memref<128x128xf32, #tpu.memory_space<vmem>>, vector<1x16xf32>,
        %get3A_515 = vector.shape_cast %get3A_514 : vector<1x16xf32> to vector<16xf32>
        %mul3A_516 = vector.broadcast %squeeze3A : f32 to vector<16xf32>
        %mul3A_517 = arith.mulf %get3A_515, %mul3A_516 : vector<16xf32>
        %swap3A_518 = arith.index_cast %add3A_486 : i32 to index
        %swap3A_519 = arith.constant 32 : index
        %swap3A_520 = tpu.vector_load %arg22[%swap3A_518, %swap3A_519] {strides = array<i32>} : memref<128x128xf32, #tpu.memory_space<vmem>>, vector<1x16xf32>,
        %swap3A_521 = vector.shape_cast %swap3A_520 : vector<1x16xf32> to vector<16xf32>
        %swap3A_522 = vector.shape_cast %mul3A_517 : vector<16xf32> to vector<1x16xf32>
        tpu.vector_store %arg22[%swap3A_518, %swap3A_519], %swap3A_522 {strides = array<i32>} : memref<128x128xf32, #tpu.memory_space<vmem>>, vector<1x16xf32>,
        %get3A_523 = arith.index_cast %add3A_486 : i32 to index
        %get3A_524 = arith.constant 48 : index
        %get3A_525 = tpu.vector_load %arg22[%get3A_523, %get3A_524] {strides = array<i32>} : memref<128x128xf32, #tpu.memory_space<vmem>>, vector<1x16xf32>,
        %get3A_526 = vector.shape_cast %get3A_525 : vector<1x16xf32> to vector<16xf32>
        %mul3A_527 = vector.broadcast %squeeze3A : f32 to vector<16xf32>
        %mul3A_528 = arith.mulf %get3A_526, %mul3A_527 : vector<16xf32>
        %swap3A_529 = arith.index_cast %add3A_486 : i32 to index
        %swap3A_530 = arith.constant 48 : index
        %swap3A_531 = tpu.vector_load %arg22[%swap3A_529, %swap3A_530] {strides = array<i32>} : memref<128x128xf32, #tpu.memory_space<vmem>>, vector<1x16xf32>,
        %swap3A_532 = vector.shape_cast %swap3A_531 : vector<1x16xf32> to vector<16xf32>
        %swap3A_533 = vector.shape_cast %mul3A_528 : vector<16xf32> to vector<1x16xf32>
        tpu.vector_store %arg22[%swap3A_529, %swap3A_530], %swap3A_533 {strides = array<i32>} : memref<128x128xf32, #tpu.memory_space<vmem>>, vector<1x16xf32>,
        %get3A_534 = arith.index_cast %add3A_486 : i32 to index
        %get3A_535 = arith.constant 64 : index
        %get3A_536 = tpu.vector_load %arg22[%get3A_534, %get3A_535] {strides = array<i32>} : memref<128x128xf32, #tpu.memory_space<vmem>>, vector<1x16xf32>,
        %get3A_537 = vector.shape_cast %get3A_536 : vector<1x16xf32> to vector<16xf32>
        %mul3A_538 = vector.broadcast %squeeze3A : f32 to vector<16xf32>
        %mul3A_539 = arith.mulf %get3A_537, %mul3A_538 : vector<16xf32>
        %swap3A_540 = arith.index_cast %add3A_486 : i32 to index
        %swap3A_541 = arith.constant 64 : index
        %swap3A_542 = tpu.vector_load %arg22[%swap3A_540, %swap3A_541] {strides = array<i32>} : memref<128x128xf32, #tpu.memory_space<vmem>>, vector<1x16xf32>,
        %swap3A_543 = vector.shape_cast %swap3A_542 : vector<1x16xf32> to vector<16xf32>
        %swap3A_544 = vector.shape_cast %mul3A_539 : vector<16xf32> to vector<1x16xf32>
        tpu.vector_store %arg22[%swap3A_540, %swap3A_541], %swap3A_544 {strides = array<i32>} : memref<128x128xf32, #tpu.memory_space<vmem>>, vector<1x16xf32>,
        %get3A_545 = arith.index_cast %add3A_486 : i32 to index
        %get3A_546 = arith.constant 80 : index
        %get3A_547 = tpu.vector_load %arg22[%get3A_545, %get3A_546] {strides = array<i32>} : memref<128x128xf32, #tpu.memory_space<vmem>>, vector<1x16xf32>,
        %get3A_548 = vector.shape_cast %get3A_547 : vector<1x16xf32> to vector<16xf32>
        %mul3A_549 = vector.broadcast %squeeze3A : f32 to vector<16xf32>
        %mul3A_550 = arith.mulf %get3A_548, %mul3A_549 : vector<16xf32>
        %swap3A_551 = arith.index_cast %add3A_486 : i32 to index
        %swap3A_552 = arith.constant 80 : index
        %swap3A_553 = tpu.vector_load %arg22[%swap3A_551, %swap3A_552] {strides = array<i32>} : memref<128x128xf32, #tpu.memory_space<vmem>>, vector<1x16xf32>,
        %swap3A_554 = vector.shape_cast %swap3A_553 : vector<1x16xf32> to vector<16xf32>
        %swap3A_555 = vector.shape_cast %mul3A_550 : vector<16xf32> to vector<1x16xf32>
        tpu.vector_store %arg22[%swap3A_551, %swap3A_552], %swap3A_555 {strides = array<i32>} : memref<128x128xf32, #tpu.memory_space<vmem>>, vector<1x16xf32>,
        %get3A_556 = arith.index_cast %add3A_486 : i32 to index
        %get3A_557 = arith.constant 96 : index
        %get3A_558 = tpu.vector_load %arg22[%get3A_556, %get3A_557] {strides = array<i32>} : memref<128x128xf32, #tpu.memory_space<vmem>>, vector<1x16xf32>,
        %get3A_559 = vector.shape_cast %get3A_558 : vector<1x16xf32> to vector<16xf32>
        %mul3A_560 = vector.broadcast %squeeze3A : f32 to vector<16xf32>
        %mul3A_561 = arith.mulf %get3A_559, %mul3A_560 : vector<16xf32>
        %swap3A_562 = arith.index_cast %add3A_486 : i32 to index
        %swap3A_563 = arith.constant 96 : index
        %swap3A_564 = tpu.vector_load %arg22[%swap3A_562, %swap3A_563] {strides = array<i32>} : memref<128x128xf32, #tpu.memory_space<vmem>>, vector<1x16xf32>,
        %swap3A_565 = vector.shape_cast %swap3A_564 : vector<1x16xf32> to vector<16xf32>
        %swap3A_566 = vector.shape_cast %mul3A_561 : vector<16xf32> to vector<1x16xf32>
        tpu.vector_store %arg22[%swap3A_562, %swap3A_563], %swap3A_566 {strides = array<i32>} : memref<128x128xf32, #tpu.memory_space<vmem>>, vector<1x16xf32>,
        %get3A_567 = arith.index_cast %add3A_486 : i32 to index
        %get3A_568 = arith.constant 112 : index
        %get3A_569 = tpu.vector_load %arg22[%get3A_567, %get3A_568] {strides = array<i32>} : memref<128x128xf32, #tpu.memory_space<vmem>>, vector<1x16xf32>,
        %get3A_570 = vector.shape_cast %get3A_569 : vector<1x16xf32> to vector<16xf32>
        %mul3A_571 = vector.broadcast %squeeze3A : f32 to vector<16xf32>
        %mul3A_572 = arith.mulf %get3A_570, %mul3A_571 : vector<16xf32>
        %swap3A_573 = arith.index_cast %add3A_486 : i32 to index
        %swap3A_574 = arith.constant 112 : index
        %swap3A_575 = tpu.vector_load %arg22[%swap3A_573, %swap3A_574] {strides = array<i32>} : memref<128x128xf32, #tpu.memory_space<vmem>>, vector<1x16xf32>,
        %swap3A_576 = vector.shape_cast %swap3A_575 : vector<1x16xf32> to vector<16xf32>
        %swap3A_577 = vector.shape_cast %mul3A_572 : vector<16xf32> to vector<1x16xf32>
        tpu.vector_store %arg22[%swap3A_573, %swap3A_574], %swap3A_577 {strides = array<i32>} : memref<128x128xf32, #tpu.memory_space<vmem>>, vector<1x16xf32>,
        %mul3A_578 = arith.constant 4 : i32
        %mul3A_579 = arith.muli %scan3A_481, %mul3A_578 : i32
        %add3A_580 = arith.constant 1 : i32
        %add3A_581 = arith.addi %mul3A_579, %add3A_580 : i32
        %get3A_582 = arith.index_cast %add3A_581 : i32 to index
        %get3A_583 = tpu.vector_load %arg21[%get3A_582] {strides = array<i32>} : memref<144xf32, #tpu.memory_space<vmem>>, vector<16xf32>,
        %get3A_584 = vector.shape_cast %get3A_583 : vector<16xf32> to vector<16xf32>
        %slice3A_585 = vector.extract_strided_slice %get3A_584 {offsets = [0], sizes = [1], strides = [1]} : vector<16xf32> to vector<1xf32>
        %squeeze3A_586 = vector.extract %slice3A_585[0] : f32 from vector<1xf32>
        %get3A_587 = arith.index_cast %add3A_581 : i32 to index
        %get3A_588 = arith.constant 0 : index
        %get3A_589 = tpu.vector_load %arg22[%get3A_587, %get3A_588] {strides = array<i32>} : memref<128x128xf32, #tpu.memory_space<vmem>>, vector<1x16xf32>,
        %get3A_590 = vector.shape_cast %get3A_589 : vector<1x16xf32> to vector<16xf32>
        %mul3A_591 = vector.broadcast %squeeze3A_586 : f32 to vector<16xf32>
        %mul3A_592 = arith.mulf %get3A_590, %mul3A_591 : vector<16xf32>
        %swap3A_593 = arith.index_cast %add3A_581 : i32 to index
        %swap3A_594 = arith.constant 0 : index
        %swap3A_595 = tpu.vector_load %arg22[%swap3A_593, %swap3A_594] {strides = array<i32>} : memref<128x128xf32, #tpu.memory_space<vmem>>, vector<1x16xf32>,
        %swap3A_596 = vector.shape_cast %swap3A_595 : vector<1x16xf32> to vector<16xf32>
        %swap3A_597 = vector.shape_cast %mul3A_592 : vector<16xf32> to vector<1x16xf32>
        tpu.vector_store %arg22[%swap3A_593, %swap3A_594], %swap3A_597 {strides = array<i32>} : memref<128x128xf32, #tpu.memory_space<vmem>>, vector<1x16xf32>,
        %get3A_598 = arith.index_cast %add3A_581 : i32 to index
        %get3A_599 = arith.constant 16 : index
        %get3A_600 = tpu.vector_load %arg22[%get3A_598, %get3A_599] {strides = array<i32>} : memref<128x128xf32, #tpu.memory_space<vmem>>, vector<1x16xf32>,
        %get3A_601 = vector.shape_cast %get3A_600 : vector<1x16xf32> to vector<16xf32>
        %mul3A_602 = vector.broadcast %squeeze3A_586 : f32 to vector<16xf32>
        %mul3A_603 = arith.mulf %get3A_601, %mul3A_602 : vector<16xf32>
        %swap3A_604 = arith.index_cast %add3A_581 : i32 to index
        %swap3A_605 = arith.constant 16 : index
        %swap3A_606 = tpu.vector_load %arg22[%swap3A_604, %swap3A_605] {strides = array<i32>} : memref<128x128xf32, #tpu.memory_space<vmem>>, vector<1x16xf32>,
        %swap3A_607 = vector.shape_cast %swap3A_606 : vector<1x16xf32> to vector<16xf32>
        %swap3A_608 = vector.shape_cast %mul3A_603 : vector<16xf32> to vector<1x16xf32>
        tpu.vector_store %arg22[%swap3A_604, %swap3A_605], %swap3A_608 {strides = array<i32>} : memref<128x128xf32, #tpu.memory_space<vmem>>, vector<1x16xf32>,
        %get3A_609 = arith.index_cast %add3A_581 : i32 to index
        %get3A_610 = arith.constant 32 : index
        %get3A_611 = tpu.vector_load %arg22[%get3A_609, %get3A_610] {strides = array<i32>} : memref<128x128xf32, #tpu.memory_space<vmem>>, vector<1x16xf32>,
        %get3A_612 = vector.shape_cast %get3A_611 : vector<1x16xf32> to vector<16xf32>
        %mul3A_613 = vector.broadcast %squeeze3A_586 : f32 to vector<16xf32>
        %mul3A_614 = arith.mulf %get3A_612, %mul3A_613 : vector<16xf32>
        %swap3A_615 = arith.index_cast %add3A_581 : i32 to index
        %swap3A_616 = arith.constant 32 : index
        %swap3A_617 = tpu.vector_load %arg22[%swap3A_615, %swap3A_616] {strides = array<i32>} : memref<128x128xf32, #tpu.memory_space<vmem>>, vector<1x16xf32>,
        %swap3A_618 = vector.shape_cast %swap3A_617 : vector<1x16xf32> to vector<16xf32>
        %swap3A_619 = vector.shape_cast %mul3A_614 : vector<16xf32> to vector<1x16xf32>
        tpu.vector_store %arg22[%swap3A_615, %swap3A_616], %swap3A_619 {strides = array<i32>} : memref<128x128xf32, #tpu.memory_space<vmem>>, vector<1x16xf32>,
        %get3A_620 = arith.index_cast %add3A_581 : i32 to index
        %get3A_621 = arith.constant 48 : index
        %get3A_622 = tpu.vector_load %arg22[%get3A_620, %get3A_621] {strides = array<i32>} : memref<128x128xf32, #tpu.memory_space<vmem>>, vector<1x16xf32>,
        %get3A_623 = vector.shape_cast %get3A_622 : vector<1x16xf32> to vector<16xf32>
        %mul3A_624 = vector.broadcast %squeeze3A_586 : f32 to vector<16xf32>
        %mul3A_625 = arith.mulf %get3A_623, %mul3A_624 : vector<16xf32>
        %swap3A_626 = arith.index_cast %add3A_581 : i32 to index
        %swap3A_627 = arith.constant 48 : index
        %swap3A_628 = tpu.vector_load %arg22[%swap3A_626, %swap3A_627] {strides = array<i32>} : memref<128x128xf32, #tpu.memory_space<vmem>>, vector<1x16xf32>,
        %swap3A_629 = vector.shape_cast %swap3A_628 : vector<1x16xf32> to vector<16xf32>
        %swap3A_630 = vector.shape_cast %mul3A_625 : vector<16xf32> to vector<1x16xf32>
        tpu.vector_store %arg22[%swap3A_626, %swap3A_627], %swap3A_630 {strides = array<i32>} : memref<128x128xf32, #tpu.memory_space<vmem>>, vector<1x16xf32>,
        %get3A_631 = arith.index_cast %add3A_581 : i32 to index
        %get3A_632 = arith.constant 64 : index
        %get3A_633 = tpu.vector_load %arg22[%get3A_631, %get3A_632] {strides = array<i32>} : memref<128x128xf32, #tpu.memory_space<vmem>>, vector<1x16xf32>,
        %get3A_634 = vector.shape_cast %get3A_633 : vector<1x16xf32> to vector<16xf32>
        %mul3A_635 = vector.broadcast %squeeze3A_586 : f32 to vector<16xf32>
        %mul3A_636 = arith.mulf %get3A_634, %mul3A_635 : vector<16xf32>
        %swap3A_637 = arith.index_cast %add3A_581 : i32 to index
        %swap3A_638 = arith.constant 64 : index
        %swap3A_639 = tpu.vector_load %arg22[%swap3A_637, %swap3A_638] {strides = array<i32>} : memref<128x128xf32, #tpu.memory_space<vmem>>, vector<1x16xf32>,
        %swap3A_640 = vector.shape_cast %swap3A_639 : vector<1x16xf32> to vector<16xf32>
        %swap3A_641 = vector.shape_cast %mul3A_636 : vector<16xf32> to vector<1x16xf32>
        tpu.vector_store %arg22[%swap3A_637, %swap3A_638], %swap3A_641 {strides = array<i32>} : memref<128x128xf32, #tpu.memory_space<vmem>>, vector<1x16xf32>,
        %get3A_642 = arith.index_cast %add3A_581 : i32 to index
        %get3A_643 = arith.constant 80 : index
        %get3A_644 = tpu.vector_load %arg22[%get3A_642, %get3A_643] {strides = array<i32>} : memref<128x128xf32, #tpu.memory_space<vmem>>, vector<1x16xf32>,
        %get3A_645 = vector.shape_cast %get3A_644 : vector<1x16xf32> to vector<16xf32>
        %mul3A_646 = vector.broadcast %squeeze3A_586 : f32 to vector<16xf32>
        %mul3A_647 = arith.mulf %get3A_645, %mul3A_646 : vector<16xf32>
        %swap3A_648 = arith.index_cast %add3A_581 : i32 to index
        %swap3A_649 = arith.constant 80 : index
        %swap3A_650 = tpu.vector_load %arg22[%swap3A_648, %swap3A_649] {strides = array<i32>} : memref<128x128xf32, #tpu.memory_space<vmem>>, vector<1x16xf32>,
        %swap3A_651 = vector.shape_cast %swap3A_650 : vector<1x16xf32> to vector<16xf32>
        %swap3A_652 = vector.shape_cast %mul3A_647 : vector<16xf32> to vector<1x16xf32>
        tpu.vector_store %arg22[%swap3A_648, %swap3A_649], %swap3A_652 {strides = array<i32>} : memref<128x128xf32, #tpu.memory_space<vmem>>, vector<1x16xf32>,
        %get3A_653 = arith.index_cast %add3A_581 : i32 to index
        %get3A_654 = arith.constant 96 : index
        %get3A_655 = tpu.vector_load %arg22[%get3A_653, %get3A_654] {strides = array<i32>} : memref<128x128xf32, #tpu.memory_space<vmem>>, vector<1x16xf32>,
        %get3A_656 = vector.shape_cast %get3A_655 : vector<1x16xf32> to vector<16xf32>
        %mul3A_657 = vector.broadcast %squeeze3A_586 : f32 to vector<16xf32>
        %mul3A_658 = arith.mulf %get3A_656, %mul3A_657 : vector<16xf32>
        %swap3A_659 = arith.index_cast %add3A_581 : i32 to index
        %swap3A_660 = arith.constant 96 : index
        %swap3A_661 = tpu.vector_load %arg22[%swap3A_659, %swap3A_660] {strides = array<i32>} : memref<128x128xf32, #tpu.memory_space<vmem>>, vector<1x16xf32>,
        %swap3A_662 = vector.shape_cast %swap3A_661 : vector<1x16xf32> to vector<16xf32>
        %swap3A_663 = vector.shape_cast %mul3A_658 : vector<16xf32> to vector<1x16xf32>
        tpu.vector_store %arg22[%swap3A_659, %swap3A_660], %swap3A_663 {strides = array<i32>} : memref<128x128xf32, #tpu.memory_space<vmem>>, vector<1x16xf32>,
        %get3A_664 = arith.index_cast %add3A_581 : i32 to index
        %get3A_665 = arith.constant 112 : index
        %get3A_666 = tpu.vector_load %arg22[%get3A_664, %get3A_665] {strides = array<i32>} : memref<128x128xf32, #tpu.memory_space<vmem>>, vector<1x16xf32>,
        %get3A_667 = vector.shape_cast %get3A_666 : vector<1x16xf32> to vector<16xf32>
        %mul3A_668 = vector.broadcast %squeeze3A_586 : f32 to vector<16xf32>
        %mul3A_669 = arith.mulf %get3A_667, %mul3A_668 : vector<16xf32>
        %swap3A_670 = arith.index_cast %add3A_581 : i32 to index
        %swap3A_671 = arith.constant 112 : index
        %swap3A_672 = tpu.vector_load %arg22[%swap3A_670, %swap3A_671] {strides = array<i32>} : memref<128x128xf32, #tpu.memory_space<vmem>>, vector<1x16xf32>,
        %swap3A_673 = vector.shape_cast %swap3A_672 : vector<1x16xf32> to vector<16xf32>
        %swap3A_674 = vector.shape_cast %mul3A_669 : vector<16xf32> to vector<1x16xf32>
        tpu.vector_store %arg22[%swap3A_670, %swap3A_671], %swap3A_674 {strides = array<i32>} : memref<128x128xf32, #tpu.memory_space<vmem>>, vector<1x16xf32>,
        %mul3A_675 = arith.constant 4 : i32
        %mul3A_676 = arith.muli %scan3A_481, %mul3A_675 : i32
        %add3A_677 = arith.constant 2 : i32
        %add3A_678 = arith.addi %mul3A_676, %add3A_677 : i32
        %get3A_679 = arith.index_cast %add3A_678 : i32 to index
        %get3A_680 = tpu.vector_load %arg21[%get3A_679] {strides = array<i32>} : memref<144xf32, #tpu.memory_space<vmem>>, vector<16xf32>,
        %get3A_681 = vector.shape_cast %get3A_680 : vector<16xf32> to vector<16xf32>
        %slice3A_682 = vector.extract_strided_slice %get3A_681 {offsets = [0], sizes = [1], strides = [1]} : vector<16xf32> to vector<1xf32>
        %squeeze3A_683 = vector.extract %slice3A_682[0] : f32 from vector<1xf32>
        %get3A_684 = arith.index_cast %add3A_678 : i32 to index
        %get3A_685 = arith.constant 0 : index
        %get3A_686 = tpu.vector_load %arg22[%get3A_684, %get3A_685] {strides = array<i32>} : memref<128x128xf32, #tpu.memory_space<vmem>>, vector<1x16xf32>,
        %get3A_687 = vector.shape_cast %get3A_686 : vector<1x16xf32> to vector<16xf32>
        %mul3A_688 = vector.broadcast %squeeze3A_683 : f32 to vector<16xf32>
        %mul3A_689 = arith.mulf %get3A_687, %mul3A_688 : vector<16xf32>
        %swap3A_690 = arith.index_cast %add3A_678 : i32 to index
        %swap3A_691 = arith.constant 0 : index
        %swap3A_692 = tpu.vector_load %arg22[%swap3A_690, %swap3A_691] {strides = array<i32>} : memref<128x128xf32, #tpu.memory_space<vmem>>, vector<1x16xf32>,
        %swap3A_693 = vector.shape_cast %swap3A_692 : vector<1x16xf32> to vector<16xf32>
        %swap3A_694 = vector.shape_cast %mul3A_689 : vector<16xf32> to vector<1x16xf32>
        tpu.vector_store %arg22[%swap3A_690, %swap3A_691], %swap3A_694 {strides = array<i32>} : memref<128x128xf32, #tpu.memory_space<vmem>>, vector<1x16xf32>,
        %get3A_695 = arith.index_cast %add3A_678 : i32 to index
        %get3A_696 = arith.constant 16 : index
        %get3A_697 = tpu.vector_load %arg22[%get3A_695, %get3A_696] {strides = array<i32>} : memref<128x128xf32, #tpu.memory_space<vmem>>, vector<1x16xf32>,
        %get3A_698 = vector.shape_cast %get3A_697 : vector<1x16xf32> to vector<16xf32>
        %mul3A_699 = vector.broadcast %squeeze3A_683 : f32 to vector<16xf32>
        %mul3A_700 = arith.mulf %get3A_698, %mul3A_699 : vector<16xf32>
        %swap3A_701 = arith.index_cast %add3A_678 : i32 to index
        %swap3A_702 = arith.constant 16 : index
        %swap3A_703 = tpu.vector_load %arg22[%swap3A_701, %swap3A_702] {strides = array<i32>} : memref<128x128xf32, #tpu.memory_space<vmem>>, vector<1x16xf32>,
        %swap3A_704 = vector.shape_cast %swap3A_703 : vector<1x16xf32> to vector<16xf32>
        %swap3A_705 = vector.shape_cast %mul3A_700 : vector<16xf32> to vector<1x16xf32>
        tpu.vector_store %arg22[%swap3A_701, %swap3A_702], %swap3A_705 {strides = array<i32>} : memref<128x128xf32, #tpu.memory_space<vmem>>, vector<1x16xf32>,
        %get3A_706 = arith.index_cast %add3A_678 : i32 to index
        %get3A_707 = arith.constant 32 : index
        %get3A_708 = tpu.vector_load %arg22[%get3A_706, %get3A_707] {strides = array<i32>} : memref<128x128xf32, #tpu.memory_space<vmem>>, vector<1x16xf32>,
        %get3A_709 = vector.shape_cast %get3A_708 : vector<1x16xf32> to vector<16xf32>
        %mul3A_710 = vector.broadcast %squeeze3A_683 : f32 to vector<16xf32>
        %mul3A_711 = arith.mulf %get3A_709, %mul3A_710 : vector<16xf32>
        %swap3A_712 = arith.index_cast %add3A_678 : i32 to index
        %swap3A_713 = arith.constant 32 : index
        %swap3A_714 = tpu.vector_load %arg22[%swap3A_712, %swap3A_713] {strides = array<i32>} : memref<128x128xf32, #tpu.memory_space<vmem>>, vector<1x16xf32>,
        %swap3A_715 = vector.shape_cast %swap3A_714 : vector<1x16xf32> to vector<16xf32>
        %swap3A_716 = vector.shape_cast %mul3A_711 : vector<16xf32> to vector<1x16xf32>
        tpu.vector_store %arg22[%swap3A_712, %swap3A_713], %swap3A_716 {strides = array<i32>} : memref<128x128xf32, #tpu.memory_space<vmem>>, vector<1x16xf32>,
        %get3A_717 = arith.index_cast %add3A_678 : i32 to index
        %get3A_718 = arith.constant 48 : index
        %get3A_719 = tpu.vector_load %arg22[%get3A_717, %get3A_718] {strides = array<i32>} : memref<128x128xf32, #tpu.memory_space<vmem>>, vector<1x16xf32>,
        %get3A_720 = vector.shape_cast %get3A_719 : vector<1x16xf32> to vector<16xf32>
        %mul3A_721 = vector.broadcast %squeeze3A_683 : f32 to vector<16xf32>
        %mul3A_722 = arith.mulf %get3A_720, %mul3A_721 : vector<16xf32>
        %swap3A_723 = arith.index_cast %add3A_678 : i32 to index
        %swap3A_724 = arith.constant 48 : index
        %swap3A_725 = tpu.vector_load %arg22[%swap3A_723, %swap3A_724] {strides = array<i32>} : memref<128x128xf32, #tpu.memory_space<vmem>>, vector<1x16xf32>,
        %swap3A_726 = vector.shape_cast %swap3A_725 : vector<1x16xf32> to vector<16xf32>
        %swap3A_727 = vector.shape_cast %mul3A_722 : vector<16xf32> to vector<1x16xf32>
        tpu.vector_store %arg22[%swap3A_723, %swap3A_724], %swap3A_727 {strides = array<i32>} : memref<128x128xf32, #tpu.memory_space<vmem>>, vector<1x16xf32>,
        %get3A_728 = arith.index_cast %add3A_678 : i32 to index
        %get3A_729 = arith.constant 64 : index
        %get3A_730 = tpu.vector_load %arg22[%get3A_728, %get3A_729] {strides = array<i32>} : memref<128x128xf32, #tpu.memory_space<vmem>>, vector<1x16xf32>,
        %get3A_731 = vector.shape_cast %get3A_730 : vector<1x16xf32> to vector<16xf32>
        %mul3A_732 = vector.broadcast %squeeze3A_683 : f32 to vector<16xf32>
        %mul3A_733 = arith.mulf %get3A_731, %mul3A_732 : vector<16xf32>
        %swap3A_734 = arith.index_cast %add3A_678 : i32 to index
        %swap3A_735 = arith.constant 64 : index
        %swap3A_736 = tpu.vector_load %arg22[%swap3A_734, %swap3A_735] {strides = array<i32>} : memref<128x128xf32, #tpu.memory_space<vmem>>, vector<1x16xf32>,
        %swap3A_737 = vector.shape_cast %swap3A_736 : vector<1x16xf32> to vector<16xf32>
        %swap3A_738 = vector.shape_cast %mul3A_733 : vector<16xf32> to vector<1x16xf32>
        tpu.vector_store %arg22[%swap3A_734, %swap3A_735], %swap3A_738 {strides = array<i32>} : memref<128x128xf32, #tpu.memory_space<vmem>>, vector<1x16xf32>,
        %get3A_739 = arith.index_cast %add3A_678 : i32 to index
        %get3A_740 = arith.constant 80 : index
        %get3A_741 = tpu.vector_load %arg22[%get3A_739, %get3A_740] {strides = array<i32>} : memref<128x128xf32, #tpu.memory_space<vmem>>, vector<1x16xf32>,
        %get3A_742 = vector.shape_cast %get3A_741 : vector<1x16xf32> to vector<16xf32>
        %mul3A_743 = vector.broadcast %squeeze3A_683 : f32 to vector<16xf32>
        %mul3A_744 = arith.mulf %get3A_742, %mul3A_743 : vector<16xf32>
        %swap3A_745 = arith.index_cast %add3A_678 : i32 to index
        %swap3A_746 = arith.constant 80 : index
        %swap3A_747 = tpu.vector_load %arg22[%swap3A_745, %swap3A_746] {strides = array<i32>} : memref<128x128xf32, #tpu.memory_space<vmem>>, vector<1x16xf32>,
        %swap3A_748 = vector.shape_cast %swap3A_747 : vector<1x16xf32> to vector<16xf32>
        %swap3A_749 = vector.shape_cast %mul3A_744 : vector<16xf32> to vector<1x16xf32>
        tpu.vector_store %arg22[%swap3A_745, %swap3A_746], %swap3A_749 {strides = array<i32>} : memref<128x128xf32, #tpu.memory_space<vmem>>, vector<1x16xf32>,
        %get3A_750 = arith.index_cast %add3A_678 : i32 to index
        %get3A_751 = arith.constant 96 : index
        %get3A_752 = tpu.vector_load %arg22[%get3A_750, %get3A_751] {strides = array<i32>} : memref<128x128xf32, #tpu.memory_space<vmem>>, vector<1x16xf32>,
        %get3A_753 = vector.shape_cast %get3A_752 : vector<1x16xf32> to vector<16xf32>
        %mul3A_754 = vector.broadcast %squeeze3A_683 : f32 to vector<16xf32>
        %mul3A_755 = arith.mulf %get3A_753, %mul3A_754 : vector<16xf32>
        %swap3A_756 = arith.index_cast %add3A_678 : i32 to index
        %swap3A_757 = arith.constant 96 : index
        %swap3A_758 = tpu.vector_load %arg22[%swap3A_756, %swap3A_757] {strides = array<i32>} : memref<128x128xf32, #tpu.memory_space<vmem>>, vector<1x16xf32>,
        %swap3A_759 = vector.shape_cast %swap3A_758 : vector<1x16xf32> to vector<16xf32>
        %swap3A_760 = vector.shape_cast %mul3A_755 : vector<16xf32> to vector<1x16xf32>
        tpu.vector_store %arg22[%swap3A_756, %swap3A_757], %swap3A_760 {strides = array<i32>} : memref<128x128xf32, #tpu.memory_space<vmem>>, vector<1x16xf32>,
        %get3A_761 = arith.index_cast %add3A_678 : i32 to index
        %get3A_762 = arith.constant 112 : index
        %get3A_763 = tpu.vector_load %arg22[%get3A_761, %get3A_762] {strides = array<i32>} : memref<128x128xf32, #tpu.memory_space<vmem>>, vector<1x16xf32>,
        %get3A_764 = vector.shape_cast %get3A_763 : vector<1x16xf32> to vector<16xf32>
        %mul3A_765 = vector.broadcast %squeeze3A_683 : f32 to vector<16xf32>
        %mul3A_766 = arith.mulf %get3A_764, %mul3A_765 : vector<16xf32>
        %swap3A_767 = arith.index_cast %add3A_678 : i32 to index
        %swap3A_768 = arith.constant 112 : index
        %swap3A_769 = tpu.vector_load %arg22[%swap3A_767, %swap3A_768] {strides = array<i32>} : memref<128x128xf32, #tpu.memory_space<vmem>>, vector<1x16xf32>,
        %swap3A_770 = vector.shape_cast %swap3A_769 : vector<1x16xf32> to vector<16xf32>
        %swap3A_771 = vector.shape_cast %mul3A_766 : vector<16xf32> to vector<1x16xf32>
        tpu.vector_store %arg22[%swap3A_767, %swap3A_768], %swap3A_771 {strides = array<i32>} : memref<128x128xf32, #tpu.memory_space<vmem>>, vector<1x16xf32>,
        %mul3A_772 = arith.constant 4 : i32
        %mul3A_773 = arith.muli %scan3A_481, %mul3A_772 : i32
        %add3A_774 = arith.constant 3 : i32
        %add3A_775 = arith.addi %mul3A_773, %add3A_774 : i32
        %get3A_776 = arith.index_cast %add3A_775 : i32 to index
        %get3A_777 = tpu.vector_load %arg21[%get3A_776] {strides = array<i32>} : memref<144xf32, #tpu.memory_space<vmem>>, vector<16xf32>,
        %get3A_778 = vector.shape_cast %get3A_777 : vector<16xf32> to vector<16xf32>
        %slice3A_779 = vector.extract_strided_slice %get3A_778 {offsets = [0], sizes = [1], strides = [1]} : vector<16xf32> to vector<1xf32>
        %squeeze3A_780 = vector.extract %slice3A_779[0] : f32 from vector<1xf32>
        %get3A_781 = arith.index_cast %add3A_775 : i32 to index
        %get3A_782 = arith.constant 0 : index
        %get3A_783 = tpu.vector_load %arg22[%get3A_781, %get3A_782] {strides = array<i32>} : memref<128x128xf32, #tpu.memory_space<vmem>>, vector<1x16xf32>,
        %get3A_784 = vector.shape_cast %get3A_783 : vector<1x16xf32> to vector<16xf32>
        %mul3A_785 = vector.broadcast %squeeze3A_780 : f32 to vector<16xf32>
        %mul3A_786 = arith.mulf %get3A_784, %mul3A_785 : vector<16xf32>
        %swap3A_787 = arith.index_cast %add3A_775 : i32 to index
        %swap3A_788 = arith.constant 0 : index
        %swap3A_789 = tpu.vector_load %arg22[%swap3A_787, %swap3A_788] {strides = array<i32>} : memref<128x128xf32, #tpu.memory_space<vmem>>, vector<1x16xf32>,
        %swap3A_790 = vector.shape_cast %swap3A_789 : vector<1x16xf32> to vector<16xf32>
        %swap3A_791 = vector.shape_cast %mul3A_786 : vector<16xf32> to vector<1x16xf32>
        tpu.vector_store %arg22[%swap3A_787, %swap3A_788], %swap3A_791 {strides = array<i32>} : memref<128x128xf32, #tpu.memory_space<vmem>>, vector<1x16xf32>,
        %get3A_792 = arith.index_cast %add3A_775 : i32 to index
        %get3A_793 = arith.constant 16 : index
        %get3A_794 = tpu.vector_load %arg22[%get3A_792, %get3A_793] {strides = array<i32>} : memref<128x128xf32, #tpu.memory_space<vmem>>, vector<1x16xf32>,
        %get3A_795 = vector.shape_cast %get3A_794 : vector<1x16xf32> to vector<16xf32>
        %mul3A_796 = vector.broadcast %squeeze3A_780 : f32 to vector<16xf32>
        %mul3A_797 = arith.mulf %get3A_795, %mul3A_796 : vector<16xf32>
        %swap3A_798 = arith.index_cast %add3A_775 : i32 to index
        %swap3A_799 = arith.constant 16 : index
        %swap3A_800 = tpu.vector_load %arg22[%swap3A_798, %swap3A_799] {strides = array<i32>} : memref<128x128xf32, #tpu.memory_space<vmem>>, vector<1x16xf32>,
        %swap3A_801 = vector.shape_cast %swap3A_800 : vector<1x16xf32> to vector<16xf32>
        %swap3A_802 = vector.shape_cast %mul3A_797 : vector<16xf32> to vector<1x16xf32>
        tpu.vector_store %arg22[%swap3A_798, %swap3A_799], %swap3A_802 {strides = array<i32>} : memref<128x128xf32, #tpu.memory_space<vmem>>, vector<1x16xf32>,
        %get3A_803 = arith.index_cast %add3A_775 : i32 to index
        %get3A_804 = arith.constant 32 : index
        %get3A_805 = tpu.vector_load %arg22[%get3A_803, %get3A_804] {strides = array<i32>} : memref<128x128xf32, #tpu.memory_space<vmem>>, vector<1x16xf32>,
        %get3A_806 = vector.shape_cast %get3A_805 : vector<1x16xf32> to vector<16xf32>
        %mul3A_807 = vector.broadcast %squeeze3A_780 : f32 to vector<16xf32>
        %mul3A_808 = arith.mulf %get3A_806, %mul3A_807 : vector<16xf32>
        %swap3A_809 = arith.index_cast %add3A_775 : i32 to index
        %swap3A_810 = arith.constant 32 : index
        %swap3A_811 = tpu.vector_load %arg22[%swap3A_809, %swap3A_810] {strides = array<i32>} : memref<128x128xf32, #tpu.memory_space<vmem>>, vector<1x16xf32>,
        %swap3A_812 = vector.shape_cast %swap3A_811 : vector<1x16xf32> to vector<16xf32>
        %swap3A_813 = vector.shape_cast %mul3A_808 : vector<16xf32> to vector<1x16xf32>
        tpu.vector_store %arg22[%swap3A_809, %swap3A_810], %swap3A_813 {strides = array<i32>} : memref<128x128xf32, #tpu.memory_space<vmem>>, vector<1x16xf32>,
        %get3A_814 = arith.index_cast %add3A_775 : i32 to index
        %get3A_815 = arith.constant 48 : index
        %get3A_816 = tpu.vector_load %arg22[%get3A_814, %get3A_815] {strides = array<i32>} : memref<128x128xf32, #tpu.memory_space<vmem>>, vector<1x16xf32>,
        %get3A_817 = vector.shape_cast %get3A_816 : vector<1x16xf32> to vector<16xf32>
        %mul3A_818 = vector.broadcast %squeeze3A_780 : f32 to vector<16xf32>
        %mul3A_819 = arith.mulf %get3A_817, %mul3A_818 : vector<16xf32>
        %swap3A_820 = arith.index_cast %add3A_775 : i32 to index
        %swap3A_821 = arith.constant 48 : index
        %swap3A_822 = tpu.vector_load %arg22[%swap3A_820, %swap3A_821] {strides = array<i32>} : memref<128x128xf32, #tpu.memory_space<vmem>>, vector<1x16xf32>,
        %swap3A_823 = vector.shape_cast %swap3A_822 : vector<1x16xf32> to vector<16xf32>
        %swap3A_824 = vector.shape_cast %mul3A_819 : vector<16xf32> to vector<1x16xf32>
        tpu.vector_store %arg22[%swap3A_820, %swap3A_821], %swap3A_824 {strides = array<i32>} : memref<128x128xf32, #tpu.memory_space<vmem>>, vector<1x16xf32>,
        %get3A_825 = arith.index_cast %add3A_775 : i32 to index
        %get3A_826 = arith.constant 64 : index
        %get3A_827 = tpu.vector_load %arg22[%get3A_825, %get3A_826] {strides = array<i32>} : memref<128x128xf32, #tpu.memory_space<vmem>>, vector<1x16xf32>,
        %get3A_828 = vector.shape_cast %get3A_827 : vector<1x16xf32> to vector<16xf32>
        %mul3A_829 = vector.broadcast %squeeze3A_780 : f32 to vector<16xf32>
        %mul3A_830 = arith.mulf %get3A_828, %mul3A_829 : vector<16xf32>
        %swap3A_831 = arith.index_cast %add3A_775 : i32 to index
        %swap3A_832 = arith.constant 64 : index
        %swap3A_833 = tpu.vector_load %arg22[%swap3A_831, %swap3A_832] {strides = array<i32>} : memref<128x128xf32, #tpu.memory_space<vmem>>, vector<1x16xf32>,
        %swap3A_834 = vector.shape_cast %swap3A_833 : vector<1x16xf32> to vector<16xf32>
        %swap3A_835 = vector.shape_cast %mul3A_830 : vector<16xf32> to vector<1x16xf32>
        tpu.vector_store %arg22[%swap3A_831, %swap3A_832], %swap3A_835 {strides = array<i32>} : memref<128x128xf32, #tpu.memory_space<vmem>>, vector<1x16xf32>,
        %get3A_836 = arith.index_cast %add3A_775 : i32 to index
        %get3A_837 = arith.constant 80 : index
        %get3A_838 = tpu.vector_load %arg22[%get3A_836, %get3A_837] {strides = array<i32>} : memref<128x128xf32, #tpu.memory_space<vmem>>, vector<1x16xf32>,
        %get3A_839 = vector.shape_cast %get3A_838 : vector<1x16xf32> to vector<16xf32>
        %mul3A_840 = vector.broadcast %squeeze3A_780 : f32 to vector<16xf32>
        %mul3A_841 = arith.mulf %get3A_839, %mul3A_840 : vector<16xf32>
        %swap3A_842 = arith.index_cast %add3A_775 : i32 to index
        %swap3A_843 = arith.constant 80 : index
        %swap3A_844 = tpu.vector_load %arg22[%swap3A_842, %swap3A_843] {strides = array<i32>} : memref<128x128xf32, #tpu.memory_space<vmem>>, vector<1x16xf32>,
        %swap3A_845 = vector.shape_cast %swap3A_844 : vector<1x16xf32> to vector<16xf32>
        %swap3A_846 = vector.shape_cast %mul3A_841 : vector<16xf32> to vector<1x16xf32>
        tpu.vector_store %arg22[%swap3A_842, %swap3A_843], %swap3A_846 {strides = array<i32>} : memref<128x128xf32, #tpu.memory_space<vmem>>, vector<1x16xf32>,
        %get3A_847 = arith.index_cast %add3A_775 : i32 to index
        %get3A_848 = arith.constant 96 : index
        %get3A_849 = tpu.vector_load %arg22[%get3A_847, %get3A_848] {strides = array<i32>} : memref<128x128xf32, #tpu.memory_space<vmem>>, vector<1x16xf32>,
        %get3A_850 = vector.shape_cast %get3A_849 : vector<1x16xf32> to vector<16xf32>
        %mul3A_851 = vector.broadcast %squeeze3A_780 : f32 to vector<16xf32>
        %mul3A_852 = arith.mulf %get3A_850, %mul3A_851 : vector<16xf32>
        %swap3A_853 = arith.index_cast %add3A_775 : i32 to index
        %swap3A_854 = arith.constant 96 : index
        %swap3A_855 = tpu.vector_load %arg22[%swap3A_853, %swap3A_854] {strides = array<i32>} : memref<128x128xf32, #tpu.memory_space<vmem>>, vector<1x16xf32>,
        %swap3A_856 = vector.shape_cast %swap3A_855 : vector<1x16xf32> to vector<16xf32>
        %swap3A_857 = vector.shape_cast %mul3A_852 : vector<16xf32> to vector<1x16xf32>
        tpu.vector_store %arg22[%swap3A_853, %swap3A_854], %swap3A_857 {strides = array<i32>} : memref<128x128xf32, #tpu.memory_space<vmem>>, vector<1x16xf32>,
        %get3A_858 = arith.index_cast %add3A_775 : i32 to index
        %get3A_859 = arith.constant 112 : index
        %get3A_860 = tpu.vector_load %arg22[%get3A_858, %get3A_859] {strides = array<i32>} : memref<128x128xf32, #tpu.memory_space<vmem>>, vector<1x16xf32>,
        %get3A_861 = vector.shape_cast %get3A_860 : vector<1x16xf32> to vector<16xf32>
        %mul3A_862 = vector.broadcast %squeeze3A_780 : f32 to vector<16xf32>
        %mul3A_863 = arith.mulf %get3A_861, %mul3A_862 : vector<16xf32>
        %swap3A_864 = arith.index_cast %add3A_775 : i32 to index
        %swap3A_865 = arith.constant 112 : index
        %swap3A_866 = tpu.vector_load %arg22[%swap3A_864, %swap3A_865] {strides = array<i32>} : memref<128x128xf32, #tpu.memory_space<vmem>>, vector<1x16xf32>,
        %swap3A_867 = vector.shape_cast %swap3A_866 : vector<1x16xf32> to vector<16xf32>
        %swap3A_868 = vector.shape_cast %mul3A_863 : vector<16xf32> to vector<1x16xf32>
        tpu.vector_store %arg22[%swap3A_864, %swap3A_865], %swap3A_868 {strides = array<i32>} : memref<128x128xf32, #tpu.memory_space<vmem>>, vector<1x16xf32>,
        %scan3A_869 = arith.constant 0 : i32
        scf.yield %scan3A_869 : i32
      }
      %scan3A_257 = arith.constant 32 : i32
      %dma_start3A_258 = arith.constant 0 : i32
      %dma_start3A_259 = tpu.memref_slice %arg29[%dma_start3A_258] : memref<10240xf32, #tpu.memory_space<vmem_shared>> -> memref<10240xf32, #tpu.memory_space<vmem_shared>>
      tpu.enqueue_indirect_dma source(%arg20 : memref<128xf32, #tpu.memory_space<vmem>>) target(%dma_start3A_259 : memref<10240xf32, #tpu.memory_space<vmem_shared>>) offsets(%arg15 : memref<128xi32, #tpu.memory_space<vmem>>) semaphore(%arg38 : memref<!tpu.dma_semaphore, #tpu.memory_space<semaphore_mem>>) {add = true}
      "tpu.region"() ({
        %run_scoped3A = tpu.sem_alloc : memref<!tpu.dma_semaphore, #tpu.memory_space<semaphore_mem>>
        %dma_start3A_481 = arith.constant 0 : i32
        %dma_start3A_482 = arith.constant 0 : i32
        %dma_start3A_483 = tpu.memref_slice %arg28[%dma_start3A_481, %dma_start3A_482] : memref<10240x128xf32, #tpu.memory_space<vmem_shared>> -> memref<10240x128xf32, #tpu.memory_space<vmem_shared>>
        tpu.enqueue_indirect_dma source(%arg22 : memref<128x128xf32, #tpu.memory_space<vmem>>) target(%dma_start3A_483 : memref<10240x128xf32, #tpu.memory_space<vmem_shared>>) offsets(%arg15 : memref<128xi32, #tpu.memory_space<vmem>>) semaphore(%run_scoped3A : memref<!tpu.dma_semaphore, #tpu.memory_space<semaphore_mem>>) {add = true}
        %dma_wait3A_484 = arith.constant 0 : i32
        %dma_wait3A_485 = arith.constant 0 : i32
        %dma_wait3A_486 = tpu.memref_slice %arg28[%dma_wait3A_484, %dma_wait3A_485] : memref<10240x128xf32, #tpu.memory_space<vmem_shared>> -> memref<10240x128xf32, #tpu.memory_space<vmem_shared>>
        tpu.wait_indirect_dma semaphore(%run_scoped3A : memref<!tpu.dma_semaphore, #tpu.memory_space<semaphore_mem>>) src(%arg22 : memref<128x128xf32, #tpu.memory_space<vmem>>) dst(%dma_wait3A_486 : memref<10240x128xf32, #tpu.memory_space<vmem_shared>>)
        tpu.yield
      }) : () -> ()
      %add3A_260 = arith.constant 2 : i32
      %add3A_261 = arith.addi %mul3A_43, %add3A_260 : i32
      %lt3A = arith.constant 160 : i32
      %lt3A_262 = arith.cmpi slt, %add3A_261, %lt3A : i32
      %convert_element_type3A_263 = arith.extui %lt3A_262 : i1 to i32
      %cond3A_264 = arith.constant 0 : i32
      %cond3A_265 = arith.cmpi ne, %convert_element_type3A_263, %cond3A_264 : i32
      scf.if %cond3A_265 {
        %dma_wait3A_481 = arith.constant 0 : i32
        %dma_wait3A_482 = tpu.memref_slice %arg29[%dma_wait3A_481] : memref<10240xf32, #tpu.memory_space<vmem_shared>> -> memref<10240xf32, #tpu.memory_space<vmem_shared>>
        tpu.wait_indirect_dma semaphore(%arg38 : memref<!tpu.dma_semaphore, #tpu.memory_space<semaphore_mem>>) src(%arg20 : memref<128xf32, #tpu.memory_space<vmem>>) dst(%dma_wait3A_482 : memref<10240xf32, #tpu.memory_space<vmem_shared>>)
        %add3A_483 = arith.constant 2 : i32
        %add3A_484 = arith.addi %mul3A_43, %add3A_483 : i32
        %mul3A_485 = arith.constant 128 : i32
        %mul3A_486 = arith.muli %add3A_484, %mul3A_485 : i32
        %add3A_487 = arith.addi %mul3A_4, %mul3A_486 : i32
        %dma_start3A_488 = tpu.memref_slice %arg2[%add3A_487] : memref<327680xi32, #tpu.memory_space<hbm>> -> memref<128xi32, #tpu.memory_space<hbm>>
        %dma_start3A_489 = tpu.memref_slice %arg2[%add3A_487] : memref<327680xi32, #tpu.memory_space<hbm>> -> memref<128xi32, #tpu.memory_space<hbm>>
        tpu.enqueue_dma source(%dma_start3A_489 : memref<128xi32, #tpu.memory_space<hbm>>) target(%arg14 : memref<128xi32, #tpu.memory_space<vmem>>) target_semaphore(%arg36 : memref<!tpu.dma_semaphore, #tpu.memory_space<semaphore_mem>>)
        %dma_start3A_490 = tpu.memref_slice %arg3[%add3A_487] : memref<327680xi32, #tpu.memory_space<hbm>> -> memref<128xi32, #tpu.memory_space<hbm>>
        %dma_start3A_491 = tpu.memref_slice %arg3[%add3A_487] : memref<327680xi32, #tpu.memory_space<hbm>> -> memref<128xi32, #tpu.memory_space<hbm>>
        tpu.enqueue_dma source(%dma_start3A_491 : memref<128xi32, #tpu.memory_space<hbm>>) target(%arg15 : memref<128xi32, #tpu.memory_space<vmem>>) target_semaphore(%arg36 : memref<!tpu.dma_semaphore, #tpu.memory_space<semaphore_mem>>)
      } else {
      }
      %add3A_266 = arith.constant 1 : i32
      %add3A_267 = arith.addi %add3A_47, %add3A_266 : i32
      %lt3A_268 = arith.constant 160 : i32
      %lt3A_269 = arith.cmpi slt, %add3A_267, %lt3A_268 : i32
      %convert_element_type3A_270 = arith.extui %lt3A_269 : i1 to i32
      %cond3A_271 = arith.constant 0 : i32
      %cond3A_272 = arith.cmpi ne, %convert_element_type3A_270, %cond3A_271 : i32
      scf.if %cond3A_272 {
        %add3A_481 = arith.constant 1 : i32
        %add3A_482 = arith.addi %add3A_47, %add3A_481 : i32
        %mul3A_483 = arith.constant 128 : i32
        %mul3A_484 = arith.muli %add3A_482, %mul3A_483 : i32
        %add3A_485 = arith.addi %mul3A_4, %mul3A_484 : i32
        %dma_wait3A_486 = tpu.memref_slice %arg2[%add3A_485] : memref<327680xi32, #tpu.memory_space<hbm>> -> memref<128xi32, #tpu.memory_space<hbm>>
        %dma_wait3A_487 = tpu.memref_slice %arg2[%add3A_485] : memref<327680xi32, #tpu.memory_space<hbm>> -> memref<128xi32, #tpu.memory_space<hbm>>
        tpu.wait_dma2 semaphore(%arg36 : memref<!tpu.dma_semaphore, #tpu.memory_space<semaphore_mem>>) src(%dma_wait3A_487 : memref<128xi32, #tpu.memory_space<hbm>>) dst(%arg14 : memref<128xi32, #tpu.memory_space<vmem>>)
        %dma_wait3A_488 = tpu.memref_slice %arg3[%add3A_485] : memref<327680xi32, #tpu.memory_space<hbm>> -> memref<128xi32, #tpu.memory_space<hbm>>
        %dma_wait3A_489 = tpu.memref_slice %arg3[%add3A_485] : memref<327680xi32, #tpu.memory_space<hbm>> -> memref<128xi32, #tpu.memory_space<hbm>>
        tpu.wait_dma2 semaphore(%arg36 : memref<!tpu.dma_semaphore, #tpu.memory_space<semaphore_mem>>) src(%dma_wait3A_489 : memref<128xi32, #tpu.memory_space<hbm>>) dst(%arg15 : memref<128xi32, #tpu.memory_space<vmem>>)
        %eq3A_490 = arith.constant 0 : i32
        %eq3A_491 = arith.cmpi eq, %arg0, %eq3A_490 : i32
        %convert_element_type3A_492 = arith.extui %eq3A_491 : i1 to i32
        %cond3A_493 = arith.constant 0 : i32
        %cond3A_494 = arith.cmpi ne, %convert_element_type3A_492, %cond3A_493 : i32
        scf.if %cond3A_494 {
          %dma_start3A_500 = arith.constant 0 : i32
          %dma_start3A_501 = arith.constant 0 : i32
          %dma_start3A_502 = tpu.memref_slice %arg4[%dma_start3A_500, %dma_start3A_501] : memref<10240x128xf32, #tpu.memory_space<hbm>> -> memref<10240x128xf32, #tpu.memory_space<hbm>>
          tpu.enqueue_indirect_dma source(%dma_start3A_502 : memref<10240x128xf32, #tpu.memory_space<hbm>>) target(%arg22 : memref<128x128xf32, #tpu.memory_space<vmem>>) offsets(%arg14 : memref<128xi32, #tpu.memory_space<vmem>>) semaphore(%arg30 : memref<!tpu.dma_semaphore, #tpu.memory_space<semaphore_mem>>)
          %dma_start3A_503 = arith.constant 0 : i32
          %dma_start3A_504 = tpu.memref_slice %arg6[%dma_start3A_503] : memref<10240xf32, #tpu.memory_space<hbm>> -> memref<10240xf32, #tpu.memory_space<hbm>>
          tpu.enqueue_indirect_dma source(%dma_start3A_504 : memref<10240xf32, #tpu.memory_space<hbm>>) target(%arg18 : memref<128xf32, #tpu.memory_space<vmem>>) offsets(%arg14 : memref<128xi32, #tpu.memory_space<vmem>>) semaphore(%arg31 : memref<!tpu.dma_semaphore, #tpu.memory_space<semaphore_mem>>)
          %dma_start3A_505 = arith.constant 0 : i32
          %dma_start3A_506 = tpu.memref_slice %arg8[%dma_start3A_505] : memref<10240xf32, #tpu.memory_space<hbm>> -> memref<10240xf32, #tpu.memory_space<hbm>>
          tpu.enqueue_indirect_dma source(%dma_start3A_506 : memref<10240xf32, #tpu.memory_space<hbm>>) target(%arg19 : memref<128xf32, #tpu.memory_space<vmem>>) offsets(%arg15 : memref<128xi32, #tpu.memory_space<vmem>>) semaphore(%arg32 : memref<!tpu.dma_semaphore, #tpu.memory_space<semaphore_mem>>)
        } else {
        }
        %eq3A_495 = arith.constant 1 : i32
        %eq3A_496 = arith.cmpi eq, %arg0, %eq3A_495 : i32
        %convert_element_type3A_497 = arith.extui %eq3A_496 : i1 to i32
        %cond3A_498 = arith.constant 0 : i32
        %cond3A_499 = arith.cmpi ne, %convert_element_type3A_497, %cond3A_498 : i32
        scf.if %cond3A_499 {
          %dma_start3A_500 = arith.constant 0 : i32
          %dma_start3A_501 = arith.constant 0 : i32
          %dma_start3A_502 = tpu.memref_slice %arg5[%dma_start3A_500, %dma_start3A_501] : memref<10240x128xf32, #tpu.memory_space<hbm>> -> memref<10240x128xf32, #tpu.memory_space<hbm>>
          tpu.enqueue_indirect_dma source(%dma_start3A_502 : memref<10240x128xf32, #tpu.memory_space<hbm>>) target(%arg22 : memref<128x128xf32, #tpu.memory_space<vmem>>) offsets(%arg14 : memref<128xi32, #tpu.memory_space<vmem>>) semaphore(%arg30 : memref<!tpu.dma_semaphore, #tpu.memory_space<semaphore_mem>>)
          %dma_start3A_503 = arith.constant 0 : i32
          %dma_start3A_504 = tpu.memref_slice %arg7[%dma_start3A_503] : memref<10240xf32, #tpu.memory_space<hbm>> -> memref<10240xf32, #tpu.memory_space<hbm>>
          tpu.enqueue_indirect_dma source(%dma_start3A_504 : memref<10240xf32, #tpu.memory_space<hbm>>) target(%arg18 : memref<128xf32, #tpu.memory_space<vmem>>) offsets(%arg14 : memref<128xi32, #tpu.memory_space<vmem>>) semaphore(%arg31 : memref<!tpu.dma_semaphore, #tpu.memory_space<semaphore_mem>>)
          %dma_start3A_505 = arith.constant 0 : i32
          %dma_start3A_506 = tpu.memref_slice %arg9[%dma_start3A_505] : memref<10240xf32, #tpu.memory_space<hbm>> -> memref<10240xf32, #tpu.memory_space<hbm>>
          tpu.enqueue_indirect_dma source(%dma_start3A_506 : memref<10240xf32, #tpu.memory_space<hbm>>) target(%arg19 : memref<128xf32, #tpu.memory_space<vmem>>) offsets(%arg15 : memref<128xi32, #tpu.memory_space<vmem>>) semaphore(%arg32 : memref<!tpu.dma_semaphore, #tpu.memory_space<semaphore_mem>>)
        } else {
        }
      } else {
      }
      %dma_wait3A_273 = arith.constant 0 : i32
      %dma_wait3A_274 = tpu.memref_slice %arg6[%dma_wait3A_273] : memref<10240xf32, #tpu.memory_space<hbm>> -> memref<10240xf32, #tpu.memory_space<hbm>>
      tpu.wait_indirect_dma semaphore(%arg34 : memref<!tpu.dma_semaphore, #tpu.memory_space<semaphore_mem>>) src(%dma_wait3A_274 : memref<10240xf32, #tpu.memory_space<hbm>>) dst(%arg23 : memref<128xf32, #tpu.memory_space<vmem>>)
      %dma_wait3A_275 = arith.constant 0 : i32
      %dma_wait3A_276 = tpu.memref_slice %arg8[%dma_wait3A_275] : memref<10240xf32, #tpu.memory_space<hbm>> -> memref<10240xf32, #tpu.memory_space<hbm>>
      tpu.wait_indirect_dma semaphore(%arg35 : memref<!tpu.dma_semaphore, #tpu.memory_space<semaphore_mem>>) src(%dma_wait3A_276 : memref<10240xf32, #tpu.memory_space<hbm>>) dst(%arg24 : memref<128xf32, #tpu.memory_space<vmem>>)
      %get3A_277 = arith.constant 0 : index
      %get3A_278 = tpu.vector_load %arg23[%get3A_277] {strides = array<i32>} : memref<128xf32, #tpu.memory_space<vmem>>, vector<16xf32>,
      %get3A_279 = vector.shape_cast %get3A_278 : vector<16xf32> to vector<16xf32>
      %get3A_280 = arith.constant 0 : index
      %get3A_281 = tpu.vector_load %arg24[%get3A_280] {strides = array<i32>} : memref<128xf32, #tpu.memory_space<vmem>>, vector<16xf32>,
      %get3A_282 = vector.shape_cast %get3A_281 : vector<16xf32> to vector<16xf32>
      %add3A_283 = arith.addf %get3A_279, %get3A_282 : vector<16xf32>
      %gt3A_284 = arith.constant 0.000000e+00 : f32
      %gt3A_285 = vector.broadcast %gt3A_284 : f32 to vector<16xf32>
      %gt3A_286 = arith.cmpf ogt, %add3A_283, %gt3A_285 : vector<16xf32>
      %mul3A_287 = arith.constant 2.000000e-01 : f32
      %mul3A_288 = vector.broadcast %mul3A_287 : f32 to vector<16xf32>
      %mul3A_289 = arith.mulf %mul3A_288, %add3A_283 : vector<16xf32>
      %select_n3A_290 = arith.select %gt3A_286, %add3A_283, %mul3A_289 : vector<16xi1>, vector<16xf32>
      %exp3A_291 = math.exp %select_n3A_290 : vector<16xf32>
      %swap3A_292 = arith.constant 0 : index
      %swap3A_293 = tpu.vector_load %arg25[%swap3A_292] {strides = array<i32>} : memref<128xf32, #tpu.memory_space<vmem>>, vector<16xf32>,
      %swap3A_294 = vector.shape_cast %swap3A_293 : vector<16xf32> to vector<16xf32>
      %swap3A_295 = vector.shape_cast %exp3A_291 : vector<16xf32> to vector<16xf32>
      tpu.vector_store %arg25[%swap3A_292], %swap3A_295 {strides = array<i32>} : memref<128xf32, #tpu.memory_space<vmem>>, vector<16xf32>,
      %swap3A_296 = arith.constant 0 : index
      %swap3A_297 = tpu.vector_load %arg26[%swap3A_296] {strides = array<i32>} : memref<144xf32, #tpu.memory_space<vmem>>, vector<16xf32>,
      %swap3A_298 = vector.shape_cast %swap3A_297 : vector<16xf32> to vector<16xf32>
      %swap3A_299 = vector.shape_cast %exp3A_291 : vector<16xf32> to vector<16xf32>
      tpu.vector_store %arg26[%swap3A_296], %swap3A_299 {strides = array<i32>} : memref<144xf32, #tpu.memory_space<vmem>>, vector<16xf32>,
      %get3A_300 = arith.constant 16 : index
      %get3A_301 = tpu.vector_load %arg23[%get3A_300] {strides = array<i32>} : memref<128xf32, #tpu.memory_space<vmem>>, vector<16xf32>,
      %get3A_302 = vector.shape_cast %get3A_301 : vector<16xf32> to vector<16xf32>
      %get3A_303 = arith.constant 16 : index
      %get3A_304 = tpu.vector_load %arg24[%get3A_303] {strides = array<i32>} : memref<128xf32, #tpu.memory_space<vmem>>, vector<16xf32>,
      %get3A_305 = vector.shape_cast %get3A_304 : vector<16xf32> to vector<16xf32>
      %add3A_306 = arith.addf %get3A_302, %get3A_305 : vector<16xf32>
      %gt3A_307 = arith.constant 0.000000e+00 : f32
      %gt3A_308 = vector.broadcast %gt3A_307 : f32 to vector<16xf32>
      %gt3A_309 = arith.cmpf ogt, %add3A_306, %gt3A_308 : vector<16xf32>
      %mul3A_310 = arith.constant 2.000000e-01 : f32
      %mul3A_311 = vector.broadcast %mul3A_310 : f32 to vector<16xf32>
      %mul3A_312 = arith.mulf %mul3A_311, %add3A_306 : vector<16xf32>
      %select_n3A_313 = arith.select %gt3A_309, %add3A_306, %mul3A_312 : vector<16xi1>, vector<16xf32>
      %exp3A_314 = math.exp %select_n3A_313 : vector<16xf32>
      %swap3A_315 = arith.constant 16 : index
      %swap3A_316 = tpu.vector_load %arg25[%swap3A_315] {strides = array<i32>} : memref<128xf32, #tpu.memory_space<vmem>>, vector<16xf32>,
      %swap3A_317 = vector.shape_cast %swap3A_316 : vector<16xf32> to vector<16xf32>
      %swap3A_318 = vector.shape_cast %exp3A_314 : vector<16xf32> to vector<16xf32>
      tpu.vector_store %arg25[%swap3A_315], %swap3A_318 {strides = array<i32>} : memref<128xf32, #tpu.memory_space<vmem>>, vector<16xf32>,
      %swap3A_319 = arith.constant 16 : index
      %swap3A_320 = tpu.vector_load %arg26[%swap3A_319] {strides = array<i32>} : memref<144xf32, #tpu.memory_space<vmem>>, vector<16xf32>,
      %swap3A_321 = vector.shape_cast %swap3A_320 : vector<16xf32> to vector<16xf32>
      %swap3A_322 = vector.shape_cast %exp3A_314 : vector<16xf32> to vector<16xf32>
      tpu.vector_store %arg26[%swap3A_319], %swap3A_322 {strides = array<i32>} : memref<144xf32, #tpu.memory_space<vmem>>, vector<16xf32>,
      %get3A_323 = arith.constant 32 : index
      %get3A_324 = tpu.vector_load %arg23[%get3A_323] {strides = array<i32>} : memref<128xf32, #tpu.memory_space<vmem>>, vector<16xf32>,
      %get3A_325 = vector.shape_cast %get3A_324 : vector<16xf32> to vector<16xf32>
      %get3A_326 = arith.constant 32 : index
      %get3A_327 = tpu.vector_load %arg24[%get3A_326] {strides = array<i32>} : memref<128xf32, #tpu.memory_space<vmem>>, vector<16xf32>,
      %get3A_328 = vector.shape_cast %get3A_327 : vector<16xf32> to vector<16xf32>
      %add3A_329 = arith.addf %get3A_325, %get3A_328 : vector<16xf32>
      %gt3A_330 = arith.constant 0.000000e+00 : f32
      %gt3A_331 = vector.broadcast %gt3A_330 : f32 to vector<16xf32>
      %gt3A_332 = arith.cmpf ogt, %add3A_329, %gt3A_331 : vector<16xf32>
      %mul3A_333 = arith.constant 2.000000e-01 : f32
      %mul3A_334 = vector.broadcast %mul3A_333 : f32 to vector<16xf32>
      %mul3A_335 = arith.mulf %mul3A_334, %add3A_329 : vector<16xf32>
      %select_n3A_336 = arith.select %gt3A_332, %add3A_329, %mul3A_335 : vector<16xi1>, vector<16xf32>
      %exp3A_337 = math.exp %select_n3A_336 : vector<16xf32>
      %swap3A_338 = arith.constant 32 : index
      %swap3A_339 = tpu.vector_load %arg25[%swap3A_338] {strides = array<i32>} : memref<128xf32, #tpu.memory_space<vmem>>, vector<16xf32>,
      %swap3A_340 = vector.shape_cast %swap3A_339 : vector<16xf32> to vector<16xf32>
      %swap3A_341 = vector.shape_cast %exp3A_337 : vector<16xf32> to vector<16xf32>
      tpu.vector_store %arg25[%swap3A_338], %swap3A_341 {strides = array<i32>} : memref<128xf32, #tpu.memory_space<vmem>>, vector<16xf32>,
      %swap3A_342 = arith.constant 32 : index
      %swap3A_343 = tpu.vector_load %arg26[%swap3A_342] {strides = array<i32>} : memref<144xf32, #tpu.memory_space<vmem>>, vector<16xf32>,
      %swap3A_344 = vector.shape_cast %swap3A_343 : vector<16xf32> to vector<16xf32>
      %swap3A_345 = vector.shape_cast %exp3A_337 : vector<16xf32> to vector<16xf32>
      tpu.vector_store %arg26[%swap3A_342], %swap3A_345 {strides = array<i32>} : memref<144xf32, #tpu.memory_space<vmem>>, vector<16xf32>,
      %get3A_346 = arith.constant 48 : index
      %get3A_347 = tpu.vector_load %arg23[%get3A_346] {strides = array<i32>} : memref<128xf32, #tpu.memory_space<vmem>>, vector<16xf32>,
      %get3A_348 = vector.shape_cast %get3A_347 : vector<16xf32> to vector<16xf32>
      %get3A_349 = arith.constant 48 : index
      %get3A_350 = tpu.vector_load %arg24[%get3A_349] {strides = array<i32>} : memref<128xf32, #tpu.memory_space<vmem>>, vector<16xf32>,
      %get3A_351 = vector.shape_cast %get3A_350 : vector<16xf32> to vector<16xf32>
      %add3A_352 = arith.addf %get3A_348, %get3A_351 : vector<16xf32>
      %gt3A_353 = arith.constant 0.000000e+00 : f32
      %gt3A_354 = vector.broadcast %gt3A_353 : f32 to vector<16xf32>
      %gt3A_355 = arith.cmpf ogt, %add3A_352, %gt3A_354 : vector<16xf32>
      %mul3A_356 = arith.constant 2.000000e-01 : f32
      %mul3A_357 = vector.broadcast %mul3A_356 : f32 to vector<16xf32>
      %mul3A_358 = arith.mulf %mul3A_357, %add3A_352 : vector<16xf32>
      %select_n3A_359 = arith.select %gt3A_355, %add3A_352, %mul3A_358 : vector<16xi1>, vector<16xf32>
      %exp3A_360 = math.exp %select_n3A_359 : vector<16xf32>
      %swap3A_361 = arith.constant 48 : index
      %swap3A_362 = tpu.vector_load %arg25[%swap3A_361] {strides = array<i32>} : memref<128xf32, #tpu.memory_space<vmem>>, vector<16xf32>,
      %swap3A_363 = vector.shape_cast %swap3A_362 : vector<16xf32> to vector<16xf32>
      %swap3A_364 = vector.shape_cast %exp3A_360 : vector<16xf32> to vector<16xf32>
      tpu.vector_store %arg25[%swap3A_361], %swap3A_364 {strides = array<i32>} : memref<128xf32, #tpu.memory_space<vmem>>, vector<16xf32>,
      %swap3A_365 = arith.constant 48 : index
      %swap3A_366 = tpu.vector_load %arg26[%swap3A_365] {strides = array<i32>} : memref<144xf32, #tpu.memory_space<vmem>>, vector<16xf32>,
      %swap3A_367 = vector.shape_cast %swap3A_366 : vector<16xf32> to vector<16xf32>
      %swap3A_368 = vector.shape_cast %exp3A_360 : vector<16xf32> to vector<16xf32>
      tpu.vector_store %arg26[%swap3A_365], %swap3A_368 {strides = array<i32>} : memref<144xf32, #tpu.memory_space<vmem>>, vector<16xf32>,
      %get3A_369 = arith.constant 64 : index
      %get3A_370 = tpu.vector_load %arg23[%get3A_369] {strides = array<i32>} : memref<128xf32, #tpu.memory_space<vmem>>, vector<16xf32>,
      %get3A_371 = vector.shape_cast %get3A_370 : vector<16xf32> to vector<16xf32>
      %get3A_372 = arith.constant 64 : index
      %get3A_373 = tpu.vector_load %arg24[%get3A_372] {strides = array<i32>} : memref<128xf32, #tpu.memory_space<vmem>>, vector<16xf32>,
      %get3A_374 = vector.shape_cast %get3A_373 : vector<16xf32> to vector<16xf32>
      %add3A_375 = arith.addf %get3A_371, %get3A_374 : vector<16xf32>
      %gt3A_376 = arith.constant 0.000000e+00 : f32
      %gt3A_377 = vector.broadcast %gt3A_376 : f32 to vector<16xf32>
      %gt3A_378 = arith.cmpf ogt, %add3A_375, %gt3A_377 : vector<16xf32>
      %mul3A_379 = arith.constant 2.000000e-01 : f32
      %mul3A_380 = vector.broadcast %mul3A_379 : f32 to vector<16xf32>
      %mul3A_381 = arith.mulf %mul3A_380, %add3A_375 : vector<16xf32>
      %select_n3A_382 = arith.select %gt3A_378, %add3A_375, %mul3A_381 : vector<16xi1>, vector<16xf32>
      %exp3A_383 = math.exp %select_n3A_382 : vector<16xf32>
      %swap3A_384 = arith.constant 64 : index
      %swap3A_385 = tpu.vector_load %arg25[%swap3A_384] {strides = array<i32>} : memref<128xf32, #tpu.memory_space<vmem>>, vector<16xf32>,
      %swap3A_386 = vector.shape_cast %swap3A_385 : vector<16xf32> to vector<16xf32>
      %swap3A_387 = vector.shape_cast %exp3A_383 : vector<16xf32> to vector<16xf32>
      tpu.vector_store %arg25[%swap3A_384], %swap3A_387 {strides = array<i32>} : memref<128xf32, #tpu.memory_space<vmem>>, vector<16xf32>,
      %swap3A_388 = arith.constant 64 : index
      %swap3A_389 = tpu.vector_load %arg26[%swap3A_388] {strides = array<i32>} : memref<144xf32, #tpu.memory_space<vmem>>, vector<16xf32>,
      %swap3A_390 = vector.shape_cast %swap3A_389 : vector<16xf32> to vector<16xf32>
      %swap3A_391 = vector.shape_cast %exp3A_383 : vector<16xf32> to vector<16xf32>
      tpu.vector_store %arg26[%swap3A_388], %swap3A_391 {strides = array<i32>} : memref<144xf32, #tpu.memory_space<vmem>>, vector<16xf32>,
      %get3A_392 = arith.constant 80 : index
      %get3A_393 = tpu.vector_load %arg23[%get3A_392] {strides = array<i32>} : memref<128xf32, #tpu.memory_space<vmem>>, vector<16xf32>,
      %get3A_394 = vector.shape_cast %get3A_393 : vector<16xf32> to vector<16xf32>
      %get3A_395 = arith.constant 80 : index
      %get3A_396 = tpu.vector_load %arg24[%get3A_395] {strides = array<i32>} : memref<128xf32, #tpu.memory_space<vmem>>, vector<16xf32>,
      %get3A_397 = vector.shape_cast %get3A_396 : vector<16xf32> to vector<16xf32>
      %add3A_398 = arith.addf %get3A_394, %get3A_397 : vector<16xf32>
      %gt3A_399 = arith.constant 0.000000e+00 : f32
      %gt3A_400 = vector.broadcast %gt3A_399 : f32 to vector<16xf32>
      %gt3A_401 = arith.cmpf ogt, %add3A_398, %gt3A_400 : vector<16xf32>
      %mul3A_402 = arith.constant 2.000000e-01 : f32
      %mul3A_403 = vector.broadcast %mul3A_402 : f32 to vector<16xf32>
      %mul3A_404 = arith.mulf %mul3A_403, %add3A_398 : vector<16xf32>
      %select_n3A_405 = arith.select %gt3A_401, %add3A_398, %mul3A_404 : vector<16xi1>, vector<16xf32>
      %exp3A_406 = math.exp %select_n3A_405 : vector<16xf32>
      %swap3A_407 = arith.constant 80 : index
      %swap3A_408 = tpu.vector_load %arg25[%swap3A_407] {strides = array<i32>} : memref<128xf32, #tpu.memory_space<vmem>>, vector<16xf32>,
      %swap3A_409 = vector.shape_cast %swap3A_408 : vector<16xf32> to vector<16xf32>
      %swap3A_410 = vector.shape_cast %exp3A_406 : vector<16xf32> to vector<16xf32>
      tpu.vector_store %arg25[%swap3A_407], %swap3A_410 {strides = array<i32>} : memref<128xf32, #tpu.memory_space<vmem>>, vector<16xf32>,
      %swap3A_411 = arith.constant 80 : index
      %swap3A_412 = tpu.vector_load %arg26[%swap3A_411] {strides = array<i32>} : memref<144xf32, #tpu.memory_space<vmem>>, vector<16xf32>,
      %swap3A_413 = vector.shape_cast %swap3A_412 : vector<16xf32> to vector<16xf32>
      %swap3A_414 = vector.shape_cast %exp3A_406 : vector<16xf32> to vector<16xf32>
      tpu.vector_store %arg26[%swap3A_411], %swap3A_414 {strides = array<i32>} : memref<144xf32, #tpu.memory_space<vmem>>, vector<16xf32>,
      %get3A_415 = arith.constant 96 : index
      %get3A_416 = tpu.vector_load %arg23[%get3A_415] {strides = array<i32>} : memref<128xf32, #tpu.memory_space<vmem>>, vector<16xf32>,
      %get3A_417 = vector.shape_cast %get3A_416 : vector<16xf32> to vector<16xf32>
      %get3A_418 = arith.constant 96 : index
      %get3A_419 = tpu.vector_load %arg24[%get3A_418] {strides = array<i32>} : memref<128xf32, #tpu.memory_space<vmem>>, vector<16xf32>,
      %get3A_420 = vector.shape_cast %get3A_419 : vector<16xf32> to vector<16xf32>
      %add3A_421 = arith.addf %get3A_417, %get3A_420 : vector<16xf32>
      %gt3A_422 = arith.constant 0.000000e+00 : f32
      %gt3A_423 = vector.broadcast %gt3A_422 : f32 to vector<16xf32>
      %gt3A_424 = arith.cmpf ogt, %add3A_421, %gt3A_423 : vector<16xf32>
      %mul3A_425 = arith.constant 2.000000e-01 : f32
      %mul3A_426 = vector.broadcast %mul3A_425 : f32 to vector<16xf32>
      %mul3A_427 = arith.mulf %mul3A_426, %add3A_421 : vector<16xf32>
      %select_n3A_428 = arith.select %gt3A_424, %add3A_421, %mul3A_427 : vector<16xi1>, vector<16xf32>
      %exp3A_429 = math.exp %select_n3A_428 : vector<16xf32>
      %swap3A_430 = arith.constant 96 : index
      %swap3A_431 = tpu.vector_load %arg25[%swap3A_430] {strides = array<i32>} : memref<128xf32, #tpu.memory_space<vmem>>, vector<16xf32>,
      %swap3A_432 = vector.shape_cast %swap3A_431 : vector<16xf32> to vector<16xf32>
      %swap3A_433 = vector.shape_cast %exp3A_429 : vector<16xf32> to vector<16xf32>
      tpu.vector_store %arg25[%swap3A_430], %swap3A_433 {strides = array<i32>} : memref<128xf32, #tpu.memory_space<vmem>>, vector<16xf32>,
      %swap3A_434 = arith.constant 96 : index
      %swap3A_435 = tpu.vector_load %arg26[%swap3A_434] {strides = array<i32>} : memref<144xf32, #tpu.memory_space<vmem>>, vector<16xf32>,
      %swap3A_436 = vector.shape_cast %swap3A_435 : vector<16xf32> to vector<16xf32>
      %swap3A_437 = vector.shape_cast %exp3A_429 : vector<16xf32> to vector<16xf32>
      tpu.vector_store %arg26[%swap3A_434], %swap3A_437 {strides = array<i32>} : memref<144xf32, #tpu.memory_space<vmem>>, vector<16xf32>,
      %get3A_438 = arith.constant 112 : index
      %get3A_439 = tpu.vector_load %arg23[%get3A_438] {strides = array<i32>} : memref<128xf32, #tpu.memory_space<vmem>>, vector<16xf32>,
      %get3A_440 = vector.shape_cast %get3A_439 : vector<16xf32> to vector<16xf32>
      %get3A_441 = arith.constant 112 : index
      %get3A_442 = tpu.vector_load %arg24[%get3A_441] {strides = array<i32>} : memref<128xf32, #tpu.memory_space<vmem>>, vector<16xf32>,
      %get3A_443 = vector.shape_cast %get3A_442 : vector<16xf32> to vector<16xf32>
      %add3A_444 = arith.addf %get3A_440, %get3A_443 : vector<16xf32>
      %gt3A_445 = arith.constant 0.000000e+00 : f32
      %gt3A_446 = vector.broadcast %gt3A_445 : f32 to vector<16xf32>
      %gt3A_447 = arith.cmpf ogt, %add3A_444, %gt3A_446 : vector<16xf32>
      %mul3A_448 = arith.constant 2.000000e-01 : f32
      %mul3A_449 = vector.broadcast %mul3A_448 : f32 to vector<16xf32>
      %mul3A_450 = arith.mulf %mul3A_449, %add3A_444 : vector<16xf32>
      %select_n3A_451 = arith.select %gt3A_447, %add3A_444, %mul3A_450 : vector<16xi1>, vector<16xf32>
      %exp3A_452 = math.exp %select_n3A_451 : vector<16xf32>
      %swap3A_453 = arith.constant 112 : index
      %swap3A_454 = tpu.vector_load %arg25[%swap3A_453] {strides = array<i32>} : memref<128xf32, #tpu.memory_space<vmem>>, vector<16xf32>,
      %swap3A_455 = vector.shape_cast %swap3A_454 : vector<16xf32> to vector<16xf32>
      %swap3A_456 = vector.shape_cast %exp3A_452 : vector<16xf32> to vector<16xf32>
      tpu.vector_store %arg25[%swap3A_453], %swap3A_456 {strides = array<i32>} : memref<128xf32, #tpu.memory_space<vmem>>, vector<16xf32>,
      %swap3A_457 = arith.constant 112 : index
      %swap3A_458 = tpu.vector_load %arg26[%swap3A_457] {strides = array<i32>} : memref<144xf32, #tpu.memory_space<vmem>>, vector<16xf32>,
      %swap3A_459 = vector.shape_cast %swap3A_458 : vector<16xf32> to vector<16xf32>
      %swap3A_460 = vector.shape_cast %exp3A_452 : vector<16xf32> to vector<16xf32>
      tpu.vector_store %arg26[%swap3A_457], %swap3A_460 {strides = array<i32>} : memref<144xf32, #tpu.memory_space<vmem>>, vector<16xf32>,
      %dma_wait3A_461 = arith.constant 0 : i32
      %dma_wait3A_462 = arith.constant 0 : i32
      %dma_wait3A_463 = tpu.memref_slice %arg4[%dma_wait3A_461, %dma_wait3A_462] : memref<10240x128xf32, #tpu.memory_space<hbm>> -> memref<10240x128xf32, #tpu.memory_space<hbm>>
      tpu.wait_indirect_dma semaphore(%arg33 : memref<!tpu.dma_semaphore, #tpu.memory_space<semaphore_mem>>) src(%dma_wait3A_463 : memref<10240x128xf32, #tpu.memory_space<hbm>>) dst(%arg27 : memref<128x128xf32, #tpu.memory_space<vmem>>)
      %scan3A_464 = arith.constant 0 : i32
      %scan3A_465 = arith.constant 0 : i32
      %scan3A_466 = arith.constant 32 : i32
      %scan3A_467 = arith.addi %scan3A_465, %scan3A_466 : i32
      %scan3A_468 = arith.constant 1 : i32
      %scan3A_469 = scf.for %scan3A_481 = %scan3A_465 to %scan3A_467 step %scan3A_468 iter_args(%scan3A_482 = %scan3A_464) -> (i32)  : i32 {
        %mul3A_483 = arith.constant 4 : i32
        %mul3A_484 = arith.muli %scan3A_481, %mul3A_483 : i32
        %add3A_485 = arith.constant 0 : i32
        %add3A_486 = arith.addi %mul3A_484, %add3A_485 : i32
        %get3A_487 = arith.index_cast %add3A_486 : i32 to index
        %get3A_488 = tpu.vector_load %arg26[%get3A_487] {strides = array<i32>} : memref<144xf32, #tpu.memory_space<vmem>>, vector<16xf32>,
        %get3A_489 = vector.shape_cast %get3A_488 : vector<16xf32> to vector<16xf32>
        %slice3A = vector.extract_strided_slice %get3A_489 {offsets = [0], sizes = [1], strides = [1]} : vector<16xf32> to vector<1xf32>
        %squeeze3A = vector.extract %slice3A[0] : f32 from vector<1xf32>
        %get3A_490 = arith.index_cast %add3A_486 : i32 to index
        %get3A_491 = arith.constant 0 : index
        %get3A_492 = tpu.vector_load %arg27[%get3A_490, %get3A_491] {strides = array<i32>} : memref<128x128xf32, #tpu.memory_space<vmem>>, vector<1x16xf32>,
        %get3A_493 = vector.shape_cast %get3A_492 : vector<1x16xf32> to vector<16xf32>
        %mul3A_494 = vector.broadcast %squeeze3A : f32 to vector<16xf32>
        %mul3A_495 = arith.mulf %get3A_493, %mul3A_494 : vector<16xf32>
        %swap3A_496 = arith.index_cast %add3A_486 : i32 to index
        %swap3A_497 = arith.constant 0 : index
        %swap3A_498 = tpu.vector_load %arg27[%swap3A_496, %swap3A_497] {strides = array<i32>} : memref<128x128xf32, #tpu.memory_space<vmem>>, vector<1x16xf32>,
        %swap3A_499 = vector.shape_cast %swap3A_498 : vector<1x16xf32> to vector<16xf32>
        %swap3A_500 = vector.shape_cast %mul3A_495 : vector<16xf32> to vector<1x16xf32>
        tpu.vector_store %arg27[%swap3A_496, %swap3A_497], %swap3A_500 {strides = array<i32>} : memref<128x128xf32, #tpu.memory_space<vmem>>, vector<1x16xf32>,
        %get3A_501 = arith.index_cast %add3A_486 : i32 to index
        %get3A_502 = arith.constant 16 : index
        %get3A_503 = tpu.vector_load %arg27[%get3A_501, %get3A_502] {strides = array<i32>} : memref<128x128xf32, #tpu.memory_space<vmem>>, vector<1x16xf32>,
        %get3A_504 = vector.shape_cast %get3A_503 : vector<1x16xf32> to vector<16xf32>
        %mul3A_505 = vector.broadcast %squeeze3A : f32 to vector<16xf32>
        %mul3A_506 = arith.mulf %get3A_504, %mul3A_505 : vector<16xf32>
        %swap3A_507 = arith.index_cast %add3A_486 : i32 to index
        %swap3A_508 = arith.constant 16 : index
        %swap3A_509 = tpu.vector_load %arg27[%swap3A_507, %swap3A_508] {strides = array<i32>} : memref<128x128xf32, #tpu.memory_space<vmem>>, vector<1x16xf32>,
        %swap3A_510 = vector.shape_cast %swap3A_509 : vector<1x16xf32> to vector<16xf32>
        %swap3A_511 = vector.shape_cast %mul3A_506 : vector<16xf32> to vector<1x16xf32>
        tpu.vector_store %arg27[%swap3A_507, %swap3A_508], %swap3A_511 {strides = array<i32>} : memref<128x128xf32, #tpu.memory_space<vmem>>, vector<1x16xf32>,
        %get3A_512 = arith.index_cast %add3A_486 : i32 to index
        %get3A_513 = arith.constant 32 : index
        %get3A_514 = tpu.vector_load %arg27[%get3A_512, %get3A_513] {strides = array<i32>} : memref<128x128xf32, #tpu.memory_space<vmem>>, vector<1x16xf32>,
        %get3A_515 = vector.shape_cast %get3A_514 : vector<1x16xf32> to vector<16xf32>
        %mul3A_516 = vector.broadcast %squeeze3A : f32 to vector<16xf32>
        %mul3A_517 = arith.mulf %get3A_515, %mul3A_516 : vector<16xf32>
        %swap3A_518 = arith.index_cast %add3A_486 : i32 to index
        %swap3A_519 = arith.constant 32 : index
        %swap3A_520 = tpu.vector_load %arg27[%swap3A_518, %swap3A_519] {strides = array<i32>} : memref<128x128xf32, #tpu.memory_space<vmem>>, vector<1x16xf32>,
        %swap3A_521 = vector.shape_cast %swap3A_520 : vector<1x16xf32> to vector<16xf32>
        %swap3A_522 = vector.shape_cast %mul3A_517 : vector<16xf32> to vector<1x16xf32>
        tpu.vector_store %arg27[%swap3A_518, %swap3A_519], %swap3A_522 {strides = array<i32>} : memref<128x128xf32, #tpu.memory_space<vmem>>, vector<1x16xf32>,
        %get3A_523 = arith.index_cast %add3A_486 : i32 to index
        %get3A_524 = arith.constant 48 : index
        %get3A_525 = tpu.vector_load %arg27[%get3A_523, %get3A_524] {strides = array<i32>} : memref<128x128xf32, #tpu.memory_space<vmem>>, vector<1x16xf32>,
        %get3A_526 = vector.shape_cast %get3A_525 : vector<1x16xf32> to vector<16xf32>
        %mul3A_527 = vector.broadcast %squeeze3A : f32 to vector<16xf32>
        %mul3A_528 = arith.mulf %get3A_526, %mul3A_527 : vector<16xf32>
        %swap3A_529 = arith.index_cast %add3A_486 : i32 to index
        %swap3A_530 = arith.constant 48 : index
        %swap3A_531 = tpu.vector_load %arg27[%swap3A_529, %swap3A_530] {strides = array<i32>} : memref<128x128xf32, #tpu.memory_space<vmem>>, vector<1x16xf32>,
        %swap3A_532 = vector.shape_cast %swap3A_531 : vector<1x16xf32> to vector<16xf32>
        %swap3A_533 = vector.shape_cast %mul3A_528 : vector<16xf32> to vector<1x16xf32>
        tpu.vector_store %arg27[%swap3A_529, %swap3A_530], %swap3A_533 {strides = array<i32>} : memref<128x128xf32, #tpu.memory_space<vmem>>, vector<1x16xf32>,
        %get3A_534 = arith.index_cast %add3A_486 : i32 to index
        %get3A_535 = arith.constant 64 : index
        %get3A_536 = tpu.vector_load %arg27[%get3A_534, %get3A_535] {strides = array<i32>} : memref<128x128xf32, #tpu.memory_space<vmem>>, vector<1x16xf32>,
        %get3A_537 = vector.shape_cast %get3A_536 : vector<1x16xf32> to vector<16xf32>
        %mul3A_538 = vector.broadcast %squeeze3A : f32 to vector<16xf32>
        %mul3A_539 = arith.mulf %get3A_537, %mul3A_538 : vector<16xf32>
        %swap3A_540 = arith.index_cast %add3A_486 : i32 to index
        %swap3A_541 = arith.constant 64 : index
        %swap3A_542 = tpu.vector_load %arg27[%swap3A_540, %swap3A_541] {strides = array<i32>} : memref<128x128xf32, #tpu.memory_space<vmem>>, vector<1x16xf32>,
        %swap3A_543 = vector.shape_cast %swap3A_542 : vector<1x16xf32> to vector<16xf32>
        %swap3A_544 = vector.shape_cast %mul3A_539 : vector<16xf32> to vector<1x16xf32>
        tpu.vector_store %arg27[%swap3A_540, %swap3A_541], %swap3A_544 {strides = array<i32>} : memref<128x128xf32, #tpu.memory_space<vmem>>, vector<1x16xf32>,
        %get3A_545 = arith.index_cast %add3A_486 : i32 to index
        %get3A_546 = arith.constant 80 : index
        %get3A_547 = tpu.vector_load %arg27[%get3A_545, %get3A_546] {strides = array<i32>} : memref<128x128xf32, #tpu.memory_space<vmem>>, vector<1x16xf32>,
        %get3A_548 = vector.shape_cast %get3A_547 : vector<1x16xf32> to vector<16xf32>
        %mul3A_549 = vector.broadcast %squeeze3A : f32 to vector<16xf32>
        %mul3A_550 = arith.mulf %get3A_548, %mul3A_549 : vector<16xf32>
        %swap3A_551 = arith.index_cast %add3A_486 : i32 to index
        %swap3A_552 = arith.constant 80 : index
        %swap3A_553 = tpu.vector_load %arg27[%swap3A_551, %swap3A_552] {strides = array<i32>} : memref<128x128xf32, #tpu.memory_space<vmem>>, vector<1x16xf32>,
        %swap3A_554 = vector.shape_cast %swap3A_553 : vector<1x16xf32> to vector<16xf32>
        %swap3A_555 = vector.shape_cast %mul3A_550 : vector<16xf32> to vector<1x16xf32>
        tpu.vector_store %arg27[%swap3A_551, %swap3A_552], %swap3A_555 {strides = array<i32>} : memref<128x128xf32, #tpu.memory_space<vmem>>, vector<1x16xf32>,
        %get3A_556 = arith.index_cast %add3A_486 : i32 to index
        %get3A_557 = arith.constant 96 : index
        %get3A_558 = tpu.vector_load %arg27[%get3A_556, %get3A_557] {strides = array<i32>} : memref<128x128xf32, #tpu.memory_space<vmem>>, vector<1x16xf32>,
        %get3A_559 = vector.shape_cast %get3A_558 : vector<1x16xf32> to vector<16xf32>
        %mul3A_560 = vector.broadcast %squeeze3A : f32 to vector<16xf32>
        %mul3A_561 = arith.mulf %get3A_559, %mul3A_560 : vector<16xf32>
        %swap3A_562 = arith.index_cast %add3A_486 : i32 to index
        %swap3A_563 = arith.constant 96 : index
        %swap3A_564 = tpu.vector_load %arg27[%swap3A_562, %swap3A_563] {strides = array<i32>} : memref<128x128xf32, #tpu.memory_space<vmem>>, vector<1x16xf32>,
        %swap3A_565 = vector.shape_cast %swap3A_564 : vector<1x16xf32> to vector<16xf32>
        %swap3A_566 = vector.shape_cast %mul3A_561 : vector<16xf32> to vector<1x16xf32>
        tpu.vector_store %arg27[%swap3A_562, %swap3A_563], %swap3A_566 {strides = array<i32>} : memref<128x128xf32, #tpu.memory_space<vmem>>, vector<1x16xf32>,
        %get3A_567 = arith.index_cast %add3A_486 : i32 to index
        %get3A_568 = arith.constant 112 : index
        %get3A_569 = tpu.vector_load %arg27[%get3A_567, %get3A_568] {strides = array<i32>} : memref<128x128xf32, #tpu.memory_space<vmem>>, vector<1x16xf32>,
        %get3A_570 = vector.shape_cast %get3A_569 : vector<1x16xf32> to vector<16xf32>
        %mul3A_571 = vector.broadcast %squeeze3A : f32 to vector<16xf32>
        %mul3A_572 = arith.mulf %get3A_570, %mul3A_571 : vector<16xf32>
        %swap3A_573 = arith.index_cast %add3A_486 : i32 to index
        %swap3A_574 = arith.constant 112 : index
        %swap3A_575 = tpu.vector_load %arg27[%swap3A_573, %swap3A_574] {strides = array<i32>} : memref<128x128xf32, #tpu.memory_space<vmem>>, vector<1x16xf32>,
        %swap3A_576 = vector.shape_cast %swap3A_575 : vector<1x16xf32> to vector<16xf32>
        %swap3A_577 = vector.shape_cast %mul3A_572 : vector<16xf32> to vector<1x16xf32>
        tpu.vector_store %arg27[%swap3A_573, %swap3A_574], %swap3A_577 {strides = array<i32>} : memref<128x128xf32, #tpu.memory_space<vmem>>, vector<1x16xf32>,
        %mul3A_578 = arith.constant 4 : i32
        %mul3A_579 = arith.muli %scan3A_481, %mul3A_578 : i32
        %add3A_580 = arith.constant 1 : i32
        %add3A_581 = arith.addi %mul3A_579, %add3A_580 : i32
        %get3A_582 = arith.index_cast %add3A_581 : i32 to index
        %get3A_583 = tpu.vector_load %arg26[%get3A_582] {strides = array<i32>} : memref<144xf32, #tpu.memory_space<vmem>>, vector<16xf32>,
        %get3A_584 = vector.shape_cast %get3A_583 : vector<16xf32> to vector<16xf32>
        %slice3A_585 = vector.extract_strided_slice %get3A_584 {offsets = [0], sizes = [1], strides = [1]} : vector<16xf32> to vector<1xf32>
        %squeeze3A_586 = vector.extract %slice3A_585[0] : f32 from vector<1xf32>
        %get3A_587 = arith.index_cast %add3A_581 : i32 to index
        %get3A_588 = arith.constant 0 : index
        %get3A_589 = tpu.vector_load %arg27[%get3A_587, %get3A_588] {strides = array<i32>} : memref<128x128xf32, #tpu.memory_space<vmem>>, vector<1x16xf32>,
        %get3A_590 = vector.shape_cast %get3A_589 : vector<1x16xf32> to vector<16xf32>
        %mul3A_591 = vector.broadcast %squeeze3A_586 : f32 to vector<16xf32>
        %mul3A_592 = arith.mulf %get3A_590, %mul3A_591 : vector<16xf32>
        %swap3A_593 = arith.index_cast %add3A_581 : i32 to index
        %swap3A_594 = arith.constant 0 : index
        %swap3A_595 = tpu.vector_load %arg27[%swap3A_593, %swap3A_594] {strides = array<i32>} : memref<128x128xf32, #tpu.memory_space<vmem>>, vector<1x16xf32>,
        %swap3A_596 = vector.shape_cast %swap3A_595 : vector<1x16xf32> to vector<16xf32>
        %swap3A_597 = vector.shape_cast %mul3A_592 : vector<16xf32> to vector<1x16xf32>
        tpu.vector_store %arg27[%swap3A_593, %swap3A_594], %swap3A_597 {strides = array<i32>} : memref<128x128xf32, #tpu.memory_space<vmem>>, vector<1x16xf32>,
        %get3A_598 = arith.index_cast %add3A_581 : i32 to index
        %get3A_599 = arith.constant 16 : index
        %get3A_600 = tpu.vector_load %arg27[%get3A_598, %get3A_599] {strides = array<i32>} : memref<128x128xf32, #tpu.memory_space<vmem>>, vector<1x16xf32>,
        %get3A_601 = vector.shape_cast %get3A_600 : vector<1x16xf32> to vector<16xf32>
        %mul3A_602 = vector.broadcast %squeeze3A_586 : f32 to vector<16xf32>
        %mul3A_603 = arith.mulf %get3A_601, %mul3A_602 : vector<16xf32>
        %swap3A_604 = arith.index_cast %add3A_581 : i32 to index
        %swap3A_605 = arith.constant 16 : index
        %swap3A_606 = tpu.vector_load %arg27[%swap3A_604, %swap3A_605] {strides = array<i32>} : memref<128x128xf32, #tpu.memory_space<vmem>>, vector<1x16xf32>,
        %swap3A_607 = vector.shape_cast %swap3A_606 : vector<1x16xf32> to vector<16xf32>
        %swap3A_608 = vector.shape_cast %mul3A_603 : vector<16xf32> to vector<1x16xf32>
        tpu.vector_store %arg27[%swap3A_604, %swap3A_605], %swap3A_608 {strides = array<i32>} : memref<128x128xf32, #tpu.memory_space<vmem>>, vector<1x16xf32>,
        %get3A_609 = arith.index_cast %add3A_581 : i32 to index
        %get3A_610 = arith.constant 32 : index
        %get3A_611 = tpu.vector_load %arg27[%get3A_609, %get3A_610] {strides = array<i32>} : memref<128x128xf32, #tpu.memory_space<vmem>>, vector<1x16xf32>,
        %get3A_612 = vector.shape_cast %get3A_611 : vector<1x16xf32> to vector<16xf32>
        %mul3A_613 = vector.broadcast %squeeze3A_586 : f32 to vector<16xf32>
        %mul3A_614 = arith.mulf %get3A_612, %mul3A_613 : vector<16xf32>
        %swap3A_615 = arith.index_cast %add3A_581 : i32 to index
        %swap3A_616 = arith.constant 32 : index
        %swap3A_617 = tpu.vector_load %arg27[%swap3A_615, %swap3A_616] {strides = array<i32>} : memref<128x128xf32, #tpu.memory_space<vmem>>, vector<1x16xf32>,
        %swap3A_618 = vector.shape_cast %swap3A_617 : vector<1x16xf32> to vector<16xf32>
        %swap3A_619 = vector.shape_cast %mul3A_614 : vector<16xf32> to vector<1x16xf32>
        tpu.vector_store %arg27[%swap3A_615, %swap3A_616], %swap3A_619 {strides = array<i32>} : memref<128x128xf32, #tpu.memory_space<vmem>>, vector<1x16xf32>,
        %get3A_620 = arith.index_cast %add3A_581 : i32 to index
        %get3A_621 = arith.constant 48 : index
        %get3A_622 = tpu.vector_load %arg27[%get3A_620, %get3A_621] {strides = array<i32>} : memref<128x128xf32, #tpu.memory_space<vmem>>, vector<1x16xf32>,
        %get3A_623 = vector.shape_cast %get3A_622 : vector<1x16xf32> to vector<16xf32>
        %mul3A_624 = vector.broadcast %squeeze3A_586 : f32 to vector<16xf32>
        %mul3A_625 = arith.mulf %get3A_623, %mul3A_624 : vector<16xf32>
        %swap3A_626 = arith.index_cast %add3A_581 : i32 to index
        %swap3A_627 = arith.constant 48 : index
        %swap3A_628 = tpu.vector_load %arg27[%swap3A_626, %swap3A_627] {strides = array<i32>} : memref<128x128xf32, #tpu.memory_space<vmem>>, vector<1x16xf32>,
        %swap3A_629 = vector.shape_cast %swap3A_628 : vector<1x16xf32> to vector<16xf32>
        %swap3A_630 = vector.shape_cast %mul3A_625 : vector<16xf32> to vector<1x16xf32>
        tpu.vector_store %arg27[%swap3A_626, %swap3A_627], %swap3A_630 {strides = array<i32>} : memref<128x128xf32, #tpu.memory_space<vmem>>, vector<1x16xf32>,
        %get3A_631 = arith.index_cast %add3A_581 : i32 to index
        %get3A_632 = arith.constant 64 : index
        %get3A_633 = tpu.vector_load %arg27[%get3A_631, %get3A_632] {strides = array<i32>} : memref<128x128xf32, #tpu.memory_space<vmem>>, vector<1x16xf32>,
        %get3A_634 = vector.shape_cast %get3A_633 : vector<1x16xf32> to vector<16xf32>
        %mul3A_635 = vector.broadcast %squeeze3A_586 : f32 to vector<16xf32>
        %mul3A_636 = arith.mulf %get3A_634, %mul3A_635 : vector<16xf32>
        %swap3A_637 = arith.index_cast %add3A_581 : i32 to index
        %swap3A_638 = arith.constant 64 : index
        %swap3A_639 = tpu.vector_load %arg27[%swap3A_637, %swap3A_638] {strides = array<i32>} : memref<128x128xf32, #tpu.memory_space<vmem>>, vector<1x16xf32>,
        %swap3A_640 = vector.shape_cast %swap3A_639 : vector<1x16xf32> to vector<16xf32>
        %swap3A_641 = vector.shape_cast %mul3A_636 : vector<16xf32> to vector<1x16xf32>
        tpu.vector_store %arg27[%swap3A_637, %swap3A_638], %swap3A_641 {strides = array<i32>} : memref<128x128xf32, #tpu.memory_space<vmem>>, vector<1x16xf32>,
        %get3A_642 = arith.index_cast %add3A_581 : i32 to index
        %get3A_643 = arith.constant 80 : index
        %get3A_644 = tpu.vector_load %arg27[%get3A_642, %get3A_643] {strides = array<i32>} : memref<128x128xf32, #tpu.memory_space<vmem>>, vector<1x16xf32>,
        %get3A_645 = vector.shape_cast %get3A_644 : vector<1x16xf32> to vector<16xf32>
        %mul3A_646 = vector.broadcast %squeeze3A_586 : f32 to vector<16xf32>
        %mul3A_647 = arith.mulf %get3A_645, %mul3A_646 : vector<16xf32>
        %swap3A_648 = arith.index_cast %add3A_581 : i32 to index
        %swap3A_649 = arith.constant 80 : index
        %swap3A_650 = tpu.vector_load %arg27[%swap3A_648, %swap3A_649] {strides = array<i32>} : memref<128x128xf32, #tpu.memory_space<vmem>>, vector<1x16xf32>,
        %swap3A_651 = vector.shape_cast %swap3A_650 : vector<1x16xf32> to vector<16xf32>
        %swap3A_652 = vector.shape_cast %mul3A_647 : vector<16xf32> to vector<1x16xf32>
        tpu.vector_store %arg27[%swap3A_648, %swap3A_649], %swap3A_652 {strides = array<i32>} : memref<128x128xf32, #tpu.memory_space<vmem>>, vector<1x16xf32>,
        %get3A_653 = arith.index_cast %add3A_581 : i32 to index
        %get3A_654 = arith.constant 96 : index
        %get3A_655 = tpu.vector_load %arg27[%get3A_653, %get3A_654] {strides = array<i32>} : memref<128x128xf32, #tpu.memory_space<vmem>>, vector<1x16xf32>,
        %get3A_656 = vector.shape_cast %get3A_655 : vector<1x16xf32> to vector<16xf32>
        %mul3A_657 = vector.broadcast %squeeze3A_586 : f32 to vector<16xf32>
        %mul3A_658 = arith.mulf %get3A_656, %mul3A_657 : vector<16xf32>
        %swap3A_659 = arith.index_cast %add3A_581 : i32 to index
        %swap3A_660 = arith.constant 96 : index
        %swap3A_661 = tpu.vector_load %arg27[%swap3A_659, %swap3A_660] {strides = array<i32>} : memref<128x128xf32, #tpu.memory_space<vmem>>, vector<1x16xf32>,
        %swap3A_662 = vector.shape_cast %swap3A_661 : vector<1x16xf32> to vector<16xf32>
        %swap3A_663 = vector.shape_cast %mul3A_658 : vector<16xf32> to vector<1x16xf32>
        tpu.vector_store %arg27[%swap3A_659, %swap3A_660], %swap3A_663 {strides = array<i32>} : memref<128x128xf32, #tpu.memory_space<vmem>>, vector<1x16xf32>,
        %get3A_664 = arith.index_cast %add3A_581 : i32 to index
        %get3A_665 = arith.constant 112 : index
        %get3A_666 = tpu.vector_load %arg27[%get3A_664, %get3A_665] {strides = array<i32>} : memref<128x128xf32, #tpu.memory_space<vmem>>, vector<1x16xf32>,
        %get3A_667 = vector.shape_cast %get3A_666 : vector<1x16xf32> to vector<16xf32>
        %mul3A_668 = vector.broadcast %squeeze3A_586 : f32 to vector<16xf32>
        %mul3A_669 = arith.mulf %get3A_667, %mul3A_668 : vector<16xf32>
        %swap3A_670 = arith.index_cast %add3A_581 : i32 to index
        %swap3A_671 = arith.constant 112 : index
        %swap3A_672 = tpu.vector_load %arg27[%swap3A_670, %swap3A_671] {strides = array<i32>} : memref<128x128xf32, #tpu.memory_space<vmem>>, vector<1x16xf32>,
        %swap3A_673 = vector.shape_cast %swap3A_672 : vector<1x16xf32> to vector<16xf32>
        %swap3A_674 = vector.shape_cast %mul3A_669 : vector<16xf32> to vector<1x16xf32>
        tpu.vector_store %arg27[%swap3A_670, %swap3A_671], %swap3A_674 {strides = array<i32>} : memref<128x128xf32, #tpu.memory_space<vmem>>, vector<1x16xf32>,
        %mul3A_675 = arith.constant 4 : i32
        %mul3A_676 = arith.muli %scan3A_481, %mul3A_675 : i32
        %add3A_677 = arith.constant 2 : i32
        %add3A_678 = arith.addi %mul3A_676, %add3A_677 : i32
        %get3A_679 = arith.index_cast %add3A_678 : i32 to index
        %get3A_680 = tpu.vector_load %arg26[%get3A_679] {strides = array<i32>} : memref<144xf32, #tpu.memory_space<vmem>>, vector<16xf32>,
        %get3A_681 = vector.shape_cast %get3A_680 : vector<16xf32> to vector<16xf32>
        %slice3A_682 = vector.extract_strided_slice %get3A_681 {offsets = [0], sizes = [1], strides = [1]} : vector<16xf32> to vector<1xf32>
        %squeeze3A_683 = vector.extract %slice3A_682[0] : f32 from vector<1xf32>
        %get3A_684 = arith.index_cast %add3A_678 : i32 to index
        %get3A_685 = arith.constant 0 : index
        %get3A_686 = tpu.vector_load %arg27[%get3A_684, %get3A_685] {strides = array<i32>} : memref<128x128xf32, #tpu.memory_space<vmem>>, vector<1x16xf32>,
        %get3A_687 = vector.shape_cast %get3A_686 : vector<1x16xf32> to vector<16xf32>
        %mul3A_688 = vector.broadcast %squeeze3A_683 : f32 to vector<16xf32>
        %mul3A_689 = arith.mulf %get3A_687, %mul3A_688 : vector<16xf32>
        %swap3A_690 = arith.index_cast %add3A_678 : i32 to index
        %swap3A_691 = arith.constant 0 : index
        %swap3A_692 = tpu.vector_load %arg27[%swap3A_690, %swap3A_691] {strides = array<i32>} : memref<128x128xf32, #tpu.memory_space<vmem>>, vector<1x16xf32>,
        %swap3A_693 = vector.shape_cast %swap3A_692 : vector<1x16xf32> to vector<16xf32>
        %swap3A_694 = vector.shape_cast %mul3A_689 : vector<16xf32> to vector<1x16xf32>
        tpu.vector_store %arg27[%swap3A_690, %swap3A_691], %swap3A_694 {strides = array<i32>} : memref<128x128xf32, #tpu.memory_space<vmem>>, vector<1x16xf32>,
        %get3A_695 = arith.index_cast %add3A_678 : i32 to index
        %get3A_696 = arith.constant 16 : index
        %get3A_697 = tpu.vector_load %arg27[%get3A_695, %get3A_696] {strides = array<i32>} : memref<128x128xf32, #tpu.memory_space<vmem>>, vector<1x16xf32>,
        %get3A_698 = vector.shape_cast %get3A_697 : vector<1x16xf32> to vector<16xf32>
        %mul3A_699 = vector.broadcast %squeeze3A_683 : f32 to vector<16xf32>
        %mul3A_700 = arith.mulf %get3A_698, %mul3A_699 : vector<16xf32>
        %swap3A_701 = arith.index_cast %add3A_678 : i32 to index
        %swap3A_702 = arith.constant 16 : index
        %swap3A_703 = tpu.vector_load %arg27[%swap3A_701, %swap3A_702] {strides = array<i32>} : memref<128x128xf32, #tpu.memory_space<vmem>>, vector<1x16xf32>,
        %swap3A_704 = vector.shape_cast %swap3A_703 : vector<1x16xf32> to vector<16xf32>
        %swap3A_705 = vector.shape_cast %mul3A_700 : vector<16xf32> to vector<1x16xf32>
        tpu.vector_store %arg27[%swap3A_701, %swap3A_702], %swap3A_705 {strides = array<i32>} : memref<128x128xf32, #tpu.memory_space<vmem>>, vector<1x16xf32>,
        %get3A_706 = arith.index_cast %add3A_678 : i32 to index
        %get3A_707 = arith.constant 32 : index
        %get3A_708 = tpu.vector_load %arg27[%get3A_706, %get3A_707] {strides = array<i32>} : memref<128x128xf32, #tpu.memory_space<vmem>>, vector<1x16xf32>,
        %get3A_709 = vector.shape_cast %get3A_708 : vector<1x16xf32> to vector<16xf32>
        %mul3A_710 = vector.broadcast %squeeze3A_683 : f32 to vector<16xf32>
        %mul3A_711 = arith.mulf %get3A_709, %mul3A_710 : vector<16xf32>
        %swap3A_712 = arith.index_cast %add3A_678 : i32 to index
        %swap3A_713 = arith.constant 32 : index
        %swap3A_714 = tpu.vector_load %arg27[%swap3A_712, %swap3A_713] {strides = array<i32>} : memref<128x128xf32, #tpu.memory_space<vmem>>, vector<1x16xf32>,
        %swap3A_715 = vector.shape_cast %swap3A_714 : vector<1x16xf32> to vector<16xf32>
        %swap3A_716 = vector.shape_cast %mul3A_711 : vector<16xf32> to vector<1x16xf32>
        tpu.vector_store %arg27[%swap3A_712, %swap3A_713], %swap3A_716 {strides = array<i32>} : memref<128x128xf32, #tpu.memory_space<vmem>>, vector<1x16xf32>,
        %get3A_717 = arith.index_cast %add3A_678 : i32 to index
        %get3A_718 = arith.constant 48 : index
        %get3A_719 = tpu.vector_load %arg27[%get3A_717, %get3A_718] {strides = array<i32>} : memref<128x128xf32, #tpu.memory_space<vmem>>, vector<1x16xf32>,
        %get3A_720 = vector.shape_cast %get3A_719 : vector<1x16xf32> to vector<16xf32>
        %mul3A_721 = vector.broadcast %squeeze3A_683 : f32 to vector<16xf32>
        %mul3A_722 = arith.mulf %get3A_720, %mul3A_721 : vector<16xf32>
        %swap3A_723 = arith.index_cast %add3A_678 : i32 to index
        %swap3A_724 = arith.constant 48 : index
        %swap3A_725 = tpu.vector_load %arg27[%swap3A_723, %swap3A_724] {strides = array<i32>} : memref<128x128xf32, #tpu.memory_space<vmem>>, vector<1x16xf32>,
        %swap3A_726 = vector.shape_cast %swap3A_725 : vector<1x16xf32> to vector<16xf32>
        %swap3A_727 = vector.shape_cast %mul3A_722 : vector<16xf32> to vector<1x16xf32>
        tpu.vector_store %arg27[%swap3A_723, %swap3A_724], %swap3A_727 {strides = array<i32>} : memref<128x128xf32, #tpu.memory_space<vmem>>, vector<1x16xf32>,
        %get3A_728 = arith.index_cast %add3A_678 : i32 to index
        %get3A_729 = arith.constant 64 : index
        %get3A_730 = tpu.vector_load %arg27[%get3A_728, %get3A_729] {strides = array<i32>} : memref<128x128xf32, #tpu.memory_space<vmem>>, vector<1x16xf32>,
        %get3A_731 = vector.shape_cast %get3A_730 : vector<1x16xf32> to vector<16xf32>
        %mul3A_732 = vector.broadcast %squeeze3A_683 : f32 to vector<16xf32>
        %mul3A_733 = arith.mulf %get3A_731, %mul3A_732 : vector<16xf32>
        %swap3A_734 = arith.index_cast %add3A_678 : i32 to index
        %swap3A_735 = arith.constant 64 : index
        %swap3A_736 = tpu.vector_load %arg27[%swap3A_734, %swap3A_735] {strides = array<i32>} : memref<128x128xf32, #tpu.memory_space<vmem>>, vector<1x16xf32>,
        %swap3A_737 = vector.shape_cast %swap3A_736 : vector<1x16xf32> to vector<16xf32>
        %swap3A_738 = vector.shape_cast %mul3A_733 : vector<16xf32> to vector<1x16xf32>
        tpu.vector_store %arg27[%swap3A_734, %swap3A_735], %swap3A_738 {strides = array<i32>} : memref<128x128xf32, #tpu.memory_space<vmem>>, vector<1x16xf32>,
        %get3A_739 = arith.index_cast %add3A_678 : i32 to index
        %get3A_740 = arith.constant 80 : index
        %get3A_741 = tpu.vector_load %arg27[%get3A_739, %get3A_740] {strides = array<i32>} : memref<128x128xf32, #tpu.memory_space<vmem>>, vector<1x16xf32>,
        %get3A_742 = vector.shape_cast %get3A_741 : vector<1x16xf32> to vector<16xf32>
        %mul3A_743 = vector.broadcast %squeeze3A_683 : f32 to vector<16xf32>
        %mul3A_744 = arith.mulf %get3A_742, %mul3A_743 : vector<16xf32>
        %swap3A_745 = arith.index_cast %add3A_678 : i32 to index
        %swap3A_746 = arith.constant 80 : index
        %swap3A_747 = tpu.vector_load %arg27[%swap3A_745, %swap3A_746] {strides = array<i32>} : memref<128x128xf32, #tpu.memory_space<vmem>>, vector<1x16xf32>,
        %swap3A_748 = vector.shape_cast %swap3A_747 : vector<1x16xf32> to vector<16xf32>
        %swap3A_749 = vector.shape_cast %mul3A_744 : vector<16xf32> to vector<1x16xf32>
        tpu.vector_store %arg27[%swap3A_745, %swap3A_746], %swap3A_749 {strides = array<i32>} : memref<128x128xf32, #tpu.memory_space<vmem>>, vector<1x16xf32>,
        %get3A_750 = arith.index_cast %add3A_678 : i32 to index
        %get3A_751 = arith.constant 96 : index
        %get3A_752 = tpu.vector_load %arg27[%get3A_750, %get3A_751] {strides = array<i32>} : memref<128x128xf32, #tpu.memory_space<vmem>>, vector<1x16xf32>,
        %get3A_753 = vector.shape_cast %get3A_752 : vector<1x16xf32> to vector<16xf32>
        %mul3A_754 = vector.broadcast %squeeze3A_683 : f32 to vector<16xf32>
        %mul3A_755 = arith.mulf %get3A_753, %mul3A_754 : vector<16xf32>
        %swap3A_756 = arith.index_cast %add3A_678 : i32 to index
        %swap3A_757 = arith.constant 96 : index
        %swap3A_758 = tpu.vector_load %arg27[%swap3A_756, %swap3A_757] {strides = array<i32>} : memref<128x128xf32, #tpu.memory_space<vmem>>, vector<1x16xf32>,
        %swap3A_759 = vector.shape_cast %swap3A_758 : vector<1x16xf32> to vector<16xf32>
        %swap3A_760 = vector.shape_cast %mul3A_755 : vector<16xf32> to vector<1x16xf32>
        tpu.vector_store %arg27[%swap3A_756, %swap3A_757], %swap3A_760 {strides = array<i32>} : memref<128x128xf32, #tpu.memory_space<vmem>>, vector<1x16xf32>,
        %get3A_761 = arith.index_cast %add3A_678 : i32 to index
        %get3A_762 = arith.constant 112 : index
        %get3A_763 = tpu.vector_load %arg27[%get3A_761, %get3A_762] {strides = array<i32>} : memref<128x128xf32, #tpu.memory_space<vmem>>, vector<1x16xf32>,
        %get3A_764 = vector.shape_cast %get3A_763 : vector<1x16xf32> to vector<16xf32>
        %mul3A_765 = vector.broadcast %squeeze3A_683 : f32 to vector<16xf32>
        %mul3A_766 = arith.mulf %get3A_764, %mul3A_765 : vector<16xf32>
        %swap3A_767 = arith.index_cast %add3A_678 : i32 to index
        %swap3A_768 = arith.constant 112 : index
        %swap3A_769 = tpu.vector_load %arg27[%swap3A_767, %swap3A_768] {strides = array<i32>} : memref<128x128xf32, #tpu.memory_space<vmem>>, vector<1x16xf32>,
        %swap3A_770 = vector.shape_cast %swap3A_769 : vector<1x16xf32> to vector<16xf32>
        %swap3A_771 = vector.shape_cast %mul3A_766 : vector<16xf32> to vector<1x16xf32>
        tpu.vector_store %arg27[%swap3A_767, %swap3A_768], %swap3A_771 {strides = array<i32>} : memref<128x128xf32, #tpu.memory_space<vmem>>, vector<1x16xf32>,
        %mul3A_772 = arith.constant 4 : i32
        %mul3A_773 = arith.muli %scan3A_481, %mul3A_772 : i32
        %add3A_774 = arith.constant 3 : i32
        %add3A_775 = arith.addi %mul3A_773, %add3A_774 : i32
        %get3A_776 = arith.index_cast %add3A_775 : i32 to index
        %get3A_777 = tpu.vector_load %arg26[%get3A_776] {strides = array<i32>} : memref<144xf32, #tpu.memory_space<vmem>>, vector<16xf32>,
        %get3A_778 = vector.shape_cast %get3A_777 : vector<16xf32> to vector<16xf32>
        %slice3A_779 = vector.extract_strided_slice %get3A_778 {offsets = [0], sizes = [1], strides = [1]} : vector<16xf32> to vector<1xf32>
        %squeeze3A_780 = vector.extract %slice3A_779[0] : f32 from vector<1xf32>
        %get3A_781 = arith.index_cast %add3A_775 : i32 to index
        %get3A_782 = arith.constant 0 : index
        %get3A_783 = tpu.vector_load %arg27[%get3A_781, %get3A_782] {strides = array<i32>} : memref<128x128xf32, #tpu.memory_space<vmem>>, vector<1x16xf32>,
        %get3A_784 = vector.shape_cast %get3A_783 : vector<1x16xf32> to vector<16xf32>
        %mul3A_785 = vector.broadcast %squeeze3A_780 : f32 to vector<16xf32>
        %mul3A_786 = arith.mulf %get3A_784, %mul3A_785 : vector<16xf32>
        %swap3A_787 = arith.index_cast %add3A_775 : i32 to index
        %swap3A_788 = arith.constant 0 : index
        %swap3A_789 = tpu.vector_load %arg27[%swap3A_787, %swap3A_788] {strides = array<i32>} : memref<128x128xf32, #tpu.memory_space<vmem>>, vector<1x16xf32>,
        %swap3A_790 = vector.shape_cast %swap3A_789 : vector<1x16xf32> to vector<16xf32>
        %swap3A_791 = vector.shape_cast %mul3A_786 : vector<16xf32> to vector<1x16xf32>
        tpu.vector_store %arg27[%swap3A_787, %swap3A_788], %swap3A_791 {strides = array<i32>} : memref<128x128xf32, #tpu.memory_space<vmem>>, vector<1x16xf32>,
        %get3A_792 = arith.index_cast %add3A_775 : i32 to index
        %get3A_793 = arith.constant 16 : index
        %get3A_794 = tpu.vector_load %arg27[%get3A_792, %get3A_793] {strides = array<i32>} : memref<128x128xf32, #tpu.memory_space<vmem>>, vector<1x16xf32>,
        %get3A_795 = vector.shape_cast %get3A_794 : vector<1x16xf32> to vector<16xf32>
        %mul3A_796 = vector.broadcast %squeeze3A_780 : f32 to vector<16xf32>
        %mul3A_797 = arith.mulf %get3A_795, %mul3A_796 : vector<16xf32>
        %swap3A_798 = arith.index_cast %add3A_775 : i32 to index
        %swap3A_799 = arith.constant 16 : index
        %swap3A_800 = tpu.vector_load %arg27[%swap3A_798, %swap3A_799] {strides = array<i32>} : memref<128x128xf32, #tpu.memory_space<vmem>>, vector<1x16xf32>,
        %swap3A_801 = vector.shape_cast %swap3A_800 : vector<1x16xf32> to vector<16xf32>
        %swap3A_802 = vector.shape_cast %mul3A_797 : vector<16xf32> to vector<1x16xf32>
        tpu.vector_store %arg27[%swap3A_798, %swap3A_799], %swap3A_802 {strides = array<i32>} : memref<128x128xf32, #tpu.memory_space<vmem>>, vector<1x16xf32>,
        %get3A_803 = arith.index_cast %add3A_775 : i32 to index
        %get3A_804 = arith.constant 32 : index
        %get3A_805 = tpu.vector_load %arg27[%get3A_803, %get3A_804] {strides = array<i32>} : memref<128x128xf32, #tpu.memory_space<vmem>>, vector<1x16xf32>,
        %get3A_806 = vector.shape_cast %get3A_805 : vector<1x16xf32> to vector<16xf32>
        %mul3A_807 = vector.broadcast %squeeze3A_780 : f32 to vector<16xf32>
        %mul3A_808 = arith.mulf %get3A_806, %mul3A_807 : vector<16xf32>
        %swap3A_809 = arith.index_cast %add3A_775 : i32 to index
        %swap3A_810 = arith.constant 32 : index
        %swap3A_811 = tpu.vector_load %arg27[%swap3A_809, %swap3A_810] {strides = array<i32>} : memref<128x128xf32, #tpu.memory_space<vmem>>, vector<1x16xf32>,
        %swap3A_812 = vector.shape_cast %swap3A_811 : vector<1x16xf32> to vector<16xf32>
        %swap3A_813 = vector.shape_cast %mul3A_808 : vector<16xf32> to vector<1x16xf32>
        tpu.vector_store %arg27[%swap3A_809, %swap3A_810], %swap3A_813 {strides = array<i32>} : memref<128x128xf32, #tpu.memory_space<vmem>>, vector<1x16xf32>,
        %get3A_814 = arith.index_cast %add3A_775 : i32 to index
        %get3A_815 = arith.constant 48 : index
        %get3A_816 = tpu.vector_load %arg27[%get3A_814, %get3A_815] {strides = array<i32>} : memref<128x128xf32, #tpu.memory_space<vmem>>, vector<1x16xf32>,
        %get3A_817 = vector.shape_cast %get3A_816 : vector<1x16xf32> to vector<16xf32>
        %mul3A_818 = vector.broadcast %squeeze3A_780 : f32 to vector<16xf32>
        %mul3A_819 = arith.mulf %get3A_817, %mul3A_818 : vector<16xf32>
        %swap3A_820 = arith.index_cast %add3A_775 : i32 to index
        %swap3A_821 = arith.constant 48 : index
        %swap3A_822 = tpu.vector_load %arg27[%swap3A_820, %swap3A_821] {strides = array<i32>} : memref<128x128xf32, #tpu.memory_space<vmem>>, vector<1x16xf32>,
        %swap3A_823 = vector.shape_cast %swap3A_822 : vector<1x16xf32> to vector<16xf32>
        %swap3A_824 = vector.shape_cast %mul3A_819 : vector<16xf32> to vector<1x16xf32>
        tpu.vector_store %arg27[%swap3A_820, %swap3A_821], %swap3A_824 {strides = array<i32>} : memref<128x128xf32, #tpu.memory_space<vmem>>, vector<1x16xf32>,
        %get3A_825 = arith.index_cast %add3A_775 : i32 to index
        %get3A_826 = arith.constant 64 : index
        %get3A_827 = tpu.vector_load %arg27[%get3A_825, %get3A_826] {strides = array<i32>} : memref<128x128xf32, #tpu.memory_space<vmem>>, vector<1x16xf32>,
        %get3A_828 = vector.shape_cast %get3A_827 : vector<1x16xf32> to vector<16xf32>
        %mul3A_829 = vector.broadcast %squeeze3A_780 : f32 to vector<16xf32>
        %mul3A_830 = arith.mulf %get3A_828, %mul3A_829 : vector<16xf32>
        %swap3A_831 = arith.index_cast %add3A_775 : i32 to index
        %swap3A_832 = arith.constant 64 : index
        %swap3A_833 = tpu.vector_load %arg27[%swap3A_831, %swap3A_832] {strides = array<i32>} : memref<128x128xf32, #tpu.memory_space<vmem>>, vector<1x16xf32>,
        %swap3A_834 = vector.shape_cast %swap3A_833 : vector<1x16xf32> to vector<16xf32>
        %swap3A_835 = vector.shape_cast %mul3A_830 : vector<16xf32> to vector<1x16xf32>
        tpu.vector_store %arg27[%swap3A_831, %swap3A_832], %swap3A_835 {strides = array<i32>} : memref<128x128xf32, #tpu.memory_space<vmem>>, vector<1x16xf32>,
        %get3A_836 = arith.index_cast %add3A_775 : i32 to index
        %get3A_837 = arith.constant 80 : index
        %get3A_838 = tpu.vector_load %arg27[%get3A_836, %get3A_837] {strides = array<i32>} : memref<128x128xf32, #tpu.memory_space<vmem>>, vector<1x16xf32>,
        %get3A_839 = vector.shape_cast %get3A_838 : vector<1x16xf32> to vector<16xf32>
        %mul3A_840 = vector.broadcast %squeeze3A_780 : f32 to vector<16xf32>
        %mul3A_841 = arith.mulf %get3A_839, %mul3A_840 : vector<16xf32>
        %swap3A_842 = arith.index_cast %add3A_775 : i32 to index
        %swap3A_843 = arith.constant 80 : index
        %swap3A_844 = tpu.vector_load %arg27[%swap3A_842, %swap3A_843] {strides = array<i32>} : memref<128x128xf32, #tpu.memory_space<vmem>>, vector<1x16xf32>,
        %swap3A_845 = vector.shape_cast %swap3A_844 : vector<1x16xf32> to vector<16xf32>
        %swap3A_846 = vector.shape_cast %mul3A_841 : vector<16xf32> to vector<1x16xf32>
        tpu.vector_store %arg27[%swap3A_842, %swap3A_843], %swap3A_846 {strides = array<i32>} : memref<128x128xf32, #tpu.memory_space<vmem>>, vector<1x16xf32>,
        %get3A_847 = arith.index_cast %add3A_775 : i32 to index
        %get3A_848 = arith.constant 96 : index
        %get3A_849 = tpu.vector_load %arg27[%get3A_847, %get3A_848] {strides = array<i32>} : memref<128x128xf32, #tpu.memory_space<vmem>>, vector<1x16xf32>,
        %get3A_850 = vector.shape_cast %get3A_849 : vector<1x16xf32> to vector<16xf32>
        %mul3A_851 = vector.broadcast %squeeze3A_780 : f32 to vector<16xf32>
        %mul3A_852 = arith.mulf %get3A_850, %mul3A_851 : vector<16xf32>
        %swap3A_853 = arith.index_cast %add3A_775 : i32 to index
        %swap3A_854 = arith.constant 96 : index
        %swap3A_855 = tpu.vector_load %arg27[%swap3A_853, %swap3A_854] {strides = array<i32>} : memref<128x128xf32, #tpu.memory_space<vmem>>, vector<1x16xf32>,
        %swap3A_856 = vector.shape_cast %swap3A_855 : vector<1x16xf32> to vector<16xf32>
        %swap3A_857 = vector.shape_cast %mul3A_852 : vector<16xf32> to vector<1x16xf32>
        tpu.vector_store %arg27[%swap3A_853, %swap3A_854], %swap3A_857 {strides = array<i32>} : memref<128x128xf32, #tpu.memory_space<vmem>>, vector<1x16xf32>,
        %get3A_858 = arith.index_cast %add3A_775 : i32 to index
        %get3A_859 = arith.constant 112 : index
        %get3A_860 = tpu.vector_load %arg27[%get3A_858, %get3A_859] {strides = array<i32>} : memref<128x128xf32, #tpu.memory_space<vmem>>, vector<1x16xf32>,
        %get3A_861 = vector.shape_cast %get3A_860 : vector<1x16xf32> to vector<16xf32>
        %mul3A_862 = vector.broadcast %squeeze3A_780 : f32 to vector<16xf32>
        %mul3A_863 = arith.mulf %get3A_861, %mul3A_862 : vector<16xf32>
        %swap3A_864 = arith.index_cast %add3A_775 : i32 to index
        %swap3A_865 = arith.constant 112 : index
        %swap3A_866 = tpu.vector_load %arg27[%swap3A_864, %swap3A_865] {strides = array<i32>} : memref<128x128xf32, #tpu.memory_space<vmem>>, vector<1x16xf32>,
        %swap3A_867 = vector.shape_cast %swap3A_866 : vector<1x16xf32> to vector<16xf32>
        %swap3A_868 = vector.shape_cast %mul3A_863 : vector<16xf32> to vector<1x16xf32>
        tpu.vector_store %arg27[%swap3A_864, %swap3A_865], %swap3A_868 {strides = array<i32>} : memref<128x128xf32, #tpu.memory_space<vmem>>, vector<1x16xf32>,
        %scan3A_869 = arith.constant 0 : i32
        scf.yield %scan3A_869 : i32
      }
      %scan3A_470 = arith.constant 32 : i32
      %dma_start3A_471 = arith.constant 0 : i32
      %dma_start3A_472 = tpu.memref_slice %arg29[%dma_start3A_471] : memref<10240xf32, #tpu.memory_space<vmem_shared>> -> memref<10240xf32, #tpu.memory_space<vmem_shared>>
      tpu.enqueue_indirect_dma source(%arg25 : memref<128xf32, #tpu.memory_space<vmem>>) target(%dma_start3A_472 : memref<10240xf32, #tpu.memory_space<vmem_shared>>) offsets(%arg17 : memref<128xi32, #tpu.memory_space<vmem>>) semaphore(%arg39 : memref<!tpu.dma_semaphore, #tpu.memory_space<semaphore_mem>>) {add = true}
      "tpu.region"() ({
        %run_scoped3A = tpu.sem_alloc : memref<!tpu.dma_semaphore, #tpu.memory_space<semaphore_mem>>
        %dma_start3A_481 = arith.constant 0 : i32
        %dma_start3A_482 = arith.constant 0 : i32
        %dma_start3A_483 = tpu.memref_slice %arg28[%dma_start3A_481, %dma_start3A_482] : memref<10240x128xf32, #tpu.memory_space<vmem_shared>> -> memref<10240x128xf32, #tpu.memory_space<vmem_shared>>
        tpu.enqueue_indirect_dma source(%arg27 : memref<128x128xf32, #tpu.memory_space<vmem>>) target(%dma_start3A_483 : memref<10240x128xf32, #tpu.memory_space<vmem_shared>>) offsets(%arg17 : memref<128xi32, #tpu.memory_space<vmem>>) semaphore(%run_scoped3A : memref<!tpu.dma_semaphore, #tpu.memory_space<semaphore_mem>>) {add = true}
        %dma_wait3A_484 = arith.constant 0 : i32
        %dma_wait3A_485 = arith.constant 0 : i32
        %dma_wait3A_486 = tpu.memref_slice %arg28[%dma_wait3A_484, %dma_wait3A_485] : memref<10240x128xf32, #tpu.memory_space<vmem_shared>> -> memref<10240x128xf32, #tpu.memory_space<vmem_shared>>
        tpu.wait_indirect_dma semaphore(%run_scoped3A : memref<!tpu.dma_semaphore, #tpu.memory_space<semaphore_mem>>) src(%arg27 : memref<128x128xf32, #tpu.memory_space<vmem>>) dst(%dma_wait3A_486 : memref<10240x128xf32, #tpu.memory_space<vmem_shared>>)
        tpu.yield
      }) : () -> ()
      %add3A_473 = arith.constant 2 : i32
      %add3A_474 = arith.addi %add3A_47, %add3A_473 : i32
      %lt3A_475 = arith.constant 160 : i32
      %lt3A_476 = arith.cmpi slt, %add3A_474, %lt3A_475 : i32
      %convert_element_type3A_477 = arith.extui %lt3A_476 : i1 to i32
      %cond3A_478 = arith.constant 0 : i32
      %cond3A_479 = arith.cmpi ne, %convert_element_type3A_477, %cond3A_478 : i32
      scf.if %cond3A_479 {
        %dma_wait3A_481 = arith.constant 0 : i32
        %dma_wait3A_482 = tpu.memref_slice %arg29[%dma_wait3A_481] : memref<10240xf32, #tpu.memory_space<vmem_shared>> -> memref<10240xf32, #tpu.memory_space<vmem_shared>>
        tpu.wait_indirect_dma semaphore(%arg39 : memref<!tpu.dma_semaphore, #tpu.memory_space<semaphore_mem>>) src(%arg25 : memref<128xf32, #tpu.memory_space<vmem>>) dst(%dma_wait3A_482 : memref<10240xf32, #tpu.memory_space<vmem_shared>>)
        %add3A_483 = arith.constant 2 : i32
        %add3A_484 = arith.addi %add3A_47, %add3A_483 : i32
        %mul3A_485 = arith.constant 128 : i32
        %mul3A_486 = arith.muli %add3A_484, %mul3A_485 : i32
        %add3A_487 = arith.addi %mul3A_4, %mul3A_486 : i32
        %dma_start3A_488 = tpu.memref_slice %arg2[%add3A_487] : memref<327680xi32, #tpu.memory_space<hbm>> -> memref<128xi32, #tpu.memory_space<hbm>>
        %dma_start3A_489 = tpu.memref_slice %arg2[%add3A_487] : memref<327680xi32, #tpu.memory_space<hbm>> -> memref<128xi32, #tpu.memory_space<hbm>>
        tpu.enqueue_dma source(%dma_start3A_489 : memref<128xi32, #tpu.memory_space<hbm>>) target(%arg16 : memref<128xi32, #tpu.memory_space<vmem>>) target_semaphore(%arg37 : memref<!tpu.dma_semaphore, #tpu.memory_space<semaphore_mem>>)
        %dma_start3A_490 = tpu.memref_slice %arg3[%add3A_487] : memref<327680xi32, #tpu.memory_space<hbm>> -> memref<128xi32, #tpu.memory_space<hbm>>
        %dma_start3A_491 = tpu.memref_slice %arg3[%add3A_487] : memref<327680xi32, #tpu.memory_space<hbm>> -> memref<128xi32, #tpu.memory_space<hbm>>
        tpu.enqueue_dma source(%dma_start3A_491 : memref<128xi32, #tpu.memory_space<hbm>>) target(%arg17 : memref<128xi32, #tpu.memory_space<vmem>>) target_semaphore(%arg37 : memref<!tpu.dma_semaphore, #tpu.memory_space<semaphore_mem>>)
      } else {
      }
      %scan3A_480 = arith.constant 0 : i32
      scf.yield %scan3A_480 : i32
    }
    %scan3A_32 = arith.constant 80 : i32
    %dma_wait3A_33 = arith.constant 0 : i32
    %dma_wait3A_34 = tpu.memref_slice %arg29[%dma_wait3A_33] : memref<10240xf32, #tpu.memory_space<vmem_shared>> -> memref<10240xf32, #tpu.memory_space<vmem_shared>>
    tpu.wait_indirect_dma semaphore(%arg38 : memref<!tpu.dma_semaphore, #tpu.memory_space<semaphore_mem>>) src(%arg20 : memref<128xf32, #tpu.memory_space<vmem>>) dst(%dma_wait3A_34 : memref<10240xf32, #tpu.memory_space<vmem_shared>>)
    %dma_wait3A_35 = arith.constant 0 : i32
    %dma_wait3A_36 = tpu.memref_slice %arg29[%dma_wait3A_35] : memref<10240xf32, #tpu.memory_space<vmem_shared>> -> memref<10240xf32, #tpu.memory_space<vmem_shared>>
    tpu.wait_indirect_dma semaphore(%arg39 : memref<!tpu.dma_semaphore, #tpu.memory_space<semaphore_mem>>) src(%arg25 : memref<128xf32, #tpu.memory_space<vmem>>) dst(%dma_wait3A_36 : memref<10240xf32, #tpu.memory_space<vmem_shared>>)
    %barrier3A_37 = arith.constant 0 : index
    tpu.barrier barrier_id(%barrier3A_37)
    %add3A_38 = arith.addi %mul3A_2, %mul3A_0 : i32
    "tpu.region"() ({
      %run_scoped3A = tpu.sem_alloc : memref<!tpu.dma_semaphore, #tpu.memory_space<semaphore_mem>>
      %dma_start3A_40 = arith.constant 0 : i32
      %dma_start3A_41 = tpu.memref_slice %arg12[%add3A_38, %dma_start3A_40] : memref<20480x128xf32, #tpu.memory_space<hbm>> -> memref<640x128xf32, #tpu.memory_space<hbm>>
      %dma_start3A_42 = arith.constant 0 : i32
      %dma_start3A_43 = tpu.memref_slice %arg28[%mul3A_0, %dma_start3A_42] : memref<10240x128xf32, #tpu.memory_space<vmem_shared>> -> memref<640x128xf32, #tpu.memory_space<vmem_shared>>
      tpu.enqueue_dma source(%dma_start3A_43 : memref<640x128xf32, #tpu.memory_space<vmem_shared>>) target(%dma_start3A_41 : memref<640x128xf32, #tpu.memory_space<hbm>>) target_semaphore(%run_scoped3A : memref<!tpu.dma_semaphore, #tpu.memory_space<semaphore_mem>>)
      %dma_wait3A_44 = arith.constant 0 : i32
      %dma_wait3A_45 = tpu.memref_slice %arg12[%add3A_38, %dma_wait3A_44] : memref<20480x128xf32, #tpu.memory_space<hbm>> -> memref<640x128xf32, #tpu.memory_space<hbm>>
      %dma_wait3A_46 = arith.constant 0 : i32
      %dma_wait3A_47 = tpu.memref_slice %arg28[%mul3A_0, %dma_wait3A_46] : memref<10240x128xf32, #tpu.memory_space<vmem_shared>> -> memref<640x128xf32, #tpu.memory_space<vmem_shared>>
      tpu.wait_dma2 semaphore(%run_scoped3A : memref<!tpu.dma_semaphore, #tpu.memory_space<semaphore_mem>>) src(%dma_wait3A_47 : memref<640x128xf32, #tpu.memory_space<vmem_shared>>) dst(%dma_wait3A_45 : memref<640x128xf32, #tpu.memory_space<hbm>>)
      tpu.yield
    }) : () -> ()
    %add3A_39 = arith.addi %mul3A_2, %mul3A_0 : i32
    "tpu.region"() ({
      %run_scoped3A = tpu.sem_alloc : memref<!tpu.dma_semaphore, #tpu.memory_space<semaphore_mem>>
      %dma_start3A_40 = tpu.memref_slice %arg13[%add3A_39] : memref<20480xf32, #tpu.memory_space<hbm>> -> memref<640xf32, #tpu.memory_space<hbm>>
      %dma_start3A_41 = tpu.memref_slice %arg29[%mul3A_0] : memref<10240xf32, #tpu.memory_space<vmem_shared>> -> memref<640xf32, #tpu.memory_space<vmem_shared>>
      tpu.enqueue_dma source(%dma_start3A_41 : memref<640xf32, #tpu.memory_space<vmem_shared>>) target(%dma_start3A_40 : memref<640xf32, #tpu.memory_space<hbm>>) target_semaphore(%run_scoped3A : memref<!tpu.dma_semaphore, #tpu.memory_space<semaphore_mem>>)
      %dma_wait3A_42 = tpu.memref_slice %arg13[%add3A_39] : memref<20480xf32, #tpu.memory_space<hbm>> -> memref<640xf32, #tpu.memory_space<hbm>>
      %dma_wait3A_43 = tpu.memref_slice %arg29[%mul3A_0] : memref<10240xf32, #tpu.memory_space<vmem_shared>> -> memref<640xf32, #tpu.memory_space<vmem_shared>>
      tpu.wait_dma2 semaphore(%run_scoped3A : memref<!tpu.dma_semaphore, #tpu.memory_space<semaphore_mem>>) src(%dma_wait3A_43 : memref<640xf32, #tpu.memory_space<vmem_shared>>) dst(%dma_wait3A_42 : memref<640xf32, #tpu.memory_space<hbm>>)
      tpu.yield
    }) : () -> ()
    return
  }
}

module attributes {stable_mosaic.version = 14 : i64} {
  func.func @_tca_body(%arg0: i32, %arg1: memref<256x128xf32, #tpu.memory_space<vmem>>, %arg2: memref<1x128xf32, #tpu.memory_space<vmem>>, %arg3: memref<1x128xf32, #tpu.memory_space<vmem>>, %arg4: memref<128x256xf32, #tpu.memory_space<vmem>>, %arg5: memref<2x128xf32, #tpu.memory_space<vmem>>, %arg6: memref<2x128xf32, #tpu.memory_space<vmem>>, %arg7: memref<256x128xf32, #tpu.memory_space<vmem>>, %arg8: memref<256x128xf32, #tpu.memory_space<vmem>>, %arg9: memref<256x1xf32, #tpu.memory_space<vmem>>, %arg10: memref<256x1xf32, #tpu.memory_space<vmem>>, %arg11: memref<256x1xf32, #tpu.memory_space<vmem>>, %arg12: memref<256x1xf32, #tpu.memory_space<vmem>>) attributes {dimension_semantics = [#tpu.dimension_semantics<arbitrary>], iteration_bounds = array<i64: 40>, scalar_prefetch = 0 : i64, scratch_operands = 0 : i64, tpu.core_type = #tpu.core_type<tc>, window_params = [{transform_indices = @transform_0, window_bounds = array<i64: 256, 128>}, {pipeline_mode = #tpu.pipeline_mode<synchronous>, transform_indices = @transform_1, window_bounds = array<i64: 1, 128>}, {pipeline_mode = #tpu.pipeline_mode<synchronous>, transform_indices = @transform_2, window_bounds = array<i64: 1, 128>}, {pipeline_mode = #tpu.pipeline_mode<synchronous>, transform_indices = @transform_3, window_bounds = array<i64: 128, 256>}, {pipeline_mode = #tpu.pipeline_mode<synchronous>, transform_indices = @transform_4, window_bounds = array<i64: 2, 128>}, {pipeline_mode = #tpu.pipeline_mode<synchronous>, transform_indices = @transform_5, window_bounds = array<i64: 2, 128>}, {transform_indices = @transform_6, window_bounds = array<i64: 256, 128>}, {transform_indices = @transform_7, window_bounds = array<i64: 256, 128>}, {transform_indices = @transform_8, window_bounds = array<i64: 256, 1>}, {transform_indices = @transform_9, window_bounds = array<i64: 256, 1>}, {transform_indices = @transform_10, window_bounds = array<i64: 256, 1>}, {transform_indices = @transform_11, window_bounds = array<i64: 256, 1>}]} {
    %get3A = arith.constant 0 : index
    %get3A_0 = arith.constant 0 : index
    %get3A_1 = vector.load %arg1[%get3A, %get3A_0] : memref<256x128xf32, #tpu.memory_space<vmem>>, vector<256x128xf32>
    %reduce_sum3A = arith.constant dense<0.000000e+00> : vector<256xf32>
    %reduce_sum3A_2 = vector.multi_reduction <add>, %get3A_1, %reduce_sum3A [1] : vector<256x128xf32> to vector<256xf32>
    %broadcast_in_dim3A = vector.shape_cast %reduce_sum3A_2 : vector<256xf32> to vector<256x1xf32>
    %div3A = arith.constant 1.280000e+02 : f32
    %div3A_3 = vector.broadcast %div3A : f32 to vector<256x1xf32>
    %div3A_4 = arith.divf %broadcast_in_dim3A, %div3A_3 : vector<256x1xf32>
    %sub3A = vector.broadcast %div3A_4 : vector<256x1xf32> to vector<256x128xf32>
    %sub3A_5 = arith.subf %get3A_1, %sub3A : vector<256x128xf32>
    %integer_pow3A = arith.mulf %sub3A_5, %sub3A_5 : vector<256x128xf32>
    %reduce_sum3A_6 = arith.constant dense<0.000000e+00> : vector<256xf32>
    %reduce_sum3A_7 = vector.multi_reduction <add>, %integer_pow3A, %reduce_sum3A_6 [1] : vector<256x128xf32> to vector<256xf32>
    %broadcast_in_dim3A_8 = vector.shape_cast %reduce_sum3A_7 : vector<256xf32> to vector<256x1xf32>
    %div3A_9 = arith.constant 1.280000e+02 : f32
    %div3A_10 = vector.broadcast %div3A_9 : f32 to vector<256x1xf32>
    %div3A_11 = arith.divf %broadcast_in_dim3A_8, %div3A_10 : vector<256x1xf32>
    %sub3A_12 = vector.broadcast %div3A_4 : vector<256x1xf32> to vector<256x128xf32>
    %sub3A_13 = arith.subf %get3A_1, %sub3A_12 : vector<256x128xf32>
    %add3A = arith.constant 9.99999974E-6 : f32
    %add3A_14 = vector.broadcast %add3A : f32 to vector<256x1xf32>
    %add3A_15 = arith.addf %div3A_11, %add3A_14 : vector<256x1xf32>
    %rsqrt3A = math.rsqrt %add3A_15 : vector<256x1xf32>
    %mul3A = vector.broadcast %rsqrt3A : vector<256x1xf32> to vector<256x128xf32>
    %mul3A_16 = arith.mulf %sub3A_13, %mul3A : vector<256x128xf32>
    %get3A_17 = arith.constant 0 : index
    %get3A_18 = arith.constant 0 : index
    %get3A_19 = vector.load %arg2[%get3A_17, %get3A_18] : memref<1x128xf32, #tpu.memory_space<vmem>>, vector<1x128xf32>
    %mul3A_20 = vector.broadcast %get3A_19 : vector<1x128xf32> to vector<256x128xf32>
    %mul3A_21 = arith.mulf %mul3A_16, %mul3A_20 : vector<256x128xf32>
    %get3A_22 = arith.constant 0 : index
    %get3A_23 = arith.constant 0 : index
    %get3A_24 = vector.load %arg3[%get3A_22, %get3A_23] : memref<1x128xf32, #tpu.memory_space<vmem>>, vector<1x128xf32>
    %add3A_25 = vector.broadcast %get3A_24 : vector<1x128xf32> to vector<256x128xf32>
    %add3A_26 = arith.addf %mul3A_21, %add3A_25 : vector<256x128xf32>
    %get3A_27 = arith.constant 0 : index
    %get3A_28 = arith.constant 0 : index
    %get3A_29 = vector.load %arg4[%get3A_27, %get3A_28] : memref<128x256xf32, #tpu.memory_space<vmem>>, vector<128x256xf32>
    %dot_general3A = arith.constant dense<0.000000e+00> : vector<256x256xf32>
    %dot_general3A_30 = tpu.matmul %add3A_26, %get3A_29, %dot_general3A {dimension_numbers = #tpu.dot_dimension_numbers<[1], [0], [0], [1], [0, 0, 1, 1], [], []>, transpose_lhs_hint = false} : vector<256x128xf32>, vector<128x256xf32>, vector<256x256xf32> -> vector<256x256xf32>
    %slice3A = vector.extract_strided_slice %dot_general3A_30 {offsets = [0, 0], sizes = [256, 128], strides = [1, 1]} : vector<256x256xf32> to vector<256x128xf32>
    %slice3A_31 = vector.extract_strided_slice %dot_general3A_30 {offsets = [0, 128], sizes = [256, 128], strides = [1, 1]} : vector<256x256xf32> to vector<256x128xf32>
    %swap3A = arith.constant 0 : index
    %swap3A_32 = arith.constant 0 : index
    %swap3A_33 = vector.load %arg7[%swap3A, %swap3A_32] : memref<256x128xf32, #tpu.memory_space<vmem>>, vector<256x128xf32>
    tpu.vector_store %arg7[%swap3A, %swap3A_32], %slice3A {strides = array<i32>} : memref<256x128xf32, #tpu.memory_space<vmem>>, vector<256x128xf32>,
    %swap3A_34 = arith.constant 0 : index
    %swap3A_35 = arith.constant 0 : index
    %swap3A_36 = vector.load %arg8[%swap3A_34, %swap3A_35] : memref<256x128xf32, #tpu.memory_space<vmem>>, vector<256x128xf32>
    tpu.vector_store %arg8[%swap3A_34, %swap3A_35], %slice3A_31 {strides = array<i32>} : memref<256x128xf32, #tpu.memory_space<vmem>>, vector<256x128xf32>,
    %get3A_37 = arith.constant 0 : index
    %get3A_38 = arith.constant 0 : index
    %get3A_39 = vector.load %arg5[%get3A_37, %get3A_38] : memref<2x128xf32, #tpu.memory_space<vmem>>, vector<1x128xf32>
    %mul3A_40 = vector.broadcast %get3A_39 : vector<1x128xf32> to vector<256x128xf32>
    %mul3A_41 = arith.mulf %slice3A, %mul3A_40 : vector<256x128xf32>
    %reduce_sum3A_42 = arith.constant dense<0.000000e+00> : vector<256xf32>
    %reduce_sum3A_43 = vector.multi_reduction <add>, %mul3A_41, %reduce_sum3A_42 [1] : vector<256x128xf32> to vector<256xf32>
    %broadcast_in_dim3A_44 = vector.shape_cast %reduce_sum3A_43 : vector<256xf32> to vector<256x1xf32>
    %swap3A_45 = arith.constant 0 : index
    %swap3A_46 = arith.constant 0 : index
    %swap3A_47 = vector.load %arg9[%swap3A_45, %swap3A_46] : memref<256x1xf32, #tpu.memory_space<vmem>>, vector<256x1xf32>
    tpu.vector_store %arg9[%swap3A_45, %swap3A_46], %broadcast_in_dim3A_44 {strides = array<i32>} : memref<256x1xf32, #tpu.memory_space<vmem>>, vector<256x1xf32>,
    %get3A_48 = arith.constant 1 : index
    %get3A_49 = arith.constant 0 : index
    %get3A_50 = vector.load %arg5[%get3A_48, %get3A_49] : memref<2x128xf32, #tpu.memory_space<vmem>>, vector<1x128xf32>
    %mul3A_51 = vector.broadcast %get3A_50 : vector<1x128xf32> to vector<256x128xf32>
    %mul3A_52 = arith.mulf %slice3A_31, %mul3A_51 : vector<256x128xf32>
    %reduce_sum3A_53 = arith.constant dense<0.000000e+00> : vector<256xf32>
    %reduce_sum3A_54 = vector.multi_reduction <add>, %mul3A_52, %reduce_sum3A_53 [1] : vector<256x128xf32> to vector<256xf32>
    %broadcast_in_dim3A_55 = vector.shape_cast %reduce_sum3A_54 : vector<256xf32> to vector<256x1xf32>
    %swap3A_56 = arith.constant 0 : index
    %swap3A_57 = arith.constant 0 : index
    %swap3A_58 = vector.load %arg10[%swap3A_56, %swap3A_57] : memref<256x1xf32, #tpu.memory_space<vmem>>, vector<256x1xf32>
    tpu.vector_store %arg10[%swap3A_56, %swap3A_57], %broadcast_in_dim3A_55 {strides = array<i32>} : memref<256x1xf32, #tpu.memory_space<vmem>>, vector<256x1xf32>,
    %get3A_59 = arith.constant 0 : index
    %get3A_60 = arith.constant 0 : index
    %get3A_61 = vector.load %arg6[%get3A_59, %get3A_60] : memref<2x128xf32, #tpu.memory_space<vmem>>, vector<1x128xf32>
    %mul3A_62 = vector.broadcast %get3A_61 : vector<1x128xf32> to vector<256x128xf32>
    %mul3A_63 = arith.mulf %slice3A, %mul3A_62 : vector<256x128xf32>
    %reduce_sum3A_64 = arith.constant dense<0.000000e+00> : vector<256xf32>
    %reduce_sum3A_65 = vector.multi_reduction <add>, %mul3A_63, %reduce_sum3A_64 [1] : vector<256x128xf32> to vector<256xf32>
    %broadcast_in_dim3A_66 = vector.shape_cast %reduce_sum3A_65 : vector<256xf32> to vector<256x1xf32>
    %swap3A_67 = arith.constant 0 : index
    %swap3A_68 = arith.constant 0 : index
    %swap3A_69 = vector.load %arg11[%swap3A_67, %swap3A_68] : memref<256x1xf32, #tpu.memory_space<vmem>>, vector<256x1xf32>
    tpu.vector_store %arg11[%swap3A_67, %swap3A_68], %broadcast_in_dim3A_66 {strides = array<i32>} : memref<256x1xf32, #tpu.memory_space<vmem>>, vector<256x1xf32>,
    %get3A_70 = arith.constant 1 : index
    %get3A_71 = arith.constant 0 : index
    %get3A_72 = vector.load %arg6[%get3A_70, %get3A_71] : memref<2x128xf32, #tpu.memory_space<vmem>>, vector<1x128xf32>
    %mul3A_73 = vector.broadcast %get3A_72 : vector<1x128xf32> to vector<256x128xf32>
    %mul3A_74 = arith.mulf %slice3A_31, %mul3A_73 : vector<256x128xf32>
    %reduce_sum3A_75 = arith.constant dense<0.000000e+00> : vector<256xf32>
    %reduce_sum3A_76 = vector.multi_reduction <add>, %mul3A_74, %reduce_sum3A_75 [1] : vector<256x128xf32> to vector<256xf32>
    %broadcast_in_dim3A_77 = vector.shape_cast %reduce_sum3A_76 : vector<256xf32> to vector<256x1xf32>
    %swap3A_78 = arith.constant 0 : index
    %swap3A_79 = arith.constant 0 : index
    %swap3A_80 = vector.load %arg12[%swap3A_78, %swap3A_79] : memref<256x1xf32, #tpu.memory_space<vmem>>, vector<256x1xf32>
    tpu.vector_store %arg12[%swap3A_78, %swap3A_79], %broadcast_in_dim3A_77 {strides = array<i32>} : memref<256x1xf32, #tpu.memory_space<vmem>>, vector<256x1xf32>,
    return
  }
  func.func @transform_0(%arg0: i32) -> (i32, i32) {
    %c0_i32 = arith.constant 0 : i32
    %c0_i32_0 = arith.constant 0 : i32
    return %arg0, %c0_i32 : i32, i32
  }
  func.func @transform_1(%arg0: i32) -> (i32, i32) {
    %c0_i32 = arith.constant 0 : i32
    %c0_i32_0 = arith.constant 0 : i32
    %c0_i32_1 = arith.constant 0 : i32
    return %c0_i32, %c0_i32_0 : i32, i32
  }
  func.func @transform_2(%arg0: i32) -> (i32, i32) {
    %c0_i32 = arith.constant 0 : i32
    %c0_i32_0 = arith.constant 0 : i32
    %c0_i32_1 = arith.constant 0 : i32
    return %c0_i32, %c0_i32_0 : i32, i32
  }
  func.func @transform_3(%arg0: i32) -> (i32, i32) {
    %c0_i32 = arith.constant 0 : i32
    %c0_i32_0 = arith.constant 0 : i32
    %c0_i32_1 = arith.constant 0 : i32
    return %c0_i32, %c0_i32_0 : i32, i32
  }
  func.func @transform_4(%arg0: i32) -> (i32, i32) {
    %c0_i32 = arith.constant 0 : i32
    %c0_i32_0 = arith.constant 0 : i32
    %c0_i32_1 = arith.constant 0 : i32
    return %c0_i32, %c0_i32_0 : i32, i32
  }
  func.func @transform_5(%arg0: i32) -> (i32, i32) {
    %c0_i32 = arith.constant 0 : i32
    %c0_i32_0 = arith.constant 0 : i32
    %c0_i32_1 = arith.constant 0 : i32
    return %c0_i32, %c0_i32_0 : i32, i32
  }
  func.func @transform_6(%arg0: i32) -> (i32, i32) {
    %c0_i32 = arith.constant 0 : i32
    %c0_i32_0 = arith.constant 0 : i32
    return %arg0, %c0_i32 : i32, i32
  }
  func.func @transform_7(%arg0: i32) -> (i32, i32) {
    %c0_i32 = arith.constant 0 : i32
    %c0_i32_0 = arith.constant 0 : i32
    return %arg0, %c0_i32 : i32, i32
  }
  func.func @transform_8(%arg0: i32) -> (i32, i32) {
    %c0_i32 = arith.constant 0 : i32
    %c0_i32_0 = arith.constant 0 : i32
    return %arg0, %c0_i32 : i32, i32
  }
  func.func @transform_9(%arg0: i32) -> (i32, i32) {
    %c0_i32 = arith.constant 0 : i32
    %c0_i32_0 = arith.constant 0 : i32
    return %arg0, %c0_i32 : i32, i32
  }
  func.func @transform_10(%arg0: i32) -> (i32, i32) {
    %c0_i32 = arith.constant 0 : i32
    %c0_i32_0 = arith.constant 0 : i32
    return %arg0, %c0_i32 : i32, i32
  }
  func.func @transform_11(%arg0: i32) -> (i32, i32) {
    %c0_i32 = arith.constant 0 : i32
    %c0_i32_0 = arith.constant 0 : i32
    return %arg0, %c0_i32 : i32, i32
  }
}

module attributes {stable_mosaic.version = 14 : i64} {
  func.func @_tcb_body(%arg0: i32, %arg1: memref<256x128xf32, #tpu.memory_space<vmem>>, %arg2: memref<256x128xf32, #tpu.memory_space<vmem>>, %arg3: memref<256x1xf32, #tpu.memory_space<vmem>>, %arg4: memref<256x1xf32, #tpu.memory_space<vmem>>, %arg5: memref<256x128xf32, #tpu.memory_space<vmem>>, %arg6: memref<256x128xf32, #tpu.memory_space<vmem>>, %arg7: memref<256x1xf32, #tpu.memory_space<vmem>>, %arg8: memref<256x1xf32, #tpu.memory_space<vmem>>, %arg9: memref<256x1xf32, #tpu.memory_space<vmem>>, %arg10: memref<256x1xf32, #tpu.memory_space<vmem>>, %arg11: memref<1x256xf32, #tpu.memory_space<vmem>>, %arg12: memref<256x256xf32, #tpu.memory_space<vmem>>, %arg13: memref<2x128xf32, #tpu.memory_space<vmem>>, %arg14: memref<2x128xf32, #tpu.memory_space<vmem>>, %arg15: memref<256x128xf32, #tpu.memory_space<vmem>>, %arg16: memref<256x128xf32, #tpu.memory_space<vmem>>, %arg17: memref<256x1xf32, #tpu.memory_space<vmem>>, %arg18: memref<256x1xf32, #tpu.memory_space<vmem>>, %arg19: memref<256x1xf32, #tpu.memory_space<vmem>>, %arg20: memref<256x1xf32, #tpu.memory_space<vmem>>) attributes {dimension_semantics = [#tpu.dimension_semantics<arbitrary>], iteration_bounds = array<i64: 40>, scalar_prefetch = 0 : i64, scratch_operands = 0 : i64, tpu.core_type = #tpu.core_type<tc>, window_params = [{transform_indices = @transform_0, window_bounds = array<i64: 256, 128>}, {transform_indices = @transform_1, window_bounds = array<i64: 256, 128>}, {transform_indices = @transform_2, window_bounds = array<i64: 256, 1>}, {transform_indices = @transform_3, window_bounds = array<i64: 256, 1>}, {transform_indices = @transform_4, window_bounds = array<i64: 256, 128>}, {transform_indices = @transform_5, window_bounds = array<i64: 256, 128>}, {transform_indices = @transform_6, window_bounds = array<i64: 256, 1>}, {transform_indices = @transform_7, window_bounds = array<i64: 256, 1>}, {transform_indices = @transform_8, window_bounds = array<i64: 256, 1>}, {transform_indices = @transform_9, window_bounds = array<i64: 256, 1>}, {pipeline_mode = #tpu.pipeline_mode<synchronous>, transform_indices = @transform_10, window_bounds = array<i64: 1, 256>}, {pipeline_mode = #tpu.pipeline_mode<synchronous>, transform_indices = @transform_11, window_bounds = array<i64: 256, 256>}, {pipeline_mode = #tpu.pipeline_mode<synchronous>, transform_indices = @transform_12, window_bounds = array<i64: 2, 128>}, {pipeline_mode = #tpu.pipeline_mode<synchronous>, transform_indices = @transform_13, window_bounds = array<i64: 2, 128>}, {transform_indices = @transform_14, window_bounds = array<i64: 256, 128>}, {transform_indices = @transform_15, window_bounds = array<i64: 256, 128>}, {transform_indices = @transform_16, window_bounds = array<i64: 256, 1>}, {transform_indices = @transform_17, window_bounds = array<i64: 256, 1>}, {transform_indices = @transform_18, window_bounds = array<i64: 256, 1>}, {transform_indices = @transform_19, window_bounds = array<i64: 256, 1>}]} {
    %get3A = arith.constant 0 : index
    %get3A_0 = arith.constant 0 : index
    %get3A_1 = vector.load %arg7[%get3A, %get3A_0] : memref<256x1xf32, #tpu.memory_space<vmem>>, vector<256x1xf32>
    %get3A_2 = arith.constant 0 : index
    %get3A_3 = arith.constant 0 : index
    %get3A_4 = vector.load %arg9[%get3A_2, %get3A_3] : memref<256x1xf32, #tpu.memory_space<vmem>>, vector<256x1xf32>
    %add3A = arith.addf %get3A_1, %get3A_4 : vector<256x1xf32>
    %gt3A = arith.constant 0.000000e+00 : f32
    %gt3A_5 = vector.broadcast %gt3A : f32 to vector<256x1xf32>
    %gt3A_6 = arith.cmpf ogt, %add3A, %gt3A_5 : vector<256x1xf32>
    %mul3A = arith.constant 2.000000e-01 : f32
    %mul3A_7 = vector.broadcast %mul3A : f32 to vector<256x1xf32>
    %mul3A_8 = arith.mulf %mul3A_7, %add3A : vector<256x1xf32>
    %select_n3A = arith.select %gt3A_6, %add3A, %mul3A_8 : vector<256x1xi1>, vector<256x1xf32>
    %exp3A = math.exp %select_n3A : vector<256x1xf32>
    %get3A_9 = arith.constant 0 : index
    %get3A_10 = arith.constant 0 : index
    %get3A_11 = vector.load %arg8[%get3A_9, %get3A_10] : memref<256x1xf32, #tpu.memory_space<vmem>>, vector<256x1xf32>
    %get3A_12 = arith.constant 0 : index
    %get3A_13 = arith.constant 0 : index
    %get3A_14 = vector.load %arg10[%get3A_12, %get3A_13] : memref<256x1xf32, #tpu.memory_space<vmem>>, vector<256x1xf32>
    %add3A_15 = arith.addf %get3A_11, %get3A_14 : vector<256x1xf32>
    %gt3A_16 = arith.constant 0.000000e+00 : f32
    %gt3A_17 = vector.broadcast %gt3A_16 : f32 to vector<256x1xf32>
    %gt3A_18 = arith.cmpf ogt, %add3A_15, %gt3A_17 : vector<256x1xf32>
    %mul3A_19 = arith.constant 2.000000e-01 : f32
    %mul3A_20 = vector.broadcast %mul3A_19 : f32 to vector<256x1xf32>
    %mul3A_21 = arith.mulf %mul3A_20, %add3A_15 : vector<256x1xf32>
    %select_n3A_22 = arith.select %gt3A_18, %add3A_15, %mul3A_21 : vector<256x1xi1>, vector<256x1xf32>
    %exp3A_23 = math.exp %select_n3A_22 : vector<256x1xf32>
    %get3A_24 = arith.constant 0 : index
    %get3A_25 = arith.constant 0 : index
    %get3A_26 = vector.load %arg1[%get3A_24, %get3A_25] : memref<256x128xf32, #tpu.memory_space<vmem>>, vector<256x128xf32>
    %get3A_27 = arith.constant 0 : index
    %get3A_28 = arith.constant 0 : index
    %get3A_29 = vector.load %arg5[%get3A_27, %get3A_28] : memref<256x128xf32, #tpu.memory_space<vmem>>, vector<256x128xf32>
    %mul3A_30 = vector.broadcast %exp3A : vector<256x1xf32> to vector<256x128xf32>
    %mul3A_31 = arith.mulf %mul3A_30, %get3A_29 : vector<256x128xf32>
    %add3A_32 = arith.addf %get3A_26, %mul3A_31 : vector<256x128xf32>
    %get3A_33 = arith.constant 0 : index
    %get3A_34 = arith.constant 0 : index
    %get3A_35 = vector.load %arg3[%get3A_33, %get3A_34] : memref<256x1xf32, #tpu.memory_space<vmem>>, vector<256x1xf32>
    %add3A_36 = arith.addf %get3A_35, %exp3A : vector<256x1xf32>
    %add3A_37 = arith.constant 1.000000e-16 : f32
    %add3A_38 = vector.broadcast %add3A_37 : f32 to vector<256x1xf32>
    %add3A_39 = arith.addf %add3A_36, %add3A_38 : vector<256x1xf32>
    %div3A = vector.broadcast %add3A_39 : vector<256x1xf32> to vector<256x128xf32>
    %div3A_40 = arith.divf %add3A_32, %div3A : vector<256x128xf32>
    %get3A_41 = arith.constant 0 : index
    %get3A_42 = arith.constant 0 : index
    %get3A_43 = vector.load %arg2[%get3A_41, %get3A_42] : memref<256x128xf32, #tpu.memory_space<vmem>>, vector<256x128xf32>
    %get3A_44 = arith.constant 0 : index
    %get3A_45 = arith.constant 0 : index
    %get3A_46 = vector.load %arg6[%get3A_44, %get3A_45] : memref<256x128xf32, #tpu.memory_space<vmem>>, vector<256x128xf32>
    %mul3A_47 = vector.broadcast %exp3A_23 : vector<256x1xf32> to vector<256x128xf32>
    %mul3A_48 = arith.mulf %mul3A_47, %get3A_46 : vector<256x128xf32>
    %add3A_49 = arith.addf %get3A_43, %mul3A_48 : vector<256x128xf32>
    %get3A_50 = arith.constant 0 : index
    %get3A_51 = arith.constant 0 : index
    %get3A_52 = vector.load %arg4[%get3A_50, %get3A_51] : memref<256x1xf32, #tpu.memory_space<vmem>>, vector<256x1xf32>
    %add3A_53 = arith.addf %get3A_52, %exp3A_23 : vector<256x1xf32>
    %add3A_54 = arith.constant 1.000000e-16 : f32
    %add3A_55 = vector.broadcast %add3A_54 : f32 to vector<256x1xf32>
    %add3A_56 = arith.addf %add3A_53, %add3A_55 : vector<256x1xf32>
    %div3A_57 = vector.broadcast %add3A_56 : vector<256x1xf32> to vector<256x128xf32>
    %div3A_58 = arith.divf %add3A_49, %div3A_57 : vector<256x128xf32>
    %concatenate3A = tpu.concatenate %div3A_40, %div3A_58 in 1 : vector<256x128xf32>, vector<256x128xf32> -> vector<256x256xf32>
    %get3A_59 = arith.constant 0 : index
    %get3A_60 = arith.constant 0 : index
    %get3A_61 = vector.load %arg11[%get3A_59, %get3A_60] : memref<1x256xf32, #tpu.memory_space<vmem>>, vector<1x256xf32>
    %add3A_62 = vector.broadcast %get3A_61 : vector<1x256xf32> to vector<256x256xf32>
    %add3A_63 = arith.addf %concatenate3A, %add3A_62 : vector<256x256xf32>
    %gt3A_64 = arith.constant 0.000000e+00 : f32
    %gt3A_65 = vector.broadcast %gt3A_64 : f32 to vector<256x256xf32>
    %gt3A_66 = arith.cmpf ogt, %add3A_63, %gt3A_65 : vector<256x256xf32>
    %mul3A_67 = arith.constant 5.000000e-02 : f32
    %mul3A_68 = vector.broadcast %mul3A_67 : f32 to vector<256x256xf32>
    %mul3A_69 = arith.mulf %mul3A_68, %add3A_63 : vector<256x256xf32>
    %select_n3A_70 = arith.select %gt3A_66, %add3A_63, %mul3A_69 : vector<256x256xi1>, vector<256x256xf32>
    %get3A_71 = arith.constant 0 : index
    %get3A_72 = arith.constant 0 : index
    %get3A_73 = vector.load %arg12[%get3A_71, %get3A_72] : memref<256x256xf32, #tpu.memory_space<vmem>>, vector<256x256xf32>
    %dot_general3A = arith.constant dense<0.000000e+00> : vector<256x256xf32>
    %dot_general3A_74 = tpu.matmul %select_n3A_70, %get3A_73, %dot_general3A {dimension_numbers = #tpu.dot_dimension_numbers<[1], [0], [0], [1], [0, 0, 1, 1], [], []>, transpose_lhs_hint = false} : vector<256x256xf32>, vector<256x256xf32>, vector<256x256xf32> -> vector<256x256xf32>
    %slice3A = vector.extract_strided_slice %dot_general3A_74 {offsets = [0, 0], sizes = [256, 128], strides = [1, 1]} : vector<256x256xf32> to vector<256x128xf32>
    %slice3A_75 = vector.extract_strided_slice %dot_general3A_74 {offsets = [0, 128], sizes = [256, 128], strides = [1, 1]} : vector<256x256xf32> to vector<256x128xf32>
    %swap3A = arith.constant 0 : index
    %swap3A_76 = arith.constant 0 : index
    %swap3A_77 = vector.load %arg15[%swap3A, %swap3A_76] : memref<256x128xf32, #tpu.memory_space<vmem>>, vector<256x128xf32>
    tpu.vector_store %arg15[%swap3A, %swap3A_76], %slice3A {strides = array<i32>} : memref<256x128xf32, #tpu.memory_space<vmem>>, vector<256x128xf32>,
    %swap3A_78 = arith.constant 0 : index
    %swap3A_79 = arith.constant 0 : index
    %swap3A_80 = vector.load %arg16[%swap3A_78, %swap3A_79] : memref<256x128xf32, #tpu.memory_space<vmem>>, vector<256x128xf32>
    tpu.vector_store %arg16[%swap3A_78, %swap3A_79], %slice3A_75 {strides = array<i32>} : memref<256x128xf32, #tpu.memory_space<vmem>>, vector<256x128xf32>,
    %get3A_81 = arith.constant 0 : index
    %get3A_82 = arith.constant 0 : index
    %get3A_83 = vector.load %arg13[%get3A_81, %get3A_82] : memref<2x128xf32, #tpu.memory_space<vmem>>, vector<1x128xf32>
    %mul3A_84 = vector.broadcast %get3A_83 : vector<1x128xf32> to vector<256x128xf32>
    %mul3A_85 = arith.mulf %slice3A, %mul3A_84 : vector<256x128xf32>
    %reduce_sum3A = arith.constant dense<0.000000e+00> : vector<256xf32>
    %reduce_sum3A_86 = vector.multi_reduction <add>, %mul3A_85, %reduce_sum3A [1] : vector<256x128xf32> to vector<256xf32>
    %broadcast_in_dim3A = vector.shape_cast %reduce_sum3A_86 : vector<256xf32> to vector<256x1xf32>
    %swap3A_87 = arith.constant 0 : index
    %swap3A_88 = arith.constant 0 : index
    %swap3A_89 = vector.load %arg17[%swap3A_87, %swap3A_88] : memref<256x1xf32, #tpu.memory_space<vmem>>, vector<256x1xf32>
    tpu.vector_store %arg17[%swap3A_87, %swap3A_88], %broadcast_in_dim3A {strides = array<i32>} : memref<256x1xf32, #tpu.memory_space<vmem>>, vector<256x1xf32>,
    %get3A_90 = arith.constant 1 : index
    %get3A_91 = arith.constant 0 : index
    %get3A_92 = vector.load %arg13[%get3A_90, %get3A_91] : memref<2x128xf32, #tpu.memory_space<vmem>>, vector<1x128xf32>
    %mul3A_93 = vector.broadcast %get3A_92 : vector<1x128xf32> to vector<256x128xf32>
    %mul3A_94 = arith.mulf %slice3A_75, %mul3A_93 : vector<256x128xf32>
    %reduce_sum3A_95 = arith.constant dense<0.000000e+00> : vector<256xf32>
    %reduce_sum3A_96 = vector.multi_reduction <add>, %mul3A_94, %reduce_sum3A_95 [1] : vector<256x128xf32> to vector<256xf32>
    %broadcast_in_dim3A_97 = vector.shape_cast %reduce_sum3A_96 : vector<256xf32> to vector<256x1xf32>
    %swap3A_98 = arith.constant 0 : index
    %swap3A_99 = arith.constant 0 : index
    %swap3A_100 = vector.load %arg18[%swap3A_98, %swap3A_99] : memref<256x1xf32, #tpu.memory_space<vmem>>, vector<256x1xf32>
    tpu.vector_store %arg18[%swap3A_98, %swap3A_99], %broadcast_in_dim3A_97 {strides = array<i32>} : memref<256x1xf32, #tpu.memory_space<vmem>>, vector<256x1xf32>,
    %get3A_101 = arith.constant 0 : index
    %get3A_102 = arith.constant 0 : index
    %get3A_103 = vector.load %arg14[%get3A_101, %get3A_102] : memref<2x128xf32, #tpu.memory_space<vmem>>, vector<1x128xf32>
    %mul3A_104 = vector.broadcast %get3A_103 : vector<1x128xf32> to vector<256x128xf32>
    %mul3A_105 = arith.mulf %slice3A, %mul3A_104 : vector<256x128xf32>
    %reduce_sum3A_106 = arith.constant dense<0.000000e+00> : vector<256xf32>
    %reduce_sum3A_107 = vector.multi_reduction <add>, %mul3A_105, %reduce_sum3A_106 [1] : vector<256x128xf32> to vector<256xf32>
    %broadcast_in_dim3A_108 = vector.shape_cast %reduce_sum3A_107 : vector<256xf32> to vector<256x1xf32>
    %swap3A_109 = arith.constant 0 : index
    %swap3A_110 = arith.constant 0 : index
    %swap3A_111 = vector.load %arg19[%swap3A_109, %swap3A_110] : memref<256x1xf32, #tpu.memory_space<vmem>>, vector<256x1xf32>
    tpu.vector_store %arg19[%swap3A_109, %swap3A_110], %broadcast_in_dim3A_108 {strides = array<i32>} : memref<256x1xf32, #tpu.memory_space<vmem>>, vector<256x1xf32>,
    %get3A_112 = arith.constant 1 : index
    %get3A_113 = arith.constant 0 : index
    %get3A_114 = vector.load %arg14[%get3A_112, %get3A_113] : memref<2x128xf32, #tpu.memory_space<vmem>>, vector<1x128xf32>
    %mul3A_115 = vector.broadcast %get3A_114 : vector<1x128xf32> to vector<256x128xf32>
    %mul3A_116 = arith.mulf %slice3A_75, %mul3A_115 : vector<256x128xf32>
    %reduce_sum3A_117 = arith.constant dense<0.000000e+00> : vector<256xf32>
    %reduce_sum3A_118 = vector.multi_reduction <add>, %mul3A_116, %reduce_sum3A_117 [1] : vector<256x128xf32> to vector<256xf32>
    %broadcast_in_dim3A_119 = vector.shape_cast %reduce_sum3A_118 : vector<256xf32> to vector<256x1xf32>
    %swap3A_120 = arith.constant 0 : index
    %swap3A_121 = arith.constant 0 : index
    %swap3A_122 = vector.load %arg20[%swap3A_120, %swap3A_121] : memref<256x1xf32, #tpu.memory_space<vmem>>, vector<256x1xf32>
    tpu.vector_store %arg20[%swap3A_120, %swap3A_121], %broadcast_in_dim3A_119 {strides = array<i32>} : memref<256x1xf32, #tpu.memory_space<vmem>>, vector<256x1xf32>,
    return
  }
  func.func @transform_0(%arg0: i32) -> (i32, i32) {
    %c0_i32 = arith.constant 0 : i32
    %c0_i32_0 = arith.constant 0 : i32
    return %arg0, %c0_i32 : i32, i32
  }
  func.func @transform_1(%arg0: i32) -> (i32, i32) {
    %c0_i32 = arith.constant 0 : i32
    %c0_i32_0 = arith.constant 0 : i32
    return %arg0, %c0_i32 : i32, i32
  }
  func.func @transform_2(%arg0: i32) -> (i32, i32) {
    %c0_i32 = arith.constant 0 : i32
    %c0_i32_0 = arith.constant 0 : i32
    return %arg0, %c0_i32 : i32, i32
  }
  func.func @transform_3(%arg0: i32) -> (i32, i32) {
    %c0_i32 = arith.constant 0 : i32
    %c0_i32_0 = arith.constant 0 : i32
    return %arg0, %c0_i32 : i32, i32
  }
  func.func @transform_4(%arg0: i32) -> (i32, i32) {
    %c0_i32 = arith.constant 0 : i32
    %c0_i32_0 = arith.constant 0 : i32
    return %arg0, %c0_i32 : i32, i32
  }
  func.func @transform_5(%arg0: i32) -> (i32, i32) {
    %c0_i32 = arith.constant 0 : i32
    %c0_i32_0 = arith.constant 0 : i32
    return %arg0, %c0_i32 : i32, i32
  }
  func.func @transform_6(%arg0: i32) -> (i32, i32) {
    %c0_i32 = arith.constant 0 : i32
    %c0_i32_0 = arith.constant 0 : i32
    return %arg0, %c0_i32 : i32, i32
  }
  func.func @transform_7(%arg0: i32) -> (i32, i32) {
    %c0_i32 = arith.constant 0 : i32
    %c0_i32_0 = arith.constant 0 : i32
    return %arg0, %c0_i32 : i32, i32
  }
  func.func @transform_8(%arg0: i32) -> (i32, i32) {
    %c0_i32 = arith.constant 0 : i32
    %c0_i32_0 = arith.constant 0 : i32
    return %arg0, %c0_i32 : i32, i32
  }
  func.func @transform_9(%arg0: i32) -> (i32, i32) {
    %c0_i32 = arith.constant 0 : i32
    %c0_i32_0 = arith.constant 0 : i32
    return %arg0, %c0_i32 : i32, i32
  }
  func.func @transform_10(%arg0: i32) -> (i32, i32) {
    %c0_i32 = arith.constant 0 : i32
    %c0_i32_0 = arith.constant 0 : i32
    %c0_i32_1 = arith.constant 0 : i32
    return %c0_i32, %c0_i32_0 : i32, i32
  }
  func.func @transform_11(%arg0: i32) -> (i32, i32) {
    %c0_i32 = arith.constant 0 : i32
    %c0_i32_0 = arith.constant 0 : i32
    %c0_i32_1 = arith.constant 0 : i32
    return %c0_i32, %c0_i32_0 : i32, i32
  }
  func.func @transform_12(%arg0: i32) -> (i32, i32) {
    %c0_i32 = arith.constant 0 : i32
    %c0_i32_0 = arith.constant 0 : i32
    %c0_i32_1 = arith.constant 0 : i32
    return %c0_i32, %c0_i32_0 : i32, i32
  }
  func.func @transform_13(%arg0: i32) -> (i32, i32) {
    %c0_i32 = arith.constant 0 : i32
    %c0_i32_0 = arith.constant 0 : i32
    %c0_i32_1 = arith.constant 0 : i32
    return %c0_i32, %c0_i32_0 : i32, i32
  }
  func.func @transform_14(%arg0: i32) -> (i32, i32) {
    %c0_i32 = arith.constant 0 : i32
    %c0_i32_0 = arith.constant 0 : i32
    return %arg0, %c0_i32 : i32, i32
  }
  func.func @transform_15(%arg0: i32) -> (i32, i32) {
    %c0_i32 = arith.constant 0 : i32
    %c0_i32_0 = arith.constant 0 : i32
    return %arg0, %c0_i32 : i32, i32
  }
  func.func @transform_16(%arg0: i32) -> (i32, i32) {
    %c0_i32 = arith.constant 0 : i32
    %c0_i32_0 = arith.constant 0 : i32
    return %arg0, %c0_i32 : i32, i32
  }
  func.func @transform_17(%arg0: i32) -> (i32, i32) {
    %c0_i32 = arith.constant 0 : i32
    %c0_i32_0 = arith.constant 0 : i32
    return %arg0, %c0_i32 : i32, i32
  }
  func.func @transform_18(%arg0: i32) -> (i32, i32) {
    %c0_i32 = arith.constant 0 : i32
    %c0_i32_0 = arith.constant 0 : i32
    return %arg0, %c0_i32 : i32, i32
  }
  func.func @transform_19(%arg0: i32) -> (i32, i32) {
    %c0_i32 = arith.constant 0 : i32
    %c0_i32_0 = arith.constant 0 : i32
    return %arg0, %c0_i32 : i32, i32
  }
}

module attributes {stable_mosaic.version = 14 : i64} {
  func.func @_tcc_body(%arg0: i32, %arg1: memref<200x128xf32, #tpu.memory_space<vmem>>, %arg2: memref<200x128xf32, #tpu.memory_space<vmem>>, %arg3: memref<200x1xf32, #tpu.memory_space<vmem>>, %arg4: memref<200x1xf32, #tpu.memory_space<vmem>>, %arg5: memref<200x128xf32, #tpu.memory_space<vmem>>, %arg6: memref<200x128xf32, #tpu.memory_space<vmem>>, %arg7: memref<200x1xf32, #tpu.memory_space<vmem>>, %arg8: memref<200x1xf32, #tpu.memory_space<vmem>>, %arg9: memref<200x1xf32, #tpu.memory_space<vmem>>, %arg10: memref<200x1xf32, #tpu.memory_space<vmem>>, %arg11: memref<200x1xi32, #tpu.memory_space<vmem>>, %arg12: memref<1x256xf32, #tpu.memory_space<vmem>>, %arg13: memref<256x128xf32, #tpu.memory_space<vmem>>, %arg14: memref<1x128xf32, #tpu.memory_space<vmem>>, %arg15: memref<128x1xf32, #tpu.memory_space<vmem>>, %arg16: memref<1x1xf32, #tpu.memory_space<vmem>>, %arg17: memref<1x256xf32, #tpu.memory_space<vmem>>, %arg18: memref<1x256xf32, #tpu.memory_space<vmem>>, %arg19: memref<256x256xf32, #tpu.memory_space<vmem>>, %arg20: memref<1x256xf32, #tpu.memory_space<vmem>>, %arg21: memref<256x128xf32, #tpu.memory_space<vmem>>, %arg22: memref<1x128xf32, #tpu.memory_space<vmem>>, %arg23: memref<200x256xf32, #tpu.memory_space<vmem>>, %arg24: memref<64x128xf32, #tpu.memory_space<vmem>>, %arg25: memref<64x384xf32, #tpu.memory_space<vmem>>) attributes {dimension_semantics = [#tpu.dimension_semantics<arbitrary>], iteration_bounds = array<i64: 50>, scalar_prefetch = 0 : i64, scratch_operands = 1 : i64, tpu.core_type = #tpu.core_type<tc>, window_params = [{transform_indices = @transform_0, window_bounds = array<i64: 200, 128>}, {transform_indices = @transform_1, window_bounds = array<i64: 200, 128>}, {transform_indices = @transform_2, window_bounds = array<i64: 200, 1>}, {transform_indices = @transform_3, window_bounds = array<i64: 200, 1>}, {transform_indices = @transform_4, window_bounds = array<i64: 200, 128>}, {transform_indices = @transform_5, window_bounds = array<i64: 200, 128>}, {transform_indices = @transform_6, window_bounds = array<i64: 200, 1>}, {transform_indices = @transform_7, window_bounds = array<i64: 200, 1>}, {transform_indices = @transform_8, window_bounds = array<i64: 200, 1>}, {transform_indices = @transform_9, window_bounds = array<i64: 200, 1>}, {transform_indices = @transform_10, window_bounds = array<i64: 200, 1>}, {pipeline_mode = #tpu.pipeline_mode<synchronous>, transform_indices = @transform_11, window_bounds = array<i64: 1, 256>}, {pipeline_mode = #tpu.pipeline_mode<synchronous>, transform_indices = @transform_12, window_bounds = array<i64: 256, 128>}, {pipeline_mode = #tpu.pipeline_mode<synchronous>, transform_indices = @transform_13, window_bounds = array<i64: 1, 128>}, {pipeline_mode = #tpu.pipeline_mode<synchronous>, transform_indices = @transform_14, window_bounds = array<i64: 128, 1>}, {pipeline_mode = #tpu.pipeline_mode<synchronous>, transform_indices = @transform_15, window_bounds = array<i64: 1, 1>}, {pipeline_mode = #tpu.pipeline_mode<synchronous>, transform_indices = @transform_16, window_bounds = array<i64: 1, 256>}, {pipeline_mode = #tpu.pipeline_mode<synchronous>, transform_indices = @transform_17, window_bounds = array<i64: 1, 256>}, {pipeline_mode = #tpu.pipeline_mode<synchronous>, transform_indices = @transform_18, window_bounds = array<i64: 256, 256>}, {pipeline_mode = #tpu.pipeline_mode<synchronous>, transform_indices = @transform_19, window_bounds = array<i64: 1, 256>}, {pipeline_mode = #tpu.pipeline_mode<synchronous>, transform_indices = @transform_20, window_bounds = array<i64: 256, 128>}, {pipeline_mode = #tpu.pipeline_mode<synchronous>, transform_indices = @transform_21, window_bounds = array<i64: 1, 128>}, {transform_indices = @transform_22, window_bounds = array<i64: 200, 256>}, {pipeline_mode = #tpu.pipeline_mode<synchronous>, transform_indices = @transform_23, window_bounds = array<i64: 64, 128>}]} {
    %get3A = arith.constant 0 : index
    %get3A_0 = arith.constant 0 : index
    %get3A_1 = vector.load %arg7[%get3A, %get3A_0] : memref<200x1xf32, #tpu.memory_space<vmem>>, vector<200x1xf32>
    %get3A_2 = arith.constant 0 : index
    %get3A_3 = arith.constant 0 : index
    %get3A_4 = vector.load %arg9[%get3A_2, %get3A_3] : memref<200x1xf32, #tpu.memory_space<vmem>>, vector<200x1xf32>
    %add3A = arith.addf %get3A_1, %get3A_4 : vector<200x1xf32>
    %gt3A = arith.constant 0.000000e+00 : f32
    %gt3A_5 = vector.broadcast %gt3A : f32 to vector<200x1xf32>
    %gt3A_6 = arith.cmpf ogt, %add3A, %gt3A_5 : vector<200x1xf32>
    %mul3A = arith.constant 2.000000e-01 : f32
    %mul3A_7 = vector.broadcast %mul3A : f32 to vector<200x1xf32>
    %mul3A_8 = arith.mulf %mul3A_7, %add3A : vector<200x1xf32>
    %select_n3A = arith.select %gt3A_6, %add3A, %mul3A_8 : vector<200x1xi1>, vector<200x1xf32>
    %exp3A = math.exp %select_n3A : vector<200x1xf32>
    %get3A_9 = arith.constant 0 : index
    %get3A_10 = arith.constant 0 : index
    %get3A_11 = vector.load %arg8[%get3A_9, %get3A_10] : memref<200x1xf32, #tpu.memory_space<vmem>>, vector<200x1xf32>
    %get3A_12 = arith.constant 0 : index
    %get3A_13 = arith.constant 0 : index
    %get3A_14 = vector.load %arg10[%get3A_12, %get3A_13] : memref<200x1xf32, #tpu.memory_space<vmem>>, vector<200x1xf32>
    %add3A_15 = arith.addf %get3A_11, %get3A_14 : vector<200x1xf32>
    %gt3A_16 = arith.constant 0.000000e+00 : f32
    %gt3A_17 = vector.broadcast %gt3A_16 : f32 to vector<200x1xf32>
    %gt3A_18 = arith.cmpf ogt, %add3A_15, %gt3A_17 : vector<200x1xf32>
    %mul3A_19 = arith.constant 2.000000e-01 : f32
    %mul3A_20 = vector.broadcast %mul3A_19 : f32 to vector<200x1xf32>
    %mul3A_21 = arith.mulf %mul3A_20, %add3A_15 : vector<200x1xf32>
    %select_n3A_22 = arith.select %gt3A_18, %add3A_15, %mul3A_21 : vector<200x1xi1>, vector<200x1xf32>
    %exp3A_23 = math.exp %select_n3A_22 : vector<200x1xf32>
    %get3A_24 = arith.constant 0 : index
    %get3A_25 = arith.constant 0 : index
    %get3A_26 = vector.load %arg1[%get3A_24, %get3A_25] : memref<200x128xf32, #tpu.memory_space<vmem>>, vector<200x128xf32>
    %get3A_27 = arith.constant 0 : index
    %get3A_28 = arith.constant 0 : index
    %get3A_29 = vector.load %arg5[%get3A_27, %get3A_28] : memref<200x128xf32, #tpu.memory_space<vmem>>, vector<200x128xf32>
    %mul3A_30 = vector.broadcast %exp3A : vector<200x1xf32> to vector<200x128xf32>
    %mul3A_31 = arith.mulf %mul3A_30, %get3A_29 : vector<200x128xf32>
    %add3A_32 = arith.addf %get3A_26, %mul3A_31 : vector<200x128xf32>
    %get3A_33 = arith.constant 0 : index
    %get3A_34 = arith.constant 0 : index
    %get3A_35 = vector.load %arg3[%get3A_33, %get3A_34] : memref<200x1xf32, #tpu.memory_space<vmem>>, vector<200x1xf32>
    %add3A_36 = arith.addf %get3A_35, %exp3A : vector<200x1xf32>
    %add3A_37 = arith.constant 1.000000e-16 : f32
    %add3A_38 = vector.broadcast %add3A_37 : f32 to vector<200x1xf32>
    %add3A_39 = arith.addf %add3A_36, %add3A_38 : vector<200x1xf32>
    %div3A = vector.broadcast %add3A_39 : vector<200x1xf32> to vector<200x128xf32>
    %div3A_40 = arith.divf %add3A_32, %div3A : vector<200x128xf32>
    %get3A_41 = arith.constant 0 : index
    %get3A_42 = arith.constant 0 : index
    %get3A_43 = vector.load %arg2[%get3A_41, %get3A_42] : memref<200x128xf32, #tpu.memory_space<vmem>>, vector<200x128xf32>
    %get3A_44 = arith.constant 0 : index
    %get3A_45 = arith.constant 0 : index
    %get3A_46 = vector.load %arg6[%get3A_44, %get3A_45] : memref<200x128xf32, #tpu.memory_space<vmem>>, vector<200x128xf32>
    %mul3A_47 = vector.broadcast %exp3A_23 : vector<200x1xf32> to vector<200x128xf32>
    %mul3A_48 = arith.mulf %mul3A_47, %get3A_46 : vector<200x128xf32>
    %add3A_49 = arith.addf %get3A_43, %mul3A_48 : vector<200x128xf32>
    %get3A_50 = arith.constant 0 : index
    %get3A_51 = arith.constant 0 : index
    %get3A_52 = vector.load %arg4[%get3A_50, %get3A_51] : memref<200x1xf32, #tpu.memory_space<vmem>>, vector<200x1xf32>
    %add3A_53 = arith.addf %get3A_52, %exp3A_23 : vector<200x1xf32>
    %add3A_54 = arith.constant 1.000000e-16 : f32
    %add3A_55 = vector.broadcast %add3A_54 : f32 to vector<200x1xf32>
    %add3A_56 = arith.addf %add3A_53, %add3A_55 : vector<200x1xf32>
    %div3A_57 = vector.broadcast %add3A_56 : vector<200x1xf32> to vector<200x128xf32>
    %div3A_58 = arith.divf %add3A_49, %div3A_57 : vector<200x128xf32>
    %concatenate3A = tpu.concatenate %div3A_40, %div3A_58 in 1 : vector<200x128xf32>, vector<200x128xf32> -> vector<200x256xf32>
    %get3A_59 = arith.constant 0 : index
    %get3A_60 = arith.constant 0 : index
    %get3A_61 = vector.load %arg12[%get3A_59, %get3A_60] : memref<1x256xf32, #tpu.memory_space<vmem>>, vector<1x256xf32>
    %add3A_62 = vector.broadcast %get3A_61 : vector<1x256xf32> to vector<200x256xf32>
    %add3A_63 = arith.addf %concatenate3A, %add3A_62 : vector<200x256xf32>
    %swap3A = arith.constant 0 : index
    %swap3A_64 = arith.constant 0 : index
    %swap3A_65 = vector.load %arg23[%swap3A, %swap3A_64] : memref<200x256xf32, #tpu.memory_space<vmem>>, vector<200x256xf32>
    tpu.vector_store %arg23[%swap3A, %swap3A_64], %add3A_63 {strides = array<i32>} : memref<200x256xf32, #tpu.memory_space<vmem>>, vector<200x256xf32>,
    %get3A_66 = arith.constant 0 : index
    %get3A_67 = arith.constant 0 : index
    %get3A_68 = vector.load %arg13[%get3A_66, %get3A_67] : memref<256x128xf32, #tpu.memory_space<vmem>>, vector<256x128xf32>
    %dot_general3A = arith.constant dense<0.000000e+00> : vector<200x128xf32>
    %dot_general3A_69 = tpu.matmul %add3A_63, %get3A_68, %dot_general3A {dimension_numbers = #tpu.dot_dimension_numbers<[1], [0], [0], [1], [0, 0, 1, 1], [], []>, transpose_lhs_hint = false} : vector<200x256xf32>, vector<256x128xf32>, vector<200x128xf32> -> vector<200x128xf32>
    %get3A_70 = arith.constant 0 : index
    %get3A_71 = arith.constant 0 : index
    %get3A_72 = vector.load %arg14[%get3A_70, %get3A_71] : memref<1x128xf32, #tpu.memory_space<vmem>>, vector<1x128xf32>
    %add3A_73 = vector.broadcast %get3A_72 : vector<1x128xf32> to vector<200x128xf32>
    %add3A_74 = arith.addf %dot_general3A_69, %add3A_73 : vector<200x128xf32>
    %gt3A_75 = arith.constant 0.000000e+00 : f32
    %gt3A_76 = vector.broadcast %gt3A_75 : f32 to vector<200x128xf32>
    %gt3A_77 = arith.cmpf ogt, %add3A_74, %gt3A_76 : vector<200x128xf32>
    %mul3A_78 = arith.constant 5.000000e-02 : f32
    %mul3A_79 = vector.broadcast %mul3A_78 : f32 to vector<200x128xf32>
    %mul3A_80 = arith.mulf %mul3A_79, %add3A_74 : vector<200x128xf32>
    %select_n3A_81 = arith.select %gt3A_77, %add3A_74, %mul3A_80 : vector<200x128xi1>, vector<200x128xf32>
    %get3A_82 = arith.constant 0 : index
    %get3A_83 = arith.constant 0 : index
    %get3A_84 = vector.load %arg15[%get3A_82, %get3A_83] : memref<128x1xf32, #tpu.memory_space<vmem>>, vector<128x1xf32>
    %dot_general3A_85 = arith.constant dense<0.000000e+00> : vector<200x1xf32>
    %dot_general3A_86 = tpu.matmul %select_n3A_81, %get3A_84, %dot_general3A_85 {dimension_numbers = #tpu.dot_dimension_numbers<[1], [0], [0], [1], [0, 0, 1, 1], [], []>, transpose_lhs_hint = false} : vector<200x128xf32>, vector<128x1xf32>, vector<200x1xf32> -> vector<200x1xf32>
    %get3A_87 = arith.constant 0 : index
    %get3A_88 = arith.constant 0 : index
    %get3A_89 = vector.load %arg16[%get3A_87, %get3A_88] : memref<1x1xf32, #tpu.memory_space<vmem>>, vector<1x1xf32>
    %add3A_90 = vector.broadcast %get3A_89 : vector<1x1xf32> to vector<200x1xf32>
    %add3A_91 = arith.addf %dot_general3A_86, %add3A_90 : vector<200x1xf32>
    %exp3A_92 = math.exp %add3A_91 : vector<200x1xf32>
    %iota3A = tpu.iota {dimensions = array<i32: 1>} : vector<1x64xi32>
    %get3A_93 = arith.constant 0 : index
    %get3A_94 = arith.constant 0 : index
    %get3A_95 = vector.load %arg11[%get3A_93, %get3A_94] : memref<200x1xi32, #tpu.memory_space<vmem>>, vector<200x1xi32>
    %eq3A = vector.broadcast %get3A_95 : vector<200x1xi32> to vector<200x64xi32>
    %eq3A_96 = vector.broadcast %iota3A : vector<1x64xi32> to vector<200x64xi32>
    %eq3A_97 = arith.cmpi eq, %eq3A, %eq3A_96 : vector<200x64xi32>
    %convert_element_type3A = arith.extui %eq3A_97 : vector<200x64xi1> to vector<200x64xi32>
    %convert_element_type3A_98 = arith.sitofp %convert_element_type3A : vector<200x64xi32> to vector<200x64xf32>
    %mul3A_99 = vector.broadcast %exp3A_92 : vector<200x1xf32> to vector<200x256xf32>
    %mul3A_100 = arith.mulf %mul3A_99, %add3A_63 : vector<200x256xf32>
    %broadcast_in_dim3A = vector.shape_cast %exp3A_92 : vector<200x1xf32> to vector<200x1xf32>
    %broadcast_in_dim3A_101 = vector.broadcast %broadcast_in_dim3A : vector<200x1xf32> to vector<200x128xf32>
    %concatenate3A_102 = tpu.concatenate %mul3A_100, %broadcast_in_dim3A_101 in 1 : vector<200x256xf32>, vector<200x128xf32> -> vector<200x384xf32>
    %dot_general3A_103 = arith.constant dense<0.000000e+00> : vector<64x384xf32>
    %dot_general3A_104 = tpu.matmul %convert_element_type3A_98, %concatenate3A_102, %dot_general3A_103 {dimension_numbers = #tpu.dot_dimension_numbers<[0], [0], [1], [1], [0, 1, 1, 1], [], []>, transpose_lhs_hint = false} : vector<200x64xf32>, vector<200x384xf32>, vector<64x384xf32> -> vector<64x384xf32>
    %eq3A_105 = arith.constant 0 : i32
    %eq3A_106 = arith.cmpi eq, %arg0, %eq3A_105 : i32
    %convert_element_type3A_107 = arith.extui %eq3A_106 : i1 to i32
    %cond3A = arith.constant 0 : i32
    %cond3A_108 = arith.cmpi ne, %convert_element_type3A_107, %cond3A : i32
    scf.if %cond3A_108 {
      %broadcast_in_dim3A_121 = arith.constant 0.000000e+00 : f32
      %broadcast_in_dim3A_122 = vector.broadcast %broadcast_in_dim3A_121 : f32 to vector<64x384xf32>
      %swap3A_123 = arith.constant 0 : index
      %swap3A_124 = arith.constant 0 : index
      %swap3A_125 = vector.load %arg25[%swap3A_123, %swap3A_124] : memref<64x384xf32, #tpu.memory_space<vmem>>, vector<64x384xf32>
      tpu.vector_store %arg25[%swap3A_123, %swap3A_124], %broadcast_in_dim3A_122 {strides = array<i32>} : memref<64x384xf32, #tpu.memory_space<vmem>>, vector<64x384xf32>,
    } else {
    }
    %get3A_109 = arith.constant 0 : index
    %get3A_110 = arith.constant 0 : index
    %get3A_111 = vector.load %arg25[%get3A_109, %get3A_110] : memref<64x384xf32, #tpu.memory_space<vmem>>, vector<64x384xf32>
    %add3A_112 = arith.addf %get3A_111, %dot_general3A_104 : vector<64x384xf32>
    %swap3A_113 = arith.constant 0 : index
    %swap3A_114 = arith.constant 0 : index
    %swap3A_115 = vector.load %arg25[%swap3A_113, %swap3A_114] : memref<64x384xf32, #tpu.memory_space<vmem>>, vector<64x384xf32>
    tpu.vector_store %arg25[%swap3A_113, %swap3A_114], %add3A_112 {strides = array<i32>} : memref<64x384xf32, #tpu.memory_space<vmem>>, vector<64x384xf32>,
    %eq3A_116 = arith.constant 49 : i32
    %eq3A_117 = arith.cmpi eq, %arg0, %eq3A_116 : i32
    %convert_element_type3A_118 = arith.extui %eq3A_117 : i1 to i32
    %cond3A_119 = arith.constant 0 : i32
    %cond3A_120 = arith.cmpi ne, %convert_element_type3A_118, %cond3A_119 : i32
    scf.if %cond3A_120 {
      %get3A_121 = arith.constant 0 : index
      %get3A_122 = arith.constant 0 : index
      %get3A_123 = vector.load %arg25[%get3A_121, %get3A_122] : memref<64x384xf32, #tpu.memory_space<vmem>>, vector<64x384xf32>
      %slice3A = vector.extract_strided_slice %get3A_123 {offsets = [0, 0], sizes = [64, 256], strides = [1, 1]} : vector<64x384xf32> to vector<64x256xf32>
      %slice3A_124 = vector.extract_strided_slice %get3A_123 {offsets = [0, 256], sizes = [64, 1], strides = [1, 1]} : vector<64x384xf32> to vector<64x1xf32>
      %add3A_125 = arith.constant 1.000000e-16 : f32
      %add3A_126 = vector.broadcast %add3A_125 : f32 to vector<64x1xf32>
      %add3A_127 = arith.addf %slice3A_124, %add3A_126 : vector<64x1xf32>
      %div3A_128 = vector.broadcast %add3A_127 : vector<64x1xf32> to vector<64x256xf32>
      %div3A_129 = arith.divf %slice3A, %div3A_128 : vector<64x256xf32>
      %reduce_sum3A = arith.constant dense<0.000000e+00> : vector<64xf32>
      %reduce_sum3A_130 = vector.multi_reduction <add>, %div3A_129, %reduce_sum3A [1] : vector<64x256xf32> to vector<64xf32>
      %broadcast_in_dim3A_131 = vector.shape_cast %reduce_sum3A_130 : vector<64xf32> to vector<64x1xf32>
      %div3A_132 = arith.constant 2.560000e+02 : f32
      %div3A_133 = vector.broadcast %div3A_132 : f32 to vector<64x1xf32>
      %div3A_134 = arith.divf %broadcast_in_dim3A_131, %div3A_133 : vector<64x1xf32>
      %sub3A = vector.broadcast %div3A_134 : vector<64x1xf32> to vector<64x256xf32>
      %sub3A_135 = arith.subf %div3A_129, %sub3A : vector<64x256xf32>
      %integer_pow3A = arith.mulf %sub3A_135, %sub3A_135 : vector<64x256xf32>
      %reduce_sum3A_136 = arith.constant dense<0.000000e+00> : vector<64xf32>
      %reduce_sum3A_137 = vector.multi_reduction <add>, %integer_pow3A, %reduce_sum3A_136 [1] : vector<64x256xf32> to vector<64xf32>
      %broadcast_in_dim3A_138 = vector.shape_cast %reduce_sum3A_137 : vector<64xf32> to vector<64x1xf32>
      %div3A_139 = arith.constant 2.560000e+02 : f32
      %div3A_140 = vector.broadcast %div3A_139 : f32 to vector<64x1xf32>
      %div3A_141 = arith.divf %broadcast_in_dim3A_138, %div3A_140 : vector<64x1xf32>
      %sub3A_142 = vector.broadcast %div3A_134 : vector<64x1xf32> to vector<64x256xf32>
      %sub3A_143 = arith.subf %div3A_129, %sub3A_142 : vector<64x256xf32>
      %add3A_144 = arith.constant 9.99999974E-6 : f32
      %add3A_145 = vector.broadcast %add3A_144 : f32 to vector<64x1xf32>
      %add3A_146 = arith.addf %div3A_141, %add3A_145 : vector<64x1xf32>
      %rsqrt3A = math.rsqrt %add3A_146 : vector<64x1xf32>
      %mul3A_147 = vector.broadcast %rsqrt3A : vector<64x1xf32> to vector<64x256xf32>
      %mul3A_148 = arith.mulf %sub3A_143, %mul3A_147 : vector<64x256xf32>
      %get3A_149 = arith.constant 0 : index
      %get3A_150 = arith.constant 0 : index
      %get3A_151 = vector.load %arg17[%get3A_149, %get3A_150] : memref<1x256xf32, #tpu.memory_space<vmem>>, vector<1x256xf32>
      %mul3A_152 = vector.broadcast %get3A_151 : vector<1x256xf32> to vector<64x256xf32>
      %mul3A_153 = arith.mulf %mul3A_148, %mul3A_152 : vector<64x256xf32>
      %get3A_154 = arith.constant 0 : index
      %get3A_155 = arith.constant 0 : index
      %get3A_156 = vector.load %arg18[%get3A_154, %get3A_155] : memref<1x256xf32, #tpu.memory_space<vmem>>, vector<1x256xf32>
      %add3A_157 = vector.broadcast %get3A_156 : vector<1x256xf32> to vector<64x256xf32>
      %add3A_158 = arith.addf %mul3A_153, %add3A_157 : vector<64x256xf32>
      %get3A_159 = arith.constant 0 : index
      %get3A_160 = arith.constant 0 : index
      %get3A_161 = vector.load %arg19[%get3A_159, %get3A_160] : memref<256x256xf32, #tpu.memory_space<vmem>>, vector<256x256xf32>
      %dot_general3A_162 = arith.constant dense<0.000000e+00> : vector<64x256xf32>
      %dot_general3A_163 = tpu.matmul %add3A_158, %get3A_161, %dot_general3A_162 {dimension_numbers = #tpu.dot_dimension_numbers<[1], [0], [0], [1], [0, 0, 1, 1], [], []>, transpose_lhs_hint = false} : vector<64x256xf32>, vector<256x256xf32>, vector<64x256xf32> -> vector<64x256xf32>
      %get3A_164 = arith.constant 0 : index
      %get3A_165 = arith.constant 0 : index
      %get3A_166 = vector.load %arg20[%get3A_164, %get3A_165] : memref<1x256xf32, #tpu.memory_space<vmem>>, vector<1x256xf32>
      %add3A_167 = vector.broadcast %get3A_166 : vector<1x256xf32> to vector<64x256xf32>
      %add3A_168 = arith.addf %dot_general3A_163, %add3A_167 : vector<64x256xf32>
      %gt3A_169 = arith.constant 0.000000e+00 : f32
      %gt3A_170 = vector.broadcast %gt3A_169 : f32 to vector<64x256xf32>
      %gt3A_171 = arith.cmpf ogt, %add3A_168, %gt3A_170 : vector<64x256xf32>
      %mul3A_172 = arith.constant 5.000000e-02 : f32
      %mul3A_173 = vector.broadcast %mul3A_172 : f32 to vector<64x256xf32>
      %mul3A_174 = arith.mulf %mul3A_173, %add3A_168 : vector<64x256xf32>
      %select_n3A_175 = arith.select %gt3A_171, %add3A_168, %mul3A_174 : vector<64x256xi1>, vector<64x256xf32>
      %get3A_176 = arith.constant 0 : index
      %get3A_177 = arith.constant 0 : index
      %get3A_178 = vector.load %arg21[%get3A_176, %get3A_177] : memref<256x128xf32, #tpu.memory_space<vmem>>, vector<256x128xf32>
      %dot_general3A_179 = arith.constant dense<0.000000e+00> : vector<64x128xf32>
      %dot_general3A_180 = tpu.matmul %select_n3A_175, %get3A_178, %dot_general3A_179 {dimension_numbers = #tpu.dot_dimension_numbers<[1], [0], [0], [1], [0, 0, 1, 1], [], []>, transpose_lhs_hint = false} : vector<64x256xf32>, vector<256x128xf32>, vector<64x128xf32> -> vector<64x128xf32>
      %get3A_181 = arith.constant 0 : index
      %get3A_182 = arith.constant 0 : index
      %get3A_183 = vector.load %arg22[%get3A_181, %get3A_182] : memref<1x128xf32, #tpu.memory_space<vmem>>, vector<1x128xf32>
      %add3A_184 = vector.broadcast %get3A_183 : vector<1x128xf32> to vector<64x128xf32>
      %add3A_185 = arith.addf %dot_general3A_180, %add3A_184 : vector<64x128xf32>
      %swap3A_186 = arith.constant 0 : index
      %swap3A_187 = arith.constant 0 : index
      %swap3A_188 = vector.load %arg24[%swap3A_186, %swap3A_187] : memref<64x128xf32, #tpu.memory_space<vmem>>, vector<64x128xf32>
      tpu.vector_store %arg24[%swap3A_186, %swap3A_187], %add3A_185 {strides = array<i32>} : memref<64x128xf32, #tpu.memory_space<vmem>>, vector<64x128xf32>,
    } else {
    }
    return
  }
  func.func @transform_0(%arg0: i32) -> (i32, i32) {
    %c0_i32 = arith.constant 0 : i32
    %c0_i32_0 = arith.constant 0 : i32
    return %arg0, %c0_i32 : i32, i32
  }
  func.func @transform_1(%arg0: i32) -> (i32, i32) {
    %c0_i32 = arith.constant 0 : i32
    %c0_i32_0 = arith.constant 0 : i32
    return %arg0, %c0_i32 : i32, i32
  }
  func.func @transform_2(%arg0: i32) -> (i32, i32) {
    %c0_i32 = arith.constant 0 : i32
    %c0_i32_0 = arith.constant 0 : i32
    return %arg0, %c0_i32 : i32, i32
  }
  func.func @transform_3(%arg0: i32) -> (i32, i32) {
    %c0_i32 = arith.constant 0 : i32
    %c0_i32_0 = arith.constant 0 : i32
    return %arg0, %c0_i32 : i32, i32
  }
  func.func @transform_4(%arg0: i32) -> (i32, i32) {
    %c0_i32 = arith.constant 0 : i32
    %c0_i32_0 = arith.constant 0 : i32
    return %arg0, %c0_i32 : i32, i32
  }
  func.func @transform_5(%arg0: i32) -> (i32, i32) {
    %c0_i32 = arith.constant 0 : i32
    %c0_i32_0 = arith.constant 0 : i32
    return %arg0, %c0_i32 : i32, i32
  }
  func.func @transform_6(%arg0: i32) -> (i32, i32) {
    %c0_i32 = arith.constant 0 : i32
    %c0_i32_0 = arith.constant 0 : i32
    return %arg0, %c0_i32 : i32, i32
  }
  func.func @transform_7(%arg0: i32) -> (i32, i32) {
    %c0_i32 = arith.constant 0 : i32
    %c0_i32_0 = arith.constant 0 : i32
    return %arg0, %c0_i32 : i32, i32
  }
  func.func @transform_8(%arg0: i32) -> (i32, i32) {
    %c0_i32 = arith.constant 0 : i32
    %c0_i32_0 = arith.constant 0 : i32
    return %arg0, %c0_i32 : i32, i32
  }
  func.func @transform_9(%arg0: i32) -> (i32, i32) {
    %c0_i32 = arith.constant 0 : i32
    %c0_i32_0 = arith.constant 0 : i32
    return %arg0, %c0_i32 : i32, i32
  }
  func.func @transform_10(%arg0: i32) -> (i32, i32) {
    %c0_i32 = arith.constant 0 : i32
    %c0_i32_0 = arith.constant 0 : i32
    return %arg0, %c0_i32 : i32, i32
  }
  func.func @transform_11(%arg0: i32) -> (i32, i32) {
    %c0_i32 = arith.constant 0 : i32
    %c0_i32_0 = arith.constant 0 : i32
    %c0_i32_1 = arith.constant 0 : i32
    return %c0_i32, %c0_i32_0 : i32, i32
  }
  func.func @transform_12(%arg0: i32) -> (i32, i32) {
    %c0_i32 = arith.constant 0 : i32
    %c0_i32_0 = arith.constant 0 : i32
    %c0_i32_1 = arith.constant 0 : i32
    return %c0_i32, %c0_i32_0 : i32, i32
  }
  func.func @transform_13(%arg0: i32) -> (i32, i32) {
    %c0_i32 = arith.constant 0 : i32
    %c0_i32_0 = arith.constant 0 : i32
    %c0_i32_1 = arith.constant 0 : i32
    return %c0_i32, %c0_i32_0 : i32, i32
  }
  func.func @transform_14(%arg0: i32) -> (i32, i32) {
    %c0_i32 = arith.constant 0 : i32
    %c0_i32_0 = arith.constant 0 : i32
    %c0_i32_1 = arith.constant 0 : i32
    return %c0_i32, %c0_i32_0 : i32, i32
  }
  func.func @transform_15(%arg0: i32) -> (i32, i32) {
    %c0_i32 = arith.constant 0 : i32
    %c0_i32_0 = arith.constant 0 : i32
    %c0_i32_1 = arith.constant 0 : i32
    return %c0_i32, %c0_i32_0 : i32, i32
  }
  func.func @transform_16(%arg0: i32) -> (i32, i32) {
    %c0_i32 = arith.constant 0 : i32
    %c0_i32_0 = arith.constant 0 : i32
    %c0_i32_1 = arith.constant 0 : i32
    return %c0_i32, %c0_i32_0 : i32, i32
  }
  func.func @transform_17(%arg0: i32) -> (i32, i32) {
    %c0_i32 = arith.constant 0 : i32
    %c0_i32_0 = arith.constant 0 : i32
    %c0_i32_1 = arith.constant 0 : i32
    return %c0_i32, %c0_i32_0 : i32, i32
  }
  func.func @transform_18(%arg0: i32) -> (i32, i32) {
    %c0_i32 = arith.constant 0 : i32
    %c0_i32_0 = arith.constant 0 : i32
    %c0_i32_1 = arith.constant 0 : i32
    return %c0_i32, %c0_i32_0 : i32, i32
  }
  func.func @transform_19(%arg0: i32) -> (i32, i32) {
    %c0_i32 = arith.constant 0 : i32
    %c0_i32_0 = arith.constant 0 : i32
    %c0_i32_1 = arith.constant 0 : i32
    return %c0_i32, %c0_i32_0 : i32, i32
  }
  func.func @transform_20(%arg0: i32) -> (i32, i32) {
    %c0_i32 = arith.constant 0 : i32
    %c0_i32_0 = arith.constant 0 : i32
    %c0_i32_1 = arith.constant 0 : i32
    return %c0_i32, %c0_i32_0 : i32, i32
  }
  func.func @transform_21(%arg0: i32) -> (i32, i32) {
    %c0_i32 = arith.constant 0 : i32
    %c0_i32_0 = arith.constant 0 : i32
    %c0_i32_1 = arith.constant 0 : i32
    return %c0_i32, %c0_i32_0 : i32, i32
  }
  func.func @transform_22(%arg0: i32) -> (i32, i32) {
    %c0_i32 = arith.constant 0 : i32
    %c0_i32_0 = arith.constant 0 : i32
    return %arg0, %c0_i32 : i32, i32
  }
  func.func @transform_23(%arg0: i32) -> (i32, i32) {
    %c0_i32 = arith.constant 0 : i32
    %c0_i32_0 = arith.constant 0 : i32
    %c0_i32_1 = arith.constant 0 : i32
    return %c0_i32, %c0_i32_0 : i32, i32
  }
}

</mosaic_0001>

<sc_bundles>
// kernel: kernel.11.cloned.1.call-start
scs
__scs_entry_jumppad:
0x0: {  	(pc) =	sbr.rel $0x88, $3  }
0x1: {  	(tag) =	ssettag $0x0;
	lr =	simm.s32 $0x1  }
0x2: {  	[smem:$0x3F89] =	sst lr;
	_ =	strace $0xD0000000  }
0x3: {  	_ = 	snop  }
0x4: {  	_ = 	snop  }
0x5: {  	_ = 	snop  }
0x6: {  	_ = 	snop  }
0x7: {  	_ = 	snop  }
__scs_overlays_trampoline_lowered:
0x8: {  	[smem:$0x3F98] =	sst s0  }
0x9: {  	[smem:$0x3F99] =	sst s1  }
0xa: {  	[smem:$0x3F9A] =	sst s2  }
0xb: {  	[smem:$0x3F9B] =	sst s3  }
0xc: {  	[smem:$0x3F9C] =	sst s4  }
0xd: {  	[smem:$0x3F9D] =	sst s5  }
0xe: {  	[smem:$0x3F9E] =	sst s6  }
0xf: {  	[smem:$0x3F9F] =	sst s7  }
0x10: {  	[smem:$0x3FA0] =	sst s8  }
0x11: {  	[smem:$0x3FA1] =	sst s9;
	s0 =	simm.s32 @!p0 $0x0  }
0x12: {  	s1 =	sld [smem:$0x3F87];
	s0 =	simm.s32 @p0 $0x1  }
0x13: {  	[smem:$0x3FA2] =	sst s0;
	s0 =	simm.s32 @!p1 $0x0  }
0x14: {  	s2 =	sld [smem:$0x3F86];
	s0 =	simm.s32 @p1 $0x1  }
0x15: {  	[smem:$0x3FA3] =	sst s0;
	s0 =	simm.s32 @!p2 $0x0  }
0x16: {  	s3 =	sld [smem:$0x3FDB];
	s0 =	simm.s32 @p2 $0x1  }
0x17: {  	s4 =	simm.s32 $0x1BF5;
	[smem:$0x3FA5] =	sst s0  }
0x18: {  	s0 =	sld [smem:$0x3F88];
	_ =	swait.ge [sflag:s4], $0x0  }
0x19: {  	s7 =	sld [smem:$0x3F89]  }
0x1a: {  	s8 =	sadd.s32 $0xFFFFE003, lr  }
0x1b: {  	s9 =	sadd.s32 $0xFFFFFEF7, lr;
	s5 =	simm.s32 $0xFFFFFFFF;
	p2 =	slt.u32 s8, $0xFFFFF086  }
0x1c: {  	p1 =	slt.u32 s9, $0xF7A;
	s5 =	simm.s32 @!p2 $0x0  }
0x1d: {  	s5 =	simm.s32 @p1 $0x1;
	p0 =	seq.s32 s7, s2  }
0x1e: {  	s7 =	smul.u32 @!p0 $0xF7A, s2;
	p2 =	seq.s32 @!p0 s5, $0x0  }
0x1f: {  	s9 =	smul.u32 $0xF7A, s1;
	s8 =	simm.s32 @!p0 $0x1BF5;
	p2 =	por !p2, p0  }
0x20: {  	[sflag:s8] =	ssyncset.s32 @!p0 $0xFFFFF086;
	s6 =	sadd.s32 @!p0 s3, s7;
	s7 =	simm.s32 @!p0 $0x108  }
0x21: {  	s3 =	sadd.s32 s3, s9;
	s6 =	sadd.s32 @!p0 $0x88, s6;
	s7 =	simm.s32 @p2 $0x1082  }
0x22: {  	[simem:s7], [sflag:s8] =	dma.local @!p0 [hbm:s6], $0xF7A  }
0x23: {  	s9 =	sor.u32 $0xD0000000, s2;
	s6 =	simm.s32 $0x108;
	_ =	swait.ge @!p0 [sflag:s8], $0x0  }
0x24: {  	s3 =	sadd.s32 $0x88, s3;
	s6 =	simm.s32 @!p1 $0x1082;
	[sflag:s4] =	ssyncset.s32 $0xFFFFF086  }
0x25: {  	[simem:s6], [sflag:s4] =	dma.local [hbm:s3], $0xF7A  }
0x26: {  	[smem:$0x3F89] =	sst s1;
	(tag) =	ssettag s2;
	_ =	strace s9  }
0x27: {  	s1 =	sld [smem:$0x3F99]  }
0x28: {  	s2 =	sld [smem:$0x3F9A]  }
0x29: {  	s4 =	sld [smem:$0x3F9C]  }
0x2a: {  	p0 =	seq.s32 s5, $0x0;
	s5 =	sld [smem:$0x3F9D]  }
0x2b: {  	s6 =	sld [smem:$0x3F9E]  }
0x2c: {  	s7 =	sld [smem:$0x3F9F]  }
0x2d: {  	s3 =	simm.s32 $0x108;
	s8 =	sld [smem:$0x3FA0]  }
0x2e: {  	s3 =	simm.s32 @!p0 $0x1082;
	s9 =	sld [smem:$0x3FA1]  }
0x2f: {  	lr =	sadd.s32 s0, s3;
	s0 =	sld [smem:$0x3F98]  }
0x30: {  	s3 =	sld [smem:$0x3F9B]  }
0x31: {  	[smem:$0x3FA4] =	sst s10  }
0x32: {  	s10 =	sld [smem:$0x3FA2];
	_ =	sdelay $0x3  }
0x33: {  	p0 =	seq.s32 s10, $0x1;
	s10 =	sld [smem:$0x3FA4];
	_ =	sdelay $0x3  }
0x34: {  	[smem:$0x3FA4] =	sst s10  }
0x35: {  	s10 =	sld [smem:$0x3FA3];
	_ =	sdelay $0x3  }
0x36: {  	p1 =	seq.s32 s10, $0x1;
	s10 =	sld [smem:$0x3FA4];
	_ =	sdelay $0x3  }
0x37: {  	[smem:$0x3FA4] =	sst s10  }
0x38: {  	s10 =	sld [smem:$0x3FA5]  }
0x39: {  	_ = 	snop;
	(pc) =	sbr.ind lr, $3  }
0x3a: {  	_ = 	snop  }
0x3b: {  	_ = 	snop  }
0x3c: {  	p2 =	seq.s32 s10, $0x1;
	s10 =	sld [smem:$0x3FA4]  }
0x3d: {  	_ =	shalt  }
0x3e: {  	_ =	shalt  }
0x3f: {  	_ =	shalt  }
0x40: {  	_ =	shalt  }
0x41: {  	_ =	shalt  }
0x42: {  	_ =	shalt  }
0x43: {  	_ =	shalt  }
0x44: {  	_ =	shalt  }
0x45: {  	_ =	shalt  }
0x46: {  	_ =	shalt  }
0x47: {  	_ =	shalt  }
0x48: {  	_ =	shalt  }
0x49: {  	_ =	shalt  }
0x4a: {  	_ =	shalt  }
0x4b: {  	_ =	shalt  }
0x4c: {  	_ =	shalt  }
0x4d: {  	_ =	shalt  }
0x4e: {  	_ =	shalt  }
0x4f: {  	_ =	shalt  }
0x50: {  	_ =	shalt  }
0x51: {  	_ =	shalt  }
0x52: {  	_ =	shalt  }
0x53: {  	_ =	shalt  }
0x54: {  	_ =	shalt  }
0x55: {  	_ =	shalt  }
0x56: {  	_ =	shalt  }
0x57: {  	_ =	shalt  }
0x58: {  	_ =	shalt  }
0x59: {  	_ =	shalt  }
0x5a: {  	_ =	shalt  }
0x5b: {  	_ =	shalt  }
0x5c: {  	_ =	shalt  }
0x5d: {  	_ =	shalt  }
0x5e: {  	_ =	shalt  }
0x5f: {  	_ =	shalt  }
0x60: {  	_ =	shalt  }
0x61: {  	_ =	shalt  }
0x62: {  	_ =	shalt  }
0x63: {  	_ =	shalt  }
0x64: {  	_ =	shalt  }
0x65: {  	_ =	shalt  }
0x66: {  	_ =	shalt  }
0x67: {  	_ =	shalt  }
0x68: {  	_ =	shalt  }
0x69: {  	_ =	shalt  }
0x6a: {  	_ =	shalt  }
0x6b: {  	_ =	shalt  }
0x6c: {  	_ =	shalt  }
0x6d: {  	_ =	shalt  }
0x6e: {  	_ =	shalt  }
0x6f: {  	_ =	shalt  }
0x70: {  	_ =	shalt  }
0x71: {  	_ =	shalt  }
0x72: {  	_ =	shalt  }
0x73: {  	_ =	shalt  }
0x74: {  	_ =	shalt  }
0x75: {  	_ =	shalt  }
0x76: {  	_ =	shalt  }
0x77: {  	_ =	shalt  }
0x78: {  	_ =	shalt  }
0x79: {  	_ =	shalt  }
0x7a: {  	_ =	shalt  }
0x7b: {  	_ =	shalt  }
0x7c: {  	_ =	shalt  }
0x7d: {  	_ =	shalt  }
0x7e: {  	_ =	shalt  }
0x7f: {  	_ =	shalt  }
0x80: {  	_ =	shalt  }
0x81: {  	_ =	shalt  }
0x82: {  	_ =	shalt  }
0x83: {  	_ =	shalt  }
0x84: {  	_ =	shalt  }
0x85: {  	_ =	shalt  }
0x86: {  	_ =	shalt  }
0x87: {  	_ =	shalt  }
.Lfunc_end0:
.L_simem_size_0:
called_computation.1_lowered:
.L_overlay_start_0:
0x88: {  	s2 =	sld [smem:$0x3FD9]  }
0x89: {  	s3 =	sld [smem:$0x3FFE];
	_ =	sdelay $0x1  }
0x8a: {  	s1 =	srdreg.scid  }
0x8b: {  	s0 =	sand.u32 $0x1, s1  }
0x8c: {  	s16 =	sshll.u32 s0, $0xA;
	s2 =	sadd.s32 s3, s2  }
0x8d: {  	s2 =	sadd.s32 s2, s16  }
0x8e: {  	[smem:$0x3FB0] =	sst s2  }
0x8f: {  	_ = 	snop  }
0x90: {  	(tm) =	ssettm $0x1  }
0x91: {  	s17 =	sld [smem:$0x3FFB];
	_ =	sdelay $0x3  }
0x92: {  	_ =	strace s17  }
0x93: {  	s2 =	sld [smem:$0x3FFC];
	_ =	sdelay $0x3  }
0x94: {  	_ =	strace s2  }
0x95: {  	s2 =	sld [smem:$0x3FFD];
	_ =	sdelay $0x3  }
0x96: {  	_ =	strace s2  }
0x97: {  	_ =	strace $0x8FFFFFFF  }
0x98: {  	s18 =	sld [smem:$0x3FDB];
	_ =	sdelay $0x1  }
0x99: {  	s19 =	simm.s32 $_scs_section_size  }
0x9a: {  	s4 =	simm.s32 $_size__tile_overlayer_lowered;
	s5 =	simm.s32 $_tile_overlayer_lowered  }
0x9b: {  	s22 =	simm.s32 $0x1BFF;
	s21 =	sshll.u32 s5, $0x1;
	s2 =	sadd.s32 s19, s18  }
0x9c: {  	s6 =	simm.s32 $0x0;
	s20 =	sshll.u32 s4, $0x1;
	s4 =	sadd.s32 s21, s2  }
0x9d: {  	[timem:s6], [sflag:s22] =	dma.local [hbm:s4], s20  }
0x9e: {  	_ =	swait.ge [sflag:s22], s20  }
0x9f: {  	s3 =	ssub.s32 $0x0, s20;
	[sflag:s22] =	ssyncset.done $0x0  }
0xa0: {  	[sflag:s22] =	ssyncadd.s32 s3;
	_ =	sdelay $0x1  }
0xa1: {  	s23 =	simm.s32 $0x1B8B  }
0xa2: {  	_ =	swait.ge [sflag:s23], $0x1  }
0xa3: {  	[sflag:s23] =	ssyncset.done $0x0  }
0xa4: {  	s25 =	simm.s32 $0x1B8E;
	s24 =	sld [smem:$0x3FFE];
	[sflag:s23] =	ssyncadd.s32 $0xFFFFFFFF  }
0xa5: {  	s26 =	simm.s32 $execute0_lowered;
	[smem:$0x3FD2] =	sst s25  }
0xa6: {  	s4 =	sshll.u32 s26, $0x1;
	_ =	strace $0x80000049;
	[dreg:$0x1] =	wrdreg $0xFFFFFFFF  }
0xa7: {  	s28 =	simm.s32 $_size_execute0_lowered;
	s2 =	sadd.s32 s2, s4;
	[dreg:$0x0] =	wrdreg $0x0  }
0xa8: {  	s4 =	sshll.u32 s28, $0x1;
	[dreg:$0x2] =	wrdreg s2  }
0xa9: {  	[dreg:$0x3] =	wrdreg s4  }
0xaa: {  	[dreg:$0x4] =	wrdreg $0xC0  }
0xab: {  	_ =	task [dreg:s6], $0x5FFFF  }
0xac: {  	[dreg:$0x1] =	wrdreg $0xFFFFFFFF  }
0xad: {  	[dreg:$0x0] =	wrdreg $0x60  }
0xae: {  	[dreg:$0x2] =	wrdreg s24  }
0xaf: {  	[dreg:$0x3] =	wrdreg $0x87000  }
0xb0: {  	[dreg:$0x4] =	wrdreg $0x1C7000  }
0xb1: {  	[dreg:$0x5] =	wrdreg $0x9  }
0xb2: {  	_ =	task.clear_ibuf [dreg:s6], $0x6FFFF;
	_ =	strace $0x90000049  }
0xb3: {  	s29 =	simm.s32 $0x9;
	_ =	strace $0x8000004B  }
0xb4: {  	_ =	swait.ge [sflag:s29], $0x1  }
0xb5: {  	[sflag:s29] =	ssyncadd.s32 $0xFFFFFFFF  }
0xb6: {  	_ =	strace $0x9000004B  }
0xb7: {  	_ =	sfence  }
0xb8: {  	s30 =	sld [smem:$0x0];
	_ =	sdelay $0x2  }
0xb9: {  	s31 =	sshll.u32 s1, $0xD;
	s1 =	sshrl.u32 s1, $0x2  }
0xba: {  	s3 =	sand.u32 $0x4000, s31;
	s1 =	sadd.s32 s1, s30  }
0xbb: {  	s0 =	sor.u32 s3, s0;
	s1 =	sshll.u32 s1, $0x11  }
0xbc: {  	s0 =	sor.u32 s1, s0  }
0xbd: {  	s0 =	sadd.s32 $0x8F2B, s0  }
0xbe: {  	[sflag:s0] =	ssyncadd.remote.s32 $0x1  }
0xbf: {  	_ =	sfence.sel $0xFFFF  }
0xc0: {  	[dreg:$0x0] =	wrdreg $0xFFFFFFFF;
	(pc) =	sbr.abs _section_cstart, $3  }
0xc1: {  	[dreg:$0x1] =	wrdreg $0xFFFFFFFF  }
0xc2: {  	_ =	task.clear_ibuf [dreg:s6], $0x2FFFF;
	_ =	strace $0x9FFFFFFF  }
0xc3: {  	(tm) =	ssettm $0x7FFFFFFF  }
tec
execute0_lowered:
.L_overlay_start_1:
0x0: {  	(tag) =	ssettag $0x1  }
0x1: {  	s0 =	rddreg [dreg:$0x0]  }
0x2: {  	s1 =	rddreg [dreg:$0x1]  }
0x3: {  	s2 =	rddreg [dreg:$0x2];
	s3 =	simm.s32 $0x0;
	s21 =	stileid.u32  }
0x4: {  	s8 =	srdreg.scid;
	s28 =	simm.s32 $0x480;
	s31 =	simm.s32 $0x100  }
0x5: {  	s29 =	simm.s32 $0x4700;
	[smem:$0x7FF] =	sst s3;
	s5 =	sadd.s32 $0x2B200, s0  }
0x6: {  	s6 =	sadd.s32 $0x35200, s0;
	s4 =	sadd.s32 $0x3200, s0;
	s10 =	smul.u32 $0x2800, s21  }
0x7: {  	s7 =	sadd.s32 $0x67200, s0;
	s11 =	smul.u32 $0x280, s21;
	s12 =	sand.u32 $0x1, s8  }
0x8: {  	s13 =	sadd.s32 $0xDF200, s0;
	s8 =	sadd.s32 $0xDF800, s0;
	s18 =	smul.u32 $0x50000, s21  }
0x9: {  	s15 =	sadd.s32 $0xDFE00, s0;
	s9 =	sadd.s32 $0xE0400, s0;
	s20 =	smul.u32 $0x5000, s21  }
0xa: {  	s30 =	sshll.u32 s21, $0x6;
	_ =	strace $0x8000004A;
	s14 =	smul.u32 $0x2800, s12  }
0xb: {  	s26 =	ssub.s32 $0x2, s12;
	s21 =	sor.u32 $0x1C0B, s30;
	p0 =	seq.s32 s12, $0x0  }
0xc: {  	s12 =	simm.s32 $0x0;
	s16 =	sshrl.u32 s11, $0x3;
	s10 =	sadd.s32 s10, s0  }
0xd: {  	s19 =	sshrl.u32 s26, $0x1;
	s18 =	sshrl.u32 s18, $0x2;
	s7 =	smov.u32 @p0 s4  }
0xe: {  	s8 =	smov.u32 @p0 s13;
	s9 =	smov.u32 @p0 s15;
	s4 =	simm.s32 $0x8  }
0xf: {  	s13 =	simm.s32 $0x3;
	[dreg:$0x6] =	wrdreg s21;
	s18 =	sadd.s32 s18, s1  }
0x10: {  	s16 =	sadd.s32 s16, s0;
	s10 =	sadd.s32 $0xE0A00, s10;
	[dreg:$0x4] =	wrdreg s18  }
0x11: {  	s14 =	sadd.s32 s11, s14;
	s11 =	sadd.s32 s11, s2;
	[dreg:$0x5] =	wrdreg s10  }
0x12: {  	s17 =	sshll.u32 s14, $0x4;
	s14 =	sshrl.u32 s14, $0x3;
	[dreg:$0x7] =	wrdreg s11  }
0x13: {  	s22 =	sadd.s32 $0x108A00, s16;
	s11 =	simm.s32 $0x2;
	s16 =	simm.s32 $0x5  }
0x14: {  	s18 =	simm.s32 $0x4;
	s17 =	sadd.s32 s17, s0;
	s0 =	sadd.s32 s14, s0  }
0x15: {  	s14 =	ssub.s32 s26, s19;
	s19 =	sshrl.u32 s20, $0x3;
	[dreg:$0x8] =	wrdreg s22  }
0x16: {  	s23 =	sadd.s32 s5, s19;
	s24 =	sadd.s32 s6, s19;
	s10 =	sor.u32 $0x10, s19  }
0x17: {  	s19 =	sor.u32 $0x100, s20;
	s20 =	sor.u32 $0x180, s20;
	[dreg:$0x9] =	wrdreg s23  }
0x18: {  	s26 =	sadd.s32 $0x109000, s17;
	s0 =	sadd.s32 $0x159000, s0;
	[dreg:$0xa] =	wrdreg s24  }
.Ltmp0:
0x19: {  	s30 =	smax.u32 s14, $0x1;
	[dreg:$0xd] =	wrdreg s26;
	(pc) =	sbr.rel .LBB2_1-.Ltmp0, $4  }
0x1a: {  	s14 =	simm.s32 $0x1;
	s17 =	simm.s32 $0x6;
	[dreg:$0xe] =	wrdreg s0  }
0x1b: {  	s25 =	sadd.s32 s5, s10;
	s10 =	sadd.s32 s6, s10;
	[dreg:$0xf] =	wrdreg s30  }
0x1c: {  	s24 =	simm.s32 $0xB;
	s0 =	simm.s32 $0x180;
	[dreg:$0xb] =	wrdreg s25  }
0x1d: {  	s23 =	simm.s32 $0xA;
	[dreg:$0xc] =	wrdreg s10;
	s25 =	simm.s32 $0x80  }
.LBB2_8:
0x1e: {  	s10 =	simm.s32 $0x9  }
0x1f: {  	_ =	swait.ge [sflag:s10], $0x80  }
0x20: {  	[sflag:s10] =	ssyncset.done $0x0  }
0x21: {  	[sflag:s10] =	ssyncadd.s32 $0xFFFFFF80  }
0x22: {  	_ =	swait.ge [sflag:s23], $0x80  }
0x23: {  	[sflag:s23] =	ssyncset.done $0x0  }
0x24: {  	[sflag:s23] =	ssyncadd.s32 $0xFFFFFF80  }
0x25: {  	[bflag:$0x0] =	sbarrier.arrive $0xFFFF  }
0x26: {  	s21 =	rddreg [dreg:$0x6]  }
0x27: {  	s30 =	rddreg [dreg:$0xd]  }
0x28: {  	s12 =	rddreg [dreg:$0x11]  }
0x29: {  	[hbm:s30], [sflag:s21] =	dma.local [spmem:s12], $0x2800  }
0x2a: {  	_ =	swait.ge [sflag:s24], $0x2800  }
0x2b: {  	[sflag:s24] =	ssyncset.done $0x0;
	s15 =	rddreg [dreg:$0xe]  }
0x2c: {  	s22 =	rddreg [dreg:$0x12];
	[sflag:s24] =	ssyncadd.s32 $0xFFFFD800  }
0x2d: {  	[hbm:s15], [sflag:s21] =	dma.local [spmem:s22], $0x50  }
0x2e: {  	_ =	swait.ge [sflag:s24], $0x50  }
0x2f: {  	s26 =	rddreg [dreg:$0x10]  }
0x30: {  	s30 =	rddreg [dreg:$0xf];
	s12 =	sadd.s32 $0x1, s26  }
0x31: {  	p0 =	sne.s32 s12, s30  }
.Ltmp1:
0x32: {  	_ = 	snop;
	(pc) =	sbr.rel @!p0 .LBB2_9-.Ltmp1, $3  }
0x33: {  	_ =	sdelay $0x1  }
0x34: {  	[sflag:s24] =	ssyncset.done $0x0  }
0x35: {  	[sflag:s24] =	ssyncadd.s32 $0xFFFFFFB0  }
.LBB2_1:
0x36: {  	[dreg:$0x10] =	wrdreg s12  }
0x37: {  	s10 =	rddreg [dreg:$0x4]  }
0x38: {  	s30 =	rddreg [dreg:$0x5];
	s26 =	sshrl.u32 s10, $0x3  }
0x39: {  	[dreg:$0x11] =	wrdreg s26  }
0x3a: {  	[spmem:s26], [sflag:s21] =	dma.local [hbm:s30], $0x2800  }
0x3b: {  	_ =	swait.ge [sflag:s24], $0x2800  }
0x3c: {  	s15 =	rddreg [dreg:$0x7]  }
0x3d: {  	[sflag:s24] =	ssyncset.done $0x0;
	s26 =	rddreg [dreg:$0x8];
	s22 =	sshrl.u32 s15, $0x3  }
0x3e: {  	[sflag:s24] =	ssyncadd.s32 $0xFFFFD800;
	[dreg:$0x12] =	wrdreg s22  }
0x3f: {  	[spmem:s22], [sflag:s21] =	dma.local [hbm:s26], $0x50  }
0x40: {  	_ =	swait.ge [sflag:s24], $0x50  }
0x41: {  	[sflag:s24] =	ssyncset.done $0x0  }
0x42: {  	[sflag:s24] =	ssyncadd.s32 $0xFFFFFFB0  }
0x43: {  	[bflag:$0x0] =	sbarrier.arrive $0xFFFF  }
0x44: {  	s30 =	rddreg [dreg:$0x9]  }
0x45: {  	[tilespmem:s3], [sflag:$0x7] =	stream.linear.gather [hbm4b:s30+s3], $0x80, $0x38;
	[tilespmem:$0x1C980] =	vst v63  }
0x46: {  	s15 =	simm.s32 $0x7;
	s12 =	rddreg [dreg:$0xa]  }
0x47: {  	[tilespmem:s25], [sflag:$0x7] =	stream.linear.gather [hbm4b:s12+s3], $0x80, $0x38;
	[tilespmem:$0x1C980] =	vst v63  }
0x48: {  	_ =	swait.ge [sflag:s15], $0x80  }
0x49: {  	[sflag:s15] =	ssyncset.done $0x0  }
0x4a: {  	[sflag:s15] =	ssyncadd.s32 $0xFFFFFF80  }
0x4b: {  	_ =	swait.ge [sflag:s15], $0x80  }
0x4c: {  	[sflag:s15] =	ssyncset.done $0x0  }
0x4d: {  	[sflag:s15] =	ssyncadd.s32 $0xFFFFFF80  }
0x4e: {  	[tilespmem:s28], [sflag:$0x1] =	stream.indirect.gather [hbm4b:s7+s25], $0x80, s3, s25, $0xb8;
	[tilespmem:$0x1C980] =	vst v63  }
0x4f: {  	s21 =	simm.s32 $0x200  }
0x50: {  	[tilespmem:s21], [sflag:$0x2] =	stream.indirect.gather [hbm4b:s8+s25], $0x1, s3, s25, $0xb8;
	[tilespmem:$0x1C980] =	vst v63  }
0x51: {  	s22 =	simm.s32 $0x280  }
0x52: {  	[tilespmem:s22], [sflag:$0x3] =	stream.indirect.gather [hbm4b:s9+s25], $0x1, s25, s25, $0xb8;
	[tilespmem:$0x1C980] =	vst v63  }
0x53: {  	s26 =	rddreg [dreg:$0xb]  }
0x54: {  	[tilespmem:s31], [sflag:$0x8] =	stream.linear.gather [hbm4b:s26+s3], $0x80, $0x38;
	[tilespmem:$0x1C980] =	vst v63  }
0x55: {  	s30 =	rddreg [dreg:$0xc];
	s26 =	simm.s32 $0x0  }
0x56: {  	[tilespmem:s0], [sflag:$0x8] =	stream.linear.gather [hbm4b:s30+s3], $0x80, $0x38;
	[tilespmem:$0x1C980] =	vst v63  }
.LBB2_2:
0x57: {  	_ =	swait.ge [sflag:s4], $0x80  }
0x58: {  	[sflag:s4] =	ssyncset.done $0x0  }
0x59: {  	[sflag:s4] =	ssyncadd.s32 $0xFFFFFF80  }
0x5a: {  	_ =	swait.ge [sflag:s4], $0x80  }
0x5b: {  	[sflag:s4] =	ssyncset.done $0x0  }
0x5c: {  	[sflag:s4] =	ssyncadd.s32 $0xFFFFFF80  }
0x5d: {  	[tilespmem:s29], [sflag:$0x4] =	stream.indirect.gather [hbm4b:s7+s25], $0x80, s31, s25, $0xb8;
	[tilespmem:$0x1C980] =	vst v63  }
0x5e: {  	s10 =	simm.s32 $0x4480  }
0x5f: {  	[tilespmem:s10], [sflag:$0x5] =	stream.indirect.gather [hbm4b:s8+s25], $0x1, s31, s25, $0xb8;
	[tilespmem:$0x1C980] =	vst v63  }
0x60: {  	s22 =	simm.s32 $0x4500  }
0x61: {  	[tilespmem:s22], [sflag:$0x6] =	stream.indirect.gather [hbm4b:s9+s25], $0x1, s0, s25, $0xb8;
	[tilespmem:$0x1C980] =	vst v63  }
0x62: {  	_ =	swait.ge [sflag:s11], $0x80  }
0x63: {  	[sflag:s11] =	ssyncset.done $0x0  }
0x64: {  	[sflag:s11] =	ssyncadd.s32 $0xFFFFFF80  }
0x65: {  	_ =	swait.ge [sflag:s13], $0x80  }
0x66: {  	[sflag:s13] =	ssyncset.done $0x0  }
0x67: {  	[sflag:s13] =	ssyncadd.s32 $0xFFFFFF80  }
0x68: {  	v0 =	vld [tilespmem:$0x200]  }
0x69: {  	v1 =	vld [tilespmem:$0x280]  }
0x6a: {  	v2 =	vld [tilespmem:$0x210]  }
0x6b: {  	v3 =	vld [tilespmem:$0x290]  }
0x6c: {  	v4 =	vld [tilespmem:$0x220]  }
0x6d: {  	v5 =	vld [tilespmem:$0x2A0]  }
0x6e: {  	v6 =	vld [tilespmem:$0x2B0];
	v0 =	vadd.f32 v1, v0  }
0x6f: {  	v1 =	vld [tilespmem:$0x230]  }
0x70: {  	v8 =	vld [tilespmem:$0x2C0];
	v2 =	vadd.f32 v3, v2;
	v7 =	vmul.f32 $2.000000030e-01, v0  }
0x71: {  	v3 =	vld [tilespmem:$0x240];
	vm0 =	vgt.f32 v0, $0.0e+00  }
0x72: {  	v9 =	vld [tilespmem:$0x2D0];
	v4 =	vadd.f32 v5, v4;
	v0 =	vsel vm0, v0, v7;
	v7 =	vmul.f32 $2.000000030e-01, v2  }
0x73: {  	v5 =	vld [tilespmem:$0x250];
	vm9 =	vgt.f32 v2, $0.0e+00;
	v0 =	vmul.f32 $1.442695020e+00, v0  }
0x74: {  	v1 =	vadd.f32 v6, v1;
	v6 =	vld [tilespmem:$0x260];
	v2 =	vsel vm9, v2, v7;
	v7 =	vmul.f32 $2.000000030e-01, v4  }
0x75: {  	vm10 =	vgt.f32 v4, $0.0e+00;
	(erf) = vpow2.f32 v0;
	v0 =	vmul.f32 $1.442695020e+00, v2;
	v2 =	vld [tilespmem:$0x2E0]  }
0x76: {  	v3 =	vadd.f32 v8, v3;
	v8 =	vld [tilespmem:$0x270];
	v4 =	vsel vm10, v4, v7;
	v7 =	vmul.f32 $2.000000030e-01, v1  }
0x77: {  	vm11 =	vgt.f32 v1, $0.0e+00;
	(erf) = vpow2.f32 v0;
	v0 =	vmul.f32 $1.442695020e+00, v4;
	v4 =	vld [tilespmem:$0x2F0]  }
0x78: {  	v5 =	vadd.f32 v9, v5;
	v1 =	vsel vm11, v1, v7;
	v7 =	vmul.f32 $2.000000030e-01, v3  }
0x79: {  	vm12 =	vgt.f32 v3, $0.0e+00;
	(erf) = vpow2.f32 v0;
	v0 =	vmul.f32 $1.442695020e+00, v1  }
0x7a: {  	v1 =	vsel vm12, v3, v7;
	v3 =	vmul.f32 $2.000000030e-01, v5;
	v2 =	vadd.f32 v2, v6  }
0x7b: {  	vm13 =	vgt.f32 v5, $0.0e+00;
	(erf) = vpow2.f32 v0;
	v0 =	vmul.f32 $1.442695020e+00, v1  }
0x7c: {  	v1 =	vsel vm13, v5, v3;
	v3 =	vmul.f32 $2.000000030e-01, v2;
	v4 =	vadd.f32 v4, v8  }
0x7d: {  	vm14 =	vgt.f32 v2, $0.0e+00;
	(erf) = vpow2.f32 v0;
	v0 =	vmul.f32 $1.442695020e+00, v1  }
0x7e: {  	v2 =	vsel vm14, v2, v3;
	v3 =	vmul.f32 $2.000000030e-01, v4  }
0x7f: {  	vm15 =	vgt.f32 v4, $0.0e+00;
	v1 =	vpop (erf);
	(erf) = vpow2.f32 v0;
	v0 =	vmul.f32 $1.442695020e+00, v2  }
0x80: {  	[tilespmem:$0x300] =	vst v1;
	v2 =	vsel vm15, v4, v3  }
0x81: {  	[tilespmem:$0x380] =	vst v1;
	v1 =	vpop (erf);
	(erf) = vpow2.f32 v0;
	v0 =	vmul.f32 $1.442695020e+00, v2  }
0x82: {  	[tilespmem:$0x310] =	vst v1  }
0x83: {  	[tilespmem:$0x390] =	vst v1;
	v1 =	vpop (erf)  }
0x84: {  	[tilespmem:$0x320] =	vst v1;
	(erf) = vpow2.f32 v0  }
0x85: {  	[tilespmem:$0x3A0] =	vst v1;
	v0 =	vpop (erf)  }
0x86: {  	[tilespmem:$0x330] =	vst v0  }
0x87: {  	v1 =	vpop (erf);
	[tilespmem:$0x3B0] =	vst v0  }
0x88: {  	[tilespmem:$0x340] =	vst v1  }
0x89: {  	[tilespmem:$0x3C0] =	vst v1;
	v0 =	vpop (erf)  }
0x8a: {  	[tilespmem:$0x350] =	vst v0  }
0x8b: {  	[tilespmem:$0x3D0] =	vst v0;
	v1 =	vpop (erf)  }
0x8c: {  	[tilespmem:$0x360] =	vst v1  }
0x8d: {  	[tilespmem:$0x3E0] =	vst v1;
	v0 =	vpop (erf)  }
0x8e: {  	[tilespmem:$0x370] =	vst v0  }
0x8f: {  	[tilespmem:$0x3F0] =	vst v0  }
0x90: {  	_ =	swait.ge [sflag:s14], $0x4000  }
0x91: {  	[sflag:s14] =	ssyncset.done $0x0  }
0x92: {  	s22 =	simm.s32 $0x580;
	[sflag:s14] =	ssyncadd.s32 $0xFFFFC000  }
0x93: {  	s30 =	simm.s32 $0x0;
	v1 =	vld [tilespmem:s22+$0xFFFFFF70]  }
0x94: {  	v2 =	vld.msk [tilespmem:s30+$0x380 ss:$0x0], $0xffff  }
0x95: {  	v3 =	vld [tilespmem:s22+$0xFFFFFF00]  }
0x96: {  	v4 =	vld [tilespmem:s22+$0xFFFFFF20]  }
0x97: {  	v0 =	vld [tilespmem:s22+$0xFFFFFF50]  }
0x98: {  	v5 =	vld [tilespmem:s22+$0xFFFFFF30]  }
0x99: {  	v7 =	vld [tilespmem:s22+$0xFFFFFF10];
	v1 =	vmul.f32 v1, v2  }
0x9a: {  	v8 =	vld [tilespmem:s22+$0xFFFFFF40];
	v3 =	vmul.f32 v2, v3  }
0x9b: {  	v6 =	vld [tilespmem:s22+$0xFFFFFF60];
	v4 =	vmul.f32 v4, v2;
	[tilespmem:s22+$0xFFFFFF70] =	vst v1  }
0x9c: {  	v0 =	vmul.f32 v0, v2;
	[tilespmem:s22+$0xFFFFFF00] =	vst v3  }
0x9d: {  	v1 =	vmul.f32 v5, v2;
	[tilespmem:s22+$0xFFFFFF20] =	vst v4  }
0x9e: {  	v3 =	vmul.f32 v7, v2;
	[tilespmem:s22+$0xFFFFFF50] =	vst v0  }
0x9f: {  	v0 =	vmul.f32 v8, v2;
	v4 =	vld [tilespmem:s22+$0xFFFFFF90];
	[tilespmem:s22+$0xFFFFFF30] =	vst v1  }
0xa0: {  	v5 =	vld [tilespmem:s22+$0xFFFFFF80];
	v1 =	vmul.f32 v6, v2;
	[tilespmem:s22+$0xFFFFFF10] =	vst v3  }
0xa1: {  	v7 =	vld [tilespmem:s22+$0xFFFFFFB0];
	[tilespmem:s22+$0xFFFFFF40] =	vst v0  }
0xa2: {  	v0 =	vld [tilespmem:s22+$0xFFFFFFD0];
	[tilespmem:s22+$0xFFFFFF60] =	vst v1  }
0xa3: {  	v3 =	vld.msk [tilespmem:s30+$0x381 ss:$0x0], $0xffff  }
0xa4: {  	v1 =	vld [tilespmem:s22+$0xFFFFFFE0]  }
0xa5: {  	v2 =	vld [tilespmem:s22+$0xFFFFFFF0]  }
0xa6: {  	v6 =	vld [tilespmem:s22+$0xFFFFFFC0]  }
0xa7: {  	v8 =	vld [tilespmem:s22+$0xFFFFFFA0]  }
0xa8: {  	v0 =	vmul.f32 v0, v3  }
0xa9: {  	v1 =	vmul.f32 v1, v3  }
0xaa: {  	v4 =	vmul.f32 v4, v3;
	v2 =	vmul.f32 v2, v3;
	[tilespmem:s22+$0xFFFFFFD0] =	vst v0  }
0xab: {  	v0 =	vmul.f32 v3, v5;
	[tilespmem:s22+$0xFFFFFFE0] =	vst v1;
	v1 =	vmul.f32 v6, v3  }
0xac: {  	[tilespmem:s22+$0xFFFFFF90] =	vst v4;
	v4 =	vmul.f32 v8, v3;
	v5 =	vmul.f32 v7, v3;
	v3 =	vld [tilespmem:s22+$0x20]  }
0xad: {  	[tilespmem:s22+$0xFFFFFFF0] =	vst v2;
	v6 =	vld [tilespmem:s22+$0x70]  }
0xae: {  	[tilespmem:s22+$0xFFFFFF80] =	vst v0;
	v0 =	vld [tilespmem:s22+$0x60]  }
0xaf: {  	[tilespmem:s22+$0xFFFFFFC0] =	vst v1;
	v1 =	vld [tilespmem:s22+$0x40]  }
0xb0: {  	[tilespmem:s22+$0xFFFFFFB0] =	vst v5;
	v5 =	vld [tilespmem:s22+$0x0]  }
0xb1: {  	[tilespmem:s22+$0xFFFFFFA0] =	vst v4;
	v4 =	vld [tilespmem:s22+$0x10]  }
0xb2: {  	s12 =	sshll.u32 s26, $0x8;
	s15 =	simm.s32 $0x580;
	s10 =	simm.s32 $0x10;
	v2 =	vld.msk [tilespmem:s30+$0x382 ss:$0x0], $0xffff  }
.LBB2_3:
0xb3: {  	p0 =	sne.s32 s10, $0x1F0  }
0xb4: {  	v7 =	vld [tilespmem:s22+$0x30];
	s15 =	sadd.s32 $0x200, s15;
	s21 =	smov.u32 s10;
	s10 =	sadd.s32 $0x10, s10  }
0xb5: {  	v8 =	vld [tilespmem:s22+$0x50];
	_ =	sdelay $0x1  }
0xb6: {  	v6 =	vmul.f32 v6, v2;
	v5 =	vmul.f32 v2, v5  }
0xb7: {  	v3 =	vmul.f32 v3, v2;
	v4 =	vmul.f32 v4, v2  }
0xb8: {  	v1 =	vmul.f32 v1, v2;
	v0 =	vmul.f32 v0, v2;
	[tilespmem:s22+$0x70] =	vst v6  }
0xb9: {  	[tilespmem:s22+$0x20] =	vst v3;
	v3 =	vmul.f32 v7, v2;
	v2 =	vmul.f32 v8, v2  }
0xba: {  	[tilespmem:s22+$0x60] =	vst v0;
	v6 =	vld [tilespmem:s22+$0xA0]  }
0xbb: {  	[tilespmem:s22+$0x30] =	vst v3;
	v3 =	vld [tilespmem:s22+$0x80]  }
0xbc: {  	v0 =	vld [tilespmem:s15+$0x60];
	[tilespmem:s22+$0x40] =	vst v1  }
0xbd: {  	v1 =	vld [tilespmem:s15+$0x40];
	[tilespmem:s22+$0x50] =	vst v2  }
0xbe: {  	[tilespmem:s22+$0x0] =	vst v5;
	v2 =	vld [tilespmem:s22+$0xC0]  }
0xbf: {  	[tilespmem:s22+$0x10] =	vst v4;
	v4 =	vld [tilespmem:s22+$0xB0]  }
0xc0: {  	v5 =	vld.msk [tilespmem:s30+$0x383 ss:$0x0], $0xffff  }
0xc1: {  	v7 =	vld [tilespmem:s22+$0x90]  }
0xc2: {  	v8 =	vld [tilespmem:s22+$0xD0]  }
0xc3: {  	v9 =	vld [tilespmem:s22+$0xE0]  }
0xc4: {  	v10 =	vld [tilespmem:s22+$0xF0];
	_ =	sdelay $0x1  }
0xc5: {  	v3 =	vmul.f32 v5, v3;
	v7 =	vmul.f32 v7, v5  }
0xc6: {  	v6 =	vmul.f32 v6, v5;
	v4 =	vmul.f32 v4, v5  }
0xc7: {  	v2 =	vmul.f32 v2, v5;
	[tilespmem:s22+$0x80] =	vst v3;
	v3 =	vmul.f32 v8, v5  }
0xc8: {  	[tilespmem:s22+$0xA0] =	vst v6;
	v6 =	vmul.f32 v9, v5;
	v5 =	vmul.f32 v10, v5  }
0xc9: {  	[tilespmem:s22+$0xB0] =	vst v4  }
0xca: {  	[tilespmem:s22+$0xC0] =	vst v2  }
0xcb: {  	v2 =	vld [tilespmem:s15+$0xFFFFFF50];
	[tilespmem:s22+$0xD0] =	vst v3  }
0xcc: {  	v3 =	vld [tilespmem:s15+$0xFFFFFF30];
	[tilespmem:s22+$0x90] =	vst v7  }
0xcd: {  	v4 =	vld [tilespmem:s15+$0xFFFFFF60];
	[tilespmem:s22+$0xE0] =	vst v6  }
0xce: {  	s30 =	sshra.s32 s21, $0x2;
	v6 =	vld [tilespmem:s15+$0xFFFFFF70];
	[tilespmem:s22+$0xF0] =	vst v5;
	s22 =	smov.u32 s15  }
0xcf: {  	v5 =	vld.msk [tilespmem:s30+$0x380 ss:$0x0], $0xffff  }
0xd0: {  	v7 =	vld [tilespmem:s15+$0xFFFFFF00]  }
0xd1: {  	v8 =	vld [tilespmem:s15+$0xFFFFFF20]  }
0xd2: {  	v9 =	vld [tilespmem:s15+$0xFFFFFF10]  }
0xd3: {  	v10 =	vld [tilespmem:s15+$0xFFFFFF40];
	_ =	sdelay $0x1  }
0xd4: {  	v6 =	vmul.f32 v6, v5;
	v7 =	vmul.f32 v5, v7  }
0xd5: {  	v4 =	vmul.f32 v4, v5;
	v8 =	vmul.f32 v8, v5  }
0xd6: {  	v3 =	vmul.f32 v3, v5;
	v9 =	vmul.f32 v9, v5;
	[tilespmem:s15+$0xFFFFFF70] =	vst v6  }
0xd7: {  	v2 =	vmul.f32 v2, v5;
	[tilespmem:s15+$0xFFFFFF00] =	vst v7;
	v6 =	vmul.f32 v10, v5  }
0xd8: {  	[tilespmem:s15+$0xFFFFFF20] =	vst v8  }
0xd9: {  	[tilespmem:s15+$0xFFFFFF30] =	vst v3  }
0xda: {  	[tilespmem:s15+$0xFFFFFF50] =	vst v2;
	v2 =	vld [tilespmem:s15+$0xFFFFFFF0]  }
0xdb: {  	[tilespmem:s15+$0xFFFFFF10] =	vst v9;
	v3 =	vld [tilespmem:s15+$0xFFFFFFC0]  }
0xdc: {  	[tilespmem:s15+$0xFFFFFF60] =	vst v4;
	v4 =	vld [tilespmem:s15+$0xFFFFFFE0]  }
0xdd: {  	[tilespmem:s15+$0xFFFFFF40] =	vst v6;
	v5 =	vld [tilespmem:s15+$0xFFFFFFD0]  }
0xde: {  	v6 =	vld.msk [tilespmem:s30+$0x381 ss:$0x0], $0xffff  }
0xdf: {  	v7 =	vld [tilespmem:s15+$0xFFFFFF90]  }
0xe0: {  	v8 =	vld [tilespmem:s15+$0xFFFFFF80]  }
0xe1: {  	v9 =	vld [tilespmem:s15+$0xFFFFFFB0]  }
0xe2: {  	v10 =	vld [tilespmem:s15+$0xFFFFFFA0];
	_ =	sdelay $0x1  }
0xe3: {  	v5 =	vmul.f32 v5, v6;
	v7 =	vmul.f32 v7, v6  }
0xe4: {  	v4 =	vmul.f32 v4, v6;
	v8 =	vmul.f32 v6, v8  }
0xe5: {  	v3 =	vmul.f32 v3, v6;
	v9 =	vmul.f32 v9, v6;
	[tilespmem:s15+$0xFFFFFFD0] =	vst v5  }
0xe6: {  	v2 =	vmul.f32 v2, v6;
	v5 =	vmul.f32 v10, v6;
	[tilespmem:s15+$0xFFFFFFE0] =	vst v4  }
0xe7: {  	[tilespmem:s15+$0xFFFFFF90] =	vst v7  }
0xe8: {  	[tilespmem:s15+$0xFFFFFF80] =	vst v8  }
0xe9: {  	[tilespmem:s15+$0xFFFFFFC0] =	vst v3  }
0xea: {  	[tilespmem:s15+$0xFFFFFFA0] =	vst v5  }
.Ltmp2:
0xeb: {  	[tilespmem:s15+$0xFFFFFFF0] =	vst v2;
	v3 =	vld [tilespmem:s15+$0x20];
	(pc) =	sbr.rel @p0 .LBB2_3-.Ltmp2, $4  }
0xec: {  	[tilespmem:s15+$0xFFFFFFB0] =	vst v9;
	v6 =	vld [tilespmem:s15+$0x70]  }
0xed: {  	v2 =	vld.msk [tilespmem:s30+$0x382 ss:$0x0], $0xffff  }
0xee: {  	v5 =	vld [tilespmem:s15+$0x0]  }
0xef: {  	v4 =	vld [tilespmem:s15+$0x10]  }
0xf0: {  	_ =	sdelay $0x1  }
0xf1: {  	v7 =	vld [tilespmem:s22+$0x30];
	v6 =	vmul.f32 v6, v2  }
0xf2: {  	v8 =	vld [tilespmem:s22+$0x50];
	v3 =	vmul.f32 v3, v2  }
0xf3: {  	v1 =	vmul.f32 v1, v2;
	[tilespmem:s22+$0x70] =	vst v6  }
0xf4: {  	v0 =	vmul.f32 v0, v2;
	[tilespmem:s22+$0x20] =	vst v3  }
0xf5: {  	[tilespmem:s22+$0x40] =	vst v1;
	v1 =	vmul.f32 v4, v2  }
0xf6: {  	[tilespmem:s22+$0x60] =	vst v0;
	v3 =	vmul.f32 v7, v2  }
0xf7: {  	v0 =	vmul.f32 v8, v2;
	[tilespmem:s22+$0x10] =	vst v1  }
0xf8: {  	[tilespmem:s22+$0x30] =	vst v3;
	v3 =	vmul.f32 v2, v5  }
0xf9: {  	[tilespmem:s22+$0x50] =	vst v0  }
0xfa: {  	v5 =	vld [tilespmem:s22+$0x80];
	[tilespmem:s22+$0x0] =	vst v3  }
0xfb: {  	v0 =	vld.msk [tilespmem:s30+$0x383 ss:$0x0], $0xffff  }
0xfc: {  	v1 =	vld [tilespmem:s22+$0xA0]  }
0xfd: {  	v2 =	vld [tilespmem:s22+$0xB0]  }
0xfe: {  	v3 =	vld [tilespmem:s22+$0xC0]  }
0xff: {  	v4 =	vld [tilespmem:s22+$0xD0]  }
0x100: {  	v6 =	vld [tilespmem:s22+$0x90];
	v5 =	vmul.f32 v0, v5  }
0x101: {  	v7 =	vld [tilespmem:s22+$0xE0];
	v1 =	vmul.f32 v1, v0  }
0x102: {  	v8 =	vld [tilespmem:s22+$0xF0];
	v2 =	vmul.f32 v2, v0;
	[tilespmem:s22+$0x80] =	vst v5  }
0x103: {  	v3 =	vmul.f32 v3, v0;
	[tilespmem:s22+$0xA0] =	vst v1  }
0x104: {  	v1 =	vmul.f32 v4, v0;
	[tilespmem:s22+$0xB0] =	vst v2  }
0x105: {  	v2 =	vmul.f32 v6, v0;
	[tilespmem:s22+$0xC0] =	vst v3  }
0x106: {  	v3 =	vmul.f32 v7, v0;
	[tilespmem:s22+$0xD0] =	vst v1  }
0x107: {  	v0 =	vmul.f32 v8, v0;
	[tilespmem:s22+$0x90] =	vst v2  }
0x108: {  	[tilespmem:s22+$0xE0] =	vst v3  }
0x109: {  	s10 =	simm.s32 $0x300;
	[tilespmem:s22+$0xF0] =	vst v0  }
0x10a: {  	[spmem:s2] =	stream.indirect.scatter.add.f32 [tilespmem:s10], [sflag:$0x9], $0x1, s25, s25, $0xb8;
	[tilespmem:$0x1C980] =	vst v63  }
0x10b: {  	_ = 	snop  }
0x10c: {  	[spmem:s1] =	stream.indirect.scatter.add.f32 [tilespmem:s28], [sflag:$0xB], $0x80, s25, s25, $0xb8;
	[tilespmem:$0x1C980] =	vst v63  }
0x10d: {  	_ =	swait.ge [sflag:s24], $0x4000  }
0x10e: {  	p0 =	seq.s32 s26, $0x4F;
	[sflag:s24] =	ssyncset.done $0x0  }
0x10f: {  	s10 =	simm.s32 @!p0 $0x9;
	[sflag:s24] =	ssyncadd.s32 $0xFFFFC000  }
0x110: {  	s15 =	sadd.s32 @!p0 s12, s19;
	_ =	swait.ge @!p0 [sflag:s10], $0x80  }
0x111: {  	s15 =	sshrl.u32 @!p0 s15, $0x3;
	[sflag:s10] =	ssyncset.done @!p0 $0x0  }
0x112: {  	s21 =	simm.s32 @!p0 $0x0;
	[sflag:s10] =	ssyncadd.s32 @!p0 $0xFFFFFF80;
	s10 =	sadd.s32 @!p0 s5, s15  }
0x113: {  	[tilespmem:s21], [sflag:$0x7] =	stream.linear.gather @!p0 [hbm4b:s10+s21], $0x80, $0x38;
	[tilespmem:$0x1C980] =	vst v63  }
0x114: {  	s10 =	sadd.s32 @!p0 s6, s15;
	s15 =	simm.s32 @!p0 $0x80  }
0x115: {  	[tilespmem:s15], [sflag:$0x7] =	stream.linear.gather @!p0 [hbm4b:s10+s21], $0x80, $0x38;
	[tilespmem:$0x1C980] =	vst v63  }
0x116: {  	s10 =	simm.s32 @!p0 $0x7  }
0x117: {  	_ =	swait.ge @!p0 [sflag:s10], $0x80  }
0x118: {  	[sflag:s10] =	ssyncset.done @!p0 $0x0  }
0x119: {  	[sflag:s10] =	ssyncadd.s32 @!p0 $0xFFFFFF80  }
0x11a: {  	_ =	swait.ge @!p0 [sflag:s10], $0x80  }
0x11b: {  	[sflag:s10] =	ssyncset.done @!p0 $0x0  }
0x11c: {  	[sflag:s10] =	ssyncadd.s32 @!p0 $0xFFFFFF80;
	s10 =	simm.s32 @!p0 $0x480  }
0x11d: {  	[tilespmem:s10], [sflag:$0x1] =	stream.indirect.gather @!p0 [hbm4b:s7+s15], $0x80, s21, s15, $0xb8;
	[tilespmem:$0x1C980] =	vst v63  }
0x11e: {  	s10 =	simm.s32 @!p0 $0x200  }
0x11f: {  	[tilespmem:s10], [sflag:$0x2] =	stream.indirect.gather @!p0 [hbm4b:s8+s15], $0x1, s21, s15, $0xb8;
	[tilespmem:$0x1C980] =	vst v63  }
0x120: {  	s10 =	simm.s32 @!p0 $0x280  }
0x121: {  	[tilespmem:s10], [sflag:$0x3] =	stream.indirect.gather @!p0 [hbm4b:s9+s15], $0x1, s15, s15, $0xb8;
	[tilespmem:$0x1C980] =	vst v63  }
0x122: {  	_ =	swait.ge [sflag:s16], $0x80  }
0x123: {  	[sflag:s16] =	ssyncset.done $0x0  }
0x124: {  	[sflag:s16] =	ssyncadd.s32 $0xFFFFFF80  }
0x125: {  	_ =	swait.ge [sflag:s17], $0x80  }
0x126: {  	[sflag:s17] =	ssyncset.done $0x0  }
0x127: {  	[sflag:s17] =	ssyncadd.s32 $0xFFFFFF80  }
0x128: {  	v0 =	vld [tilespmem:$0x4480]  }
0x129: {  	v1 =	vld [tilespmem:$0x4500]  }
0x12a: {  	v2 =	vld [tilespmem:$0x4490]  }
0x12b: {  	v3 =	vld [tilespmem:$0x4510]  }
0x12c: {  	v4 =	vld [tilespmem:$0x44A0]  }
0x12d: {  	v5 =	vld [tilespmem:$0x4520]  }
0x12e: {  	v6 =	vld [tilespmem:$0x4530];
	v0 =	vadd.f32 v1, v0  }
0x12f: {  	v1 =	vld [tilespmem:$0x44B0]  }
0x130: {  	v8 =	vld [tilespmem:$0x4540];
	v2 =	vadd.f32 v3, v2;
	v7 =	vmul.f32 $2.000000030e-01, v0  }
0x131: {  	v3 =	vld [tilespmem:$0x44C0];
	vm0 =	vgt.f32 v0, $0.0e+00  }
0x132: {  	v9 =	vld [tilespmem:$0x4550];
	v4 =	vadd.f32 v5, v4;
	v0 =	vsel vm0, v0, v7;
	v7 =	vmul.f32 $2.000000030e-01, v2  }
0x133: {  	v5 =	vld [tilespmem:$0x44D0];
	vm9 =	vgt.f32 v2, $0.0e+00;
	v0 =	vmul.f32 $1.442695020e+00, v0  }
0x134: {  	v1 =	vadd.f32 v6, v1;
	v6 =	vld [tilespmem:$0x44E0];
	v2 =	vsel vm9, v2, v7;
	v7 =	vmul.f32 $2.000000030e-01, v4  }
0x135: {  	vm10 =	vgt.f32 v4, $0.0e+00;
	(erf) = vpow2.f32 v0;
	v0 =	vmul.f32 $1.442695020e+00, v2;
	v2 =	vld [tilespmem:$0x4560]  }
0x136: {  	v3 =	vadd.f32 v8, v3;
	v8 =	vld [tilespmem:$0x44F0];
	v4 =	vsel vm10, v4, v7;
	v7 =	vmul.f32 $2.000000030e-01, v1  }
0x137: {  	vm11 =	vgt.f32 v1, $0.0e+00;
	(erf) = vpow2.f32 v0;
	v0 =	vmul.f32 $1.442695020e+00, v4;
	v4 =	vld [tilespmem:$0x4570]  }
0x138: {  	v5 =	vadd.f32 v9, v5;
	v1 =	vsel vm11, v1, v7;
	v7 =	vmul.f32 $2.000000030e-01, v3  }
0x139: {  	vm12 =	vgt.f32 v3, $0.0e+00;
	(erf) = vpow2.f32 v0;
	v0 =	vmul.f32 $1.442695020e+00, v1  }
0x13a: {  	v1 =	vsel vm12, v3, v7;
	v3 =	vmul.f32 $2.000000030e-01, v5;
	v2 =	vadd.f32 v2, v6  }
0x13b: {  	vm13 =	vgt.f32 v5, $0.0e+00;
	(erf) = vpow2.f32 v0;
	v0 =	vmul.f32 $1.442695020e+00, v1  }
0x13c: {  	v1 =	vsel vm13, v5, v3;
	v3 =	vmul.f32 $2.000000030e-01, v2;
	v4 =	vadd.f32 v4, v8  }
0x13d: {  	vm14 =	vgt.f32 v2, $0.0e+00;
	(erf) = vpow2.f32 v0;
	v0 =	vmul.f32 $1.442695020e+00, v1  }
0x13e: {  	v2 =	vsel vm14, v2, v3;
	v3 =	vmul.f32 $2.000000030e-01, v4  }
0x13f: {  	vm15 =	vgt.f32 v4, $0.0e+00;
	v1 =	vpop (erf);
	(erf) = vpow2.f32 v0;
	v0 =	vmul.f32 $1.442695020e+00, v2  }
0x140: {  	[tilespmem:$0x4580] =	vst v1;
	v2 =	vsel vm15, v4, v3  }
0x141: {  	[tilespmem:$0x4600] =	vst v1;
	v1 =	vpop (erf);
	(erf) = vpow2.f32 v0;
	v0 =	vmul.f32 $1.442695020e+00, v2  }
0x142: {  	[tilespmem:$0x4590] =	vst v1  }
0x143: {  	[tilespmem:$0x4610] =	vst v1;
	v1 =	vpop (erf)  }
0x144: {  	[tilespmem:$0x45A0] =	vst v1;
	(erf) = vpow2.f32 v0  }
0x145: {  	[tilespmem:$0x4620] =	vst v1;
	v0 =	vpop (erf)  }
0x146: {  	[tilespmem:$0x45B0] =	vst v0  }
0x147: {  	v1 =	vpop (erf);
	[tilespmem:$0x4630] =	vst v0  }
0x148: {  	[tilespmem:$0x45C0] =	vst v1  }
0x149: {  	[tilespmem:$0x4640] =	vst v1;
	v0 =	vpop (erf)  }
0x14a: {  	[tilespmem:$0x45D0] =	vst v0  }
0x14b: {  	[tilespmem:$0x4650] =	vst v0;
	v1 =	vpop (erf)  }
0x14c: {  	[tilespmem:$0x45E0] =	vst v1  }
0x14d: {  	[tilespmem:$0x4660] =	vst v1;
	v0 =	vpop (erf)  }
0x14e: {  	[tilespmem:$0x45F0] =	vst v0  }
0x14f: {  	[tilespmem:$0x4670] =	vst v0  }
0x150: {  	_ =	swait.ge [sflag:s18], $0x4000  }
0x151: {  	[sflag:s18] =	ssyncset.done $0x0  }
0x152: {  	s22 =	simm.s32 $0x4800;
	[sflag:s18] =	ssyncadd.s32 $0xFFFFC000  }
0x153: {  	s30 =	simm.s32 $0x0;
	v1 =	vld [tilespmem:s22+$0xFFFFFF70]  }
0x154: {  	v2 =	vld.msk [tilespmem:s30+$0x4600 ss:$0x0], $0xffff  }
0x155: {  	v3 =	vld [tilespmem:s22+$0xFFFFFF00]  }
0x156: {  	v4 =	vld [tilespmem:s22+$0xFFFFFF20]  }
0x157: {  	v0 =	vld [tilespmem:s22+$0xFFFFFF50]  }
0x158: {  	v5 =	vld [tilespmem:s22+$0xFFFFFF30]  }
0x159: {  	v7 =	vld [tilespmem:s22+$0xFFFFFF10];
	v1 =	vmul.f32 v1, v2  }
0x15a: {  	v8 =	vld [tilespmem:s22+$0xFFFFFF40];
	v3 =	vmul.f32 v2, v3  }
0x15b: {  	v6 =	vld [tilespmem:s22+$0xFFFFFF60];
	v4 =	vmul.f32 v4, v2;
	[tilespmem:s22+$0xFFFFFF70] =	vst v1  }
0x15c: {  	v0 =	vmul.f32 v0, v2;
	[tilespmem:s22+$0xFFFFFF00] =	vst v3  }
0x15d: {  	v1 =	vmul.f32 v5, v2;
	[tilespmem:s22+$0xFFFFFF20] =	vst v4  }
0x15e: {  	v3 =	vmul.f32 v7, v2;
	[tilespmem:s22+$0xFFFFFF50] =	vst v0  }
0x15f: {  	v0 =	vmul.f32 v8, v2;
	v4 =	vld [tilespmem:s22+$0xFFFFFF90];
	[tilespmem:s22+$0xFFFFFF30] =	vst v1  }
0x160: {  	v5 =	vld [tilespmem:s22+$0xFFFFFF80];
	v1 =	vmul.f32 v6, v2;
	[tilespmem:s22+$0xFFFFFF10] =	vst v3  }
0x161: {  	v7 =	vld [tilespmem:s22+$0xFFFFFFB0];
	[tilespmem:s22+$0xFFFFFF40] =	vst v0  }
0x162: {  	v0 =	vld [tilespmem:s22+$0xFFFFFFD0];
	[tilespmem:s22+$0xFFFFFF60] =	vst v1  }
0x163: {  	v3 =	vld.msk [tilespmem:s30+$0x4601 ss:$0x0], $0xffff  }
0x164: {  	v1 =	vld [tilespmem:s22+$0xFFFFFFE0]  }
0x165: {  	v2 =	vld [tilespmem:s22+$0xFFFFFFF0]  }
0x166: {  	v6 =	vld [tilespmem:s22+$0xFFFFFFC0]  }
0x167: {  	v8 =	vld [tilespmem:s22+$0xFFFFFFA0]  }
0x168: {  	v0 =	vmul.f32 v0, v3  }
0x169: {  	v1 =	vmul.f32 v1, v3  }
0x16a: {  	v4 =	vmul.f32 v4, v3;
	v2 =	vmul.f32 v2, v3;
	[tilespmem:s22+$0xFFFFFFD0] =	vst v0  }
0x16b: {  	v0 =	vmul.f32 v3, v5;
	[tilespmem:s22+$0xFFFFFFE0] =	vst v1;
	v1 =	vmul.f32 v6, v3  }
0x16c: {  	[tilespmem:s22+$0xFFFFFF90] =	vst v4;
	v4 =	vmul.f32 v8, v3;
	v5 =	vmul.f32 v7, v3;
	v3 =	vld [tilespmem:s22+$0x20]  }
0x16d: {  	[tilespmem:s22+$0xFFFFFFF0] =	vst v2;
	v6 =	vld [tilespmem:s22+$0x70]  }
0x16e: {  	[tilespmem:s22+$0xFFFFFF80] =	vst v0;
	v0 =	vld [tilespmem:s22+$0x60]  }
0x16f: {  	[tilespmem:s22+$0xFFFFFFC0] =	vst v1;
	v1 =	vld [tilespmem:s22+$0x40]  }
0x170: {  	[tilespmem:s22+$0xFFFFFFB0] =	vst v5;
	v5 =	vld [tilespmem:s22+$0x0]  }
0x171: {  	[tilespmem:s22+$0xFFFFFFA0] =	vst v4;
	v4 =	vld [tilespmem:s22+$0x10]  }
0x172: {  	s10 =	simm.s32 $0x10;
	s15 =	simm.s32 $0x4800;
	v2 =	vld.msk [tilespmem:s30+$0x4602 ss:$0x0], $0xffff  }
.LBB2_5:
0x173: {  	p1 =	sne.s32 s10, $0x1F0  }
0x174: {  	v7 =	vld [tilespmem:s22+$0x30];
	s15 =	sadd.s32 $0x200, s15;
	s21 =	smov.u32 s10;
	s10 =	sadd.s32 $0x10, s10  }
0x175: {  	v8 =	vld [tilespmem:s22+$0x50];
	_ =	sdelay $0x1  }
0x176: {  	v6 =	vmul.f32 v6, v2;
	v5 =	vmul.f32 v2, v5  }
0x177: {  	v3 =	vmul.f32 v3, v2;
	v4 =	vmul.f32 v4, v2  }
0x178: {  	v1 =	vmul.f32 v1, v2;
	v0 =	vmul.f32 v0, v2;
	[tilespmem:s22+$0x70] =	vst v6  }
0x179: {  	[tilespmem:s22+$0x20] =	vst v3;
	v3 =	vmul.f32 v7, v2;
	v2 =	vmul.f32 v8, v2  }
0x17a: {  	[tilespmem:s22+$0x60] =	vst v0;
	v6 =	vld [tilespmem:s22+$0xA0]  }
0x17b: {  	[tilespmem:s22+$0x30] =	vst v3;
	v3 =	vld [tilespmem:s22+$0x80]  }
0x17c: {  	v0 =	vld [tilespmem:s15+$0x60];
	[tilespmem:s22+$0x40] =	vst v1  }
0x17d: {  	v1 =	vld [tilespmem:s15+$0x40];
	[tilespmem:s22+$0x50] =	vst v2  }
0x17e: {  	[tilespmem:s22+$0x0] =	vst v5;
	v2 =	vld [tilespmem:s22+$0xC0]  }
0x17f: {  	[tilespmem:s22+$0x10] =	vst v4;
	v4 =	vld [tilespmem:s22+$0xB0]  }
0x180: {  	v5 =	vld.msk [tilespmem:s30+$0x4603 ss:$0x0], $0xffff  }
0x181: {  	v7 =	vld [tilespmem:s22+$0x90]  }
0x182: {  	v8 =	vld [tilespmem:s22+$0xD0]  }
0x183: {  	v9 =	vld [tilespmem:s22+$0xE0]  }
0x184: {  	v10 =	vld [tilespmem:s22+$0xF0];
	_ =	sdelay $0x1  }
0x185: {  	v3 =	vmul.f32 v5, v3;
	v7 =	vmul.f32 v7, v5  }
0x186: {  	v6 =	vmul.f32 v6, v5;
	v4 =	vmul.f32 v4, v5  }
0x187: {  	v2 =	vmul.f32 v2, v5;
	[tilespmem:s22+$0x80] =	vst v3;
	v3 =	vmul.f32 v8, v5  }
0x188: {  	[tilespmem:s22+$0xA0] =	vst v6;
	v6 =	vmul.f32 v9, v5;
	v5 =	vmul.f32 v10, v5  }
0x189: {  	[tilespmem:s22+$0xB0] =	vst v4  }
0x18a: {  	[tilespmem:s22+$0xC0] =	vst v2  }
0x18b: {  	v2 =	vld [tilespmem:s15+$0xFFFFFF50];
	[tilespmem:s22+$0xD0] =	vst v3  }
0x18c: {  	v3 =	vld [tilespmem:s15+$0xFFFFFF30];
	[tilespmem:s22+$0x90] =	vst v7  }
0x18d: {  	v4 =	vld [tilespmem:s15+$0xFFFFFF60];
	[tilespmem:s22+$0xE0] =	vst v6  }
0x18e: {  	s30 =	sshra.s32 s21, $0x2;
	v6 =	vld [tilespmem:s15+$0xFFFFFF70];
	[tilespmem:s22+$0xF0] =	vst v5;
	s22 =	smov.u32 s15  }
0x18f: {  	v5 =	vld.msk [tilespmem:s30+$0x4600 ss:$0x0], $0xffff  }
0x190: {  	v7 =	vld [tilespmem:s15+$0xFFFFFF00]  }
0x191: {  	v8 =	vld [tilespmem:s15+$0xFFFFFF20]  }
0x192: {  	v9 =	vld [tilespmem:s15+$0xFFFFFF10]  }
0x193: {  	v10 =	vld [tilespmem:s15+$0xFFFFFF40];
	_ =	sdelay $0x1  }
0x194: {  	v6 =	vmul.f32 v6, v5;
	v7 =	vmul.f32 v5, v7  }
0x195: {  	v4 =	vmul.f32 v4, v5;
	v8 =	vmul.f32 v8, v5  }
0x196: {  	v3 =	vmul.f32 v3, v5;
	v9 =	vmul.f32 v9, v5;
	[tilespmem:s15+$0xFFFFFF70] =	vst v6  }
0x197: {  	v2 =	vmul.f32 v2, v5;
	[tilespmem:s15+$0xFFFFFF00] =	vst v7;
	v6 =	vmul.f32 v10, v5  }
0x198: {  	[tilespmem:s15+$0xFFFFFF20] =	vst v8  }
0x199: {  	[tilespmem:s15+$0xFFFFFF30] =	vst v3  }
0x19a: {  	[tilespmem:s15+$0xFFFFFF50] =	vst v2;
	v2 =	vld [tilespmem:s15+$0xFFFFFFF0]  }
0x19b: {  	[tilespmem:s15+$0xFFFFFF10] =	vst v9;
	v3 =	vld [tilespmem:s15+$0xFFFFFFC0]  }
0x19c: {  	[tilespmem:s15+$0xFFFFFF60] =	vst v4;
	v4 =	vld [tilespmem:s15+$0xFFFFFFE0]  }
0x19d: {  	[tilespmem:s15+$0xFFFFFF40] =	vst v6;
	v5 =	vld [tilespmem:s15+$0xFFFFFFD0]  }
0x19e: {  	v6 =	vld.msk [tilespmem:s30+$0x4601 ss:$0x0], $0xffff  }
0x19f: {  	v7 =	vld [tilespmem:s15+$0xFFFFFF90]  }
0x1a0: {  	v8 =	vld [tilespmem:s15+$0xFFFFFF80]  }
0x1a1: {  	v9 =	vld [tilespmem:s15+$0xFFFFFFB0]  }
0x1a2: {  	v10 =	vld [tilespmem:s15+$0xFFFFFFA0];
	_ =	sdelay $0x1  }
0x1a3: {  	v5 =	vmul.f32 v5, v6;
	v7 =	vmul.f32 v7, v6  }
0x1a4: {  	v4 =	vmul.f32 v4, v6;
	v8 =	vmul.f32 v6, v8  }
0x1a5: {  	v3 =	vmul.f32 v3, v6;
	v9 =	vmul.f32 v9, v6;
	[tilespmem:s15+$0xFFFFFFD0] =	vst v5  }
0x1a6: {  	v2 =	vmul.f32 v2, v6;
	v5 =	vmul.f32 v10, v6;
	[tilespmem:s15+$0xFFFFFFE0] =	vst v4  }
0x1a7: {  	[tilespmem:s15+$0xFFFFFF90] =	vst v7  }
0x1a8: {  	[tilespmem:s15+$0xFFFFFF80] =	vst v8  }
0x1a9: {  	[tilespmem:s15+$0xFFFFFFC0] =	vst v3  }
0x1aa: {  	[tilespmem:s15+$0xFFFFFFA0] =	vst v5  }
.Ltmp3:
0x1ab: {  	[tilespmem:s15+$0xFFFFFFF0] =	vst v2;
	v3 =	vld [tilespmem:s15+$0x20];
	(pc) =	sbr.rel @p1 .LBB2_5-.Ltmp3, $4  }
0x1ac: {  	[tilespmem:s15+$0xFFFFFFB0] =	vst v9;
	v6 =	vld [tilespmem:s15+$0x70]  }
0x1ad: {  	v2 =	vld.msk [tilespmem:s30+$0x4602 ss:$0x0], $0xffff  }
0x1ae: {  	v5 =	vld [tilespmem:s15+$0x0]  }
0x1af: {  	v4 =	vld [tilespmem:s15+$0x10]  }
0x1b0: {  	_ =	sdelay $0x1  }
0x1b1: {  	v6 =	vmul.f32 v6, v2  }
0x1b2: {  	v7 =	vld [tilespmem:s22+$0x30];
	v3 =	vmul.f32 v3, v2  }
0x1b3: {  	v8 =	vld [tilespmem:s22+$0x50];
	v0 =	vmul.f32 v0, v2;
	[tilespmem:s22+$0x70] =	vst v6  }
0x1b4: {  	v1 =	vmul.f32 v1, v2;
	[tilespmem:s22+$0x20] =	vst v3  }
0x1b5: {  	v51 =	vmul.f32 v2, v5;
	[tilespmem:s22+$0x60] =	vst v0  }
0x1b6: {  	[tilespmem:s22+$0x40] =	vst v1;
	v53 =	vmul.f32 v4, v2  }
0x1b7: {  	v49 =	vmul.f32 v7, v2;
	[tilespmem:s22+$0x0] =	vst v51  }
0x1b8: {  	v50 =	vmul.f32 v8, v2;
	[tilespmem:s22+$0x10] =	vst v53  }
0x1b9: {  	[tilespmem:s22+$0x30] =	vst v49  }
0x1ba: {  	v52 =	vld [tilespmem:s22+$0x80];
	[tilespmem:s22+$0x50] =	vst v50  }
0x1bb: {  	v0 =	vld.msk [tilespmem:s30+$0x4603 ss:$0x0], $0xffff  }
0x1bc: {  	v54 =	vld [tilespmem:s22+$0xA0]  }
0x1bd: {  	v55 =	vld [tilespmem:s22+$0xB0]  }
0x1be: {  	v56 =	vld [tilespmem:s22+$0xC0]  }
0x1bf: {  	v57 =	vld [tilespmem:s22+$0xD0]  }
0x1c0: {  	v58 =	vld [tilespmem:s22+$0x90];
	v5 =	vmul.f32 v0, v52  }
0x1c1: {  	v59 =	vld [tilespmem:s22+$0xE0];
	v1 =	vmul.f32 v54, v0  }
0x1c2: {  	v60 =	vld [tilespmem:s22+$0xF0];
	v2 =	vmul.f32 v55, v0;
	[tilespmem:s22+$0x80] =	vst v5  }
0x1c3: {  	v3 =	vmul.f32 v56, v0;
	[tilespmem:s22+$0xA0] =	vst v1  }
0x1c4: {  	v61 =	vmul.f32 v57, v0;
	[tilespmem:s22+$0xB0] =	vst v2  }
0x1c5: {  	v62 =	vmul.f32 v58, v0;
	[tilespmem:s22+$0xC0] =	vst v3  }
0x1c6: {  	v63 =	vmul.f32 v59, v0;
	[tilespmem:s22+$0xD0] =	vst v61  }
0x1c7: {  	v0 =	vmul.f32 v60, v0;
	[tilespmem:s22+$0x90] =	vst v62  }
0x1c8: {  	[tilespmem:s22+$0xE0] =	vst v63  }
0x1c9: {  	s10 =	simm.s32 $0x4580;
	[tilespmem:s22+$0xF0] =	vst v0  }
0x1ca: {  	[spmem:s2] =	stream.indirect.scatter.add.f32 [tilespmem:s10], [sflag:$0xA], $0x1, s0, s25, $0xb8;
	[tilespmem:$0x1C980] =	vst v63  }
.Ltmp4:
0x1cb: {  	_ = 	snop;
	(pc) =	sbr.rel @p0 .LBB2_8-.Ltmp4, $4  }
0x1cc: {  	[spmem:s1] =	stream.indirect.scatter.add.f32 [tilespmem:s29], [sflag:$0xB], $0x80, s0, s25, $0xb8;
	[tilespmem:$0x1C980] =	vst v63  }
0x1cd: {  	_ =	swait.ge [sflag:s24], $0x4000  }
0x1ce: {  	[sflag:s24] =	ssyncset.done $0x0  }
0x1cf: {  	[sflag:s24] =	ssyncadd.s32 $0xFFFFC000  }
0x1d0: {  	_ =	swait.ge [sflag:s23], $0x80;
	s10 =	sadd.s32 s12, s20  }
.Ltmp5:
0x1d1: {  	[sflag:s23] =	ssyncset.done $0x0;
	s10 =	sshrl.u32 s10, $0x3;
	(pc) =	sbr.rel .LBB2_2-.Ltmp5, $4  }
0x1d2: {  	[sflag:s23] =	ssyncadd.s32 $0xFFFFFF80;
	s30 =	sadd.s32 s5, s10  }
0x1d3: {  	[tilespmem:s31], [sflag:$0x8] =	stream.linear.gather [hbm4b:s30+s3], $0x80, $0x38;
	[tilespmem:$0x1C980] =	vst v63  }
0x1d4: {  	s26 =	sadd.s32 $0x1, s26;
	s10 =	sadd.s32 s6, s10  }
0x1d5: {  	[tilespmem:s0], [sflag:$0x8] =	stream.linear.gather [hbm4b:s10+s3], $0x80, $0x38;
	[tilespmem:$0x1C980] =	vst v63  }
.LBB2_9:
0x1d6: {  	_ =	sfence.sel $0x180000  }
0x1d7: {  	[bflag:$0x0] =	sbarrier.arrive $0xFFFF  }
0x1d8: {  	_ =	strace $0x9000004A  }
0x1d9: {  	s0 =	stileid.u32;
	[bflag:$0x2] =	sbarrier.arrive $0xFFFF  }
0x1da: {  	p0 =	sne.s32 s0, $0x0;
	s0 =	rddreg [dreg:$0x3]  }
0x1db: {  	s0 =	sadd.s32 @!p0 $0x100000, s0  }
0x1dc: {  	[sflag:s0] =	ssyncadd.tile.s32 @!p0 $0x1;
	_ =	shalt  }
.Lfunc_end2:
_tile_overlayer_lowered:
.L_overlay_start_2:
0x1dd: {  	(tag) =	ssettag $0x2  }
0x1de: {  	s0 =	rddreg [dreg:$0x0];
	s2 =	stileid.u32  }
0x1df: {  	s1 =	rddreg [dreg:$0x1];
	p0 =	sne.s32 s2, $0x0  }
0x1e0: {  	s3 =	rddreg [dreg:$0x2];
	[bflag:$0x3] =	sbarrier.arrive $0xFFFF;
	s2 =	simm.s32 @!p0 $0x1C0B  }
0x1e1: {  	[timem:s3], [sflag:s2] =	dma.local @!p0 [hbm:s0], s1  }
0x1e2: {  	s0 =	simm.s32 @!p0 $0xB  }
0x1e3: {  	_ =	swait.ge @!p0 [sflag:s0], s1  }
0x1e4: {  	s1 =	ssub.s32 @!p0 $0x0, s1;
	[sflag:s0] =	ssyncset.done @!p0 $0x0  }
0x1e5: {  	[sflag:s0] =	ssyncadd.s32 @!p0 s1  }
0x1e6: {  	[bflag:$0x3] =	sbarrier.arrive $0xFFFF  }
0x1e7: {  	_ =	shalt  }

// kernel: kernel.14.cloned.1.call-start
scs
__scs_entry_jumppad:
0x0: {  	(pc) =	sbr.rel $0x88, $3  }
0x1: {  	(tag) =	ssettag $0x0;
	lr =	simm.s32 $0x1  }
0x2: {  	[smem:$0x3F89] =	sst lr;
	_ =	strace $0xD0000000  }
0x3: {  	_ = 	snop  }
0x4: {  	_ = 	snop  }
0x5: {  	_ = 	snop  }
0x6: {  	_ = 	snop  }
0x7: {  	_ = 	snop  }
__scs_overlays_trampoline_lowered:
0x8: {  	[smem:$0x3F98] =	sst s0  }
0x9: {  	[smem:$0x3F99] =	sst s1  }
0xa: {  	[smem:$0x3F9A] =	sst s2  }
0xb: {  	[smem:$0x3F9B] =	sst s3  }
0xc: {  	[smem:$0x3F9C] =	sst s4  }
0xd: {  	[smem:$0x3F9D] =	sst s5  }
0xe: {  	[smem:$0x3F9E] =	sst s6  }
0xf: {  	[smem:$0x3F9F] =	sst s7  }
0x10: {  	[smem:$0x3FA0] =	sst s8  }
0x11: {  	[smem:$0x3FA1] =	sst s9;
	s0 =	simm.s32 @!p0 $0x0  }
0x12: {  	s1 =	sld [smem:$0x3F87];
	s0 =	simm.s32 @p0 $0x1  }
0x13: {  	[smem:$0x3FA2] =	sst s0;
	s0 =	simm.s32 @!p1 $0x0  }
0x14: {  	s2 =	sld [smem:$0x3F86];
	s0 =	simm.s32 @p1 $0x1  }
0x15: {  	[smem:$0x3FA3] =	sst s0;
	s0 =	simm.s32 @!p2 $0x0  }
0x16: {  	s3 =	sld [smem:$0x3FDB];
	s0 =	simm.s32 @p2 $0x1  }
0x17: {  	s4 =	simm.s32 $0x1BF5;
	[smem:$0x3FA5] =	sst s0  }
0x18: {  	s0 =	sld [smem:$0x3F88];
	_ =	swait.ge [sflag:s4], $0x0  }
0x19: {  	s7 =	sld [smem:$0x3F89]  }
0x1a: {  	s8 =	sadd.s32 $0xFFFFE003, lr  }
0x1b: {  	s9 =	sadd.s32 $0xFFFFFEF7, lr;
	s5 =	simm.s32 $0xFFFFFFFF;
	p2 =	slt.u32 s8, $0xFFFFF086  }
0x1c: {  	p1 =	slt.u32 s9, $0xF7A;
	s5 =	simm.s32 @!p2 $0x0  }
0x1d: {  	s5 =	simm.s32 @p1 $0x1;
	p0 =	seq.s32 s7, s2  }
0x1e: {  	s7 =	smul.u32 @!p0 $0xF7A, s2;
	p2 =	seq.s32 @!p0 s5, $0x0  }
0x1f: {  	s9 =	smul.u32 $0xF7A, s1;
	s8 =	simm.s32 @!p0 $0x1BF5;
	p2 =	por !p2, p0  }
0x20: {  	[sflag:s8] =	ssyncset.s32 @!p0 $0xFFFFF086;
	s6 =	sadd.s32 @!p0 s3, s7;
	s7 =	simm.s32 @!p0 $0x108  }
0x21: {  	s3 =	sadd.s32 s3, s9;
	s6 =	sadd.s32 @!p0 $0x88, s6;
	s7 =	simm.s32 @p2 $0x1082  }
0x22: {  	[simem:s7], [sflag:s8] =	dma.local @!p0 [hbm:s6], $0xF7A  }
0x23: {  	s9 =	sor.u32 $0xD0000000, s2;
	s6 =	simm.s32 $0x108;
	_ =	swait.ge @!p0 [sflag:s8], $0x0  }
0x24: {  	s3 =	sadd.s32 $0x88, s3;
	s6 =	simm.s32 @!p1 $0x1082;
	[sflag:s4] =	ssyncset.s32 $0xFFFFF086  }
0x25: {  	[simem:s6], [sflag:s4] =	dma.local [hbm:s3], $0xF7A  }
0x26: {  	[smem:$0x3F89] =	sst s1;
	(tag) =	ssettag s2;
	_ =	strace s9  }
0x27: {  	s1 =	sld [smem:$0x3F99]  }
0x28: {  	s2 =	sld [smem:$0x3F9A]  }
0x29: {  	s4 =	sld [smem:$0x3F9C]  }
0x2a: {  	p0 =	seq.s32 s5, $0x0;
	s5 =	sld [smem:$0x3F9D]  }
0x2b: {  	s6 =	sld [smem:$0x3F9E]  }
0x2c: {  	s7 =	sld [smem:$0x3F9F]  }
0x2d: {  	s3 =	simm.s32 $0x108;
	s8 =	sld [smem:$0x3FA0]  }
0x2e: {  	s3 =	simm.s32 @!p0 $0x1082;
	s9 =	sld [smem:$0x3FA1]  }
0x2f: {  	lr =	sadd.s32 s0, s3;
	s0 =	sld [smem:$0x3F98]  }
0x30: {  	s3 =	sld [smem:$0x3F9B]  }
0x31: {  	[smem:$0x3FA4] =	sst s10  }
0x32: {  	s10 =	sld [smem:$0x3FA2];
	_ =	sdelay $0x3  }
0x33: {  	p0 =	seq.s32 s10, $0x1;
	s10 =	sld [smem:$0x3FA4];
	_ =	sdelay $0x3  }
0x34: {  	[smem:$0x3FA4] =	sst s10  }
0x35: {  	s10 =	sld [smem:$0x3FA3];
	_ =	sdelay $0x3  }
0x36: {  	p1 =	seq.s32 s10, $0x1;
	s10 =	sld [smem:$0x3FA4];
	_ =	sdelay $0x3  }
0x37: {  	[smem:$0x3FA4] =	sst s10  }
0x38: {  	s10 =	sld [smem:$0x3FA5]  }
0x39: {  	_ = 	snop;
	(pc) =	sbr.ind lr, $3  }
0x3a: {  	_ = 	snop  }
0x3b: {  	_ = 	snop  }
0x3c: {  	p2 =	seq.s32 s10, $0x1;
	s10 =	sld [smem:$0x3FA4]  }
0x3d: {  	_ =	shalt  }
0x3e: {  	_ =	shalt  }
0x3f: {  	_ =	shalt  }
0x40: {  	_ =	shalt  }
0x41: {  	_ =	shalt  }
0x42: {  	_ =	shalt  }
0x43: {  	_ =	shalt  }
0x44: {  	_ =	shalt  }
0x45: {  	_ =	shalt  }
0x46: {  	_ =	shalt  }
0x47: {  	_ =	shalt  }
0x48: {  	_ =	shalt  }
0x49: {  	_ =	shalt  }
0x4a: {  	_ =	shalt  }
0x4b: {  	_ =	shalt  }
0x4c: {  	_ =	shalt  }
0x4d: {  	_ =	shalt  }
0x4e: {  	_ =	shalt  }
0x4f: {  	_ =	shalt  }
0x50: {  	_ =	shalt  }
0x51: {  	_ =	shalt  }
0x52: {  	_ =	shalt  }
0x53: {  	_ =	shalt  }
0x54: {  	_ =	shalt  }
0x55: {  	_ =	shalt  }
0x56: {  	_ =	shalt  }
0x57: {  	_ =	shalt  }
0x58: {  	_ =	shalt  }
0x59: {  	_ =	shalt  }
0x5a: {  	_ =	shalt  }
0x5b: {  	_ =	shalt  }
0x5c: {  	_ =	shalt  }
0x5d: {  	_ =	shalt  }
0x5e: {  	_ =	shalt  }
0x5f: {  	_ =	shalt  }
0x60: {  	_ =	shalt  }
0x61: {  	_ =	shalt  }
0x62: {  	_ =	shalt  }
0x63: {  	_ =	shalt  }
0x64: {  	_ =	shalt  }
0x65: {  	_ =	shalt  }
0x66: {  	_ =	shalt  }
0x67: {  	_ =	shalt  }
0x68: {  	_ =	shalt  }
0x69: {  	_ =	shalt  }
0x6a: {  	_ =	shalt  }
0x6b: {  	_ =	shalt  }
0x6c: {  	_ =	shalt  }
0x6d: {  	_ =	shalt  }
0x6e: {  	_ =	shalt  }
0x6f: {  	_ =	shalt  }
0x70: {  	_ =	shalt  }
0x71: {  	_ =	shalt  }
0x72: {  	_ =	shalt  }
0x73: {  	_ =	shalt  }
0x74: {  	_ =	shalt  }
0x75: {  	_ =	shalt  }
0x76: {  	_ =	shalt  }
0x77: {  	_ =	shalt  }
0x78: {  	_ =	shalt  }
0x79: {  	_ =	shalt  }
0x7a: {  	_ =	shalt  }
0x7b: {  	_ =	shalt  }
0x7c: {  	_ =	shalt  }
0x7d: {  	_ =	shalt  }
0x7e: {  	_ =	shalt  }
0x7f: {  	_ =	shalt  }
0x80: {  	_ =	shalt  }
0x81: {  	_ =	shalt  }
0x82: {  	_ =	shalt  }
0x83: {  	_ =	shalt  }
0x84: {  	_ =	shalt  }
0x85: {  	_ =	shalt  }
0x86: {  	_ =	shalt  }
0x87: {  	_ =	shalt  }
.Lfunc_end0:
.L_simem_size_0:
called_computation.2_lowered:
.L_overlay_start_0:
0x88: {  	s2 =	sld [smem:$0x3FD9]  }
0x89: {  	s3 =	sld [smem:$0x3FFE];
	_ =	sdelay $0x1  }
0x8a: {  	s1 =	srdreg.scid  }
0x8b: {  	s0 =	sand.u32 $0x1, s1  }
0x8c: {  	s14 =	sshll.u32 s0, $0xA;
	s2 =	sadd.s32 s3, s2  }
0x8d: {  	s2 =	sadd.s32 s2, s14  }
0x8e: {  	[smem:$0x3FB0] =	sst s2  }
0x8f: {  	_ = 	snop  }
0x90: {  	s2 =	sld [smem:$0x3FD0];
	_ =	sdelay $0x2  }
0x91: {  	s15 =	simm.s32 $0xA;
	s4 =	simm.s32 $0x10  }
0x92: {  	[smem:s4], [sflag:s15] =	dma.local [hbm:s2], $0x1  }
0x93: {  	_ =	swait.eq [sflag:s15], $0x1  }
0x94: {  	[sflag:s15] =	ssyncset.done $0x0  }
0x95: {  	[sflag:s15] =	ssyncadd.s32 $0xFFFFFFFF  }
0x96: {  	s16 =	sld [smem:$0x10];
	(tm) =	ssettm $0x1  }
0x97: {  	s17 =	sld [smem:$0x3FFB];
	_ =	sdelay $0x3  }
0x98: {  	_ =	strace s17  }
0x99: {  	s3 =	sld [smem:$0x3FFC];
	_ =	sdelay $0x3  }
0x9a: {  	_ =	strace s3  }
0x9b: {  	s3 =	sld [smem:$0x3FFD];
	_ =	sdelay $0x3  }
0x9c: {  	_ =	strace s3  }
0x9d: {  	_ =	strace $0x8FFFFFFF  }
0x9e: {  	s18 =	sld [smem:$0x3FDB];
	_ =	sdelay $0x1  }
0x9f: {  	s19 =	simm.s32 $_scs_section_size  }
0xa0: {  	s5 =	simm.s32 $_size__tile_overlayer_lowered;
	s6 =	simm.s32 $_tile_overlayer_lowered  }
0xa1: {  	s22 =	simm.s32 $0x1BFF;
	s21 =	sshll.u32 s6, $0x1;
	s3 =	sadd.s32 s19, s18  }
0xa2: {  	s7 =	simm.s32 $0x0;
	s20 =	sshll.u32 s5, $0x1;
	s5 =	sadd.s32 s21, s3  }
0xa3: {  	[timem:s7], [sflag:s22] =	dma.local [hbm:s5], s20  }
0xa4: {  	_ =	swait.ge [sflag:s22], s20  }
0xa5: {  	s4 =	ssub.s32 $0x0, s20;
	[sflag:s22] =	ssyncset.done $0x0  }
0xa6: {  	[sflag:s22] =	ssyncadd.s32 s4;
	_ =	sdelay $0x1  }
0xa7: {  	s23 =	simm.s32 $0x1B8B  }
0xa8: {  	_ =	swait.ge [sflag:s23], $0x1  }
0xa9: {  	[sflag:s23] =	ssyncset.done $0x0  }
0xaa: {  	s25 =	simm.s32 $0x1B8E;
	s24 =	sld [smem:$0x3FFE];
	[sflag:s23] =	ssyncadd.s32 $0xFFFFFFFF  }
0xab: {  	s26 =	simm.s32 $execute0_lowered;
	[smem:$0x3FD2] =	sst s25  }
0xac: {  	s5 =	sshll.u32 s26, $0x1;
	_ =	strace $0x8000004C;
	[dreg:$0x1] =	wrdreg $0xFFFFFFFF  }
0xad: {  	s28 =	simm.s32 $_size_execute0_lowered;
	s3 =	sadd.s32 s3, s5;
	[dreg:$0x0] =	wrdreg $0x0  }
0xae: {  	s5 =	sshll.u32 s28, $0x1;
	[dreg:$0x2] =	wrdreg s3  }
0xaf: {  	[dreg:$0x3] =	wrdreg s5  }
0xb0: {  	[dreg:$0x4] =	wrdreg $0xC0  }
0xb1: {  	_ =	task [dreg:s7], $0x5FFFF  }
0xb2: {  	[dreg:$0x1] =	wrdreg $0xFFFFFFFF  }
0xb3: {  	[dreg:$0x0] =	wrdreg $0x60  }
0xb4: {  	[dreg:$0x2] =	wrdreg s24  }
0xb5: {  	[dreg:$0x3] =	wrdreg s16  }
0xb6: {  	[dreg:$0x4] =	wrdreg $0x87000  }
0xb7: {  	[dreg:$0x5] =	wrdreg $0x1C7000  }
0xb8: {  	[dreg:$0x6] =	wrdreg $0x9  }
0xb9: {  	_ =	task.clear_ibuf [dreg:s7], $0x7FFFF;
	_ =	strace $0x9000004C  }
0xba: {  	s29 =	simm.s32 $0x9;
	_ =	strace $0x8000004E  }
0xbb: {  	_ =	swait.ge [sflag:s29], $0x1  }
0xbc: {  	[sflag:s29] =	ssyncadd.s32 $0xFFFFFFFF  }
0xbd: {  	_ =	strace $0x9000004E  }
0xbe: {  	_ =	sfence  }
0xbf: {  	s30 =	sld [smem:$0x0];
	_ =	sdelay $0x2  }
0xc0: {  	s31 =	sshll.u32 s1, $0xD;
	s1 =	sshrl.u32 s1, $0x2  }
0xc1: {  	s3 =	sand.u32 $0x4000, s31;
	s1 =	sadd.s32 s1, s30  }
0xc2: {  	s0 =	sor.u32 s3, s0;
	s1 =	sshll.u32 s1, $0x11  }
0xc3: {  	s0 =	sor.u32 s1, s0  }
0xc4: {  	s0 =	sadd.s32 $0x8F2B, s0  }
0xc5: {  	[sflag:s0] =	ssyncadd.remote.s32 $0x1  }
0xc6: {  	_ =	sfence.sel $0xFFFF  }
0xc7: {  	[dreg:$0x0] =	wrdreg $0xFFFFFFFF;
	(pc) =	sbr.abs _section_cstart, $3  }
0xc8: {  	[dreg:$0x1] =	wrdreg $0xFFFFFFFF  }
0xc9: {  	_ =	task.clear_ibuf [dreg:s7], $0x2FFFF;
	_ =	strace $0x9FFFFFFF  }
0xca: {  	(tm) =	ssettm $0x7FFFFFFF  }
0xcb: {  	_ =	shalt  }
tec
execute0_lowered:
.L_overlay_start_1:
0x0: {  	(tag) =	ssettag $0x1  }
0x1: {  	s0 =	rddreg [dreg:$0x0]  }
0x2: {  	s3 =	rddreg [dreg:$0x1]  }
0x3: {  	s1 =	rddreg [dreg:$0x2]  }
0x4: {  	s2 =	rddreg [dreg:$0x3];
	s4 =	simm.s32 $0x0  }
0x5: {  	s22 =	stileid.u32;
	s7 =	srdreg.scid;
	s28 =	simm.s32 $0x480  }
0x6: {  	s31 =	simm.s32 $0x100;
	s29 =	simm.s32 $0x4700;
	[smem:$0x7FF] =	sst s4  }
0x7: {  	s5 =	sadd.s32 $0x2B200, s0;
	s6 =	sadd.s32 $0x35200, s0;
	s10 =	smul.u32 $0x2800, s22  }
0x8: {  	s11 =	sadd.s32 $0x181600, s0;
	s12 =	smul.u32 $0x280, s22;
	s13 =	sand.u32 $0x1, s7  }
0x9: {  	s14 =	sadd.s32 $0x3200, s0;
	s7 =	sadd.s32 $0x181C00, s0;
	s8 =	sadd.s32 $0x109000, s0  }
0xa: {  	s16 =	sadd.s32 $0x182200, s0;
	s9 =	sadd.s32 $0x181000, s0;
	s20 =	smul.u32 $0x50000, s22  }
0xb: {  	s21 =	smul.u32 $0x5000, s22;
	s25 =	sshll.u32 s22, $0x6;
	_ =	strace $0x8000004D  }
0xc: {  	s15 =	smul.u32 $0x2800, s13;
	s19 =	ssub.s32 $0x2, s13;
	p0 =	seq.s32 s13, $0x0  }
0xd: {  	s13 =	simm.s32 $0x3;
	s10 =	sadd.s32 s10, s0;
	s17 =	sshrl.u32 s12, $0x3  }
0xe: {  	s23 =	sshrl.u32 s19, $0x1;
	s24 =	sshrl.u32 s20, $0x2;
	s26 =	sadd.s32 s12, s2  }
0xf: {  	s30 =	sshrl.u32 s21, $0x3;
	s8 =	smov.u32 @p0 s14;
	s7 =	smov.u32 @p0 s11  }
0x10: {  	s9 =	smov.u32 @p0 s16;
	s11 =	simm.s32 $0x2;
	s14 =	simm.s32 $0x1  }
0x11: {  	s16 =	simm.s32 $0x5;
	s15 =	sadd.s32 s12, s15;
	s17 =	sadd.s32 s17, s0  }
0x12: {  	s10 =	sadd.s32 $0xE0A00, s10;
	[dreg:$0x8] =	wrdreg s26;
	s22 =	sadd.s32 s5, s30  }
0x13: {  	s12 =	simm.s32 $0x0;
	s18 =	sshll.u32 s15, $0x4;
	[dreg:$0x6] =	wrdreg s10  }
0x14: {  	s20 =	sadd.s32 $0x108A00, s17;
	[dreg:$0xa] =	wrdreg s22;
	s10 =	sor.u32 $0x10, s30  }
0x15: {  	s17 =	simm.s32 $0x6;
	s0 =	sadd.s32 s18, s0;
	s18 =	ssub.s32 s19, s23  }
0x16: {  	s19 =	sadd.s32 s24, s1;
	[dreg:$0x9] =	wrdreg s20;
	s23 =	sadd.s32 s6, s30  }
0x17: {  	s24 =	sshrl.u32 s15, $0x3;
	s26 =	sadd.s32 s6, s10;
	[dreg:$0x5] =	wrdreg s19  }
0x18: {  	s20 =	sor.u32 $0x100, s21;
	s21 =	sor.u32 $0x180, s21;
	[dreg:$0xb] =	wrdreg s23  }
0x19: {  	s19 =	sor.u32 $0x1C0B, s25;
	s3 =	sadd.s32 s3, s24;
	[dreg:$0xe] =	wrdreg s26  }
.Ltmp0:
0x1a: {  	s25 =	sadd.s32 s5, s10;
	[dreg:$0xc] =	wrdreg s3;
	(pc) =	sbr.rel .LBB2_1-.Ltmp0, $4  }
0x1b: {  	s0 =	sadd.s32 $0x3F200, s0;
	s30 =	smax.u32 s18, $0x1;
	[dreg:$0xd] =	wrdreg s25  }
0x1c: {  	s24 =	simm.s32 $0xB;
	s18 =	simm.s32 $0x4;
	[dreg:$0xf] =	wrdreg s0  }
0x1d: {  	s23 =	simm.s32 $0xA;
	[dreg:$0x10] =	wrdreg s30;
	s25 =	simm.s32 $0x80  }
0x1e: {  	s0 =	simm.s32 $0x180;
	s3 =	simm.s32 $0x8;
	[dreg:$0x7] =	wrdreg s19  }
.LBB2_8:
0x1f: {  	s10 =	simm.s32 $0x9  }
0x20: {  	_ =	swait.ge [sflag:s10], $0x80  }
0x21: {  	[sflag:s10] =	ssyncset.done $0x0  }
0x22: {  	[sflag:s10] =	ssyncadd.s32 $0xFFFFFF80  }
0x23: {  	_ =	swait.ge [sflag:s23], $0x80  }
0x24: {  	[sflag:s23] =	ssyncset.done $0x0  }
0x25: {  	[sflag:s23] =	ssyncadd.s32 $0xFFFFFF80  }
0x26: {  	[bflag:$0x0] =	sbarrier.arrive $0xFFFF  }
0x27: {  	s19 =	rddreg [dreg:$0x7]  }
0x28: {  	s30 =	rddreg [dreg:$0xf]  }
0x29: {  	s12 =	rddreg [dreg:$0x12]  }
0x2a: {  	[hbm:s30], [sflag:s19] =	dma.local [spmem:s12], $0x2800  }
0x2b: {  	_ =	swait.ge [sflag:s24], $0x2800  }
0x2c: {  	[sflag:s24] =	ssyncset.done $0x0;
	s15 =	rddreg [dreg:$0xc]  }
0x2d: {  	s22 =	rddreg [dreg:$0x13];
	[sflag:s24] =	ssyncadd.s32 $0xFFFFD800  }
0x2e: {  	[hbm:s15], [sflag:s19] =	dma.local [spmem:s22], $0x50  }
0x2f: {  	_ =	swait.ge [sflag:s24], $0x50  }
0x30: {  	s26 =	rddreg [dreg:$0x11]  }
0x31: {  	s30 =	rddreg [dreg:$0x10];
	s12 =	sadd.s32 $0x1, s26  }
0x32: {  	p0 =	sne.s32 s12, s30  }
.Ltmp1:
0x33: {  	_ = 	snop;
	(pc) =	sbr.rel @!p0 .LBB2_9-.Ltmp1, $3  }
0x34: {  	_ =	sdelay $0x1  }
0x35: {  	[sflag:s24] =	ssyncset.done $0x0  }
0x36: {  	[sflag:s24] =	ssyncadd.s32 $0xFFFFFFB0  }
.LBB2_1:
0x37: {  	[dreg:$0x11] =	wrdreg s12  }
0x38: {  	s10 =	rddreg [dreg:$0x5]  }
0x39: {  	s30 =	rddreg [dreg:$0x6];
	s26 =	sshrl.u32 s10, $0x3  }
0x3a: {  	[dreg:$0x12] =	wrdreg s26  }
0x3b: {  	[spmem:s26], [sflag:s19] =	dma.local [hbm:s30], $0x2800  }
0x3c: {  	_ =	swait.ge [sflag:s24], $0x2800  }
0x3d: {  	s15 =	rddreg [dreg:$0x8]  }
0x3e: {  	[sflag:s24] =	ssyncset.done $0x0;
	s26 =	rddreg [dreg:$0x9];
	s22 =	sshrl.u32 s15, $0x3  }
0x3f: {  	[sflag:s24] =	ssyncadd.s32 $0xFFFFD800;
	[dreg:$0x13] =	wrdreg s22  }
0x40: {  	[spmem:s22], [sflag:s19] =	dma.local [hbm:s26], $0x50  }
0x41: {  	_ =	swait.ge [sflag:s24], $0x50  }
0x42: {  	[sflag:s24] =	ssyncset.done $0x0  }
0x43: {  	[sflag:s24] =	ssyncadd.s32 $0xFFFFFFB0  }
0x44: {  	[bflag:$0x0] =	sbarrier.arrive $0xFFFF  }
0x45: {  	s30 =	rddreg [dreg:$0xa]  }
0x46: {  	[tilespmem:s4], [sflag:$0x7] =	stream.linear.gather [hbm4b:s30+s4], $0x80, $0x38;
	[tilespmem:$0x1C980] =	vst v63  }
0x47: {  	s15 =	simm.s32 $0x7;
	s12 =	rddreg [dreg:$0xb]  }
0x48: {  	[tilespmem:s25], [sflag:$0x7] =	stream.linear.gather [hbm4b:s12+s4], $0x80, $0x38;
	[tilespmem:$0x1C980] =	vst v63  }
0x49: {  	_ =	swait.ge [sflag:s15], $0x80  }
0x4a: {  	[sflag:s15] =	ssyncset.done $0x0  }
0x4b: {  	[sflag:s15] =	ssyncadd.s32 $0xFFFFFF80  }
0x4c: {  	_ =	swait.ge [sflag:s15], $0x80  }
0x4d: {  	[sflag:s15] =	ssyncset.done $0x0  }
0x4e: {  	[sflag:s15] =	ssyncadd.s32 $0xFFFFFF80  }
0x4f: {  	[tilespmem:s28], [sflag:$0x1] =	stream.indirect.gather [hbm4b:s8+s25], $0x80, s4, s25, $0xb8;
	[tilespmem:$0x1C980] =	vst v63  }
0x50: {  	s19 =	simm.s32 $0x200  }
0x51: {  	[tilespmem:s19], [sflag:$0x2] =	stream.indirect.gather [hbm4b:s7+s25], $0x1, s4, s25, $0xb8;
	[tilespmem:$0x1C980] =	vst v63  }
0x52: {  	s22 =	simm.s32 $0x280  }
0x53: {  	[tilespmem:s22], [sflag:$0x3] =	stream.indirect.gather [hbm4b:s9+s25], $0x1, s25, s25, $0xb8;
	[tilespmem:$0x1C980] =	vst v63  }
0x54: {  	s26 =	rddreg [dreg:$0xd]  }
0x55: {  	[tilespmem:s31], [sflag:$0x8] =	stream.linear.gather [hbm4b:s26+s4], $0x80, $0x38;
	[tilespmem:$0x1C980] =	vst v63  }
0x56: {  	s30 =	rddreg [dreg:$0xe];
	s26 =	simm.s32 $0x0  }
0x57: {  	[tilespmem:s0], [sflag:$0x8] =	stream.linear.gather [hbm4b:s30+s4], $0x80, $0x38;
	[tilespmem:$0x1C980] =	vst v63  }
.LBB2_2:
0x58: {  	_ =	swait.ge [sflag:s3], $0x80  }
0x59: {  	[sflag:s3] =	ssyncset.done $0x0  }
0x5a: {  	[sflag:s3] =	ssyncadd.s32 $0xFFFFFF80  }
0x5b: {  	_ =	swait.ge [sflag:s3], $0x80  }
0x5c: {  	[sflag:s3] =	ssyncset.done $0x0  }
0x5d: {  	[sflag:s3] =	ssyncadd.s32 $0xFFFFFF80  }
0x5e: {  	[tilespmem:s29], [sflag:$0x4] =	stream.indirect.gather [hbm4b:s8+s25], $0x80, s31, s25, $0xb8;
	[tilespmem:$0x1C980] =	vst v63  }
0x5f: {  	s10 =	simm.s32 $0x4480  }
0x60: {  	[tilespmem:s10], [sflag:$0x5] =	stream.indirect.gather [hbm4b:s7+s25], $0x1, s31, s25, $0xb8;
	[tilespmem:$0x1C980] =	vst v63  }
0x61: {  	s22 =	simm.s32 $0x4500  }
0x62: {  	[tilespmem:s22], [sflag:$0x6] =	stream.indirect.gather [hbm4b:s9+s25], $0x1, s0, s25, $0xb8;
	[tilespmem:$0x1C980] =	vst v63  }
0x63: {  	_ =	swait.ge [sflag:s11], $0x80  }
0x64: {  	[sflag:s11] =	ssyncset.done $0x0  }
0x65: {  	[sflag:s11] =	ssyncadd.s32 $0xFFFFFF80  }
0x66: {  	_ =	swait.ge [sflag:s13], $0x80  }
0x67: {  	[sflag:s13] =	ssyncset.done $0x0  }
0x68: {  	[sflag:s13] =	ssyncadd.s32 $0xFFFFFF80  }
0x69: {  	v0 =	vld [tilespmem:$0x200]  }
0x6a: {  	v1 =	vld [tilespmem:$0x280]  }
0x6b: {  	v2 =	vld [tilespmem:$0x210]  }
0x6c: {  	v3 =	vld [tilespmem:$0x290]  }
0x6d: {  	v4 =	vld [tilespmem:$0x220]  }
0x6e: {  	v5 =	vld [tilespmem:$0x2A0]  }
0x6f: {  	v6 =	vld [tilespmem:$0x2B0];
	v0 =	vadd.f32 v1, v0  }
0x70: {  	v1 =	vld [tilespmem:$0x230]  }
0x71: {  	v8 =	vld [tilespmem:$0x2C0];
	v2 =	vadd.f32 v3, v2;
	v7 =	vmul.f32 $2.000000030e-01, v0  }
0x72: {  	v3 =	vld [tilespmem:$0x240];
	vm0 =	vgt.f32 v0, $0.0e+00  }
0x73: {  	v9 =	vld [tilespmem:$0x2D0];
	v4 =	vadd.f32 v5, v4;
	v0 =	vsel vm0, v0, v7;
	v7 =	vmul.f32 $2.000000030e-01, v2  }
0x74: {  	v5 =	vld [tilespmem:$0x250];
	vm9 =	vgt.f32 v2, $0.0e+00;
	v0 =	vmul.f32 $1.442695020e+00, v0  }
0x75: {  	v1 =	vadd.f32 v6, v1;
	v6 =	vld [tilespmem:$0x260];
	v2 =	vsel vm9, v2, v7;
	v7 =	vmul.f32 $2.000000030e-01, v4  }
0x76: {  	vm10 =	vgt.f32 v4, $0.0e+00;
	(erf) = vpow2.f32 v0;
	v0 =	vmul.f32 $1.442695020e+00, v2;
	v2 =	vld [tilespmem:$0x2E0]  }
0x77: {  	v3 =	vadd.f32 v8, v3;
	v8 =	vld [tilespmem:$0x270];
	v4 =	vsel vm10, v4, v7;
	v7 =	vmul.f32 $2.000000030e-01, v1  }
0x78: {  	vm11 =	vgt.f32 v1, $0.0e+00;
	(erf) = vpow2.f32 v0;
	v0 =	vmul.f32 $1.442695020e+00, v4;
	v4 =	vld [tilespmem:$0x2F0]  }
0x79: {  	v5 =	vadd.f32 v9, v5;
	v1 =	vsel vm11, v1, v7;
	v7 =	vmul.f32 $2.000000030e-01, v3  }
0x7a: {  	vm12 =	vgt.f32 v3, $0.0e+00;
	(erf) = vpow2.f32 v0;
	v0 =	vmul.f32 $1.442695020e+00, v1  }
0x7b: {  	v1 =	vsel vm12, v3, v7;
	v3 =	vmul.f32 $2.000000030e-01, v5;
	v2 =	vadd.f32 v2, v6  }
0x7c: {  	vm13 =	vgt.f32 v5, $0.0e+00;
	(erf) = vpow2.f32 v0;
	v0 =	vmul.f32 $1.442695020e+00, v1  }
0x7d: {  	v1 =	vsel vm13, v5, v3;
	v3 =	vmul.f32 $2.000000030e-01, v2;
	v4 =	vadd.f32 v4, v8  }
0x7e: {  	vm14 =	vgt.f32 v2, $0.0e+00;
	(erf) = vpow2.f32 v0;
	v0 =	vmul.f32 $1.442695020e+00, v1  }
0x7f: {  	v2 =	vsel vm14, v2, v3;
	v3 =	vmul.f32 $2.000000030e-01, v4  }
0x80: {  	vm15 =	vgt.f32 v4, $0.0e+00;
	v1 =	vpop (erf);
	(erf) = vpow2.f32 v0;
	v0 =	vmul.f32 $1.442695020e+00, v2  }
0x81: {  	[tilespmem:$0x300] =	vst v1;
	v2 =	vsel vm15, v4, v3  }
0x82: {  	[tilespmem:$0x380] =	vst v1;
	v1 =	vpop (erf);
	(erf) = vpow2.f32 v0;
	v0 =	vmul.f32 $1.442695020e+00, v2  }
0x83: {  	[tilespmem:$0x310] =	vst v1  }
0x84: {  	[tilespmem:$0x390] =	vst v1;
	v1 =	vpop (erf)  }
0x85: {  	[tilespmem:$0x320] =	vst v1;
	(erf) = vpow2.f32 v0  }
0x86: {  	[tilespmem:$0x3A0] =	vst v1;
	v0 =	vpop (erf)  }
0x87: {  	[tilespmem:$0x330] =	vst v0  }
0x88: {  	v1 =	vpop (erf);
	[tilespmem:$0x3B0] =	vst v0  }
0x89: {  	[tilespmem:$0x340] =	vst v1  }
0x8a: {  	[tilespmem:$0x3C0] =	vst v1;
	v0 =	vpop (erf)  }
0x8b: {  	[tilespmem:$0x350] =	vst v0  }
0x8c: {  	[tilespmem:$0x3D0] =	vst v0;
	v1 =	vpop (erf)  }
0x8d: {  	[tilespmem:$0x360] =	vst v1  }
0x8e: {  	[tilespmem:$0x3E0] =	vst v1;
	v0 =	vpop (erf)  }
0x8f: {  	[tilespmem:$0x370] =	vst v0  }
0x90: {  	[tilespmem:$0x3F0] =	vst v0  }
0x91: {  	_ =	swait.ge [sflag:s14], $0x4000  }
0x92: {  	[sflag:s14] =	ssyncset.done $0x0  }
0x93: {  	s22 =	simm.s32 $0x580;
	[sflag:s14] =	ssyncadd.s32 $0xFFFFC000  }
0x94: {  	s30 =	simm.s32 $0x0;
	v1 =	vld [tilespmem:s22+$0xFFFFFF70]  }
0x95: {  	v2 =	vld.msk [tilespmem:s30+$0x380 ss:$0x0], $0xffff  }
0x96: {  	v3 =	vld [tilespmem:s22+$0xFFFFFF00]  }
0x97: {  	v4 =	vld [tilespmem:s22+$0xFFFFFF20]  }
0x98: {  	v0 =	vld [tilespmem:s22+$0xFFFFFF50]  }
0x99: {  	v5 =	vld [tilespmem:s22+$0xFFFFFF30]  }
0x9a: {  	v7 =	vld [tilespmem:s22+$0xFFFFFF10];
	v1 =	vmul.f32 v1, v2  }
0x9b: {  	v8 =	vld [tilespmem:s22+$0xFFFFFF40];
	v3 =	vmul.f32 v2, v3  }
0x9c: {  	v6 =	vld [tilespmem:s22+$0xFFFFFF60];
	v4 =	vmul.f32 v4, v2;
	[tilespmem:s22+$0xFFFFFF70] =	vst v1  }
0x9d: {  	v0 =	vmul.f32 v0, v2;
	[tilespmem:s22+$0xFFFFFF00] =	vst v3  }
0x9e: {  	v1 =	vmul.f32 v5, v2;
	[tilespmem:s22+$0xFFFFFF20] =	vst v4  }
0x9f: {  	v3 =	vmul.f32 v7, v2;
	[tilespmem:s22+$0xFFFFFF50] =	vst v0  }
0xa0: {  	v0 =	vmul.f32 v8, v2;
	v4 =	vld [tilespmem:s22+$0xFFFFFF90];
	[tilespmem:s22+$0xFFFFFF30] =	vst v1  }
0xa1: {  	v5 =	vld [tilespmem:s22+$0xFFFFFF80];
	v1 =	vmul.f32 v6, v2;
	[tilespmem:s22+$0xFFFFFF10] =	vst v3  }
0xa2: {  	v7 =	vld [tilespmem:s22+$0xFFFFFFB0];
	[tilespmem:s22+$0xFFFFFF40] =	vst v0  }
0xa3: {  	v0 =	vld [tilespmem:s22+$0xFFFFFFD0];
	[tilespmem:s22+$0xFFFFFF60] =	vst v1  }
0xa4: {  	v3 =	vld.msk [tilespmem:s30+$0x381 ss:$0x0], $0xffff  }
0xa5: {  	v1 =	vld [tilespmem:s22+$0xFFFFFFE0]  }
0xa6: {  	v2 =	vld [tilespmem:s22+$0xFFFFFFF0]  }
0xa7: {  	v6 =	vld [tilespmem:s22+$0xFFFFFFC0]  }
0xa8: {  	v8 =	vld [tilespmem:s22+$0xFFFFFFA0]  }
0xa9: {  	v0 =	vmul.f32 v0, v3  }
0xaa: {  	v1 =	vmul.f32 v1, v3  }
0xab: {  	v4 =	vmul.f32 v4, v3;
	v2 =	vmul.f32 v2, v3;
	[tilespmem:s22+$0xFFFFFFD0] =	vst v0  }
0xac: {  	v0 =	vmul.f32 v3, v5;
	[tilespmem:s22+$0xFFFFFFE0] =	vst v1;
	v1 =	vmul.f32 v6, v3  }
0xad: {  	[tilespmem:s22+$0xFFFFFF90] =	vst v4;
	v4 =	vmul.f32 v8, v3;
	v5 =	vmul.f32 v7, v3;
	v3 =	vld [tilespmem:s22+$0x20]  }
0xae: {  	[tilespmem:s22+$0xFFFFFFF0] =	vst v2;
	v6 =	vld [tilespmem:s22+$0x70]  }
0xaf: {  	[tilespmem:s22+$0xFFFFFF80] =	vst v0;
	v0 =	vld [tilespmem:s22+$0x60]  }
0xb0: {  	[tilespmem:s22+$0xFFFFFFC0] =	vst v1;
	v1 =	vld [tilespmem:s22+$0x40]  }
0xb1: {  	[tilespmem:s22+$0xFFFFFFB0] =	vst v5;
	v5 =	vld [tilespmem:s22+$0x0]  }
0xb2: {  	[tilespmem:s22+$0xFFFFFFA0] =	vst v4;
	v4 =	vld [tilespmem:s22+$0x10]  }
0xb3: {  	s12 =	sshll.u32 s26, $0x8;
	s15 =	simm.s32 $0x580;
	s10 =	simm.s32 $0x10;
	v2 =	vld.msk [tilespmem:s30+$0x382 ss:$0x0], $0xffff  }
.LBB2_3:
0xb4: {  	p0 =	sne.s32 s10, $0x1F0  }
0xb5: {  	v7 =	vld [tilespmem:s22+$0x30];
	s15 =	sadd.s32 $0x200, s15;
	s19 =	smov.u32 s10;
	s10 =	sadd.s32 $0x10, s10  }
0xb6: {  	v8 =	vld [tilespmem:s22+$0x50];
	_ =	sdelay $0x1  }
0xb7: {  	v6 =	vmul.f32 v6, v2;
	v5 =	vmul.f32 v2, v5  }
0xb8: {  	v3 =	vmul.f32 v3, v2;
	v4 =	vmul.f32 v4, v2  }
0xb9: {  	v1 =	vmul.f32 v1, v2;
	v0 =	vmul.f32 v0, v2;
	[tilespmem:s22+$0x70] =	vst v6  }
0xba: {  	[tilespmem:s22+$0x20] =	vst v3;
	v3 =	vmul.f32 v7, v2;
	v2 =	vmul.f32 v8, v2  }
0xbb: {  	[tilespmem:s22+$0x60] =	vst v0;
	v6 =	vld [tilespmem:s22+$0xA0]  }
0xbc: {  	[tilespmem:s22+$0x30] =	vst v3;
	v3 =	vld [tilespmem:s22+$0x80]  }
0xbd: {  	v0 =	vld [tilespmem:s15+$0x60];
	[tilespmem:s22+$0x40] =	vst v1  }
0xbe: {  	v1 =	vld [tilespmem:s15+$0x40];
	[tilespmem:s22+$0x50] =	vst v2  }
0xbf: {  	[tilespmem:s22+$0x0] =	vst v5;
	v2 =	vld [tilespmem:s22+$0xC0]  }
0xc0: {  	[tilespmem:s22+$0x10] =	vst v4;
	v4 =	vld [tilespmem:s22+$0xB0]  }
0xc1: {  	v5 =	vld.msk [tilespmem:s30+$0x383 ss:$0x0], $0xffff  }
0xc2: {  	v7 =	vld [tilespmem:s22+$0x90]  }
0xc3: {  	v8 =	vld [tilespmem:s22+$0xD0]  }
0xc4: {  	v9 =	vld [tilespmem:s22+$0xE0]  }
0xc5: {  	v10 =	vld [tilespmem:s22+$0xF0];
	_ =	sdelay $0x1  }
0xc6: {  	v3 =	vmul.f32 v5, v3;
	v7 =	vmul.f32 v7, v5  }
0xc7: {  	v6 =	vmul.f32 v6, v5;
	v4 =	vmul.f32 v4, v5  }
0xc8: {  	v2 =	vmul.f32 v2, v5;
	[tilespmem:s22+$0x80] =	vst v3;
	v3 =	vmul.f32 v8, v5  }
0xc9: {  	[tilespmem:s22+$0xA0] =	vst v6;
	v6 =	vmul.f32 v9, v5;
	v5 =	vmul.f32 v10, v5  }
0xca: {  	[tilespmem:s22+$0xB0] =	vst v4  }
0xcb: {  	[tilespmem:s22+$0xC0] =	vst v2  }
0xcc: {  	v2 =	vld [tilespmem:s15+$0xFFFFFF50];
	[tilespmem:s22+$0xD0] =	vst v3  }
0xcd: {  	v3 =	vld [tilespmem:s15+$0xFFFFFF30];
	[tilespmem:s22+$0x90] =	vst v7  }
0xce: {  	v4 =	vld [tilespmem:s15+$0xFFFFFF60];
	[tilespmem:s22+$0xE0] =	vst v6  }
0xcf: {  	s30 =	sshra.s32 s19, $0x2;
	v6 =	vld [tilespmem:s15+$0xFFFFFF70];
	[tilespmem:s22+$0xF0] =	vst v5;
	s22 =	smov.u32 s15  }
0xd0: {  	v5 =	vld.msk [tilespmem:s30+$0x380 ss:$0x0], $0xffff  }
0xd1: {  	v7 =	vld [tilespmem:s15+$0xFFFFFF00]  }
0xd2: {  	v8 =	vld [tilespmem:s15+$0xFFFFFF20]  }
0xd3: {  	v9 =	vld [tilespmem:s15+$0xFFFFFF10]  }
0xd4: {  	v10 =	vld [tilespmem:s15+$0xFFFFFF40];
	_ =	sdelay $0x1  }
0xd5: {  	v6 =	vmul.f32 v6, v5;
	v7 =	vmul.f32 v5, v7  }
0xd6: {  	v4 =	vmul.f32 v4, v5;
	v8 =	vmul.f32 v8, v5  }
0xd7: {  	v3 =	vmul.f32 v3, v5;
	v9 =	vmul.f32 v9, v5;
	[tilespmem:s15+$0xFFFFFF70] =	vst v6  }
0xd8: {  	v2 =	vmul.f32 v2, v5;
	[tilespmem:s15+$0xFFFFFF00] =	vst v7;
	v6 =	vmul.f32 v10, v5  }
0xd9: {  	[tilespmem:s15+$0xFFFFFF20] =	vst v8  }
0xda: {  	[tilespmem:s15+$0xFFFFFF30] =	vst v3  }
0xdb: {  	[tilespmem:s15+$0xFFFFFF50] =	vst v2;
	v2 =	vld [tilespmem:s15+$0xFFFFFFF0]  }
0xdc: {  	[tilespmem:s15+$0xFFFFFF10] =	vst v9;
	v3 =	vld [tilespmem:s15+$0xFFFFFFC0]  }
0xdd: {  	[tilespmem:s15+$0xFFFFFF60] =	vst v4;
	v4 =	vld [tilespmem:s15+$0xFFFFFFE0]  }
0xde: {  	[tilespmem:s15+$0xFFFFFF40] =	vst v6;
	v5 =	vld [tilespmem:s15+$0xFFFFFFD0]  }
0xdf: {  	v6 =	vld.msk [tilespmem:s30+$0x381 ss:$0x0], $0xffff  }
0xe0: {  	v7 =	vld [tilespmem:s15+$0xFFFFFF90]  }
0xe1: {  	v8 =	vld [tilespmem:s15+$0xFFFFFF80]  }
0xe2: {  	v9 =	vld [tilespmem:s15+$0xFFFFFFB0]  }
0xe3: {  	v10 =	vld [tilespmem:s15+$0xFFFFFFA0];
	_ =	sdelay $0x1  }
0xe4: {  	v5 =	vmul.f32 v5, v6;
	v7 =	vmul.f32 v7, v6  }
0xe5: {  	v4 =	vmul.f32 v4, v6;
	v8 =	vmul.f32 v6, v8  }
0xe6: {  	v3 =	vmul.f32 v3, v6;
	v9 =	vmul.f32 v9, v6;
	[tilespmem:s15+$0xFFFFFFD0] =	vst v5  }
0xe7: {  	v2 =	vmul.f32 v2, v6;
	v5 =	vmul.f32 v10, v6;
	[tilespmem:s15+$0xFFFFFFE0] =	vst v4  }
0xe8: {  	[tilespmem:s15+$0xFFFFFF90] =	vst v7  }
0xe9: {  	[tilespmem:s15+$0xFFFFFF80] =	vst v8  }
0xea: {  	[tilespmem:s15+$0xFFFFFFC0] =	vst v3  }
0xeb: {  	[tilespmem:s15+$0xFFFFFFA0] =	vst v5  }
.Ltmp2:
0xec: {  	[tilespmem:s15+$0xFFFFFFF0] =	vst v2;
	v3 =	vld [tilespmem:s15+$0x20];
	(pc) =	sbr.rel @p0 .LBB2_3-.Ltmp2, $4  }
0xed: {  	[tilespmem:s15+$0xFFFFFFB0] =	vst v9;
	v6 =	vld [tilespmem:s15+$0x70]  }
0xee: {  	v2 =	vld.msk [tilespmem:s30+$0x382 ss:$0x0], $0xffff  }
0xef: {  	v5 =	vld [tilespmem:s15+$0x0]  }
0xf0: {  	v4 =	vld [tilespmem:s15+$0x10]  }
0xf1: {  	_ =	sdelay $0x1  }
0xf2: {  	v7 =	vld [tilespmem:s22+$0x30];
	v6 =	vmul.f32 v6, v2  }
0xf3: {  	v8 =	vld [tilespmem:s22+$0x50];
	v3 =	vmul.f32 v3, v2  }
0xf4: {  	v1 =	vmul.f32 v1, v2;
	[tilespmem:s22+$0x70] =	vst v6  }
0xf5: {  	v0 =	vmul.f32 v0, v2;
	[tilespmem:s22+$0x20] =	vst v3  }
0xf6: {  	[tilespmem:s22+$0x40] =	vst v1;
	v1 =	vmul.f32 v4, v2  }
0xf7: {  	[tilespmem:s22+$0x60] =	vst v0;
	v3 =	vmul.f32 v7, v2  }
0xf8: {  	v0 =	vmul.f32 v8, v2;
	[tilespmem:s22+$0x10] =	vst v1  }
0xf9: {  	[tilespmem:s22+$0x30] =	vst v3;
	v3 =	vmul.f32 v2, v5  }
0xfa: {  	[tilespmem:s22+$0x50] =	vst v0  }
0xfb: {  	v5 =	vld [tilespmem:s22+$0x80];
	[tilespmem:s22+$0x0] =	vst v3  }
0xfc: {  	v0 =	vld.msk [tilespmem:s30+$0x383 ss:$0x0], $0xffff  }
0xfd: {  	v1 =	vld [tilespmem:s22+$0xA0]  }
0xfe: {  	v2 =	vld [tilespmem:s22+$0xB0]  }
0xff: {  	v3 =	vld [tilespmem:s22+$0xC0]  }
0x100: {  	v4 =	vld [tilespmem:s22+$0xD0]  }
0x101: {  	v6 =	vld [tilespmem:s22+$0x90];
	v5 =	vmul.f32 v0, v5  }
0x102: {  	v7 =	vld [tilespmem:s22+$0xE0];
	v1 =	vmul.f32 v1, v0  }
0x103: {  	v8 =	vld [tilespmem:s22+$0xF0];
	v2 =	vmul.f32 v2, v0;
	[tilespmem:s22+$0x80] =	vst v5  }
0x104: {  	v3 =	vmul.f32 v3, v0;
	[tilespmem:s22+$0xA0] =	vst v1  }
0x105: {  	v1 =	vmul.f32 v4, v0;
	[tilespmem:s22+$0xB0] =	vst v2  }
0x106: {  	v2 =	vmul.f32 v6, v0;
	[tilespmem:s22+$0xC0] =	vst v3  }
0x107: {  	v3 =	vmul.f32 v7, v0;
	[tilespmem:s22+$0xD0] =	vst v1  }
0x108: {  	v0 =	vmul.f32 v8, v0;
	[tilespmem:s22+$0x90] =	vst v2  }
0x109: {  	[tilespmem:s22+$0xE0] =	vst v3  }
0x10a: {  	s10 =	simm.s32 $0x300;
	[tilespmem:s22+$0xF0] =	vst v0  }
0x10b: {  	[spmem:s2] =	stream.indirect.scatter.add.f32 [tilespmem:s10], [sflag:$0x9], $0x1, s25, s25, $0xb8;
	[tilespmem:$0x1C980] =	vst v63  }
0x10c: {  	_ = 	snop  }
0x10d: {  	[spmem:s1] =	stream.indirect.scatter.add.f32 [tilespmem:s28], [sflag:$0xB], $0x80, s25, s25, $0xb8;
	[tilespmem:$0x1C980] =	vst v63  }
0x10e: {  	_ =	swait.ge [sflag:s24], $0x4000  }
0x10f: {  	p0 =	seq.s32 s26, $0x4F;
	[sflag:s24] =	ssyncset.done $0x0  }
0x110: {  	s10 =	simm.s32 @!p0 $0x9;
	[sflag:s24] =	ssyncadd.s32 $0xFFFFC000  }
0x111: {  	s15 =	sadd.s32 @!p0 s12, s20;
	_ =	swait.ge @!p0 [sflag:s10], $0x80  }
0x112: {  	s15 =	sshrl.u32 @!p0 s15, $0x3;
	[sflag:s10] =	ssyncset.done @!p0 $0x0  }
0x113: {  	s19 =	simm.s32 @!p0 $0x0;
	[sflag:s10] =	ssyncadd.s32 @!p0 $0xFFFFFF80;
	s10 =	sadd.s32 @!p0 s5, s15  }
0x114: {  	[tilespmem:s19], [sflag:$0x7] =	stream.linear.gather @!p0 [hbm4b:s10+s19], $0x80, $0x38;
	[tilespmem:$0x1C980] =	vst v63  }
0x115: {  	s10 =	sadd.s32 @!p0 s6, s15;
	s15 =	simm.s32 @!p0 $0x80  }
0x116: {  	[tilespmem:s15], [sflag:$0x7] =	stream.linear.gather @!p0 [hbm4b:s10+s19], $0x80, $0x38;
	[tilespmem:$0x1C980] =	vst v63  }
0x117: {  	s10 =	simm.s32 @!p0 $0x7  }
0x118: {  	_ =	swait.ge @!p0 [sflag:s10], $0x80  }
0x119: {  	[sflag:s10] =	ssyncset.done @!p0 $0x0  }
0x11a: {  	[sflag:s10] =	ssyncadd.s32 @!p0 $0xFFFFFF80  }
0x11b: {  	_ =	swait.ge @!p0 [sflag:s10], $0x80  }
0x11c: {  	[sflag:s10] =	ssyncset.done @!p0 $0x0  }
0x11d: {  	[sflag:s10] =	ssyncadd.s32 @!p0 $0xFFFFFF80;
	s10 =	simm.s32 @!p0 $0x480  }
0x11e: {  	[tilespmem:s10], [sflag:$0x1] =	stream.indirect.gather @!p0 [hbm4b:s8+s15], $0x80, s19, s15, $0xb8;
	[tilespmem:$0x1C980] =	vst v63  }
0x11f: {  	s10 =	simm.s32 @!p0 $0x200  }
0x120: {  	[tilespmem:s10], [sflag:$0x2] =	stream.indirect.gather @!p0 [hbm4b:s7+s15], $0x1, s19, s15, $0xb8;
	[tilespmem:$0x1C980] =	vst v63  }
0x121: {  	s10 =	simm.s32 @!p0 $0x280  }
0x122: {  	[tilespmem:s10], [sflag:$0x3] =	stream.indirect.gather @!p0 [hbm4b:s9+s15], $0x1, s15, s15, $0xb8;
	[tilespmem:$0x1C980] =	vst v63  }
0x123: {  	_ =	swait.ge [sflag:s16], $0x80  }
0x124: {  	[sflag:s16] =	ssyncset.done $0x0  }
0x125: {  	[sflag:s16] =	ssyncadd.s32 $0xFFFFFF80  }
0x126: {  	_ =	swait.ge [sflag:s17], $0x80  }
0x127: {  	[sflag:s17] =	ssyncset.done $0x0  }
0x128: {  	[sflag:s17] =	ssyncadd.s32 $0xFFFFFF80  }
0x129: {  	v0 =	vld [tilespmem:$0x4480]  }
0x12a: {  	v1 =	vld [tilespmem:$0x4500]  }
0x12b: {  	v2 =	vld [tilespmem:$0x4490]  }
0x12c: {  	v3 =	vld [tilespmem:$0x4510]  }
0x12d: {  	v4 =	vld [tilespmem:$0x44A0]  }
0x12e: {  	v5 =	vld [tilespmem:$0x4520]  }
0x12f: {  	v6 =	vld [tilespmem:$0x4530];
	v0 =	vadd.f32 v1, v0  }
0x130: {  	v1 =	vld [tilespmem:$0x44B0]  }
0x131: {  	v8 =	vld [tilespmem:$0x4540];
	v2 =	vadd.f32 v3, v2;
	v7 =	vmul.f32 $2.000000030e-01, v0  }
0x132: {  	v3 =	vld [tilespmem:$0x44C0];
	vm0 =	vgt.f32 v0, $0.0e+00  }
0x133: {  	v9 =	vld [tilespmem:$0x4550];
	v4 =	vadd.f32 v5, v4;
	v0 =	vsel vm0, v0, v7;
	v7 =	vmul.f32 $2.000000030e-01, v2  }
0x134: {  	v5 =	vld [tilespmem:$0x44D0];
	vm9 =	vgt.f32 v2, $0.0e+00;
	v0 =	vmul.f32 $1.442695020e+00, v0  }
0x135: {  	v1 =	vadd.f32 v6, v1;
	v6 =	vld [tilespmem:$0x44E0];
	v2 =	vsel vm9, v2, v7;
	v7 =	vmul.f32 $2.000000030e-01, v4  }
0x136: {  	vm10 =	vgt.f32 v4, $0.0e+00;
	(erf) = vpow2.f32 v0;
	v0 =	vmul.f32 $1.442695020e+00, v2;
	v2 =	vld [tilespmem:$0x4560]  }
0x137: {  	v3 =	vadd.f32 v8, v3;
	v8 =	vld [tilespmem:$0x44F0];
	v4 =	vsel vm10, v4, v7;
	v7 =	vmul.f32 $2.000000030e-01, v1  }
0x138: {  	vm11 =	vgt.f32 v1, $0.0e+00;
	(erf) = vpow2.f32 v0;
	v0 =	vmul.f32 $1.442695020e+00, v4;
	v4 =	vld [tilespmem:$0x4570]  }
0x139: {  	v5 =	vadd.f32 v9, v5;
	v1 =	vsel vm11, v1, v7;
	v7 =	vmul.f32 $2.000000030e-01, v3  }
0x13a: {  	vm12 =	vgt.f32 v3, $0.0e+00;
	(erf) = vpow2.f32 v0;
	v0 =	vmul.f32 $1.442695020e+00, v1  }
0x13b: {  	v1 =	vsel vm12, v3, v7;
	v3 =	vmul.f32 $2.000000030e-01, v5;
	v2 =	vadd.f32 v2, v6  }
0x13c: {  	vm13 =	vgt.f32 v5, $0.0e+00;
	(erf) = vpow2.f32 v0;
	v0 =	vmul.f32 $1.442695020e+00, v1  }
0x13d: {  	v1 =	vsel vm13, v5, v3;
	v3 =	vmul.f32 $2.000000030e-01, v2;
	v4 =	vadd.f32 v4, v8  }
0x13e: {  	vm14 =	vgt.f32 v2, $0.0e+00;
	(erf) = vpow2.f32 v0;
	v0 =	vmul.f32 $1.442695020e+00, v1  }
0x13f: {  	v2 =	vsel vm14, v2, v3;
	v3 =	vmul.f32 $2.000000030e-01, v4  }
0x140: {  	vm15 =	vgt.f32 v4, $0.0e+00;
	v1 =	vpop (erf);
	(erf) = vpow2.f32 v0;
	v0 =	vmul.f32 $1.442695020e+00, v2  }
0x141: {  	[tilespmem:$0x4580] =	vst v1;
	v2 =	vsel vm15, v4, v3  }
0x142: {  	[tilespmem:$0x4600] =	vst v1;
	v1 =	vpop (erf);
	(erf) = vpow2.f32 v0;
	v0 =	vmul.f32 $1.442695020e+00, v2  }
0x143: {  	[tilespmem:$0x4590] =	vst v1  }
0x144: {  	[tilespmem:$0x4610] =	vst v1;
	v1 =	vpop (erf)  }
0x145: {  	[tilespmem:$0x45A0] =	vst v1;
	(erf) = vpow2.f32 v0  }
0x146: {  	[tilespmem:$0x4620] =	vst v1;
	v0 =	vpop (erf)  }
0x147: {  	[tilespmem:$0x45B0] =	vst v0  }
0x148: {  	v1 =	vpop (erf);
	[tilespmem:$0x4630] =	vst v0  }
0x149: {  	[tilespmem:$0x45C0] =	vst v1  }
0x14a: {  	[tilespmem:$0x4640] =	vst v1;
	v0 =	vpop (erf)  }
0x14b: {  	[tilespmem:$0x45D0] =	vst v0  }
0x14c: {  	[tilespmem:$0x4650] =	vst v0;
	v1 =	vpop (erf)  }
0x14d: {  	[tilespmem:$0x45E0] =	vst v1  }
0x14e: {  	[tilespmem:$0x4660] =	vst v1;
	v0 =	vpop (erf)  }
0x14f: {  	[tilespmem:$0x45F0] =	vst v0  }
0x150: {  	[tilespmem:$0x4670] =	vst v0  }
0x151: {  	_ =	swait.ge [sflag:s18], $0x4000  }
0x152: {  	[sflag:s18] =	ssyncset.done $0x0  }
0x153: {  	s22 =	simm.s32 $0x4800;
	[sflag:s18] =	ssyncadd.s32 $0xFFFFC000  }
0x154: {  	s30 =	simm.s32 $0x0;
	v1 =	vld [tilespmem:s22+$0xFFFFFF70]  }
0x155: {  	v2 =	vld.msk [tilespmem:s30+$0x4600 ss:$0x0], $0xffff  }
0x156: {  	v3 =	vld [tilespmem:s22+$0xFFFFFF00]  }
0x157: {  	v4 =	vld [tilespmem:s22+$0xFFFFFF20]  }
0x158: {  	v0 =	vld [tilespmem:s22+$0xFFFFFF50]  }
0x159: {  	v5 =	vld [tilespmem:s22+$0xFFFFFF30]  }
0x15a: {  	v7 =	vld [tilespmem:s22+$0xFFFFFF10];
	v1 =	vmul.f32 v1, v2  }
0x15b: {  	v8 =	vld [tilespmem:s22+$0xFFFFFF40];
	v3 =	vmul.f32 v2, v3  }
0x15c: {  	v6 =	vld [tilespmem:s22+$0xFFFFFF60];
	v4 =	vmul.f32 v4, v2;
	[tilespmem:s22+$0xFFFFFF70] =	vst v1  }
0x15d: {  	v0 =	vmul.f32 v0, v2;
	[tilespmem:s22+$0xFFFFFF00] =	vst v3  }
0x15e: {  	v1 =	vmul.f32 v5, v2;
	[tilespmem:s22+$0xFFFFFF20] =	vst v4  }
0x15f: {  	v3 =	vmul.f32 v7, v2;
	[tilespmem:s22+$0xFFFFFF50] =	vst v0  }
0x160: {  	v0 =	vmul.f32 v8, v2;
	v4 =	vld [tilespmem:s22+$0xFFFFFF90];
	[tilespmem:s22+$0xFFFFFF30] =	vst v1  }
0x161: {  	v5 =	vld [tilespmem:s22+$0xFFFFFF80];
	v1 =	vmul.f32 v6, v2;
	[tilespmem:s22+$0xFFFFFF10] =	vst v3  }
0x162: {  	v7 =	vld [tilespmem:s22+$0xFFFFFFB0];
	[tilespmem:s22+$0xFFFFFF40] =	vst v0  }
0x163: {  	v0 =	vld [tilespmem:s22+$0xFFFFFFD0];
	[tilespmem:s22+$0xFFFFFF60] =	vst v1  }
0x164: {  	v3 =	vld.msk [tilespmem:s30+$0x4601 ss:$0x0], $0xffff  }
0x165: {  	v1 =	vld [tilespmem:s22+$0xFFFFFFE0]  }
0x166: {  	v2 =	vld [tilespmem:s22+$0xFFFFFFF0]  }
0x167: {  	v6 =	vld [tilespmem:s22+$0xFFFFFFC0]  }
0x168: {  	v8 =	vld [tilespmem:s22+$0xFFFFFFA0]  }
0x169: {  	v0 =	vmul.f32 v0, v3  }
0x16a: {  	v1 =	vmul.f32 v1, v3  }
0x16b: {  	v4 =	vmul.f32 v4, v3;
	v2 =	vmul.f32 v2, v3;
	[tilespmem:s22+$0xFFFFFFD0] =	vst v0  }
0x16c: {  	v0 =	vmul.f32 v3, v5;
	[tilespmem:s22+$0xFFFFFFE0] =	vst v1;
	v1 =	vmul.f32 v6, v3  }
0x16d: {  	[tilespmem:s22+$0xFFFFFF90] =	vst v4;
	v4 =	vmul.f32 v8, v3;
	v5 =	vmul.f32 v7, v3;
	v3 =	vld [tilespmem:s22+$0x20]  }
0x16e: {  	[tilespmem:s22+$0xFFFFFFF0] =	vst v2;
	v6 =	vld [tilespmem:s22+$0x70]  }
0x16f: {  	[tilespmem:s22+$0xFFFFFF80] =	vst v0;
	v0 =	vld [tilespmem:s22+$0x60]  }
0x170: {  	[tilespmem:s22+$0xFFFFFFC0] =	vst v1;
	v1 =	vld [tilespmem:s22+$0x40]  }
0x171: {  	[tilespmem:s22+$0xFFFFFFB0] =	vst v5;
	v5 =	vld [tilespmem:s22+$0x0]  }
0x172: {  	[tilespmem:s22+$0xFFFFFFA0] =	vst v4;
	v4 =	vld [tilespmem:s22+$0x10]  }
0x173: {  	s10 =	simm.s32 $0x10;
	s15 =	simm.s32 $0x4800;
	v2 =	vld.msk [tilespmem:s30+$0x4602 ss:$0x0], $0xffff  }
.LBB2_5:
0x174: {  	p1 =	sne.s32 s10, $0x1F0  }
0x175: {  	v7 =	vld [tilespmem:s22+$0x30];
	s15 =	sadd.s32 $0x200, s15;
	s19 =	smov.u32 s10;
	s10 =	sadd.s32 $0x10, s10  }
0x176: {  	v8 =	vld [tilespmem:s22+$0x50];
	_ =	sdelay $0x1  }
0x177: {  	v6 =	vmul.f32 v6, v2;
	v5 =	vmul.f32 v2, v5  }
0x178: {  	v3 =	vmul.f32 v3, v2;
	v4 =	vmul.f32 v4, v2  }
0x179: {  	v1 =	vmul.f32 v1, v2;
	v0 =	vmul.f32 v0, v2;
	[tilespmem:s22+$0x70] =	vst v6  }
0x17a: {  	[tilespmem:s22+$0x20] =	vst v3;
	v3 =	vmul.f32 v7, v2;
	v2 =	vmul.f32 v8, v2  }
0x17b: {  	[tilespmem:s22+$0x60] =	vst v0;
	v6 =	vld [tilespmem:s22+$0xA0]  }
0x17c: {  	[tilespmem:s22+$0x30] =	vst v3;
	v3 =	vld [tilespmem:s22+$0x80]  }
0x17d: {  	v0 =	vld [tilespmem:s15+$0x60];
	[tilespmem:s22+$0x40] =	vst v1  }
0x17e: {  	v1 =	vld [tilespmem:s15+$0x40];
	[tilespmem:s22+$0x50] =	vst v2  }
0x17f: {  	[tilespmem:s22+$0x0] =	vst v5;
	v2 =	vld [tilespmem:s22+$0xC0]  }
0x180: {  	[tilespmem:s22+$0x10] =	vst v4;
	v4 =	vld [tilespmem:s22+$0xB0]  }
0x181: {  	v5 =	vld.msk [tilespmem:s30+$0x4603 ss:$0x0], $0xffff  }
0x182: {  	v7 =	vld [tilespmem:s22+$0x90]  }
0x183: {  	v8 =	vld [tilespmem:s22+$0xD0]  }
0x184: {  	v9 =	vld [tilespmem:s22+$0xE0]  }
0x185: {  	v10 =	vld [tilespmem:s22+$0xF0];
	_ =	sdelay $0x1  }
0x186: {  	v3 =	vmul.f32 v5, v3;
	v7 =	vmul.f32 v7, v5  }
0x187: {  	v6 =	vmul.f32 v6, v5;
	v4 =	vmul.f32 v4, v5  }
0x188: {  	v2 =	vmul.f32 v2, v5;
	[tilespmem:s22+$0x80] =	vst v3;
	v3 =	vmul.f32 v8, v5  }
0x189: {  	[tilespmem:s22+$0xA0] =	vst v6;
	v6 =	vmul.f32 v9, v5;
	v5 =	vmul.f32 v10, v5  }
0x18a: {  	[tilespmem:s22+$0xB0] =	vst v4  }
0x18b: {  	[tilespmem:s22+$0xC0] =	vst v2  }
0x18c: {  	v2 =	vld [tilespmem:s15+$0xFFFFFF50];
	[tilespmem:s22+$0xD0] =	vst v3  }
0x18d: {  	v3 =	vld [tilespmem:s15+$0xFFFFFF30];
	[tilespmem:s22+$0x90] =	vst v7  }
0x18e: {  	v4 =	vld [tilespmem:s15+$0xFFFFFF60];
	[tilespmem:s22+$0xE0] =	vst v6  }
0x18f: {  	s30 =	sshra.s32 s19, $0x2;
	v6 =	vld [tilespmem:s15+$0xFFFFFF70];
	[tilespmem:s22+$0xF0] =	vst v5;
	s22 =	smov.u32 s15  }
0x190: {  	v5 =	vld.msk [tilespmem:s30+$0x4600 ss:$0x0], $0xffff  }
0x191: {  	v7 =	vld [tilespmem:s15+$0xFFFFFF00]  }
0x192: {  	v8 =	vld [tilespmem:s15+$0xFFFFFF20]  }
0x193: {  	v9 =	vld [tilespmem:s15+$0xFFFFFF10]  }
0x194: {  	v10 =	vld [tilespmem:s15+$0xFFFFFF40];
	_ =	sdelay $0x1  }
0x195: {  	v6 =	vmul.f32 v6, v5;
	v7 =	vmul.f32 v5, v7  }
0x196: {  	v4 =	vmul.f32 v4, v5;
	v8 =	vmul.f32 v8, v5  }
0x197: {  	v3 =	vmul.f32 v3, v5;
	v9 =	vmul.f32 v9, v5;
	[tilespmem:s15+$0xFFFFFF70] =	vst v6  }
0x198: {  	v2 =	vmul.f32 v2, v5;
	[tilespmem:s15+$0xFFFFFF00] =	vst v7;
	v6 =	vmul.f32 v10, v5  }
0x199: {  	[tilespmem:s15+$0xFFFFFF20] =	vst v8  }
0x19a: {  	[tilespmem:s15+$0xFFFFFF30] =	vst v3  }
0x19b: {  	[tilespmem:s15+$0xFFFFFF50] =	vst v2;
	v2 =	vld [tilespmem:s15+$0xFFFFFFF0]  }
0x19c: {  	[tilespmem:s15+$0xFFFFFF10] =	vst v9;
	v3 =	vld [tilespmem:s15+$0xFFFFFFC0]  }
0x19d: {  	[tilespmem:s15+$0xFFFFFF60] =	vst v4;
	v4 =	vld [tilespmem:s15+$0xFFFFFFE0]  }
0x19e: {  	[tilespmem:s15+$0xFFFFFF40] =	vst v6;
	v5 =	vld [tilespmem:s15+$0xFFFFFFD0]  }
0x19f: {  	v6 =	vld.msk [tilespmem:s30+$0x4601 ss:$0x0], $0xffff  }
0x1a0: {  	v7 =	vld [tilespmem:s15+$0xFFFFFF90]  }
0x1a1: {  	v8 =	vld [tilespmem:s15+$0xFFFFFF80]  }
0x1a2: {  	v9 =	vld [tilespmem:s15+$0xFFFFFFB0]  }
0x1a3: {  	v10 =	vld [tilespmem:s15+$0xFFFFFFA0];
	_ =	sdelay $0x1  }
0x1a4: {  	v5 =	vmul.f32 v5, v6;
	v7 =	vmul.f32 v7, v6  }
0x1a5: {  	v4 =	vmul.f32 v4, v6;
	v8 =	vmul.f32 v6, v8  }
0x1a6: {  	v3 =	vmul.f32 v3, v6;
	v9 =	vmul.f32 v9, v6;
	[tilespmem:s15+$0xFFFFFFD0] =	vst v5  }
0x1a7: {  	v2 =	vmul.f32 v2, v6;
	v5 =	vmul.f32 v10, v6;
	[tilespmem:s15+$0xFFFFFFE0] =	vst v4  }
0x1a8: {  	[tilespmem:s15+$0xFFFFFF90] =	vst v7  }
0x1a9: {  	[tilespmem:s15+$0xFFFFFF80] =	vst v8  }
0x1aa: {  	[tilespmem:s15+$0xFFFFFFC0] =	vst v3  }
0x1ab: {  	[tilespmem:s15+$0xFFFFFFA0] =	vst v5  }
.Ltmp3:
0x1ac: {  	[tilespmem:s15+$0xFFFFFFF0] =	vst v2;
	v3 =	vld [tilespmem:s15+$0x20];
	(pc) =	sbr.rel @p1 .LBB2_5-.Ltmp3, $4  }
0x1ad: {  	[tilespmem:s15+$0xFFFFFFB0] =	vst v9;
	v6 =	vld [tilespmem:s15+$0x70]  }
0x1ae: {  	v2 =	vld.msk [tilespmem:s30+$0x4602 ss:$0x0], $0xffff  }
0x1af: {  	v5 =	vld [tilespmem:s15+$0x0]  }
0x1b0: {  	v4 =	vld [tilespmem:s15+$0x10]  }
0x1b1: {  	_ =	sdelay $0x1  }
0x1b2: {  	v6 =	vmul.f32 v6, v2  }
0x1b3: {  	v7 =	vld [tilespmem:s22+$0x30];
	v3 =	vmul.f32 v3, v2  }
0x1b4: {  	v8 =	vld [tilespmem:s22+$0x50];
	v0 =	vmul.f32 v0, v2;
	[tilespmem:s22+$0x70] =	vst v6  }
0x1b5: {  	v1 =	vmul.f32 v1, v2;
	[tilespmem:s22+$0x20] =	vst v3  }
0x1b6: {  	v51 =	vmul.f32 v2, v5;
	[tilespmem:s22+$0x60] =	vst v0  }
0x1b7: {  	[tilespmem:s22+$0x40] =	vst v1;
	v53 =	vmul.f32 v4, v2  }
0x1b8: {  	v49 =	vmul.f32 v7, v2;
	[tilespmem:s22+$0x0] =	vst v51  }
0x1b9: {  	v50 =	vmul.f32 v8, v2;
	[tilespmem:s22+$0x10] =	vst v53  }
0x1ba: {  	[tilespmem:s22+$0x30] =	vst v49  }
0x1bb: {  	v52 =	vld [tilespmem:s22+$0x80];
	[tilespmem:s22+$0x50] =	vst v50  }
0x1bc: {  	v0 =	vld.msk [tilespmem:s30+$0x4603 ss:$0x0], $0xffff  }
0x1bd: {  	v54 =	vld [tilespmem:s22+$0xA0]  }
0x1be: {  	v55 =	vld [tilespmem:s22+$0xB0]  }
0x1bf: {  	v56 =	vld [tilespmem:s22+$0xC0]  }
0x1c0: {  	v57 =	vld [tilespmem:s22+$0xD0]  }
0x1c1: {  	v58 =	vld [tilespmem:s22+$0x90];
	v5 =	vmul.f32 v0, v52  }
0x1c2: {  	v59 =	vld [tilespmem:s22+$0xE0];
	v1 =	vmul.f32 v54, v0  }
0x1c3: {  	v60 =	vld [tilespmem:s22+$0xF0];
	v2 =	vmul.f32 v55, v0;
	[tilespmem:s22+$0x80] =	vst v5  }
0x1c4: {  	v3 =	vmul.f32 v56, v0;
	[tilespmem:s22+$0xA0] =	vst v1  }
0x1c5: {  	v61 =	vmul.f32 v57, v0;
	[tilespmem:s22+$0xB0] =	vst v2  }
0x1c6: {  	v62 =	vmul.f32 v58, v0;
	[tilespmem:s22+$0xC0] =	vst v3  }
0x1c7: {  	v63 =	vmul.f32 v59, v0;
	[tilespmem:s22+$0xD0] =	vst v61  }
0x1c8: {  	v0 =	vmul.f32 v60, v0;
	[tilespmem:s22+$0x90] =	vst v62  }
0x1c9: {  	[tilespmem:s22+$0xE0] =	vst v63  }
0x1ca: {  	s10 =	simm.s32 $0x4580;
	[tilespmem:s22+$0xF0] =	vst v0  }
0x1cb: {  	[spmem:s2] =	stream.indirect.scatter.add.f32 [tilespmem:s10], [sflag:$0xA], $0x1, s0, s25, $0xb8;
	[tilespmem:$0x1C980] =	vst v63  }
.Ltmp4:
0x1cc: {  	_ = 	snop;
	(pc) =	sbr.rel @p0 .LBB2_8-.Ltmp4, $4  }
0x1cd: {  	[spmem:s1] =	stream.indirect.scatter.add.f32 [tilespmem:s29], [sflag:$0xB], $0x80, s0, s25, $0xb8;
	[tilespmem:$0x1C980] =	vst v63  }
0x1ce: {  	_ =	swait.ge [sflag:s24], $0x4000  }
0x1cf: {  	[sflag:s24] =	ssyncset.done $0x0  }
0x1d0: {  	[sflag:s24] =	ssyncadd.s32 $0xFFFFC000  }
0x1d1: {  	_ =	swait.ge [sflag:s23], $0x80;
	s10 =	sadd.s32 s12, s21  }
.Ltmp5:
0x1d2: {  	[sflag:s23] =	ssyncset.done $0x0;
	s10 =	sshrl.u32 s10, $0x3;
	(pc) =	sbr.rel .LBB2_2-.Ltmp5, $4  }
0x1d3: {  	[sflag:s23] =	ssyncadd.s32 $0xFFFFFF80;
	s30 =	sadd.s32 s5, s10  }
0x1d4: {  	[tilespmem:s31], [sflag:$0x8] =	stream.linear.gather [hbm4b:s30+s4], $0x80, $0x38;
	[tilespmem:$0x1C980] =	vst v63  }
0x1d5: {  	s26 =	sadd.s32 $0x1, s26;
	s10 =	sadd.s32 s6, s10  }
0x1d6: {  	[tilespmem:s0], [sflag:$0x8] =	stream.linear.gather [hbm4b:s10+s4], $0x80, $0x38;
	[tilespmem:$0x1C980] =	vst v63  }
.LBB2_9:
0x1d7: {  	_ =	sfence.sel $0x180000  }
0x1d8: {  	[bflag:$0x0] =	sbarrier.arrive $0xFFFF  }
0x1d9: {  	_ =	strace $0x9000004D  }
0x1da: {  	s0 =	stileid.u32;
	[bflag:$0x2] =	sbarrier.arrive $0xFFFF  }
0x1db: {  	p0 =	sne.s32 s0, $0x0;
	s0 =	rddreg [dreg:$0x4]  }
0x1dc: {  	s0 =	sadd.s32 @!p0 $0x100000, s0  }
0x1dd: {  	[sflag:s0] =	ssyncadd.tile.s32 @!p0 $0x1;
	_ =	shalt  }
.Lfunc_end2:
_tile_overlayer_lowered:
.L_overlay_start_2:
0x1de: {  	(tag) =	ssettag $0x2  }
0x1df: {  	s0 =	rddreg [dreg:$0x0];
	s2 =	stileid.u32  }
0x1e0: {  	s1 =	rddreg [dreg:$0x1];
	p0 =	sne.s32 s2, $0x0  }
0x1e1: {  	s3 =	rddreg [dreg:$0x2];
	[bflag:$0x3] =	sbarrier.arrive $0xFFFF;
	s2 =	simm.s32 @!p0 $0x1C0B  }
0x1e2: {  	[timem:s3], [sflag:s2] =	dma.local @!p0 [hbm:s0], s1  }
0x1e3: {  	s0 =	simm.s32 @!p0 $0xB  }
0x1e4: {  	_ =	swait.ge @!p0 [sflag:s0], s1  }
0x1e5: {  	s1 =	ssub.s32 @!p0 $0x0, s1;
	[sflag:s0] =	ssyncset.done @!p0 $0x0  }
0x1e6: {  	[sflag:s0] =	ssyncadd.s32 @!p0 s1  }
0x1e7: {  	[bflag:$0x3] =	sbarrier.arrive $0xFFFF  }
0x1e8: {  	_ =	shalt  }

// kernel: kernel.8.cloned.1.call-start
scs
__scs_entry_jumppad:
0x0: {  	(pc) =	sbr.rel $0x88, $3  }
0x1: {  	(tag) =	ssettag $0x0;
	lr =	simm.s32 $0x1  }
0x2: {  	[smem:$0x3F89] =	sst lr;
	_ =	strace $0xD0000000  }
0x3: {  	_ = 	snop  }
0x4: {  	_ = 	snop  }
0x5: {  	_ = 	snop  }
0x6: {  	_ = 	snop  }
0x7: {  	_ = 	snop  }
__scs_overlays_trampoline_lowered:
0x8: {  	[smem:$0x3F98] =	sst s0  }
0x9: {  	[smem:$0x3F99] =	sst s1  }
0xa: {  	[smem:$0x3F9A] =	sst s2  }
0xb: {  	[smem:$0x3F9B] =	sst s3  }
0xc: {  	[smem:$0x3F9C] =	sst s4  }
0xd: {  	[smem:$0x3F9D] =	sst s5  }
0xe: {  	[smem:$0x3F9E] =	sst s6  }
0xf: {  	[smem:$0x3F9F] =	sst s7  }
0x10: {  	[smem:$0x3FA0] =	sst s8  }
0x11: {  	[smem:$0x3FA1] =	sst s9;
	s0 =	simm.s32 @!p0 $0x0  }
0x12: {  	s1 =	sld [smem:$0x3F87];
	s0 =	simm.s32 @p0 $0x1  }
0x13: {  	[smem:$0x3FA2] =	sst s0;
	s0 =	simm.s32 @!p1 $0x0  }
0x14: {  	s2 =	sld [smem:$0x3F86];
	s0 =	simm.s32 @p1 $0x1  }
0x15: {  	[smem:$0x3FA3] =	sst s0;
	s0 =	simm.s32 @!p2 $0x0  }
0x16: {  	s3 =	sld [smem:$0x3FDB];
	s0 =	simm.s32 @p2 $0x1  }
0x17: {  	s4 =	simm.s32 $0x1BF5;
	[smem:$0x3FA5] =	sst s0  }
0x18: {  	s0 =	sld [smem:$0x3F88];
	_ =	swait.ge [sflag:s4], $0x0  }
0x19: {  	s7 =	sld [smem:$0x3F89]  }
0x1a: {  	s8 =	sadd.s32 $0xFFFFE003, lr  }
0x1b: {  	s9 =	sadd.s32 $0xFFFFFEF7, lr;
	s5 =	simm.s32 $0xFFFFFFFF;
	p2 =	slt.u32 s8, $0xFFFFF086  }
0x1c: {  	p1 =	slt.u32 s9, $0xF7A;
	s5 =	simm.s32 @!p2 $0x0  }
0x1d: {  	s5 =	simm.s32 @p1 $0x1;
	p0 =	seq.s32 s7, s2  }
0x1e: {  	s7 =	smul.u32 @!p0 $0xF7A, s2;
	p2 =	seq.s32 @!p0 s5, $0x0  }
0x1f: {  	s9 =	smul.u32 $0xF7A, s1;
	s8 =	simm.s32 @!p0 $0x1BF5;
	p2 =	por !p2, p0  }
0x20: {  	[sflag:s8] =	ssyncset.s32 @!p0 $0xFFFFF086;
	s6 =	sadd.s32 @!p0 s3, s7;
	s7 =	simm.s32 @!p0 $0x108  }
0x21: {  	s3 =	sadd.s32 s3, s9;
	s6 =	sadd.s32 @!p0 $0x88, s6;
	s7 =	simm.s32 @p2 $0x1082  }
0x22: {  	[simem:s7], [sflag:s8] =	dma.local @!p0 [hbm:s6], $0xF7A  }
0x23: {  	s9 =	sor.u32 $0xD0000000, s2;
	s6 =	simm.s32 $0x108;
	_ =	swait.ge @!p0 [sflag:s8], $0x0  }
0x24: {  	s3 =	sadd.s32 $0x88, s3;
	s6 =	simm.s32 @!p1 $0x1082;
	[sflag:s4] =	ssyncset.s32 $0xFFFFF086  }
0x25: {  	[simem:s6], [sflag:s4] =	dma.local [hbm:s3], $0xF7A  }
0x26: {  	[smem:$0x3F89] =	sst s1;
	(tag) =	ssettag s2;
	_ =	strace s9  }
0x27: {  	s1 =	sld [smem:$0x3F99]  }
0x28: {  	s2 =	sld [smem:$0x3F9A]  }
0x29: {  	s4 =	sld [smem:$0x3F9C]  }
0x2a: {  	p0 =	seq.s32 s5, $0x0;
	s5 =	sld [smem:$0x3F9D]  }
0x2b: {  	s6 =	sld [smem:$0x3F9E]  }
0x2c: {  	s7 =	sld [smem:$0x3F9F]  }
0x2d: {  	s3 =	simm.s32 $0x108;
	s8 =	sld [smem:$0x3FA0]  }
0x2e: {  	s3 =	simm.s32 @!p0 $0x1082;
	s9 =	sld [smem:$0x3FA1]  }
0x2f: {  	lr =	sadd.s32 s0, s3;
	s0 =	sld [smem:$0x3F98]  }
0x30: {  	s3 =	sld [smem:$0x3F9B]  }
0x31: {  	[smem:$0x3FA4] =	sst s10  }
0x32: {  	s10 =	sld [smem:$0x3FA2];
	_ =	sdelay $0x3  }
0x33: {  	p0 =	seq.s32 s10, $0x1;
	s10 =	sld [smem:$0x3FA4];
	_ =	sdelay $0x3  }
0x34: {  	[smem:$0x3FA4] =	sst s10  }
0x35: {  	s10 =	sld [smem:$0x3FA3];
	_ =	sdelay $0x3  }
0x36: {  	p1 =	seq.s32 s10, $0x1;
	s10 =	sld [smem:$0x3FA4];
	_ =	sdelay $0x3  }
0x37: {  	[smem:$0x3FA4] =	sst s10  }
0x38: {  	s10 =	sld [smem:$0x3FA5]  }
0x39: {  	_ = 	snop;
	(pc) =	sbr.ind lr, $3  }
0x3a: {  	_ = 	snop  }
0x3b: {  	_ = 	snop  }
0x3c: {  	p2 =	seq.s32 s10, $0x1;
	s10 =	sld [smem:$0x3FA4]  }
0x3d: {  	_ =	shalt  }
0x3e: {  	_ =	shalt  }
0x3f: {  	_ =	shalt  }
0x40: {  	_ =	shalt  }
0x41: {  	_ =	shalt  }
0x42: {  	_ =	shalt  }
0x43: {  	_ =	shalt  }
0x44: {  	_ =	shalt  }
0x45: {  	_ =	shalt  }
0x46: {  	_ =	shalt  }
0x47: {  	_ =	shalt  }
0x48: {  	_ =	shalt  }
0x49: {  	_ =	shalt  }
0x4a: {  	_ =	shalt  }
0x4b: {  	_ =	shalt  }
0x4c: {  	_ =	shalt  }
0x4d: {  	_ =	shalt  }
0x4e: {  	_ =	shalt  }
0x4f: {  	_ =	shalt  }
0x50: {  	_ =	shalt  }
0x51: {  	_ =	shalt  }
0x52: {  	_ =	shalt  }
0x53: {  	_ =	shalt  }
0x54: {  	_ =	shalt  }
0x55: {  	_ =	shalt  }
0x56: {  	_ =	shalt  }
0x57: {  	_ =	shalt  }
0x58: {  	_ =	shalt  }
0x59: {  	_ =	shalt  }
0x5a: {  	_ =	shalt  }
0x5b: {  	_ =	shalt  }
0x5c: {  	_ =	shalt  }
0x5d: {  	_ =	shalt  }
0x5e: {  	_ =	shalt  }
0x5f: {  	_ =	shalt  }
0x60: {  	_ =	shalt  }
0x61: {  	_ =	shalt  }
0x62: {  	_ =	shalt  }
0x63: {  	_ =	shalt  }
0x64: {  	_ =	shalt  }
0x65: {  	_ =	shalt  }
0x66: {  	_ =	shalt  }
0x67: {  	_ =	shalt  }
0x68: {  	_ =	shalt  }
0x69: {  	_ =	shalt  }
0x6a: {  	_ =	shalt  }
0x6b: {  	_ =	shalt  }
0x6c: {  	_ =	shalt  }
0x6d: {  	_ =	shalt  }
0x6e: {  	_ =	shalt  }
0x6f: {  	_ =	shalt  }
0x70: {  	_ =	shalt  }
0x71: {  	_ =	shalt  }
0x72: {  	_ =	shalt  }
0x73: {  	_ =	shalt  }
0x74: {  	_ =	shalt  }
0x75: {  	_ =	shalt  }
0x76: {  	_ =	shalt  }
0x77: {  	_ =	shalt  }
0x78: {  	_ =	shalt  }
0x79: {  	_ =	shalt  }
0x7a: {  	_ =	shalt  }
0x7b: {  	_ =	shalt  }
0x7c: {  	_ =	shalt  }
0x7d: {  	_ =	shalt  }
0x7e: {  	_ =	shalt  }
0x7f: {  	_ =	shalt  }
0x80: {  	_ =	shalt  }
0x81: {  	_ =	shalt  }
0x82: {  	_ =	shalt  }
0x83: {  	_ =	shalt  }
0x84: {  	_ =	shalt  }
0x85: {  	_ =	shalt  }
0x86: {  	_ =	shalt  }
0x87: {  	_ =	shalt  }
.Lfunc_end0:
.L_simem_size_0:
called_computation_lowered:
.L_overlay_start_0:
0x88: {  	s2 =	sld [smem:$0x3FD9]  }
0x89: {  	s3 =	sld [smem:$0x3FFE];
	_ =	sdelay $0x1  }
0x8a: {  	s1 =	srdreg.scid  }
0x8b: {  	s0 =	sand.u32 $0x1, s1  }
0x8c: {  	s14 =	sshll.u32 s0, $0xA;
	s2 =	sadd.s32 s3, s2  }
0x8d: {  	s2 =	sadd.s32 s2, s14  }
0x8e: {  	[smem:$0x3FB0] =	sst s2  }
0x8f: {  	_ = 	snop  }
0x90: {  	s2 =	sld [smem:$0x3FD0];
	_ =	sdelay $0x2  }
0x91: {  	s4 =	simm.s32 $0xA;
	s5 =	simm.s32 $0x10;
	s15 =	sld [smem:$0x3FC6]  }
0x92: {  	[smem:s5], [sflag:s4] =	dma.local [hbm:s2], $0x1  }
0x93: {  	_ =	swait.eq [sflag:s4], $0x1  }
0x94: {  	[sflag:s4] =	ssyncset.done $0x0  }
0x95: {  	[sflag:s4] =	ssyncadd.s32 $0xFFFFFFFF  }
0x96: {  	s16 =	sld [smem:$0x10];
	(tm) =	ssettm $0x1  }
0x97: {  	s17 =	sld [smem:$0x3FFB];
	_ =	sdelay $0x3  }
0x98: {  	_ =	strace s17  }
0x99: {  	s4 =	sld [smem:$0x3FFC];
	_ =	sdelay $0x3  }
0x9a: {  	_ =	strace s4  }
0x9b: {  	s4 =	sld [smem:$0x3FFD];
	_ =	sdelay $0x3  }
0x9c: {  	_ =	strace s4  }
0x9d: {  	_ =	strace $0x8FFFFFFF  }
0x9e: {  	s18 =	sld [smem:$0x3FDB];
	_ =	sdelay $0x1  }
0x9f: {  	s19 =	simm.s32 $_scs_section_size  }
0xa0: {  	s6 =	simm.s32 $_size__tile_overlayer_lowered;
	s7 =	simm.s32 $_tile_overlayer_lowered  }
0xa1: {  	s22 =	simm.s32 $0x1BFF;
	s21 =	sshll.u32 s7, $0x1;
	s4 =	sadd.s32 s19, s18  }
0xa2: {  	s8 =	simm.s32 $0x0;
	s20 =	sshll.u32 s6, $0x1;
	s6 =	sadd.s32 s21, s4  }
0xa3: {  	[timem:s8], [sflag:s22] =	dma.local [hbm:s6], s20  }
0xa4: {  	_ =	swait.ge [sflag:s22], s20  }
0xa5: {  	s5 =	ssub.s32 $0x0, s20;
	[sflag:s22] =	ssyncset.done $0x0  }
0xa6: {  	[sflag:s22] =	ssyncadd.s32 s5;
	_ =	sdelay $0x1  }
0xa7: {  	s23 =	simm.s32 $0x1B8B  }
0xa8: {  	_ =	swait.ge [sflag:s23], $0x1  }
0xa9: {  	[sflag:s23] =	ssyncset.done $0x0  }
0xaa: {  	s25 =	simm.s32 $0x1B8E;
	s24 =	sld [smem:$0x3FFE];
	[sflag:s23] =	ssyncadd.s32 $0xFFFFFFFF  }
0xab: {  	s26 =	simm.s32 $execute0_lowered;
	[smem:$0x3FD2] =	sst s25  }
0xac: {  	s6 =	sshll.u32 s26, $0x1;
	_ =	strace $0x80000046;
	[dreg:$0x1] =	wrdreg $0xFFFFFFFF  }
0xad: {  	s28 =	simm.s32 $_size_execute0_lowered;
	s4 =	sadd.s32 s4, s6;
	[dreg:$0x0] =	wrdreg $0x0  }
0xae: {  	s6 =	sshll.u32 s28, $0x1;
	[dreg:$0x2] =	wrdreg s4  }
0xaf: {  	[dreg:$0x3] =	wrdreg s6  }
0xb0: {  	[dreg:$0x4] =	wrdreg $0xC0  }
0xb1: {  	_ =	task [dreg:s8], $0x5FFFF  }
0xb2: {  	[dreg:$0x1] =	wrdreg $0xFFFFFFFF  }
0xb3: {  	[dreg:$0x0] =	wrdreg $0x60  }
0xb4: {  	[dreg:$0x2] =	wrdreg s15  }
0xb5: {  	[dreg:$0x3] =	wrdreg s16  }
0xb6: {  	[dreg:$0x4] =	wrdreg s24  }
0xb7: {  	[dreg:$0x5] =	wrdreg $0x9  }
0xb8: {  	_ =	task.clear_ibuf [dreg:s8], $0x6FFFF;
	_ =	strace $0x90000046  }
0xb9: {  	s29 =	simm.s32 $0x9;
	_ =	strace $0x80000048  }
0xba: {  	_ =	swait.ge [sflag:s29], $0x1  }
0xbb: {  	[sflag:s29] =	ssyncadd.s32 $0xFFFFFFFF  }
0xbc: {  	_ =	strace $0x90000048  }
0xbd: {  	_ =	sfence  }
0xbe: {  	s30 =	sld [smem:$0x0];
	_ =	sdelay $0x2  }
0xbf: {  	s31 =	sshll.u32 s1, $0xD;
	s1 =	sshrl.u32 s1, $0x2  }
0xc0: {  	s3 =	sand.u32 $0x4000, s31;
	s1 =	sadd.s32 s1, s30  }
0xc1: {  	s0 =	sor.u32 s3, s0;
	s1 =	sshll.u32 s1, $0x11  }
0xc2: {  	s0 =	sor.u32 s1, s0  }
0xc3: {  	s0 =	sadd.s32 $0x8F2B, s0  }
0xc4: {  	[sflag:s0] =	ssyncadd.remote.s32 $0x1  }
0xc5: {  	_ =	sfence.sel $0xFFFF  }
0xc6: {  	[dreg:$0x0] =	wrdreg $0xFFFFFFFF;
	(pc) =	sbr.abs _section_cstart, $3  }
0xc7: {  	[dreg:$0x1] =	wrdreg $0xFFFFFFFF  }
0xc8: {  	_ =	task.clear_ibuf [dreg:s8], $0x2FFFF;
	_ =	strace $0x9FFFFFFF  }
0xc9: {  	(tm) =	ssettm $0x7FFFFFFF  }
tec
execute0_lowered:
.L_overlay_start_1:
0x0: {  	(tag) =	ssettag $0x1  }
0x1: {  	s1 =	srdreg.scid;
	s0 =	stileid.u32  }
0x2: {  	s2 =	rddreg [dreg:$0x0];
	s15 =	sand.u32 $0x1, s1;
	s26 =	sshll.u32 s0, $0x1  }
0x3: {  	s14 =	rddreg [dreg:$0x1];
	s9 =	sor.u32 s15, s26  }
0x4: {  	s10 =	rddreg [dreg:$0x2];
	s16 =	smul.u32 $0x140, s9  }
0x5: {  	s3 =	simm.s32 $0x0;
	s1 =	rddreg [dreg:$0x3]  }
0x6: {  	[smem:$0x7FF] =	sst s3;
	s4 =	sshrl.u32 s16, $0x3  }
0x7: {  	_ =	strace $0x80000047;
	s5 =	sadd.s32 s14, s4;
	s4 =	simm.s32 $0x2  }
0x8: {  	[tilespmem:s3], [sflag:$0x2] =	stream.linear.gather [hbm4b:s5+s3], $0x50, $0x38;
	[tilespmem:$0x2880] =	vst v63  }
0x9: {  	_ =	swait.ge [sflag:s4], $0x50  }
0xa: {  	s6 =	simm.s32 $0x50;
	[sflag:s4] =	ssyncset.done $0x0  }
0xb: {  	s7 =	simm.s32 $0x80;
	s8 =	simm.s32 $0x1;
	[sflag:s4] =	ssyncadd.s32 $0xFFFFFFB0  }
0xc: {  	[tilespmem:s7], [sflag:$0x1] =	stream.indirect.gather [hbm4b:s2+s6], $0x80, s3, s6, $0xb8;
	[tilespmem:$0x2880] =	vst v63  }
0xd: {  	s9 =	smul.u32 $0x1400, s9;
	_ =	swait.ge [sflag:s8], $0x2800  }
0xe: {  	s17 =	sadd.s32 $0x3200, s10;
	[sflag:s8] =	ssyncset.done $0x0  }
0xf: {  	s9 =	sadd.s32 s17, s9;
	[sflag:s8] =	ssyncadd.s32 $0xFFFFD800  }
0x10: {  	[hbm4b:s9+s3] =	stream.linear.scatter [tilespmem:s7], [sflag:$0x2], $0x2800, $0x38;
	[tilespmem:$0x2880] =	vst v63  }
0x11: {  	s11 =	sadd.s32 $0x50, s16;
	_ =	swait.ge [sflag:s4], $0x2800  }
0x12: {  	s28 =	sshrl.u32 s11, $0x3;
	[sflag:s4] =	ssyncset.done $0x0  }
0x13: {  	s10 =	sadd.s32 s14, s28;
	[sflag:s4] =	ssyncadd.s32 $0xFFFFD800  }
0x14: {  	[tilespmem:s3], [sflag:$0x2] =	stream.linear.gather [hbm4b:s10+s3], $0x50, $0x38;
	[tilespmem:$0x2880] =	vst v63  }
0x15: {  	_ =	swait.ge [sflag:s4], $0x50  }
0x16: {  	[sflag:s4] =	ssyncset.done $0x0  }
0x17: {  	[sflag:s4] =	ssyncadd.s32 $0xFFFFFFB0  }
0x18: {  	[tilespmem:s7], [sflag:$0x1] =	stream.indirect.gather [hbm4b:s2+s6], $0x80, s3, s6, $0xb8;
	[tilespmem:$0x2880] =	vst v63  }
0x19: {  	_ =	swait.ge [sflag:s8], $0x2800  }
0x1a: {  	s11 =	sshll.u32 s11, $0x4;
	[sflag:s8] =	ssyncset.done $0x0  }
0x1b: {  	s11 =	sadd.s32 s17, s11;
	[sflag:s8] =	ssyncadd.s32 $0xFFFFD800  }
0x1c: {  	[hbm4b:s11+s3] =	stream.linear.scatter [tilespmem:s7], [sflag:$0x2], $0x2800, $0x38;
	[tilespmem:$0x2880] =	vst v63  }
0x1d: {  	s13 =	sadd.s32 $0xA0, s16;
	_ =	swait.ge [sflag:s4], $0x2800  }
0x1e: {  	s12 =	sshrl.u32 s13, $0x3;
	[sflag:s4] =	ssyncset.done $0x0  }
0x1f: {  	s12 =	sadd.s32 s14, s12;
	[sflag:s4] =	ssyncadd.s32 $0xFFFFD800  }
0x20: {  	[tilespmem:s3], [sflag:$0x2] =	stream.linear.gather [hbm4b:s12+s3], $0x50, $0x38;
	[tilespmem:$0x2880] =	vst v63  }
0x21: {  	_ =	swait.ge [sflag:s4], $0x50  }
0x22: {  	[sflag:s4] =	ssyncset.done $0x0  }
0x23: {  	[sflag:s4] =	ssyncadd.s32 $0xFFFFFFB0  }
0x24: {  	[tilespmem:s7], [sflag:$0x1] =	stream.indirect.gather [hbm4b:s2+s6], $0x80, s3, s6, $0xb8;
	[tilespmem:$0x2880] =	vst v63  }
0x25: {  	_ =	swait.ge [sflag:s8], $0x2800  }
0x26: {  	s13 =	sshll.u32 s13, $0x4;
	[sflag:s8] =	ssyncset.done $0x0  }
0x27: {  	s13 =	sadd.s32 s17, s13;
	[sflag:s8] =	ssyncadd.s32 $0xFFFFD800  }
0x28: {  	[hbm4b:s13+s3] =	stream.linear.scatter [tilespmem:s7], [sflag:$0x2], $0x2800, $0x38;
	[tilespmem:$0x2880] =	vst v63  }
0x29: {  	s16 =	sadd.s32 $0xF0, s16;
	_ =	swait.ge [sflag:s4], $0x2800  }
0x2a: {  	s18 =	sshrl.u32 s16, $0x3;
	[sflag:s4] =	ssyncset.done $0x0  }
0x2b: {  	s15 =	ssub.s32 $0x2, s15;
	s14 =	sadd.s32 s14, s18;
	[sflag:s4] =	ssyncadd.s32 $0xFFFFD800  }
0x2c: {  	[tilespmem:s3], [sflag:$0x2] =	stream.linear.gather [hbm4b:s14+s3], $0x50, $0x38;
	[tilespmem:$0x2880] =	vst v63  }
0x2d: {  	s29 =	sshrl.u32 s15, $0x1;
	_ =	swait.ge [sflag:s4], $0x50  }
0x2e: {  	s18 =	ssub.s32 s15, s29;
	[sflag:s4] =	ssyncset.done $0x0  }
0x2f: {  	s31 =	smax.u32 s18, $0x1;
	[sflag:s4] =	ssyncadd.s32 $0xFFFFFFB0  }
0x30: {  	[tilespmem:s7], [sflag:$0x1] =	stream.indirect.gather [hbm4b:s2+s6], $0x80, s3, s6, $0xb8;
	[tilespmem:$0x2880] =	vst v63  }
0x31: {  	p0 =	sne.s32 s31, $0x1;
	_ =	swait.ge [sflag:s8], $0x2800  }
.Ltmp0:
0x32: {  	s30 =	sshll.u32 s16, $0x4;
	[sflag:s8] =	ssyncset.done $0x0;
	(pc) =	sbr.rel @!p0 .LBB2_2-.Ltmp0, $4  }
0x33: {  	s15 =	sadd.s32 s17, s30;
	[sflag:s8] =	ssyncadd.s32 $0xFFFFD800  }
0x34: {  	[hbm4b:s15+s3] =	stream.linear.scatter [tilespmem:s7], [sflag:$0x2], $0x2800, $0x38;
	[tilespmem:$0x2880] =	vst v63  }
0x35: {  	_ =	swait.ge [sflag:s4], $0x2800  }
0x36: {  	s16 =	sadd.s32 $0xFFFFFFFF, s31;
	[sflag:s4] =	ssyncset.done $0x0  }
.LBB2_1:
0x37: {  	p0 =	sne.s32 s16, $0x1;
	s16 =	sadd.s32 $0xFFFFFFFF, s16;
	[sflag:s4] =	ssyncadd.s32 $0xFFFFD800  }
0x38: {  	[tilespmem:s3], [sflag:$0x2] =	stream.linear.gather [hbm4b:s5+s3], $0x50, $0x38;
	[tilespmem:$0x2880] =	vst v63  }
0x39: {  	_ =	swait.ge [sflag:s4], $0x50  }
0x3a: {  	[sflag:s4] =	ssyncset.done $0x0  }
0x3b: {  	[sflag:s4] =	ssyncadd.s32 $0xFFFFFFB0  }
0x3c: {  	[tilespmem:s7], [sflag:$0x1] =	stream.indirect.gather [hbm4b:s2+s6], $0x80, s3, s6, $0xb8;
	[tilespmem:$0x2880] =	vst v63  }
0x3d: {  	_ =	swait.ge [sflag:s8], $0x2800  }
0x3e: {  	[sflag:s8] =	ssyncset.done $0x0  }
0x3f: {  	[sflag:s8] =	ssyncadd.s32 $0xFFFFD800  }
0x40: {  	[hbm4b:s9+s3] =	stream.linear.scatter [tilespmem:s7], [sflag:$0x2], $0x2800, $0x38;
	[tilespmem:$0x2880] =	vst v63  }
0x41: {  	_ =	swait.ge [sflag:s4], $0x2800  }
0x42: {  	[sflag:s4] =	ssyncset.done $0x0  }
0x43: {  	[sflag:s4] =	ssyncadd.s32 $0xFFFFD800  }
0x44: {  	[tilespmem:s3], [sflag:$0x2] =	stream.linear.gather [hbm4b:s10+s3], $0x50, $0x38;
	[tilespmem:$0x2880] =	vst v63  }
0x45: {  	_ =	swait.ge [sflag:s4], $0x50  }
0x46: {  	[sflag:s4] =	ssyncset.done $0x0  }
0x47: {  	[sflag:s4] =	ssyncadd.s32 $0xFFFFFFB0  }
0x48: {  	[tilespmem:s7], [sflag:$0x1] =	stream.indirect.gather [hbm4b:s2+s6], $0x80, s3, s6, $0xb8;
	[tilespmem:$0x2880] =	vst v63  }
0x49: {  	_ =	swait.ge [sflag:s8], $0x2800  }
0x4a: {  	[sflag:s8] =	ssyncset.done $0x0  }
0x4b: {  	[sflag:s8] =	ssyncadd.s32 $0xFFFFD800  }
0x4c: {  	[hbm4b:s11+s3] =	stream.linear.scatter [tilespmem:s7], [sflag:$0x2], $0x2800, $0x38;
	[tilespmem:$0x2880] =	vst v63  }
0x4d: {  	_ =	swait.ge [sflag:s4], $0x2800  }
0x4e: {  	[sflag:s4] =	ssyncset.done $0x0  }
0x4f: {  	[sflag:s4] =	ssyncadd.s32 $0xFFFFD800  }
0x50: {  	[tilespmem:s3], [sflag:$0x2] =	stream.linear.gather [hbm4b:s12+s3], $0x50, $0x38;
	[tilespmem:$0x2880] =	vst v63  }
0x51: {  	_ =	swait.ge [sflag:s4], $0x50  }
0x52: {  	[sflag:s4] =	ssyncset.done $0x0  }
0x53: {  	[sflag:s4] =	ssyncadd.s32 $0xFFFFFFB0  }
0x54: {  	[tilespmem:s7], [sflag:$0x1] =	stream.indirect.gather [hbm4b:s2+s6], $0x80, s3, s6, $0xb8;
	[tilespmem:$0x2880] =	vst v63  }
0x55: {  	_ =	swait.ge [sflag:s8], $0x2800  }
0x56: {  	[sflag:s8] =	ssyncset.done $0x0  }
0x57: {  	[sflag:s8] =	ssyncadd.s32 $0xFFFFD800  }
0x58: {  	[hbm4b:s13+s3] =	stream.linear.scatter [tilespmem:s7], [sflag:$0x2], $0x2800, $0x38;
	[tilespmem:$0x2880] =	vst v63  }
0x59: {  	_ =	swait.ge [sflag:s4], $0x2800  }
0x5a: {  	[sflag:s4] =	ssyncset.done $0x0  }
0x5b: {  	[sflag:s4] =	ssyncadd.s32 $0xFFFFD800  }
0x5c: {  	[tilespmem:s3], [sflag:$0x2] =	stream.linear.gather [hbm4b:s14+s3], $0x50, $0x38;
	[tilespmem:$0x2880] =	vst v63  }
0x5d: {  	_ =	swait.ge [sflag:s4], $0x50  }
0x5e: {  	[sflag:s4] =	ssyncset.done $0x0  }
0x5f: {  	[sflag:s4] =	ssyncadd.s32 $0xFFFFFFB0  }
0x60: {  	[tilespmem:s7], [sflag:$0x1] =	stream.indirect.gather [hbm4b:s2+s6], $0x80, s3, s6, $0xb8;
	[tilespmem:$0x2880] =	vst v63  }
0x61: {  	_ =	swait.ge [sflag:s8], $0x2800  }
.Ltmp1:
0x62: {  	[sflag:s8] =	ssyncset.done $0x0;
	(pc) =	sbr.rel @p0 .LBB2_1-.Ltmp1, $4  }
0x63: {  	[sflag:s8] =	ssyncadd.s32 $0xFFFFD800  }
0x64: {  	[hbm4b:s15+s3] =	stream.linear.scatter [tilespmem:s7], [sflag:$0x2], $0x2800, $0x38;
	[tilespmem:$0x2880] =	vst v63  }
0x65: {  	_ =	swait.ge [sflag:s4], $0x2800  }
0x66: {  	[sflag:s4] =	ssyncset.done $0x0  }
.LBB2_2:
0x67: {  	[sflag:s4] =	ssyncadd.s32 $0xFFFFD800  }
0x68: {  	_ =	sfence.sel $0x180000  }
0x69: {  	[bflag:$0x0] =	sbarrier.arrive $0xFFFF  }
0x6a: {  	p0 =	sne.s32 s0, $0x0;
	_ =	strace $0x90000047  }
0x6b: {  	s0 =	sadd.s32 @!p0 $0x100000, s1;
	[bflag:$0x2] =	sbarrier.arrive $0xFFFF  }
0x6c: {  	[sflag:s0] =	ssyncadd.tile.s32 @!p0 $0x1;
	_ =	shalt  }
.Lfunc_end2:
_tile_overlayer_lowered:
.L_overlay_start_2:
0x6d: {  	(tag) =	ssettag $0x2  }
0x6e: {  	s0 =	rddreg [dreg:$0x0];
	s2 =	stileid.u32  }
0x6f: {  	s1 =	rddreg [dreg:$0x1];
	p0 =	sne.s32 s2, $0x0  }
0x70: {  	s3 =	rddreg [dreg:$0x2];
	[bflag:$0x3] =	sbarrier.arrive $0xFFFF;
	s2 =	simm.s32 @!p0 $0x1C02  }
0x71: {  	[timem:s3], [sflag:s2] =	dma.local @!p0 [hbm:s0], s1  }
0x72: {  	s0 =	simm.s32 @!p0 $0x2  }
0x73: {  	_ =	swait.ge @!p0 [sflag:s0], s1  }
0x74: {  	s1 =	ssub.s32 @!p0 $0x0, s1;
	[sflag:s0] =	ssyncset.done @!p0 $0x0  }
0x75: {  	[sflag:s0] =	ssyncadd.s32 @!p0 s1  }
0x76: {  	[bflag:$0x3] =	sbarrier.arrive $0xFFFF  }
0x77: {  	_ =	shalt  }

</sc_bundles>
